<compile_context>
chip_gen: v7x
topology: tpu7x:2x2x1
jax: 0.10.2.dev20260603
libtpu: 0.0.44.dev20260713+nightly
codegen_flags: <defaults>
</compile_context>

<pallas_src>
import functools

import jax
import jax.numpy as jnp
from jax import lax
from jax.experimental import pallas as pl
from jax.experimental.pallas import tpu as pltpu
from jax.experimental.pallas import tpu_sc as plsc

_CHUNK = 128


def _make_sc_gather(B, F, n_cores, n_subcores):
  nw = n_cores * n_subcores
  b_per_w = B // nw
  n_chunks = b_per_w // _CHUNK
  mesh = plsc.VectorSubcoreMesh(core_axis_name="c", subcore_axis_name="s")

  f32 = jnp.float32
  out_t = jax.ShapeDtypeStruct((B, 2 * F), f32)

  @functools.partial(
      pl.kernel,
      mesh=mesh,
      compiler_params=pltpu.CompilerParams(use_tc_tiling_on_sc=False),
      out_type=[out_t, out_t],
      scratch_types=[
          pltpu.VMEM((n_chunks, _CHUNK), jnp.int32),
          pltpu.VMEM((n_chunks, _CHUNK), jnp.int32),
          pltpu.VMEM((_CHUNK, F), f32),
          pltpu.VMEM((_CHUNK, F), f32),
          pltpu.VMEM((_CHUNK, F), f32),
          pltpu.VMEM((_CHUNK, F), f32),
      ] + [pltpu.SemaphoreType.DMA] * 8,
  )
  def sc_gather(uid_hbm, iid_hbm, pt_hbm, qt_hbm, ut_hbm, vt_hbm,
                mf_out, mlp_out,
                uidx, iidx, buf0, buf1, buf2, buf3,
                gsem0, gsem1, gsem2, gsem3, wsem0, wsem1, wsem2, wsem3):
    wid = lax.axis_index("s") * n_cores + lax.axis_index("c")
    base = wid * b_per_w
    for j in range(n_chunks):
      pltpu.sync_copy(uid_hbm.at[pl.ds(base + j * _CHUNK, _CHUNK)], uidx.at[j])
      pltpu.sync_copy(iid_hbm.at[pl.ds(base + j * _CHUNK, _CHUNK)], iidx.at[j])
    for idx in (uidx, iidx):
      for j in range(n_chunks):
        row = idx.at[j]
        for m in range(_CHUNK // 16):
          v = row[pl.ds(m * 16, 16)]
          row[pl.ds(m * 16, 16)] = (
              (v & -256) | ((v & 127) << 1) | ((v >> 7) & 1))

    ops = []
    for tbl, idx, out, col in ((pt_hbm, uidx, mf_out, 0),
                               (qt_hbm, iidx, mf_out, F),
                               (ut_hbm, uidx, mlp_out, 0),
                               (vt_hbm, iidx, mlp_out, F)):
      for j in range(n_chunks):
        ops.append((tbl, idx.at[j],
                    out.at[pl.ds(base + j * _CHUNK, _CHUNK), pl.ds(col, F)]))

    bufs = (buf0, buf1, buf2, buf3)
    gsems = (gsem0, gsem1, gsem2, gsem3)
    wsems = (wsem0, wsem1, wsem2, wsem3)
    nslots = 4
    gath = [None] * nslots
    wrt = [None] * nslots
    for k in range(len(ops) + 1):
      if k < len(ops):
        tbl, idx_ref, _ = ops[k]
        slot = k % nslots
        if wrt[slot] is not None:
          wrt[slot].wait()
        gath[slot] = pltpu.async_copy(tbl.at[idx_ref], bufs[slot], gsems[slot])
      if k >= 1:
        pslot = (k - 1) % nslots
        _, _, dst = ops[k - 1]
        gath[pslot].wait()
        wrt[pslot] = pltpu.async_copy(bufs[pslot], dst, wsems[pslot])
    for slot in range(nslots):
      if wrt[slot] is not None:
        wrt[slot].wait()

  return sc_gather


def _transpose_body(pts, qts, uts, vts, po, qo, uo, vo):
  ngroups = po.shape[0] // 128
  for src, dst in ((pts, po), (qts, qo), (uts, uo), (vts, vo)):
    x = src[...]
    for g in range(ngroups):
      dst[g * 128:(g + 1) * 128, 0:64] = x[:, 2 * g * 128:(2 * g + 1) * 128].T
      dst[g * 128:(g + 1) * 128, 64:128] = (
          x[:, (2 * g + 1) * 128:(2 * g + 2) * 128].T)


def _relayout_tables(Pt, Qt, Ut, Vt):
  N, F = Pt.shape
  w = 2048
  nblocks = pl.cdiv(N // 2, w)
  npad = nblocks * 2 * w
  in_spec = pl.BlockSpec((F, 2 * w), lambda i: (0, i))
  out_spec = pl.BlockSpec((w, 2 * F), lambda i: (i, 0))
  out_t = jax.ShapeDtypeStruct((npad // 2, 2 * F), jnp.float32)
  outs = pl.pallas_call(
      _transpose_body,
      grid=(nblocks,),
      in_specs=[in_spec] * 4,
      out_specs=[out_spec] * 4,
      out_shape=[out_t] * 4,
  )(jnp.swapaxes(Pt, 0, 1), jnp.swapaxes(Qt, 0, 1),
    jnp.swapaxes(Ut, 0, 1), jnp.swapaxes(Vt, 0, 1))
  return tuple(o.reshape(npad, F) for o in outs)


def _mlp_body(mf, mlpin, w1, b1, w2, b2, w3, b3, wpg, wph, bp, out):
  f32 = jnp.float32
  F = mf.shape[1] // 2
  h = jnp.dot(mlpin[...], w1[...], preferred_element_type=f32)
  h = jnp.maximum(h + b1[...], 0.0)
  h = jnp.maximum(jnp.dot(h, w2[...], preferred_element_type=f32) + b2[...], 0.0)
  h = jnp.maximum(jnp.dot(h, w3[...], preferred_element_type=f32) + b3[...], 0.0)
  m = mf[...]
  g = m[:, :F] * m[:, F:]
  pred = (jnp.sum(g * wpg[...], axis=1) + jnp.sum(h * wph[...], axis=1)
          + bp[0, 0])
  out[...] = 1.0 / (1.0 + jnp.exp(-pred))


def _run_mlp(mf, mlpin, W1, b1, W2, b2, W3, b3, Wp, bp, bs):
  B = mf.shape[0]
  F = mf.shape[1] // 2
  H1 = W1.shape[1]
  H2 = W2.shape[1]
  H3 = W3.shape[1]
  grid = (B // bs,)
  row_spec = pl.BlockSpec((bs, 2 * F), lambda i: (i, 0))
  full = lambda r, c: pl.BlockSpec((r, c), lambda i: (0, 0))
  out = pl.pallas_call(
      _mlp_body,
      grid=grid,
      in_specs=[
          row_spec, row_spec,
          full(2 * F, H1), full(1, H1),
          full(H1, H2), full(1, H2),
          full(H2, H3), full(1, H3),
          full(1, F), full(1, H3), full(1, 1),
      ],
      out_specs=pl.BlockSpec((bs,), lambda i: (i,)),
      out_shape=jax.ShapeDtypeStruct((B,), jnp.float32),
  )(mf, mlpin,
    W1, b1.reshape(1, H1),
    W2, b2.reshape(1, H2),
    W3, b3.reshape(1, H3),
    Wp[:F].reshape(1, F), Wp[F:].reshape(1, H3), bp.reshape(1, 1))
  return out


def kernel(user_id, item_id, Pt, Qt, Ut, Vt, W1, b1, W2, b2, W3, b3, Wp, bp):
  B = user_id.shape[0]
  F = Pt.shape[1]
  info = plsc.get_sparse_core_info()
  sc_gather = _make_sc_gather(B, F, info.num_cores, info.num_subcores)
  uid = user_id.astype(jnp.int32)
  iid = item_id.astype(jnp.int32)
  Ptc, Qtc, Utc, Vtc = _relayout_tables(Pt, Qt, Ut, Vt)
  mf, mlpin = sc_gather(uid, iid, Ptc, Qtc, Utc, Vtc)
  out = _run_mlp(mf, mlpin, W1, b1, W2, b2, W3, b3, Wp, bp, bs=4096)
  return out.reshape(B, 1)

# --- scband reference (transcript-rebuilt; emitter-appended) ---
"""Pipeline reference for scband-ncf-12043088298272 (READ-ONLY COPY).

The authoritative reference and input builder live on the scoring server;
editing this copy changes nothing except your own understanding.
"""

import jax, jax.numpy as jnp
import numpy as np

B = 16384
NU = 100000
NI = 100000
F = 64
# nums_hiddens after insert(0, 2*F): [128, 128, 64, 32]

def setup_inputs(seed: int = 0) -> dict:
    key = jax.random.key(seed)
    ks = jax.random.split(key, 16)
    user_id = jax.random.randint(ks[0], (B,), 0, NU)
    item_id = jax.random.randint(ks[1], (B,), 0, NI)
    Pt = jax.random.normal(ks[2], (NU, F), dtype=jnp.float32) * 0.02
    Qt = jax.random.normal(ks[3], (NI, F), dtype=jnp.float32) * 0.02
    Ut = jax.random.normal(ks[4], (NU, F), dtype=jnp.float32) * 0.02
    Vt = jax.random.normal(ks[5], (NI, F), dtype=jnp.float32) * 0.02
    W1 = jax.random.normal(ks[6], (2 * F, 128), dtype=jnp.float32) * 0.02
    b1 = jnp.zeros((128,), dtype=jnp.float32)
    W2 = jax.random.normal(ks[7], (128, 64), dtype=jnp.float32) * 0.02
    b2 = jnp.zeros((64,), dtype=jnp.float32)
    W3 = jax.random.normal(ks[8], (64, 32), dtype=jnp.float32) * 0.02
    b3 = jnp.zeros((32,), dtype=jnp.float32)
    Wp = jax.random.normal(ks[9], (F + 32, 1), dtype=jnp.float32) * 0.02
    bp = jnp.zeros((1,), dtype=jnp.float32)
    return {"user_id": user_id, "item_id": item_id, "Pt": Pt, "Qt": Qt, "Ut": Ut, "Vt": Vt,
            "W1": W1, "b1": b1, "W2": W2, "b2": b2, "W3": W3, "b3": b3, "Wp": Wp, "bp": bp}


def reference(user_id, item_id, Pt, Qt, Ut, Vt, W1, b1, W2, b2, W3, b3, Wp, bp):
    # GMF branch: elementwise product of MF embeddings
    p_mf = jnp.take(Pt, user_id, axis=0)
    q_mf = jnp.take(Qt, item_id, axis=0)
    gmf = p_mf * q_mf
    # MLP branch: concat MLP embeddings, run through Linear+ReLU stack
    p_mlp = jnp.take(Ut, user_id, axis=0)
    q_mlp = jnp.take(Vt, item_id, axis=0)
    h = jnp.concatenate([p_mlp, q_mlp], axis=1)
    h = jax.nn.relu(h @ W1 + b1)
    h = jax.nn.relu(h @ W2 + b2)
    h = jax.nn.relu(h @ W3 + b3)
    con_res = jnp.concatenate([gmf, h], axis=1)
    prediction = con_res @ Wp + bp
    return jax.nn.sigmoid(prediction)

if __name__ == "__main__":
    import jax
    _d = setup_inputs()
    print(jax.jit(kernel)(*tuple(_d.values())))

</pallas_src>

<mosaic_0001>
#map = affine_map<(d0, d1) -> (0)>
#map1 = affine_map<(d0, d1) -> (0, 0)>
module attributes {stable_mosaic.version = 14 : i64} {
  func.func @sc_gather(%arg0: i32, %arg1: i32, %arg2: memref<16384xi32, #tpu.memory_space<hbm>>, %arg3: memref<16384xi32, #tpu.memory_space<hbm>>, %arg4: memref<102400x64xf32, #tpu.memory_space<hbm>>, %arg5: memref<102400x64xf32, #tpu.memory_space<hbm>>, %arg6: memref<102400x64xf32, #tpu.memory_space<hbm>>, %arg7: memref<102400x64xf32, #tpu.memory_space<hbm>>, %arg8: memref<16384x128xf32, #tpu.memory_space<hbm>>, %arg9: memref<16384x128xf32, #tpu.memory_space<hbm>>, %arg10: memref<4x128xi32, #tpu.memory_space<vmem>>, %arg11: memref<4x128xi32, #tpu.memory_space<vmem>>, %arg12: memref<128x64xf32, #tpu.memory_space<vmem>>, %arg13: memref<128x64xf32, #tpu.memory_space<vmem>>, %arg14: memref<128x64xf32, #tpu.memory_space<vmem>>, %arg15: memref<128x64xf32, #tpu.memory_space<vmem>>, %arg16: memref<!tpu.dma_semaphore, #tpu.memory_space<semaphore_mem>>, %arg17: memref<!tpu.dma_semaphore, #tpu.memory_space<semaphore_mem>>, %arg18: memref<!tpu.dma_semaphore, #tpu.memory_space<semaphore_mem>>, %arg19: memref<!tpu.dma_semaphore, #tpu.memory_space<semaphore_mem>>, %arg20: memref<!tpu.dma_semaphore, #tpu.memory_space<semaphore_mem>>, %arg21: memref<!tpu.dma_semaphore, #tpu.memory_space<semaphore_mem>>, %arg22: memref<!tpu.dma_semaphore, #tpu.memory_space<semaphore_mem>>, %arg23: memref<!tpu.dma_semaphore, #tpu.memory_space<semaphore_mem>>) attributes {dimension_semantics = [#tpu.dimension_semantics<core_parallel>, #tpu.dimension_semantics<subcore_parallel>], iteration_bounds = array<i64: 2, 16>, scalar_prefetch = 0 : i64, scratch_operands = 14 : i64, tpu.core_type = #tpu.core_type<sc_vector_subcore>, window_params = [{transform_indices = #map}, {transform_indices = #map}, {transform_indices = #map1}, {transform_indices = #map1}, {transform_indices = #map1}, {transform_indices = #map1}, {transform_indices = #map1}, {transform_indices = #map1}]} {
    %mul3A = arith.constant 2 : i32
    %mul3A_0 = arith.muli %arg1, %mul3A : i32
    %add3A = arith.addi %mul3A_0, %arg0 : i32
    %mul3A_1 = arith.constant 512 : i32
    %mul3A_2 = arith.muli %add3A, %mul3A_1 : i32
    %add3A_3 = arith.constant 0 : i32
    %add3A_4 = arith.addi %mul3A_2, %add3A_3 : i32
    %run_scoped3A = arith.constant 0 : i32
    "tpu.region"() ({
      %run_scoped3A_2450 = tpu.sem_alloc : memref<!tpu.dma_semaphore, #tpu.memory_space<semaphore_mem>>
      %dma_start3A_2451 = arith.constant 0 : i32
      %dma_start3A_2452 = tpu.memref_slice %arg10[%run_scoped3A, %dma_start3A_2451] : memref<4x128xi32, #tpu.memory_space<vmem>> -> memref<1x128xi32, #tpu.memory_space<vmem>>
      %dma_start3A_2453 = tpu.memref_squeeze %dma_start3A_2452 : memref<1x128xi32, #tpu.memory_space<vmem>> -> memref<128xi32, #tpu.memory_space<vmem>>
      %dma_start3A_2454 = tpu.memref_slice %arg2[%add3A_4] : memref<16384xi32, #tpu.memory_space<hbm>> -> memref<128xi32, #tpu.memory_space<hbm>>
      %dma_start3A_2455 = arith.constant 0 : i32
      %dma_start3A_2456 = tpu.memref_slice %arg10[%run_scoped3A, %dma_start3A_2455] : memref<4x128xi32, #tpu.memory_space<vmem>> -> memref<1x128xi32, #tpu.memory_space<vmem>>
      %dma_start3A_2457 = tpu.memref_squeeze %dma_start3A_2456 : memref<1x128xi32, #tpu.memory_space<vmem>> -> memref<128xi32, #tpu.memory_space<vmem>>
      %dma_start3A_2458 = tpu.memref_slice %arg2[%add3A_4] : memref<16384xi32, #tpu.memory_space<hbm>> -> memref<128xi32, #tpu.memory_space<hbm>>
      tpu.enqueue_dma source(%dma_start3A_2458 : memref<128xi32, #tpu.memory_space<hbm>>) target(%dma_start3A_2457 : memref<128xi32, #tpu.memory_space<vmem>>) target_semaphore(%run_scoped3A_2450 : memref<!tpu.dma_semaphore, #tpu.memory_space<semaphore_mem>>)
      %dma_wait3A_2459 = arith.constant 0 : i32
      %dma_wait3A_2460 = tpu.memref_slice %arg10[%run_scoped3A, %dma_wait3A_2459] : memref<4x128xi32, #tpu.memory_space<vmem>> -> memref<1x128xi32, #tpu.memory_space<vmem>>
      %dma_wait3A_2461 = tpu.memref_squeeze %dma_wait3A_2460 : memref<1x128xi32, #tpu.memory_space<vmem>> -> memref<128xi32, #tpu.memory_space<vmem>>
      %dma_wait3A_2462 = tpu.memref_slice %arg2[%add3A_4] : memref<16384xi32, #tpu.memory_space<hbm>> -> memref<128xi32, #tpu.memory_space<hbm>>
      %dma_wait3A_2463 = arith.constant 0 : i32
      %dma_wait3A_2464 = tpu.memref_slice %arg10[%run_scoped3A, %dma_wait3A_2463] : memref<4x128xi32, #tpu.memory_space<vmem>> -> memref<1x128xi32, #tpu.memory_space<vmem>>
      %dma_wait3A_2465 = tpu.memref_squeeze %dma_wait3A_2464 : memref<1x128xi32, #tpu.memory_space<vmem>> -> memref<128xi32, #tpu.memory_space<vmem>>
      %dma_wait3A_2466 = tpu.memref_slice %arg2[%add3A_4] : memref<16384xi32, #tpu.memory_space<hbm>> -> memref<128xi32, #tpu.memory_space<hbm>>
      tpu.wait_dma2 semaphore(%run_scoped3A_2450 : memref<!tpu.dma_semaphore, #tpu.memory_space<semaphore_mem>>) src(%dma_wait3A_2466 : memref<128xi32, #tpu.memory_space<hbm>>) dst(%dma_wait3A_2465 : memref<128xi32, #tpu.memory_space<vmem>>)
      tpu.yield
    }) : () -> ()
    %add3A_5 = arith.constant 0 : i32
    %add3A_6 = arith.addi %mul3A_2, %add3A_5 : i32
    %run_scoped3A_7 = arith.constant 0 : i32
    "tpu.region"() ({
      %run_scoped3A_2450 = tpu.sem_alloc : memref<!tpu.dma_semaphore, #tpu.memory_space<semaphore_mem>>
      %dma_start3A_2451 = arith.constant 0 : i32
      %dma_start3A_2452 = tpu.memref_slice %arg11[%run_scoped3A_7, %dma_start3A_2451] : memref<4x128xi32, #tpu.memory_space<vmem>> -> memref<1x128xi32, #tpu.memory_space<vmem>>
      %dma_start3A_2453 = tpu.memref_squeeze %dma_start3A_2452 : memref<1x128xi32, #tpu.memory_space<vmem>> -> memref<128xi32, #tpu.memory_space<vmem>>
      %dma_start3A_2454 = tpu.memref_slice %arg3[%add3A_6] : memref<16384xi32, #tpu.memory_space<hbm>> -> memref<128xi32, #tpu.memory_space<hbm>>
      %dma_start3A_2455 = arith.constant 0 : i32
      %dma_start3A_2456 = tpu.memref_slice %arg11[%run_scoped3A_7, %dma_start3A_2455] : memref<4x128xi32, #tpu.memory_space<vmem>> -> memref<1x128xi32, #tpu.memory_space<vmem>>
      %dma_start3A_2457 = tpu.memref_squeeze %dma_start3A_2456 : memref<1x128xi32, #tpu.memory_space<vmem>> -> memref<128xi32, #tpu.memory_space<vmem>>
      %dma_start3A_2458 = tpu.memref_slice %arg3[%add3A_6] : memref<16384xi32, #tpu.memory_space<hbm>> -> memref<128xi32, #tpu.memory_space<hbm>>
      tpu.enqueue_dma source(%dma_start3A_2458 : memref<128xi32, #tpu.memory_space<hbm>>) target(%dma_start3A_2457 : memref<128xi32, #tpu.memory_space<vmem>>) target_semaphore(%run_scoped3A_2450 : memref<!tpu.dma_semaphore, #tpu.memory_space<semaphore_mem>>)
      %dma_wait3A_2459 = arith.constant 0 : i32
      %dma_wait3A_2460 = tpu.memref_slice %arg11[%run_scoped3A_7, %dma_wait3A_2459] : memref<4x128xi32, #tpu.memory_space<vmem>> -> memref<1x128xi32, #tpu.memory_space<vmem>>
      %dma_wait3A_2461 = tpu.memref_squeeze %dma_wait3A_2460 : memref<1x128xi32, #tpu.memory_space<vmem>> -> memref<128xi32, #tpu.memory_space<vmem>>
      %dma_wait3A_2462 = tpu.memref_slice %arg3[%add3A_6] : memref<16384xi32, #tpu.memory_space<hbm>> -> memref<128xi32, #tpu.memory_space<hbm>>
      %dma_wait3A_2463 = arith.constant 0 : i32
      %dma_wait3A_2464 = tpu.memref_slice %arg11[%run_scoped3A_7, %dma_wait3A_2463] : memref<4x128xi32, #tpu.memory_space<vmem>> -> memref<1x128xi32, #tpu.memory_space<vmem>>
      %dma_wait3A_2465 = tpu.memref_squeeze %dma_wait3A_2464 : memref<1x128xi32, #tpu.memory_space<vmem>> -> memref<128xi32, #tpu.memory_space<vmem>>
      %dma_wait3A_2466 = tpu.memref_slice %arg3[%add3A_6] : memref<16384xi32, #tpu.memory_space<hbm>> -> memref<128xi32, #tpu.memory_space<hbm>>
      tpu.wait_dma2 semaphore(%run_scoped3A_2450 : memref<!tpu.dma_semaphore, #tpu.memory_space<semaphore_mem>>) src(%dma_wait3A_2466 : memref<128xi32, #tpu.memory_space<hbm>>) dst(%dma_wait3A_2465 : memref<128xi32, #tpu.memory_space<vmem>>)
      tpu.yield
    }) : () -> ()
    %add3A_8 = arith.constant 128 : i32
    %add3A_9 = arith.addi %mul3A_2, %add3A_8 : i32
    %run_scoped3A_10 = arith.constant 1 : i32
    "tpu.region"() ({
      %run_scoped3A_2450 = tpu.sem_alloc : memref<!tpu.dma_semaphore, #tpu.memory_space<semaphore_mem>>
      %dma_start3A_2451 = arith.constant 0 : i32
      %dma_start3A_2452 = tpu.memref_slice %arg10[%run_scoped3A_10, %dma_start3A_2451] : memref<4x128xi32, #tpu.memory_space<vmem>> -> memref<1x128xi32, #tpu.memory_space<vmem>>
      %dma_start3A_2453 = tpu.memref_squeeze %dma_start3A_2452 : memref<1x128xi32, #tpu.memory_space<vmem>> -> memref<128xi32, #tpu.memory_space<vmem>>
      %dma_start3A_2454 = tpu.memref_slice %arg2[%add3A_9] : memref<16384xi32, #tpu.memory_space<hbm>> -> memref<128xi32, #tpu.memory_space<hbm>>
      %dma_start3A_2455 = arith.constant 0 : i32
      %dma_start3A_2456 = tpu.memref_slice %arg10[%run_scoped3A_10, %dma_start3A_2455] : memref<4x128xi32, #tpu.memory_space<vmem>> -> memref<1x128xi32, #tpu.memory_space<vmem>>
      %dma_start3A_2457 = tpu.memref_squeeze %dma_start3A_2456 : memref<1x128xi32, #tpu.memory_space<vmem>> -> memref<128xi32, #tpu.memory_space<vmem>>
      %dma_start3A_2458 = tpu.memref_slice %arg2[%add3A_9] : memref<16384xi32, #tpu.memory_space<hbm>> -> memref<128xi32, #tpu.memory_space<hbm>>
      tpu.enqueue_dma source(%dma_start3A_2458 : memref<128xi32, #tpu.memory_space<hbm>>) target(%dma_start3A_2457 : memref<128xi32, #tpu.memory_space<vmem>>) target_semaphore(%run_scoped3A_2450 : memref<!tpu.dma_semaphore, #tpu.memory_space<semaphore_mem>>)
      %dma_wait3A_2459 = arith.constant 0 : i32
      %dma_wait3A_2460 = tpu.memref_slice %arg10[%run_scoped3A_10, %dma_wait3A_2459] : memref<4x128xi32, #tpu.memory_space<vmem>> -> memref<1x128xi32, #tpu.memory_space<vmem>>
      %dma_wait3A_2461 = tpu.memref_squeeze %dma_wait3A_2460 : memref<1x128xi32, #tpu.memory_space<vmem>> -> memref<128xi32, #tpu.memory_space<vmem>>
      %dma_wait3A_2462 = tpu.memref_slice %arg2[%add3A_9] : memref<16384xi32, #tpu.memory_space<hbm>> -> memref<128xi32, #tpu.memory_space<hbm>>
      %dma_wait3A_2463 = arith.constant 0 : i32
      %dma_wait3A_2464 = tpu.memref_slice %arg10[%run_scoped3A_10, %dma_wait3A_2463] : memref<4x128xi32, #tpu.memory_space<vmem>> -> memref<1x128xi32, #tpu.memory_space<vmem>>
      %dma_wait3A_2465 = tpu.memref_squeeze %dma_wait3A_2464 : memref<1x128xi32, #tpu.memory_space<vmem>> -> memref<128xi32, #tpu.memory_space<vmem>>
      %dma_wait3A_2466 = tpu.memref_slice %arg2[%add3A_9] : memref<16384xi32, #tpu.memory_space<hbm>> -> memref<128xi32, #tpu.memory_space<hbm>>
      tpu.wait_dma2 semaphore(%run_scoped3A_2450 : memref<!tpu.dma_semaphore, #tpu.memory_space<semaphore_mem>>) src(%dma_wait3A_2466 : memref<128xi32, #tpu.memory_space<hbm>>) dst(%dma_wait3A_2465 : memref<128xi32, #tpu.memory_space<vmem>>)
      tpu.yield
    }) : () -> ()
    %add3A_11 = arith.constant 128 : i32
    %add3A_12 = arith.addi %mul3A_2, %add3A_11 : i32
    %run_scoped3A_13 = arith.constant 1 : i32
    "tpu.region"() ({
      %run_scoped3A_2450 = tpu.sem_alloc : memref<!tpu.dma_semaphore, #tpu.memory_space<semaphore_mem>>
      %dma_start3A_2451 = arith.constant 0 : i32
      %dma_start3A_2452 = tpu.memref_slice %arg11[%run_scoped3A_13, %dma_start3A_2451] : memref<4x128xi32, #tpu.memory_space<vmem>> -> memref<1x128xi32, #tpu.memory_space<vmem>>
      %dma_start3A_2453 = tpu.memref_squeeze %dma_start3A_2452 : memref<1x128xi32, #tpu.memory_space<vmem>> -> memref<128xi32, #tpu.memory_space<vmem>>
      %dma_start3A_2454 = tpu.memref_slice %arg3[%add3A_12] : memref<16384xi32, #tpu.memory_space<hbm>> -> memref<128xi32, #tpu.memory_space<hbm>>
      %dma_start3A_2455 = arith.constant 0 : i32
      %dma_start3A_2456 = tpu.memref_slice %arg11[%run_scoped3A_13, %dma_start3A_2455] : memref<4x128xi32, #tpu.memory_space<vmem>> -> memref<1x128xi32, #tpu.memory_space<vmem>>
      %dma_start3A_2457 = tpu.memref_squeeze %dma_start3A_2456 : memref<1x128xi32, #tpu.memory_space<vmem>> -> memref<128xi32, #tpu.memory_space<vmem>>
      %dma_start3A_2458 = tpu.memref_slice %arg3[%add3A_12] : memref<16384xi32, #tpu.memory_space<hbm>> -> memref<128xi32, #tpu.memory_space<hbm>>
      tpu.enqueue_dma source(%dma_start3A_2458 : memref<128xi32, #tpu.memory_space<hbm>>) target(%dma_start3A_2457 : memref<128xi32, #tpu.memory_space<vmem>>) target_semaphore(%run_scoped3A_2450 : memref<!tpu.dma_semaphore, #tpu.memory_space<semaphore_mem>>)
      %dma_wait3A_2459 = arith.constant 0 : i32
      %dma_wait3A_2460 = tpu.memref_slice %arg11[%run_scoped3A_13, %dma_wait3A_2459] : memref<4x128xi32, #tpu.memory_space<vmem>> -> memref<1x128xi32, #tpu.memory_space<vmem>>
      %dma_wait3A_2461 = tpu.memref_squeeze %dma_wait3A_2460 : memref<1x128xi32, #tpu.memory_space<vmem>> -> memref<128xi32, #tpu.memory_space<vmem>>
      %dma_wait3A_2462 = tpu.memref_slice %arg3[%add3A_12] : memref<16384xi32, #tpu.memory_space<hbm>> -> memref<128xi32, #tpu.memory_space<hbm>>
      %dma_wait3A_2463 = arith.constant 0 : i32
      %dma_wait3A_2464 = tpu.memref_slice %arg11[%run_scoped3A_13, %dma_wait3A_2463] : memref<4x128xi32, #tpu.memory_space<vmem>> -> memref<1x128xi32, #tpu.memory_space<vmem>>
      %dma_wait3A_2465 = tpu.memref_squeeze %dma_wait3A_2464 : memref<1x128xi32, #tpu.memory_space<vmem>> -> memref<128xi32, #tpu.memory_space<vmem>>
      %dma_wait3A_2466 = tpu.memref_slice %arg3[%add3A_12] : memref<16384xi32, #tpu.memory_space<hbm>> -> memref<128xi32, #tpu.memory_space<hbm>>
      tpu.wait_dma2 semaphore(%run_scoped3A_2450 : memref<!tpu.dma_semaphore, #tpu.memory_space<semaphore_mem>>) src(%dma_wait3A_2466 : memref<128xi32, #tpu.memory_space<hbm>>) dst(%dma_wait3A_2465 : memref<128xi32, #tpu.memory_space<vmem>>)
      tpu.yield
    }) : () -> ()
    %add3A_14 = arith.constant 256 : i32
    %add3A_15 = arith.addi %mul3A_2, %add3A_14 : i32
    %run_scoped3A_16 = arith.constant 2 : i32
    "tpu.region"() ({
      %run_scoped3A_2450 = tpu.sem_alloc : memref<!tpu.dma_semaphore, #tpu.memory_space<semaphore_mem>>
      %dma_start3A_2451 = arith.constant 0 : i32
      %dma_start3A_2452 = tpu.memref_slice %arg10[%run_scoped3A_16, %dma_start3A_2451] : memref<4x128xi32, #tpu.memory_space<vmem>> -> memref<1x128xi32, #tpu.memory_space<vmem>>
      %dma_start3A_2453 = tpu.memref_squeeze %dma_start3A_2452 : memref<1x128xi32, #tpu.memory_space<vmem>> -> memref<128xi32, #tpu.memory_space<vmem>>
      %dma_start3A_2454 = tpu.memref_slice %arg2[%add3A_15] : memref<16384xi32, #tpu.memory_space<hbm>> -> memref<128xi32, #tpu.memory_space<hbm>>
      %dma_start3A_2455 = arith.constant 0 : i32
      %dma_start3A_2456 = tpu.memref_slice %arg10[%run_scoped3A_16, %dma_start3A_2455] : memref<4x128xi32, #tpu.memory_space<vmem>> -> memref<1x128xi32, #tpu.memory_space<vmem>>
      %dma_start3A_2457 = tpu.memref_squeeze %dma_start3A_2456 : memref<1x128xi32, #tpu.memory_space<vmem>> -> memref<128xi32, #tpu.memory_space<vmem>>
      %dma_start3A_2458 = tpu.memref_slice %arg2[%add3A_15] : memref<16384xi32, #tpu.memory_space<hbm>> -> memref<128xi32, #tpu.memory_space<hbm>>
      tpu.enqueue_dma source(%dma_start3A_2458 : memref<128xi32, #tpu.memory_space<hbm>>) target(%dma_start3A_2457 : memref<128xi32, #tpu.memory_space<vmem>>) target_semaphore(%run_scoped3A_2450 : memref<!tpu.dma_semaphore, #tpu.memory_space<semaphore_mem>>)
      %dma_wait3A_2459 = arith.constant 0 : i32
      %dma_wait3A_2460 = tpu.memref_slice %arg10[%run_scoped3A_16, %dma_wait3A_2459] : memref<4x128xi32, #tpu.memory_space<vmem>> -> memref<1x128xi32, #tpu.memory_space<vmem>>
      %dma_wait3A_2461 = tpu.memref_squeeze %dma_wait3A_2460 : memref<1x128xi32, #tpu.memory_space<vmem>> -> memref<128xi32, #tpu.memory_space<vmem>>
      %dma_wait3A_2462 = tpu.memref_slice %arg2[%add3A_15] : memref<16384xi32, #tpu.memory_space<hbm>> -> memref<128xi32, #tpu.memory_space<hbm>>
      %dma_wait3A_2463 = arith.constant 0 : i32
      %dma_wait3A_2464 = tpu.memref_slice %arg10[%run_scoped3A_16, %dma_wait3A_2463] : memref<4x128xi32, #tpu.memory_space<vmem>> -> memref<1x128xi32, #tpu.memory_space<vmem>>
      %dma_wait3A_2465 = tpu.memref_squeeze %dma_wait3A_2464 : memref<1x128xi32, #tpu.memory_space<vmem>> -> memref<128xi32, #tpu.memory_space<vmem>>
      %dma_wait3A_2466 = tpu.memref_slice %arg2[%add3A_15] : memref<16384xi32, #tpu.memory_space<hbm>> -> memref<128xi32, #tpu.memory_space<hbm>>
      tpu.wait_dma2 semaphore(%run_scoped3A_2450 : memref<!tpu.dma_semaphore, #tpu.memory_space<semaphore_mem>>) src(%dma_wait3A_2466 : memref<128xi32, #tpu.memory_space<hbm>>) dst(%dma_wait3A_2465 : memref<128xi32, #tpu.memory_space<vmem>>)
      tpu.yield
    }) : () -> ()
    %add3A_17 = arith.constant 256 : i32
    %add3A_18 = arith.addi %mul3A_2, %add3A_17 : i32
    %run_scoped3A_19 = arith.constant 2 : i32
    "tpu.region"() ({
      %run_scoped3A_2450 = tpu.sem_alloc : memref<!tpu.dma_semaphore, #tpu.memory_space<semaphore_mem>>
      %dma_start3A_2451 = arith.constant 0 : i32
      %dma_start3A_2452 = tpu.memref_slice %arg11[%run_scoped3A_19, %dma_start3A_2451] : memref<4x128xi32, #tpu.memory_space<vmem>> -> memref<1x128xi32, #tpu.memory_space<vmem>>
      %dma_start3A_2453 = tpu.memref_squeeze %dma_start3A_2452 : memref<1x128xi32, #tpu.memory_space<vmem>> -> memref<128xi32, #tpu.memory_space<vmem>>
      %dma_start3A_2454 = tpu.memref_slice %arg3[%add3A_18] : memref<16384xi32, #tpu.memory_space<hbm>> -> memref<128xi32, #tpu.memory_space<hbm>>
      %dma_start3A_2455 = arith.constant 0 : i32
      %dma_start3A_2456 = tpu.memref_slice %arg11[%run_scoped3A_19, %dma_start3A_2455] : memref<4x128xi32, #tpu.memory_space<vmem>> -> memref<1x128xi32, #tpu.memory_space<vmem>>
      %dma_start3A_2457 = tpu.memref_squeeze %dma_start3A_2456 : memref<1x128xi32, #tpu.memory_space<vmem>> -> memref<128xi32, #tpu.memory_space<vmem>>
      %dma_start3A_2458 = tpu.memref_slice %arg3[%add3A_18] : memref<16384xi32, #tpu.memory_space<hbm>> -> memref<128xi32, #tpu.memory_space<hbm>>
      tpu.enqueue_dma source(%dma_start3A_2458 : memref<128xi32, #tpu.memory_space<hbm>>) target(%dma_start3A_2457 : memref<128xi32, #tpu.memory_space<vmem>>) target_semaphore(%run_scoped3A_2450 : memref<!tpu.dma_semaphore, #tpu.memory_space<semaphore_mem>>)
      %dma_wait3A_2459 = arith.constant 0 : i32
      %dma_wait3A_2460 = tpu.memref_slice %arg11[%run_scoped3A_19, %dma_wait3A_2459] : memref<4x128xi32, #tpu.memory_space<vmem>> -> memref<1x128xi32, #tpu.memory_space<vmem>>
      %dma_wait3A_2461 = tpu.memref_squeeze %dma_wait3A_2460 : memref<1x128xi32, #tpu.memory_space<vmem>> -> memref<128xi32, #tpu.memory_space<vmem>>
      %dma_wait3A_2462 = tpu.memref_slice %arg3[%add3A_18] : memref<16384xi32, #tpu.memory_space<hbm>> -> memref<128xi32, #tpu.memory_space<hbm>>
      %dma_wait3A_2463 = arith.constant 0 : i32
      %dma_wait3A_2464 = tpu.memref_slice %arg11[%run_scoped3A_19, %dma_wait3A_2463] : memref<4x128xi32, #tpu.memory_space<vmem>> -> memref<1x128xi32, #tpu.memory_space<vmem>>
      %dma_wait3A_2465 = tpu.memref_squeeze %dma_wait3A_2464 : memref<1x128xi32, #tpu.memory_space<vmem>> -> memref<128xi32, #tpu.memory_space<vmem>>
      %dma_wait3A_2466 = tpu.memref_slice %arg3[%add3A_18] : memref<16384xi32, #tpu.memory_space<hbm>> -> memref<128xi32, #tpu.memory_space<hbm>>
      tpu.wait_dma2 semaphore(%run_scoped3A_2450 : memref<!tpu.dma_semaphore, #tpu.memory_space<semaphore_mem>>) src(%dma_wait3A_2466 : memref<128xi32, #tpu.memory_space<hbm>>) dst(%dma_wait3A_2465 : memref<128xi32, #tpu.memory_space<vmem>>)
      tpu.yield
    }) : () -> ()
    %add3A_20 = arith.constant 384 : i32
    %add3A_21 = arith.addi %mul3A_2, %add3A_20 : i32
    %run_scoped3A_22 = arith.constant 3 : i32
    "tpu.region"() ({
      %run_scoped3A_2450 = tpu.sem_alloc : memref<!tpu.dma_semaphore, #tpu.memory_space<semaphore_mem>>
      %dma_start3A_2451 = arith.constant 0 : i32
      %dma_start3A_2452 = tpu.memref_slice %arg10[%run_scoped3A_22, %dma_start3A_2451] : memref<4x128xi32, #tpu.memory_space<vmem>> -> memref<1x128xi32, #tpu.memory_space<vmem>>
      %dma_start3A_2453 = tpu.memref_squeeze %dma_start3A_2452 : memref<1x128xi32, #tpu.memory_space<vmem>> -> memref<128xi32, #tpu.memory_space<vmem>>
      %dma_start3A_2454 = tpu.memref_slice %arg2[%add3A_21] : memref<16384xi32, #tpu.memory_space<hbm>> -> memref<128xi32, #tpu.memory_space<hbm>>
      %dma_start3A_2455 = arith.constant 0 : i32
      %dma_start3A_2456 = tpu.memref_slice %arg10[%run_scoped3A_22, %dma_start3A_2455] : memref<4x128xi32, #tpu.memory_space<vmem>> -> memref<1x128xi32, #tpu.memory_space<vmem>>
      %dma_start3A_2457 = tpu.memref_squeeze %dma_start3A_2456 : memref<1x128xi32, #tpu.memory_space<vmem>> -> memref<128xi32, #tpu.memory_space<vmem>>
      %dma_start3A_2458 = tpu.memref_slice %arg2[%add3A_21] : memref<16384xi32, #tpu.memory_space<hbm>> -> memref<128xi32, #tpu.memory_space<hbm>>
      tpu.enqueue_dma source(%dma_start3A_2458 : memref<128xi32, #tpu.memory_space<hbm>>) target(%dma_start3A_2457 : memref<128xi32, #tpu.memory_space<vmem>>) target_semaphore(%run_scoped3A_2450 : memref<!tpu.dma_semaphore, #tpu.memory_space<semaphore_mem>>)
      %dma_wait3A_2459 = arith.constant 0 : i32
      %dma_wait3A_2460 = tpu.memref_slice %arg10[%run_scoped3A_22, %dma_wait3A_2459] : memref<4x128xi32, #tpu.memory_space<vmem>> -> memref<1x128xi32, #tpu.memory_space<vmem>>
      %dma_wait3A_2461 = tpu.memref_squeeze %dma_wait3A_2460 : memref<1x128xi32, #tpu.memory_space<vmem>> -> memref<128xi32, #tpu.memory_space<vmem>>
      %dma_wait3A_2462 = tpu.memref_slice %arg2[%add3A_21] : memref<16384xi32, #tpu.memory_space<hbm>> -> memref<128xi32, #tpu.memory_space<hbm>>
      %dma_wait3A_2463 = arith.constant 0 : i32
      %dma_wait3A_2464 = tpu.memref_slice %arg10[%run_scoped3A_22, %dma_wait3A_2463] : memref<4x128xi32, #tpu.memory_space<vmem>> -> memref<1x128xi32, #tpu.memory_space<vmem>>
      %dma_wait3A_2465 = tpu.memref_squeeze %dma_wait3A_2464 : memref<1x128xi32, #tpu.memory_space<vmem>> -> memref<128xi32, #tpu.memory_space<vmem>>
      %dma_wait3A_2466 = tpu.memref_slice %arg2[%add3A_21] : memref<16384xi32, #tpu.memory_space<hbm>> -> memref<128xi32, #tpu.memory_space<hbm>>
      tpu.wait_dma2 semaphore(%run_scoped3A_2450 : memref<!tpu.dma_semaphore, #tpu.memory_space<semaphore_mem>>) src(%dma_wait3A_2466 : memref<128xi32, #tpu.memory_space<hbm>>) dst(%dma_wait3A_2465 : memref<128xi32, #tpu.memory_space<vmem>>)
      tpu.yield
    }) : () -> ()
    %add3A_23 = arith.constant 384 : i32
    %add3A_24 = arith.addi %mul3A_2, %add3A_23 : i32
    %run_scoped3A_25 = arith.constant 3 : i32
    "tpu.region"() ({
      %run_scoped3A_2450 = tpu.sem_alloc : memref<!tpu.dma_semaphore, #tpu.memory_space<semaphore_mem>>
      %dma_start3A_2451 = arith.constant 0 : i32
      %dma_start3A_2452 = tpu.memref_slice %arg11[%run_scoped3A_25, %dma_start3A_2451] : memref<4x128xi32, #tpu.memory_space<vmem>> -> memref<1x128xi32, #tpu.memory_space<vmem>>
      %dma_start3A_2453 = tpu.memref_squeeze %dma_start3A_2452 : memref<1x128xi32, #tpu.memory_space<vmem>> -> memref<128xi32, #tpu.memory_space<vmem>>
      %dma_start3A_2454 = tpu.memref_slice %arg3[%add3A_24] : memref<16384xi32, #tpu.memory_space<hbm>> -> memref<128xi32, #tpu.memory_space<hbm>>
      %dma_start3A_2455 = arith.constant 0 : i32
      %dma_start3A_2456 = tpu.memref_slice %arg11[%run_scoped3A_25, %dma_start3A_2455] : memref<4x128xi32, #tpu.memory_space<vmem>> -> memref<1x128xi32, #tpu.memory_space<vmem>>
      %dma_start3A_2457 = tpu.memref_squeeze %dma_start3A_2456 : memref<1x128xi32, #tpu.memory_space<vmem>> -> memref<128xi32, #tpu.memory_space<vmem>>
      %dma_start3A_2458 = tpu.memref_slice %arg3[%add3A_24] : memref<16384xi32, #tpu.memory_space<hbm>> -> memref<128xi32, #tpu.memory_space<hbm>>
      tpu.enqueue_dma source(%dma_start3A_2458 : memref<128xi32, #tpu.memory_space<hbm>>) target(%dma_start3A_2457 : memref<128xi32, #tpu.memory_space<vmem>>) target_semaphore(%run_scoped3A_2450 : memref<!tpu.dma_semaphore, #tpu.memory_space<semaphore_mem>>)
      %dma_wait3A_2459 = arith.constant 0 : i32
      %dma_wait3A_2460 = tpu.memref_slice %arg11[%run_scoped3A_25, %dma_wait3A_2459] : memref<4x128xi32, #tpu.memory_space<vmem>> -> memref<1x128xi32, #tpu.memory_space<vmem>>
      %dma_wait3A_2461 = tpu.memref_squeeze %dma_wait3A_2460 : memref<1x128xi32, #tpu.memory_space<vmem>> -> memref<128xi32, #tpu.memory_space<vmem>>
      %dma_wait3A_2462 = tpu.memref_slice %arg3[%add3A_24] : memref<16384xi32, #tpu.memory_space<hbm>> -> memref<128xi32, #tpu.memory_space<hbm>>
      %dma_wait3A_2463 = arith.constant 0 : i32
      %dma_wait3A_2464 = tpu.memref_slice %arg11[%run_scoped3A_25, %dma_wait3A_2463] : memref<4x128xi32, #tpu.memory_space<vmem>> -> memref<1x128xi32, #tpu.memory_space<vmem>>
      %dma_wait3A_2465 = tpu.memref_squeeze %dma_wait3A_2464 : memref<1x128xi32, #tpu.memory_space<vmem>> -> memref<128xi32, #tpu.memory_space<vmem>>
      %dma_wait3A_2466 = tpu.memref_slice %arg3[%add3A_24] : memref<16384xi32, #tpu.memory_space<hbm>> -> memref<128xi32, #tpu.memory_space<hbm>>
      tpu.wait_dma2 semaphore(%run_scoped3A_2450 : memref<!tpu.dma_semaphore, #tpu.memory_space<semaphore_mem>>) src(%dma_wait3A_2466 : memref<128xi32, #tpu.memory_space<hbm>>) dst(%dma_wait3A_2465 : memref<128xi32, #tpu.memory_space<vmem>>)
      tpu.yield
    }) : () -> ()
    %get3A = arith.constant 0 : i32
    %get3A_26 = arith.constant 0 : i32
    %get3A_27 = tpu.memref_slice %arg10[%get3A, %get3A_26] : memref<4x128xi32, #tpu.memory_space<vmem>> -> memref<1x128xi32, #tpu.memory_space<vmem>>
    %get3A_28 = tpu.memref_squeeze %get3A_27 : memref<1x128xi32, #tpu.memory_space<vmem>> -> memref<128xi32, #tpu.memory_space<vmem>>
    %get3A_29 = arith.constant 0 : index
    %get3A_30 = tpu.vector_load %get3A_28[%get3A_29] {strides = array<i32>} : memref<128xi32, #tpu.memory_space<vmem>>, vector<16xi32>,
    %get3A_31 = vector.shape_cast %get3A_30 : vector<16xi32> to vector<16xi32>
    %and3A = arith.constant -256 : i32
    %and3A_32 = vector.broadcast %and3A : i32 to vector<16xi32>
    %and3A_33 = arith.andi %get3A_31, %and3A_32 : vector<16xi32>
    %and3A_34 = arith.constant 127 : i32
    %and3A_35 = vector.broadcast %and3A_34 : i32 to vector<16xi32>
    %and3A_36 = arith.andi %get3A_31, %and3A_35 : vector<16xi32>
    %shift_left3A = arith.constant 1 : i32
    %shift_left3A_37 = vector.broadcast %shift_left3A : i32 to vector<16xi32>
    %shift_left3A_38 = arith.shli %and3A_36, %shift_left3A_37 : vector<16xi32>
    %or3A = arith.ori %and3A_33, %shift_left3A_38 : vector<16xi32>
    %shift_right_arithmetic3A = arith.constant 7 : i32
    %shift_right_arithmetic3A_39 = vector.broadcast %shift_right_arithmetic3A : i32 to vector<16xi32>
    %shift_right_arithmetic3A_40 = arith.shrsi %get3A_31, %shift_right_arithmetic3A_39 : vector<16xi32>
    %and3A_41 = arith.constant 1 : i32
    %and3A_42 = vector.broadcast %and3A_41 : i32 to vector<16xi32>
    %and3A_43 = arith.andi %shift_right_arithmetic3A_40, %and3A_42 : vector<16xi32>
    %or3A_44 = arith.ori %or3A, %and3A_43 : vector<16xi32>
    %swap3A = arith.constant 0 : i32
    %swap3A_45 = arith.constant 0 : i32
    %swap3A_46 = tpu.memref_slice %arg10[%swap3A, %swap3A_45] : memref<4x128xi32, #tpu.memory_space<vmem>> -> memref<1x128xi32, #tpu.memory_space<vmem>>
    %swap3A_47 = tpu.memref_squeeze %swap3A_46 : memref<1x128xi32, #tpu.memory_space<vmem>> -> memref<128xi32, #tpu.memory_space<vmem>>
    %swap3A_48 = arith.constant 0 : index
    %swap3A_49 = tpu.vector_load %swap3A_47[%swap3A_48] {strides = array<i32>} : memref<128xi32, #tpu.memory_space<vmem>>, vector<16xi32>,
    %swap3A_50 = vector.shape_cast %swap3A_49 : vector<16xi32> to vector<16xi32>
    %swap3A_51 = vector.shape_cast %or3A_44 : vector<16xi32> to vector<16xi32>
    tpu.vector_store %swap3A_47[%swap3A_48], %swap3A_51 {strides = array<i32>} : memref<128xi32, #tpu.memory_space<vmem>>, vector<16xi32>,
    %get3A_52 = arith.constant 0 : i32
    %get3A_53 = arith.constant 0 : i32
    %get3A_54 = tpu.memref_slice %arg10[%get3A_52, %get3A_53] : memref<4x128xi32, #tpu.memory_space<vmem>> -> memref<1x128xi32, #tpu.memory_space<vmem>>
    %get3A_55 = tpu.memref_squeeze %get3A_54 : memref<1x128xi32, #tpu.memory_space<vmem>> -> memref<128xi32, #tpu.memory_space<vmem>>
    %get3A_56 = arith.constant 16 : index
    %get3A_57 = tpu.vector_load %get3A_55[%get3A_56] {strides = array<i32>} : memref<128xi32, #tpu.memory_space<vmem>>, vector<16xi32>,
    %get3A_58 = vector.shape_cast %get3A_57 : vector<16xi32> to vector<16xi32>
    %and3A_59 = arith.constant -256 : i32
    %and3A_60 = vector.broadcast %and3A_59 : i32 to vector<16xi32>
    %and3A_61 = arith.andi %get3A_58, %and3A_60 : vector<16xi32>
    %and3A_62 = arith.constant 127 : i32
    %and3A_63 = vector.broadcast %and3A_62 : i32 to vector<16xi32>
    %and3A_64 = arith.andi %get3A_58, %and3A_63 : vector<16xi32>
    %shift_left3A_65 = arith.constant 1 : i32
    %shift_left3A_66 = vector.broadcast %shift_left3A_65 : i32 to vector<16xi32>
    %shift_left3A_67 = arith.shli %and3A_64, %shift_left3A_66 : vector<16xi32>
    %or3A_68 = arith.ori %and3A_61, %shift_left3A_67 : vector<16xi32>
    %shift_right_arithmetic3A_69 = arith.constant 7 : i32
    %shift_right_arithmetic3A_70 = vector.broadcast %shift_right_arithmetic3A_69 : i32 to vector<16xi32>
    %shift_right_arithmetic3A_71 = arith.shrsi %get3A_58, %shift_right_arithmetic3A_70 : vector<16xi32>
    %and3A_72 = arith.constant 1 : i32
    %and3A_73 = vector.broadcast %and3A_72 : i32 to vector<16xi32>
    %and3A_74 = arith.andi %shift_right_arithmetic3A_71, %and3A_73 : vector<16xi32>
    %or3A_75 = arith.ori %or3A_68, %and3A_74 : vector<16xi32>
    %swap3A_76 = arith.constant 0 : i32
    %swap3A_77 = arith.constant 0 : i32
    %swap3A_78 = tpu.memref_slice %arg10[%swap3A_76, %swap3A_77] : memref<4x128xi32, #tpu.memory_space<vmem>> -> memref<1x128xi32, #tpu.memory_space<vmem>>
    %swap3A_79 = tpu.memref_squeeze %swap3A_78 : memref<1x128xi32, #tpu.memory_space<vmem>> -> memref<128xi32, #tpu.memory_space<vmem>>
    %swap3A_80 = arith.constant 16 : index
    %swap3A_81 = tpu.vector_load %swap3A_79[%swap3A_80] {strides = array<i32>} : memref<128xi32, #tpu.memory_space<vmem>>, vector<16xi32>,
    %swap3A_82 = vector.shape_cast %swap3A_81 : vector<16xi32> to vector<16xi32>
    %swap3A_83 = vector.shape_cast %or3A_75 : vector<16xi32> to vector<16xi32>
    tpu.vector_store %swap3A_79[%swap3A_80], %swap3A_83 {strides = array<i32>} : memref<128xi32, #tpu.memory_space<vmem>>, vector<16xi32>,
    %get3A_84 = arith.constant 0 : i32
    %get3A_85 = arith.constant 0 : i32
    %get3A_86 = tpu.memref_slice %arg10[%get3A_84, %get3A_85] : memref<4x128xi32, #tpu.memory_space<vmem>> -> memref<1x128xi32, #tpu.memory_space<vmem>>
    %get3A_87 = tpu.memref_squeeze %get3A_86 : memref<1x128xi32, #tpu.memory_space<vmem>> -> memref<128xi32, #tpu.memory_space<vmem>>
    %get3A_88 = arith.constant 32 : index
    %get3A_89 = tpu.vector_load %get3A_87[%get3A_88] {strides = array<i32>} : memref<128xi32, #tpu.memory_space<vmem>>, vector<16xi32>,
    %get3A_90 = vector.shape_cast %get3A_89 : vector<16xi32> to vector<16xi32>
    %and3A_91 = arith.constant -256 : i32
    %and3A_92 = vector.broadcast %and3A_91 : i32 to vector<16xi32>
    %and3A_93 = arith.andi %get3A_90, %and3A_92 : vector<16xi32>
    %and3A_94 = arith.constant 127 : i32
    %and3A_95 = vector.broadcast %and3A_94 : i32 to vector<16xi32>
    %and3A_96 = arith.andi %get3A_90, %and3A_95 : vector<16xi32>
    %shift_left3A_97 = arith.constant 1 : i32
    %shift_left3A_98 = vector.broadcast %shift_left3A_97 : i32 to vector<16xi32>
    %shift_left3A_99 = arith.shli %and3A_96, %shift_left3A_98 : vector<16xi32>
    %or3A_100 = arith.ori %and3A_93, %shift_left3A_99 : vector<16xi32>
    %shift_right_arithmetic3A_101 = arith.constant 7 : i32
    %shift_right_arithmetic3A_102 = vector.broadcast %shift_right_arithmetic3A_101 : i32 to vector<16xi32>
    %shift_right_arithmetic3A_103 = arith.shrsi %get3A_90, %shift_right_arithmetic3A_102 : vector<16xi32>
    %and3A_104 = arith.constant 1 : i32
    %and3A_105 = vector.broadcast %and3A_104 : i32 to vector<16xi32>
    %and3A_106 = arith.andi %shift_right_arithmetic3A_103, %and3A_105 : vector<16xi32>
    %or3A_107 = arith.ori %or3A_100, %and3A_106 : vector<16xi32>
    %swap3A_108 = arith.constant 0 : i32
    %swap3A_109 = arith.constant 0 : i32
    %swap3A_110 = tpu.memref_slice %arg10[%swap3A_108, %swap3A_109] : memref<4x128xi32, #tpu.memory_space<vmem>> -> memref<1x128xi32, #tpu.memory_space<vmem>>
    %swap3A_111 = tpu.memref_squeeze %swap3A_110 : memref<1x128xi32, #tpu.memory_space<vmem>> -> memref<128xi32, #tpu.memory_space<vmem>>
    %swap3A_112 = arith.constant 32 : index
    %swap3A_113 = tpu.vector_load %swap3A_111[%swap3A_112] {strides = array<i32>} : memref<128xi32, #tpu.memory_space<vmem>>, vector<16xi32>,
    %swap3A_114 = vector.shape_cast %swap3A_113 : vector<16xi32> to vector<16xi32>
    %swap3A_115 = vector.shape_cast %or3A_107 : vector<16xi32> to vector<16xi32>
    tpu.vector_store %swap3A_111[%swap3A_112], %swap3A_115 {strides = array<i32>} : memref<128xi32, #tpu.memory_space<vmem>>, vector<16xi32>,
    %get3A_116 = arith.constant 0 : i32
    %get3A_117 = arith.constant 0 : i32
    %get3A_118 = tpu.memref_slice %arg10[%get3A_116, %get3A_117] : memref<4x128xi32, #tpu.memory_space<vmem>> -> memref<1x128xi32, #tpu.memory_space<vmem>>
    %get3A_119 = tpu.memref_squeeze %get3A_118 : memref<1x128xi32, #tpu.memory_space<vmem>> -> memref<128xi32, #tpu.memory_space<vmem>>
    %get3A_120 = arith.constant 48 : index
    %get3A_121 = tpu.vector_load %get3A_119[%get3A_120] {strides = array<i32>} : memref<128xi32, #tpu.memory_space<vmem>>, vector<16xi32>,
    %get3A_122 = vector.shape_cast %get3A_121 : vector<16xi32> to vector<16xi32>
    %and3A_123 = arith.constant -256 : i32
    %and3A_124 = vector.broadcast %and3A_123 : i32 to vector<16xi32>
    %and3A_125 = arith.andi %get3A_122, %and3A_124 : vector<16xi32>
    %and3A_126 = arith.constant 127 : i32
    %and3A_127 = vector.broadcast %and3A_126 : i32 to vector<16xi32>
    %and3A_128 = arith.andi %get3A_122, %and3A_127 : vector<16xi32>
    %shift_left3A_129 = arith.constant 1 : i32
    %shift_left3A_130 = vector.broadcast %shift_left3A_129 : i32 to vector<16xi32>
    %shift_left3A_131 = arith.shli %and3A_128, %shift_left3A_130 : vector<16xi32>
    %or3A_132 = arith.ori %and3A_125, %shift_left3A_131 : vector<16xi32>
    %shift_right_arithmetic3A_133 = arith.constant 7 : i32
    %shift_right_arithmetic3A_134 = vector.broadcast %shift_right_arithmetic3A_133 : i32 to vector<16xi32>
    %shift_right_arithmetic3A_135 = arith.shrsi %get3A_122, %shift_right_arithmetic3A_134 : vector<16xi32>
    %and3A_136 = arith.constant 1 : i32
    %and3A_137 = vector.broadcast %and3A_136 : i32 to vector<16xi32>
    %and3A_138 = arith.andi %shift_right_arithmetic3A_135, %and3A_137 : vector<16xi32>
    %or3A_139 = arith.ori %or3A_132, %and3A_138 : vector<16xi32>
    %swap3A_140 = arith.constant 0 : i32
    %swap3A_141 = arith.constant 0 : i32
    %swap3A_142 = tpu.memref_slice %arg10[%swap3A_140, %swap3A_141] : memref<4x128xi32, #tpu.memory_space<vmem>> -> memref<1x128xi32, #tpu.memory_space<vmem>>
    %swap3A_143 = tpu.memref_squeeze %swap3A_142 : memref<1x128xi32, #tpu.memory_space<vmem>> -> memref<128xi32, #tpu.memory_space<vmem>>
    %swap3A_144 = arith.constant 48 : index
    %swap3A_145 = tpu.vector_load %swap3A_143[%swap3A_144] {strides = array<i32>} : memref<128xi32, #tpu.memory_space<vmem>>, vector<16xi32>,
    %swap3A_146 = vector.shape_cast %swap3A_145 : vector<16xi32> to vector<16xi32>
    %swap3A_147 = vector.shape_cast %or3A_139 : vector<16xi32> to vector<16xi32>
    tpu.vector_store %swap3A_143[%swap3A_144], %swap3A_147 {strides = array<i32>} : memref<128xi32, #tpu.memory_space<vmem>>, vector<16xi32>,
    %get3A_148 = arith.constant 0 : i32
    %get3A_149 = arith.constant 0 : i32
    %get3A_150 = tpu.memref_slice %arg10[%get3A_148, %get3A_149] : memref<4x128xi32, #tpu.memory_space<vmem>> -> memref<1x128xi32, #tpu.memory_space<vmem>>
    %get3A_151 = tpu.memref_squeeze %get3A_150 : memref<1x128xi32, #tpu.memory_space<vmem>> -> memref<128xi32, #tpu.memory_space<vmem>>
    %get3A_152 = arith.constant 64 : index
    %get3A_153 = tpu.vector_load %get3A_151[%get3A_152] {strides = array<i32>} : memref<128xi32, #tpu.memory_space<vmem>>, vector<16xi32>,
    %get3A_154 = vector.shape_cast %get3A_153 : vector<16xi32> to vector<16xi32>
    %and3A_155 = arith.constant -256 : i32
    %and3A_156 = vector.broadcast %and3A_155 : i32 to vector<16xi32>
    %and3A_157 = arith.andi %get3A_154, %and3A_156 : vector<16xi32>
    %and3A_158 = arith.constant 127 : i32
    %and3A_159 = vector.broadcast %and3A_158 : i32 to vector<16xi32>
    %and3A_160 = arith.andi %get3A_154, %and3A_159 : vector<16xi32>
    %shift_left3A_161 = arith.constant 1 : i32
    %shift_left3A_162 = vector.broadcast %shift_left3A_161 : i32 to vector<16xi32>
    %shift_left3A_163 = arith.shli %and3A_160, %shift_left3A_162 : vector<16xi32>
    %or3A_164 = arith.ori %and3A_157, %shift_left3A_163 : vector<16xi32>
    %shift_right_arithmetic3A_165 = arith.constant 7 : i32
    %shift_right_arithmetic3A_166 = vector.broadcast %shift_right_arithmetic3A_165 : i32 to vector<16xi32>
    %shift_right_arithmetic3A_167 = arith.shrsi %get3A_154, %shift_right_arithmetic3A_166 : vector<16xi32>
    %and3A_168 = arith.constant 1 : i32
    %and3A_169 = vector.broadcast %and3A_168 : i32 to vector<16xi32>
    %and3A_170 = arith.andi %shift_right_arithmetic3A_167, %and3A_169 : vector<16xi32>
    %or3A_171 = arith.ori %or3A_164, %and3A_170 : vector<16xi32>
    %swap3A_172 = arith.constant 0 : i32
    %swap3A_173 = arith.constant 0 : i32
    %swap3A_174 = tpu.memref_slice %arg10[%swap3A_172, %swap3A_173] : memref<4x128xi32, #tpu.memory_space<vmem>> -> memref<1x128xi32, #tpu.memory_space<vmem>>
    %swap3A_175 = tpu.memref_squeeze %swap3A_174 : memref<1x128xi32, #tpu.memory_space<vmem>> -> memref<128xi32, #tpu.memory_space<vmem>>
    %swap3A_176 = arith.constant 64 : index
    %swap3A_177 = tpu.vector_load %swap3A_175[%swap3A_176] {strides = array<i32>} : memref<128xi32, #tpu.memory_space<vmem>>, vector<16xi32>,
    %swap3A_178 = vector.shape_cast %swap3A_177 : vector<16xi32> to vector<16xi32>
    %swap3A_179 = vector.shape_cast %or3A_171 : vector<16xi32> to vector<16xi32>
    tpu.vector_store %swap3A_175[%swap3A_176], %swap3A_179 {strides = array<i32>} : memref<128xi32, #tpu.memory_space<vmem>>, vector<16xi32>,
    %get3A_180 = arith.constant 0 : i32
    %get3A_181 = arith.constant 0 : i32
    %get3A_182 = tpu.memref_slice %arg10[%get3A_180, %get3A_181] : memref<4x128xi32, #tpu.memory_space<vmem>> -> memref<1x128xi32, #tpu.memory_space<vmem>>
    %get3A_183 = tpu.memref_squeeze %get3A_182 : memref<1x128xi32, #tpu.memory_space<vmem>> -> memref<128xi32, #tpu.memory_space<vmem>>
    %get3A_184 = arith.constant 80 : index
    %get3A_185 = tpu.vector_load %get3A_183[%get3A_184] {strides = array<i32>} : memref<128xi32, #tpu.memory_space<vmem>>, vector<16xi32>,
    %get3A_186 = vector.shape_cast %get3A_185 : vector<16xi32> to vector<16xi32>
    %and3A_187 = arith.constant -256 : i32
    %and3A_188 = vector.broadcast %and3A_187 : i32 to vector<16xi32>
    %and3A_189 = arith.andi %get3A_186, %and3A_188 : vector<16xi32>
    %and3A_190 = arith.constant 127 : i32
    %and3A_191 = vector.broadcast %and3A_190 : i32 to vector<16xi32>
    %and3A_192 = arith.andi %get3A_186, %and3A_191 : vector<16xi32>
    %shift_left3A_193 = arith.constant 1 : i32
    %shift_left3A_194 = vector.broadcast %shift_left3A_193 : i32 to vector<16xi32>
    %shift_left3A_195 = arith.shli %and3A_192, %shift_left3A_194 : vector<16xi32>
    %or3A_196 = arith.ori %and3A_189, %shift_left3A_195 : vector<16xi32>
    %shift_right_arithmetic3A_197 = arith.constant 7 : i32
    %shift_right_arithmetic3A_198 = vector.broadcast %shift_right_arithmetic3A_197 : i32 to vector<16xi32>
    %shift_right_arithmetic3A_199 = arith.shrsi %get3A_186, %shift_right_arithmetic3A_198 : vector<16xi32>
    %and3A_200 = arith.constant 1 : i32
    %and3A_201 = vector.broadcast %and3A_200 : i32 to vector<16xi32>
    %and3A_202 = arith.andi %shift_right_arithmetic3A_199, %and3A_201 : vector<16xi32>
    %or3A_203 = arith.ori %or3A_196, %and3A_202 : vector<16xi32>
    %swap3A_204 = arith.constant 0 : i32
    %swap3A_205 = arith.constant 0 : i32
    %swap3A_206 = tpu.memref_slice %arg10[%swap3A_204, %swap3A_205] : memref<4x128xi32, #tpu.memory_space<vmem>> -> memref<1x128xi32, #tpu.memory_space<vmem>>
    %swap3A_207 = tpu.memref_squeeze %swap3A_206 : memref<1x128xi32, #tpu.memory_space<vmem>> -> memref<128xi32, #tpu.memory_space<vmem>>
    %swap3A_208 = arith.constant 80 : index
    %swap3A_209 = tpu.vector_load %swap3A_207[%swap3A_208] {strides = array<i32>} : memref<128xi32, #tpu.memory_space<vmem>>, vector<16xi32>,
    %swap3A_210 = vector.shape_cast %swap3A_209 : vector<16xi32> to vector<16xi32>
    %swap3A_211 = vector.shape_cast %or3A_203 : vector<16xi32> to vector<16xi32>
    tpu.vector_store %swap3A_207[%swap3A_208], %swap3A_211 {strides = array<i32>} : memref<128xi32, #tpu.memory_space<vmem>>, vector<16xi32>,
    %get3A_212 = arith.constant 0 : i32
    %get3A_213 = arith.constant 0 : i32
    %get3A_214 = tpu.memref_slice %arg10[%get3A_212, %get3A_213] : memref<4x128xi32, #tpu.memory_space<vmem>> -> memref<1x128xi32, #tpu.memory_space<vmem>>
    %get3A_215 = tpu.memref_squeeze %get3A_214 : memref<1x128xi32, #tpu.memory_space<vmem>> -> memref<128xi32, #tpu.memory_space<vmem>>
    %get3A_216 = arith.constant 96 : index
    %get3A_217 = tpu.vector_load %get3A_215[%get3A_216] {strides = array<i32>} : memref<128xi32, #tpu.memory_space<vmem>>, vector<16xi32>,
    %get3A_218 = vector.shape_cast %get3A_217 : vector<16xi32> to vector<16xi32>
    %and3A_219 = arith.constant -256 : i32
    %and3A_220 = vector.broadcast %and3A_219 : i32 to vector<16xi32>
    %and3A_221 = arith.andi %get3A_218, %and3A_220 : vector<16xi32>
    %and3A_222 = arith.constant 127 : i32
    %and3A_223 = vector.broadcast %and3A_222 : i32 to vector<16xi32>
    %and3A_224 = arith.andi %get3A_218, %and3A_223 : vector<16xi32>
    %shift_left3A_225 = arith.constant 1 : i32
    %shift_left3A_226 = vector.broadcast %shift_left3A_225 : i32 to vector<16xi32>
    %shift_left3A_227 = arith.shli %and3A_224, %shift_left3A_226 : vector<16xi32>
    %or3A_228 = arith.ori %and3A_221, %shift_left3A_227 : vector<16xi32>
    %shift_right_arithmetic3A_229 = arith.constant 7 : i32
    %shift_right_arithmetic3A_230 = vector.broadcast %shift_right_arithmetic3A_229 : i32 to vector<16xi32>
    %shift_right_arithmetic3A_231 = arith.shrsi %get3A_218, %shift_right_arithmetic3A_230 : vector<16xi32>
    %and3A_232 = arith.constant 1 : i32
    %and3A_233 = vector.broadcast %and3A_232 : i32 to vector<16xi32>
    %and3A_234 = arith.andi %shift_right_arithmetic3A_231, %and3A_233 : vector<16xi32>
    %or3A_235 = arith.ori %or3A_228, %and3A_234 : vector<16xi32>
    %swap3A_236 = arith.constant 0 : i32
    %swap3A_237 = arith.constant 0 : i32
    %swap3A_238 = tpu.memref_slice %arg10[%swap3A_236, %swap3A_237] : memref<4x128xi32, #tpu.memory_space<vmem>> -> memref<1x128xi32, #tpu.memory_space<vmem>>
    %swap3A_239 = tpu.memref_squeeze %swap3A_238 : memref<1x128xi32, #tpu.memory_space<vmem>> -> memref<128xi32, #tpu.memory_space<vmem>>
    %swap3A_240 = arith.constant 96 : index
    %swap3A_241 = tpu.vector_load %swap3A_239[%swap3A_240] {strides = array<i32>} : memref<128xi32, #tpu.memory_space<vmem>>, vector<16xi32>,
    %swap3A_242 = vector.shape_cast %swap3A_241 : vector<16xi32> to vector<16xi32>
    %swap3A_243 = vector.shape_cast %or3A_235 : vector<16xi32> to vector<16xi32>
    tpu.vector_store %swap3A_239[%swap3A_240], %swap3A_243 {strides = array<i32>} : memref<128xi32, #tpu.memory_space<vmem>>, vector<16xi32>,
    %get3A_244 = arith.constant 0 : i32
    %get3A_245 = arith.constant 0 : i32
    %get3A_246 = tpu.memref_slice %arg10[%get3A_244, %get3A_245] : memref<4x128xi32, #tpu.memory_space<vmem>> -> memref<1x128xi32, #tpu.memory_space<vmem>>
    %get3A_247 = tpu.memref_squeeze %get3A_246 : memref<1x128xi32, #tpu.memory_space<vmem>> -> memref<128xi32, #tpu.memory_space<vmem>>
    %get3A_248 = arith.constant 112 : index
    %get3A_249 = tpu.vector_load %get3A_247[%get3A_248] {strides = array<i32>} : memref<128xi32, #tpu.memory_space<vmem>>, vector<16xi32>,
    %get3A_250 = vector.shape_cast %get3A_249 : vector<16xi32> to vector<16xi32>
    %and3A_251 = arith.constant -256 : i32
    %and3A_252 = vector.broadcast %and3A_251 : i32 to vector<16xi32>
    %and3A_253 = arith.andi %get3A_250, %and3A_252 : vector<16xi32>
    %and3A_254 = arith.constant 127 : i32
    %and3A_255 = vector.broadcast %and3A_254 : i32 to vector<16xi32>
    %and3A_256 = arith.andi %get3A_250, %and3A_255 : vector<16xi32>
    %shift_left3A_257 = arith.constant 1 : i32
    %shift_left3A_258 = vector.broadcast %shift_left3A_257 : i32 to vector<16xi32>
    %shift_left3A_259 = arith.shli %and3A_256, %shift_left3A_258 : vector<16xi32>
    %or3A_260 = arith.ori %and3A_253, %shift_left3A_259 : vector<16xi32>
    %shift_right_arithmetic3A_261 = arith.constant 7 : i32
    %shift_right_arithmetic3A_262 = vector.broadcast %shift_right_arithmetic3A_261 : i32 to vector<16xi32>
    %shift_right_arithmetic3A_263 = arith.shrsi %get3A_250, %shift_right_arithmetic3A_262 : vector<16xi32>
    %and3A_264 = arith.constant 1 : i32
    %and3A_265 = vector.broadcast %and3A_264 : i32 to vector<16xi32>
    %and3A_266 = arith.andi %shift_right_arithmetic3A_263, %and3A_265 : vector<16xi32>
    %or3A_267 = arith.ori %or3A_260, %and3A_266 : vector<16xi32>
    %swap3A_268 = arith.constant 0 : i32
    %swap3A_269 = arith.constant 0 : i32
    %swap3A_270 = tpu.memref_slice %arg10[%swap3A_268, %swap3A_269] : memref<4x128xi32, #tpu.memory_space<vmem>> -> memref<1x128xi32, #tpu.memory_space<vmem>>
    %swap3A_271 = tpu.memref_squeeze %swap3A_270 : memref<1x128xi32, #tpu.memory_space<vmem>> -> memref<128xi32, #tpu.memory_space<vmem>>
    %swap3A_272 = arith.constant 112 : index
    %swap3A_273 = tpu.vector_load %swap3A_271[%swap3A_272] {strides = array<i32>} : memref<128xi32, #tpu.memory_space<vmem>>, vector<16xi32>,
    %swap3A_274 = vector.shape_cast %swap3A_273 : vector<16xi32> to vector<16xi32>
    %swap3A_275 = vector.shape_cast %or3A_267 : vector<16xi32> to vector<16xi32>
    tpu.vector_store %swap3A_271[%swap3A_272], %swap3A_275 {strides = array<i32>} : memref<128xi32, #tpu.memory_space<vmem>>, vector<16xi32>,
    %get3A_276 = arith.constant 1 : i32
    %get3A_277 = arith.constant 0 : i32
    %get3A_278 = tpu.memref_slice %arg10[%get3A_276, %get3A_277] : memref<4x128xi32, #tpu.memory_space<vmem>> -> memref<1x128xi32, #tpu.memory_space<vmem>>
    %get3A_279 = tpu.memref_squeeze %get3A_278 : memref<1x128xi32, #tpu.memory_space<vmem>> -> memref<128xi32, #tpu.memory_space<vmem>>
    %get3A_280 = arith.constant 0 : index
    %get3A_281 = tpu.vector_load %get3A_279[%get3A_280] {strides = array<i32>} : memref<128xi32, #tpu.memory_space<vmem>>, vector<16xi32>,
    %get3A_282 = vector.shape_cast %get3A_281 : vector<16xi32> to vector<16xi32>
    %and3A_283 = arith.constant -256 : i32
    %and3A_284 = vector.broadcast %and3A_283 : i32 to vector<16xi32>
    %and3A_285 = arith.andi %get3A_282, %and3A_284 : vector<16xi32>
    %and3A_286 = arith.constant 127 : i32
    %and3A_287 = vector.broadcast %and3A_286 : i32 to vector<16xi32>
    %and3A_288 = arith.andi %get3A_282, %and3A_287 : vector<16xi32>
    %shift_left3A_289 = arith.constant 1 : i32
    %shift_left3A_290 = vector.broadcast %shift_left3A_289 : i32 to vector<16xi32>
    %shift_left3A_291 = arith.shli %and3A_288, %shift_left3A_290 : vector<16xi32>
    %or3A_292 = arith.ori %and3A_285, %shift_left3A_291 : vector<16xi32>
    %shift_right_arithmetic3A_293 = arith.constant 7 : i32
    %shift_right_arithmetic3A_294 = vector.broadcast %shift_right_arithmetic3A_293 : i32 to vector<16xi32>
    %shift_right_arithmetic3A_295 = arith.shrsi %get3A_282, %shift_right_arithmetic3A_294 : vector<16xi32>
    %and3A_296 = arith.constant 1 : i32
    %and3A_297 = vector.broadcast %and3A_296 : i32 to vector<16xi32>
    %and3A_298 = arith.andi %shift_right_arithmetic3A_295, %and3A_297 : vector<16xi32>
    %or3A_299 = arith.ori %or3A_292, %and3A_298 : vector<16xi32>
    %swap3A_300 = arith.constant 1 : i32
    %swap3A_301 = arith.constant 0 : i32
    %swap3A_302 = tpu.memref_slice %arg10[%swap3A_300, %swap3A_301] : memref<4x128xi32, #tpu.memory_space<vmem>> -> memref<1x128xi32, #tpu.memory_space<vmem>>
    %swap3A_303 = tpu.memref_squeeze %swap3A_302 : memref<1x128xi32, #tpu.memory_space<vmem>> -> memref<128xi32, #tpu.memory_space<vmem>>
    %swap3A_304 = arith.constant 0 : index
    %swap3A_305 = tpu.vector_load %swap3A_303[%swap3A_304] {strides = array<i32>} : memref<128xi32, #tpu.memory_space<vmem>>, vector<16xi32>,
    %swap3A_306 = vector.shape_cast %swap3A_305 : vector<16xi32> to vector<16xi32>
    %swap3A_307 = vector.shape_cast %or3A_299 : vector<16xi32> to vector<16xi32>
    tpu.vector_store %swap3A_303[%swap3A_304], %swap3A_307 {strides = array<i32>} : memref<128xi32, #tpu.memory_space<vmem>>, vector<16xi32>,
    %get3A_308 = arith.constant 1 : i32
    %get3A_309 = arith.constant 0 : i32
    %get3A_310 = tpu.memref_slice %arg10[%get3A_308, %get3A_309] : memref<4x128xi32, #tpu.memory_space<vmem>> -> memref<1x128xi32, #tpu.memory_space<vmem>>
    %get3A_311 = tpu.memref_squeeze %get3A_310 : memref<1x128xi32, #tpu.memory_space<vmem>> -> memref<128xi32, #tpu.memory_space<vmem>>
    %get3A_312 = arith.constant 16 : index
    %get3A_313 = tpu.vector_load %get3A_311[%get3A_312] {strides = array<i32>} : memref<128xi32, #tpu.memory_space<vmem>>, vector<16xi32>,
    %get3A_314 = vector.shape_cast %get3A_313 : vector<16xi32> to vector<16xi32>
    %and3A_315 = arith.constant -256 : i32
    %and3A_316 = vector.broadcast %and3A_315 : i32 to vector<16xi32>
    %and3A_317 = arith.andi %get3A_314, %and3A_316 : vector<16xi32>
    %and3A_318 = arith.constant 127 : i32
    %and3A_319 = vector.broadcast %and3A_318 : i32 to vector<16xi32>
    %and3A_320 = arith.andi %get3A_314, %and3A_319 : vector<16xi32>
    %shift_left3A_321 = arith.constant 1 : i32
    %shift_left3A_322 = vector.broadcast %shift_left3A_321 : i32 to vector<16xi32>
    %shift_left3A_323 = arith.shli %and3A_320, %shift_left3A_322 : vector<16xi32>
    %or3A_324 = arith.ori %and3A_317, %shift_left3A_323 : vector<16xi32>
    %shift_right_arithmetic3A_325 = arith.constant 7 : i32
    %shift_right_arithmetic3A_326 = vector.broadcast %shift_right_arithmetic3A_325 : i32 to vector<16xi32>
    %shift_right_arithmetic3A_327 = arith.shrsi %get3A_314, %shift_right_arithmetic3A_326 : vector<16xi32>
    %and3A_328 = arith.constant 1 : i32
    %and3A_329 = vector.broadcast %and3A_328 : i32 to vector<16xi32>
    %and3A_330 = arith.andi %shift_right_arithmetic3A_327, %and3A_329 : vector<16xi32>
    %or3A_331 = arith.ori %or3A_324, %and3A_330 : vector<16xi32>
    %swap3A_332 = arith.constant 1 : i32
    %swap3A_333 = arith.constant 0 : i32
    %swap3A_334 = tpu.memref_slice %arg10[%swap3A_332, %swap3A_333] : memref<4x128xi32, #tpu.memory_space<vmem>> -> memref<1x128xi32, #tpu.memory_space<vmem>>
    %swap3A_335 = tpu.memref_squeeze %swap3A_334 : memref<1x128xi32, #tpu.memory_space<vmem>> -> memref<128xi32, #tpu.memory_space<vmem>>
    %swap3A_336 = arith.constant 16 : index
    %swap3A_337 = tpu.vector_load %swap3A_335[%swap3A_336] {strides = array<i32>} : memref<128xi32, #tpu.memory_space<vmem>>, vector<16xi32>,
    %swap3A_338 = vector.shape_cast %swap3A_337 : vector<16xi32> to vector<16xi32>
    %swap3A_339 = vector.shape_cast %or3A_331 : vector<16xi32> to vector<16xi32>
    tpu.vector_store %swap3A_335[%swap3A_336], %swap3A_339 {strides = array<i32>} : memref<128xi32, #tpu.memory_space<vmem>>, vector<16xi32>,
    %get3A_340 = arith.constant 1 : i32
    %get3A_341 = arith.constant 0 : i32
    %get3A_342 = tpu.memref_slice %arg10[%get3A_340, %get3A_341] : memref<4x128xi32, #tpu.memory_space<vmem>> -> memref<1x128xi32, #tpu.memory_space<vmem>>
    %get3A_343 = tpu.memref_squeeze %get3A_342 : memref<1x128xi32, #tpu.memory_space<vmem>> -> memref<128xi32, #tpu.memory_space<vmem>>
    %get3A_344 = arith.constant 32 : index
    %get3A_345 = tpu.vector_load %get3A_343[%get3A_344] {strides = array<i32>} : memref<128xi32, #tpu.memory_space<vmem>>, vector<16xi32>,
    %get3A_346 = vector.shape_cast %get3A_345 : vector<16xi32> to vector<16xi32>
    %and3A_347 = arith.constant -256 : i32
    %and3A_348 = vector.broadcast %and3A_347 : i32 to vector<16xi32>
    %and3A_349 = arith.andi %get3A_346, %and3A_348 : vector<16xi32>
    %and3A_350 = arith.constant 127 : i32
    %and3A_351 = vector.broadcast %and3A_350 : i32 to vector<16xi32>
    %and3A_352 = arith.andi %get3A_346, %and3A_351 : vector<16xi32>
    %shift_left3A_353 = arith.constant 1 : i32
    %shift_left3A_354 = vector.broadcast %shift_left3A_353 : i32 to vector<16xi32>
    %shift_left3A_355 = arith.shli %and3A_352, %shift_left3A_354 : vector<16xi32>
    %or3A_356 = arith.ori %and3A_349, %shift_left3A_355 : vector<16xi32>
    %shift_right_arithmetic3A_357 = arith.constant 7 : i32
    %shift_right_arithmetic3A_358 = vector.broadcast %shift_right_arithmetic3A_357 : i32 to vector<16xi32>
    %shift_right_arithmetic3A_359 = arith.shrsi %get3A_346, %shift_right_arithmetic3A_358 : vector<16xi32>
    %and3A_360 = arith.constant 1 : i32
    %and3A_361 = vector.broadcast %and3A_360 : i32 to vector<16xi32>
    %and3A_362 = arith.andi %shift_right_arithmetic3A_359, %and3A_361 : vector<16xi32>
    %or3A_363 = arith.ori %or3A_356, %and3A_362 : vector<16xi32>
    %swap3A_364 = arith.constant 1 : i32
    %swap3A_365 = arith.constant 0 : i32
    %swap3A_366 = tpu.memref_slice %arg10[%swap3A_364, %swap3A_365] : memref<4x128xi32, #tpu.memory_space<vmem>> -> memref<1x128xi32, #tpu.memory_space<vmem>>
    %swap3A_367 = tpu.memref_squeeze %swap3A_366 : memref<1x128xi32, #tpu.memory_space<vmem>> -> memref<128xi32, #tpu.memory_space<vmem>>
    %swap3A_368 = arith.constant 32 : index
    %swap3A_369 = tpu.vector_load %swap3A_367[%swap3A_368] {strides = array<i32>} : memref<128xi32, #tpu.memory_space<vmem>>, vector<16xi32>,
    %swap3A_370 = vector.shape_cast %swap3A_369 : vector<16xi32> to vector<16xi32>
    %swap3A_371 = vector.shape_cast %or3A_363 : vector<16xi32> to vector<16xi32>
    tpu.vector_store %swap3A_367[%swap3A_368], %swap3A_371 {strides = array<i32>} : memref<128xi32, #tpu.memory_space<vmem>>, vector<16xi32>,
    %get3A_372 = arith.constant 1 : i32
    %get3A_373 = arith.constant 0 : i32
    %get3A_374 = tpu.memref_slice %arg10[%get3A_372, %get3A_373] : memref<4x128xi32, #tpu.memory_space<vmem>> -> memref<1x128xi32, #tpu.memory_space<vmem>>
    %get3A_375 = tpu.memref_squeeze %get3A_374 : memref<1x128xi32, #tpu.memory_space<vmem>> -> memref<128xi32, #tpu.memory_space<vmem>>
    %get3A_376 = arith.constant 48 : index
    %get3A_377 = tpu.vector_load %get3A_375[%get3A_376] {strides = array<i32>} : memref<128xi32, #tpu.memory_space<vmem>>, vector<16xi32>,
    %get3A_378 = vector.shape_cast %get3A_377 : vector<16xi32> to vector<16xi32>
    %and3A_379 = arith.constant -256 : i32
    %and3A_380 = vector.broadcast %and3A_379 : i32 to vector<16xi32>
    %and3A_381 = arith.andi %get3A_378, %and3A_380 : vector<16xi32>
    %and3A_382 = arith.constant 127 : i32
    %and3A_383 = vector.broadcast %and3A_382 : i32 to vector<16xi32>
    %and3A_384 = arith.andi %get3A_378, %and3A_383 : vector<16xi32>
    %shift_left3A_385 = arith.constant 1 : i32
    %shift_left3A_386 = vector.broadcast %shift_left3A_385 : i32 to vector<16xi32>
    %shift_left3A_387 = arith.shli %and3A_384, %shift_left3A_386 : vector<16xi32>
    %or3A_388 = arith.ori %and3A_381, %shift_left3A_387 : vector<16xi32>
    %shift_right_arithmetic3A_389 = arith.constant 7 : i32
    %shift_right_arithmetic3A_390 = vector.broadcast %shift_right_arithmetic3A_389 : i32 to vector<16xi32>
    %shift_right_arithmetic3A_391 = arith.shrsi %get3A_378, %shift_right_arithmetic3A_390 : vector<16xi32>
    %and3A_392 = arith.constant 1 : i32
    %and3A_393 = vector.broadcast %and3A_392 : i32 to vector<16xi32>
    %and3A_394 = arith.andi %shift_right_arithmetic3A_391, %and3A_393 : vector<16xi32>
    %or3A_395 = arith.ori %or3A_388, %and3A_394 : vector<16xi32>
    %swap3A_396 = arith.constant 1 : i32
    %swap3A_397 = arith.constant 0 : i32
    %swap3A_398 = tpu.memref_slice %arg10[%swap3A_396, %swap3A_397] : memref<4x128xi32, #tpu.memory_space<vmem>> -> memref<1x128xi32, #tpu.memory_space<vmem>>
    %swap3A_399 = tpu.memref_squeeze %swap3A_398 : memref<1x128xi32, #tpu.memory_space<vmem>> -> memref<128xi32, #tpu.memory_space<vmem>>
    %swap3A_400 = arith.constant 48 : index
    %swap3A_401 = tpu.vector_load %swap3A_399[%swap3A_400] {strides = array<i32>} : memref<128xi32, #tpu.memory_space<vmem>>, vector<16xi32>,
    %swap3A_402 = vector.shape_cast %swap3A_401 : vector<16xi32> to vector<16xi32>
    %swap3A_403 = vector.shape_cast %or3A_395 : vector<16xi32> to vector<16xi32>
    tpu.vector_store %swap3A_399[%swap3A_400], %swap3A_403 {strides = array<i32>} : memref<128xi32, #tpu.memory_space<vmem>>, vector<16xi32>,
    %get3A_404 = arith.constant 1 : i32
    %get3A_405 = arith.constant 0 : i32
    %get3A_406 = tpu.memref_slice %arg10[%get3A_404, %get3A_405] : memref<4x128xi32, #tpu.memory_space<vmem>> -> memref<1x128xi32, #tpu.memory_space<vmem>>
    %get3A_407 = tpu.memref_squeeze %get3A_406 : memref<1x128xi32, #tpu.memory_space<vmem>> -> memref<128xi32, #tpu.memory_space<vmem>>
    %get3A_408 = arith.constant 64 : index
    %get3A_409 = tpu.vector_load %get3A_407[%get3A_408] {strides = array<i32>} : memref<128xi32, #tpu.memory_space<vmem>>, vector<16xi32>,
    %get3A_410 = vector.shape_cast %get3A_409 : vector<16xi32> to vector<16xi32>
    %and3A_411 = arith.constant -256 : i32
    %and3A_412 = vector.broadcast %and3A_411 : i32 to vector<16xi32>
    %and3A_413 = arith.andi %get3A_410, %and3A_412 : vector<16xi32>
    %and3A_414 = arith.constant 127 : i32
    %and3A_415 = vector.broadcast %and3A_414 : i32 to vector<16xi32>
    %and3A_416 = arith.andi %get3A_410, %and3A_415 : vector<16xi32>
    %shift_left3A_417 = arith.constant 1 : i32
    %shift_left3A_418 = vector.broadcast %shift_left3A_417 : i32 to vector<16xi32>
    %shift_left3A_419 = arith.shli %and3A_416, %shift_left3A_418 : vector<16xi32>
    %or3A_420 = arith.ori %and3A_413, %shift_left3A_419 : vector<16xi32>
    %shift_right_arithmetic3A_421 = arith.constant 7 : i32
    %shift_right_arithmetic3A_422 = vector.broadcast %shift_right_arithmetic3A_421 : i32 to vector<16xi32>
    %shift_right_arithmetic3A_423 = arith.shrsi %get3A_410, %shift_right_arithmetic3A_422 : vector<16xi32>
    %and3A_424 = arith.constant 1 : i32
    %and3A_425 = vector.broadcast %and3A_424 : i32 to vector<16xi32>
    %and3A_426 = arith.andi %shift_right_arithmetic3A_423, %and3A_425 : vector<16xi32>
    %or3A_427 = arith.ori %or3A_420, %and3A_426 : vector<16xi32>
    %swap3A_428 = arith.constant 1 : i32
    %swap3A_429 = arith.constant 0 : i32
    %swap3A_430 = tpu.memref_slice %arg10[%swap3A_428, %swap3A_429] : memref<4x128xi32, #tpu.memory_space<vmem>> -> memref<1x128xi32, #tpu.memory_space<vmem>>
    %swap3A_431 = tpu.memref_squeeze %swap3A_430 : memref<1x128xi32, #tpu.memory_space<vmem>> -> memref<128xi32, #tpu.memory_space<vmem>>
    %swap3A_432 = arith.constant 64 : index
    %swap3A_433 = tpu.vector_load %swap3A_431[%swap3A_432] {strides = array<i32>} : memref<128xi32, #tpu.memory_space<vmem>>, vector<16xi32>,
    %swap3A_434 = vector.shape_cast %swap3A_433 : vector<16xi32> to vector<16xi32>
    %swap3A_435 = vector.shape_cast %or3A_427 : vector<16xi32> to vector<16xi32>
    tpu.vector_store %swap3A_431[%swap3A_432], %swap3A_435 {strides = array<i32>} : memref<128xi32, #tpu.memory_space<vmem>>, vector<16xi32>,
    %get3A_436 = arith.constant 1 : i32
    %get3A_437 = arith.constant 0 : i32
    %get3A_438 = tpu.memref_slice %arg10[%get3A_436, %get3A_437] : memref<4x128xi32, #tpu.memory_space<vmem>> -> memref<1x128xi32, #tpu.memory_space<vmem>>
    %get3A_439 = tpu.memref_squeeze %get3A_438 : memref<1x128xi32, #tpu.memory_space<vmem>> -> memref<128xi32, #tpu.memory_space<vmem>>
    %get3A_440 = arith.constant 80 : index
    %get3A_441 = tpu.vector_load %get3A_439[%get3A_440] {strides = array<i32>} : memref<128xi32, #tpu.memory_space<vmem>>, vector<16xi32>,
    %get3A_442 = vector.shape_cast %get3A_441 : vector<16xi32> to vector<16xi32>
    %and3A_443 = arith.constant -256 : i32
    %and3A_444 = vector.broadcast %and3A_443 : i32 to vector<16xi32>
    %and3A_445 = arith.andi %get3A_442, %and3A_444 : vector<16xi32>
    %and3A_446 = arith.constant 127 : i32
    %and3A_447 = vector.broadcast %and3A_446 : i32 to vector<16xi32>
    %and3A_448 = arith.andi %get3A_442, %and3A_447 : vector<16xi32>
    %shift_left3A_449 = arith.constant 1 : i32
    %shift_left3A_450 = vector.broadcast %shift_left3A_449 : i32 to vector<16xi32>
    %shift_left3A_451 = arith.shli %and3A_448, %shift_left3A_450 : vector<16xi32>
    %or3A_452 = arith.ori %and3A_445, %shift_left3A_451 : vector<16xi32>
    %shift_right_arithmetic3A_453 = arith.constant 7 : i32
    %shift_right_arithmetic3A_454 = vector.broadcast %shift_right_arithmetic3A_453 : i32 to vector<16xi32>
    %shift_right_arithmetic3A_455 = arith.shrsi %get3A_442, %shift_right_arithmetic3A_454 : vector<16xi32>
    %and3A_456 = arith.constant 1 : i32
    %and3A_457 = vector.broadcast %and3A_456 : i32 to vector<16xi32>
    %and3A_458 = arith.andi %shift_right_arithmetic3A_455, %and3A_457 : vector<16xi32>
    %or3A_459 = arith.ori %or3A_452, %and3A_458 : vector<16xi32>
    %swap3A_460 = arith.constant 1 : i32
    %swap3A_461 = arith.constant 0 : i32
    %swap3A_462 = tpu.memref_slice %arg10[%swap3A_460, %swap3A_461] : memref<4x128xi32, #tpu.memory_space<vmem>> -> memref<1x128xi32, #tpu.memory_space<vmem>>
    %swap3A_463 = tpu.memref_squeeze %swap3A_462 : memref<1x128xi32, #tpu.memory_space<vmem>> -> memref<128xi32, #tpu.memory_space<vmem>>
    %swap3A_464 = arith.constant 80 : index
    %swap3A_465 = tpu.vector_load %swap3A_463[%swap3A_464] {strides = array<i32>} : memref<128xi32, #tpu.memory_space<vmem>>, vector<16xi32>,
    %swap3A_466 = vector.shape_cast %swap3A_465 : vector<16xi32> to vector<16xi32>
    %swap3A_467 = vector.shape_cast %or3A_459 : vector<16xi32> to vector<16xi32>
    tpu.vector_store %swap3A_463[%swap3A_464], %swap3A_467 {strides = array<i32>} : memref<128xi32, #tpu.memory_space<vmem>>, vector<16xi32>,
    %get3A_468 = arith.constant 1 : i32
    %get3A_469 = arith.constant 0 : i32
    %get3A_470 = tpu.memref_slice %arg10[%get3A_468, %get3A_469] : memref<4x128xi32, #tpu.memory_space<vmem>> -> memref<1x128xi32, #tpu.memory_space<vmem>>
    %get3A_471 = tpu.memref_squeeze %get3A_470 : memref<1x128xi32, #tpu.memory_space<vmem>> -> memref<128xi32, #tpu.memory_space<vmem>>
    %get3A_472 = arith.constant 96 : index
    %get3A_473 = tpu.vector_load %get3A_471[%get3A_472] {strides = array<i32>} : memref<128xi32, #tpu.memory_space<vmem>>, vector<16xi32>,
    %get3A_474 = vector.shape_cast %get3A_473 : vector<16xi32> to vector<16xi32>
    %and3A_475 = arith.constant -256 : i32
    %and3A_476 = vector.broadcast %and3A_475 : i32 to vector<16xi32>
    %and3A_477 = arith.andi %get3A_474, %and3A_476 : vector<16xi32>
    %and3A_478 = arith.constant 127 : i32
    %and3A_479 = vector.broadcast %and3A_478 : i32 to vector<16xi32>
    %and3A_480 = arith.andi %get3A_474, %and3A_479 : vector<16xi32>
    %shift_left3A_481 = arith.constant 1 : i32
    %shift_left3A_482 = vector.broadcast %shift_left3A_481 : i32 to vector<16xi32>
    %shift_left3A_483 = arith.shli %and3A_480, %shift_left3A_482 : vector<16xi32>
    %or3A_484 = arith.ori %and3A_477, %shift_left3A_483 : vector<16xi32>
    %shift_right_arithmetic3A_485 = arith.constant 7 : i32
    %shift_right_arithmetic3A_486 = vector.broadcast %shift_right_arithmetic3A_485 : i32 to vector<16xi32>
    %shift_right_arithmetic3A_487 = arith.shrsi %get3A_474, %shift_right_arithmetic3A_486 : vector<16xi32>
    %and3A_488 = arith.constant 1 : i32
    %and3A_489 = vector.broadcast %and3A_488 : i32 to vector<16xi32>
    %and3A_490 = arith.andi %shift_right_arithmetic3A_487, %and3A_489 : vector<16xi32>
    %or3A_491 = arith.ori %or3A_484, %and3A_490 : vector<16xi32>
    %swap3A_492 = arith.constant 1 : i32
    %swap3A_493 = arith.constant 0 : i32
    %swap3A_494 = tpu.memref_slice %arg10[%swap3A_492, %swap3A_493] : memref<4x128xi32, #tpu.memory_space<vmem>> -> memref<1x128xi32, #tpu.memory_space<vmem>>
    %swap3A_495 = tpu.memref_squeeze %swap3A_494 : memref<1x128xi32, #tpu.memory_space<vmem>> -> memref<128xi32, #tpu.memory_space<vmem>>
    %swap3A_496 = arith.constant 96 : index
    %swap3A_497 = tpu.vector_load %swap3A_495[%swap3A_496] {strides = array<i32>} : memref<128xi32, #tpu.memory_space<vmem>>, vector<16xi32>,
    %swap3A_498 = vector.shape_cast %swap3A_497 : vector<16xi32> to vector<16xi32>
    %swap3A_499 = vector.shape_cast %or3A_491 : vector<16xi32> to vector<16xi32>
    tpu.vector_store %swap3A_495[%swap3A_496], %swap3A_499 {strides = array<i32>} : memref<128xi32, #tpu.memory_space<vmem>>, vector<16xi32>,
    %get3A_500 = arith.constant 1 : i32
    %get3A_501 = arith.constant 0 : i32
    %get3A_502 = tpu.memref_slice %arg10[%get3A_500, %get3A_501] : memref<4x128xi32, #tpu.memory_space<vmem>> -> memref<1x128xi32, #tpu.memory_space<vmem>>
    %get3A_503 = tpu.memref_squeeze %get3A_502 : memref<1x128xi32, #tpu.memory_space<vmem>> -> memref<128xi32, #tpu.memory_space<vmem>>
    %get3A_504 = arith.constant 112 : index
    %get3A_505 = tpu.vector_load %get3A_503[%get3A_504] {strides = array<i32>} : memref<128xi32, #tpu.memory_space<vmem>>, vector<16xi32>,
    %get3A_506 = vector.shape_cast %get3A_505 : vector<16xi32> to vector<16xi32>
    %and3A_507 = arith.constant -256 : i32
    %and3A_508 = vector.broadcast %and3A_507 : i32 to vector<16xi32>
    %and3A_509 = arith.andi %get3A_506, %and3A_508 : vector<16xi32>
    %and3A_510 = arith.constant 127 : i32
    %and3A_511 = vector.broadcast %and3A_510 : i32 to vector<16xi32>
    %and3A_512 = arith.andi %get3A_506, %and3A_511 : vector<16xi32>
    %shift_left3A_513 = arith.constant 1 : i32
    %shift_left3A_514 = vector.broadcast %shift_left3A_513 : i32 to vector<16xi32>
    %shift_left3A_515 = arith.shli %and3A_512, %shift_left3A_514 : vector<16xi32>
    %or3A_516 = arith.ori %and3A_509, %shift_left3A_515 : vector<16xi32>
    %shift_right_arithmetic3A_517 = arith.constant 7 : i32
    %shift_right_arithmetic3A_518 = vector.broadcast %shift_right_arithmetic3A_517 : i32 to vector<16xi32>
    %shift_right_arithmetic3A_519 = arith.shrsi %get3A_506, %shift_right_arithmetic3A_518 : vector<16xi32>
    %and3A_520 = arith.constant 1 : i32
    %and3A_521 = vector.broadcast %and3A_520 : i32 to vector<16xi32>
    %and3A_522 = arith.andi %shift_right_arithmetic3A_519, %and3A_521 : vector<16xi32>
    %or3A_523 = arith.ori %or3A_516, %and3A_522 : vector<16xi32>
    %swap3A_524 = arith.constant 1 : i32
    %swap3A_525 = arith.constant 0 : i32
    %swap3A_526 = tpu.memref_slice %arg10[%swap3A_524, %swap3A_525] : memref<4x128xi32, #tpu.memory_space<vmem>> -> memref<1x128xi32, #tpu.memory_space<vmem>>
    %swap3A_527 = tpu.memref_squeeze %swap3A_526 : memref<1x128xi32, #tpu.memory_space<vmem>> -> memref<128xi32, #tpu.memory_space<vmem>>
    %swap3A_528 = arith.constant 112 : index
    %swap3A_529 = tpu.vector_load %swap3A_527[%swap3A_528] {strides = array<i32>} : memref<128xi32, #tpu.memory_space<vmem>>, vector<16xi32>,
    %swap3A_530 = vector.shape_cast %swap3A_529 : vector<16xi32> to vector<16xi32>
    %swap3A_531 = vector.shape_cast %or3A_523 : vector<16xi32> to vector<16xi32>
    tpu.vector_store %swap3A_527[%swap3A_528], %swap3A_531 {strides = array<i32>} : memref<128xi32, #tpu.memory_space<vmem>>, vector<16xi32>,
    %get3A_532 = arith.constant 2 : i32
    %get3A_533 = arith.constant 0 : i32
    %get3A_534 = tpu.memref_slice %arg10[%get3A_532, %get3A_533] : memref<4x128xi32, #tpu.memory_space<vmem>> -> memref<1x128xi32, #tpu.memory_space<vmem>>
    %get3A_535 = tpu.memref_squeeze %get3A_534 : memref<1x128xi32, #tpu.memory_space<vmem>> -> memref<128xi32, #tpu.memory_space<vmem>>
    %get3A_536 = arith.constant 0 : index
    %get3A_537 = tpu.vector_load %get3A_535[%get3A_536] {strides = array<i32>} : memref<128xi32, #tpu.memory_space<vmem>>, vector<16xi32>,
    %get3A_538 = vector.shape_cast %get3A_537 : vector<16xi32> to vector<16xi32>
    %and3A_539 = arith.constant -256 : i32
    %and3A_540 = vector.broadcast %and3A_539 : i32 to vector<16xi32>
    %and3A_541 = arith.andi %get3A_538, %and3A_540 : vector<16xi32>
    %and3A_542 = arith.constant 127 : i32
    %and3A_543 = vector.broadcast %and3A_542 : i32 to vector<16xi32>
    %and3A_544 = arith.andi %get3A_538, %and3A_543 : vector<16xi32>
    %shift_left3A_545 = arith.constant 1 : i32
    %shift_left3A_546 = vector.broadcast %shift_left3A_545 : i32 to vector<16xi32>
    %shift_left3A_547 = arith.shli %and3A_544, %shift_left3A_546 : vector<16xi32>
    %or3A_548 = arith.ori %and3A_541, %shift_left3A_547 : vector<16xi32>
    %shift_right_arithmetic3A_549 = arith.constant 7 : i32
    %shift_right_arithmetic3A_550 = vector.broadcast %shift_right_arithmetic3A_549 : i32 to vector<16xi32>
    %shift_right_arithmetic3A_551 = arith.shrsi %get3A_538, %shift_right_arithmetic3A_550 : vector<16xi32>
    %and3A_552 = arith.constant 1 : i32
    %and3A_553 = vector.broadcast %and3A_552 : i32 to vector<16xi32>
    %and3A_554 = arith.andi %shift_right_arithmetic3A_551, %and3A_553 : vector<16xi32>
    %or3A_555 = arith.ori %or3A_548, %and3A_554 : vector<16xi32>
    %swap3A_556 = arith.constant 2 : i32
    %swap3A_557 = arith.constant 0 : i32
    %swap3A_558 = tpu.memref_slice %arg10[%swap3A_556, %swap3A_557] : memref<4x128xi32, #tpu.memory_space<vmem>> -> memref<1x128xi32, #tpu.memory_space<vmem>>
    %swap3A_559 = tpu.memref_squeeze %swap3A_558 : memref<1x128xi32, #tpu.memory_space<vmem>> -> memref<128xi32, #tpu.memory_space<vmem>>
    %swap3A_560 = arith.constant 0 : index
    %swap3A_561 = tpu.vector_load %swap3A_559[%swap3A_560] {strides = array<i32>} : memref<128xi32, #tpu.memory_space<vmem>>, vector<16xi32>,
    %swap3A_562 = vector.shape_cast %swap3A_561 : vector<16xi32> to vector<16xi32>
    %swap3A_563 = vector.shape_cast %or3A_555 : vector<16xi32> to vector<16xi32>
    tpu.vector_store %swap3A_559[%swap3A_560], %swap3A_563 {strides = array<i32>} : memref<128xi32, #tpu.memory_space<vmem>>, vector<16xi32>,
    %get3A_564 = arith.constant 2 : i32
    %get3A_565 = arith.constant 0 : i32
    %get3A_566 = tpu.memref_slice %arg10[%get3A_564, %get3A_565] : memref<4x128xi32, #tpu.memory_space<vmem>> -> memref<1x128xi32, #tpu.memory_space<vmem>>
    %get3A_567 = tpu.memref_squeeze %get3A_566 : memref<1x128xi32, #tpu.memory_space<vmem>> -> memref<128xi32, #tpu.memory_space<vmem>>
    %get3A_568 = arith.constant 16 : index
    %get3A_569 = tpu.vector_load %get3A_567[%get3A_568] {strides = array<i32>} : memref<128xi32, #tpu.memory_space<vmem>>, vector<16xi32>,
    %get3A_570 = vector.shape_cast %get3A_569 : vector<16xi32> to vector<16xi32>
    %and3A_571 = arith.constant -256 : i32
    %and3A_572 = vector.broadcast %and3A_571 : i32 to vector<16xi32>
    %and3A_573 = arith.andi %get3A_570, %and3A_572 : vector<16xi32>
    %and3A_574 = arith.constant 127 : i32
    %and3A_575 = vector.broadcast %and3A_574 : i32 to vector<16xi32>
    %and3A_576 = arith.andi %get3A_570, %and3A_575 : vector<16xi32>
    %shift_left3A_577 = arith.constant 1 : i32
    %shift_left3A_578 = vector.broadcast %shift_left3A_577 : i32 to vector<16xi32>
    %shift_left3A_579 = arith.shli %and3A_576, %shift_left3A_578 : vector<16xi32>
    %or3A_580 = arith.ori %and3A_573, %shift_left3A_579 : vector<16xi32>
    %shift_right_arithmetic3A_581 = arith.constant 7 : i32
    %shift_right_arithmetic3A_582 = vector.broadcast %shift_right_arithmetic3A_581 : i32 to vector<16xi32>
    %shift_right_arithmetic3A_583 = arith.shrsi %get3A_570, %shift_right_arithmetic3A_582 : vector<16xi32>
    %and3A_584 = arith.constant 1 : i32
    %and3A_585 = vector.broadcast %and3A_584 : i32 to vector<16xi32>
    %and3A_586 = arith.andi %shift_right_arithmetic3A_583, %and3A_585 : vector<16xi32>
    %or3A_587 = arith.ori %or3A_580, %and3A_586 : vector<16xi32>
    %swap3A_588 = arith.constant 2 : i32
    %swap3A_589 = arith.constant 0 : i32
    %swap3A_590 = tpu.memref_slice %arg10[%swap3A_588, %swap3A_589] : memref<4x128xi32, #tpu.memory_space<vmem>> -> memref<1x128xi32, #tpu.memory_space<vmem>>
    %swap3A_591 = tpu.memref_squeeze %swap3A_590 : memref<1x128xi32, #tpu.memory_space<vmem>> -> memref<128xi32, #tpu.memory_space<vmem>>
    %swap3A_592 = arith.constant 16 : index
    %swap3A_593 = tpu.vector_load %swap3A_591[%swap3A_592] {strides = array<i32>} : memref<128xi32, #tpu.memory_space<vmem>>, vector<16xi32>,
    %swap3A_594 = vector.shape_cast %swap3A_593 : vector<16xi32> to vector<16xi32>
    %swap3A_595 = vector.shape_cast %or3A_587 : vector<16xi32> to vector<16xi32>
    tpu.vector_store %swap3A_591[%swap3A_592], %swap3A_595 {strides = array<i32>} : memref<128xi32, #tpu.memory_space<vmem>>, vector<16xi32>,
    %get3A_596 = arith.constant 2 : i32
    %get3A_597 = arith.constant 0 : i32
    %get3A_598 = tpu.memref_slice %arg10[%get3A_596, %get3A_597] : memref<4x128xi32, #tpu.memory_space<vmem>> -> memref<1x128xi32, #tpu.memory_space<vmem>>
    %get3A_599 = tpu.memref_squeeze %get3A_598 : memref<1x128xi32, #tpu.memory_space<vmem>> -> memref<128xi32, #tpu.memory_space<vmem>>
    %get3A_600 = arith.constant 32 : index
    %get3A_601 = tpu.vector_load %get3A_599[%get3A_600] {strides = array<i32>} : memref<128xi32, #tpu.memory_space<vmem>>, vector<16xi32>,
    %get3A_602 = vector.shape_cast %get3A_601 : vector<16xi32> to vector<16xi32>
    %and3A_603 = arith.constant -256 : i32
    %and3A_604 = vector.broadcast %and3A_603 : i32 to vector<16xi32>
    %and3A_605 = arith.andi %get3A_602, %and3A_604 : vector<16xi32>
    %and3A_606 = arith.constant 127 : i32
    %and3A_607 = vector.broadcast %and3A_606 : i32 to vector<16xi32>
    %and3A_608 = arith.andi %get3A_602, %and3A_607 : vector<16xi32>
    %shift_left3A_609 = arith.constant 1 : i32
    %shift_left3A_610 = vector.broadcast %shift_left3A_609 : i32 to vector<16xi32>
    %shift_left3A_611 = arith.shli %and3A_608, %shift_left3A_610 : vector<16xi32>
    %or3A_612 = arith.ori %and3A_605, %shift_left3A_611 : vector<16xi32>
    %shift_right_arithmetic3A_613 = arith.constant 7 : i32
    %shift_right_arithmetic3A_614 = vector.broadcast %shift_right_arithmetic3A_613 : i32 to vector<16xi32>
    %shift_right_arithmetic3A_615 = arith.shrsi %get3A_602, %shift_right_arithmetic3A_614 : vector<16xi32>
    %and3A_616 = arith.constant 1 : i32
    %and3A_617 = vector.broadcast %and3A_616 : i32 to vector<16xi32>
    %and3A_618 = arith.andi %shift_right_arithmetic3A_615, %and3A_617 : vector<16xi32>
    %or3A_619 = arith.ori %or3A_612, %and3A_618 : vector<16xi32>
    %swap3A_620 = arith.constant 2 : i32
    %swap3A_621 = arith.constant 0 : i32
    %swap3A_622 = tpu.memref_slice %arg10[%swap3A_620, %swap3A_621] : memref<4x128xi32, #tpu.memory_space<vmem>> -> memref<1x128xi32, #tpu.memory_space<vmem>>
    %swap3A_623 = tpu.memref_squeeze %swap3A_622 : memref<1x128xi32, #tpu.memory_space<vmem>> -> memref<128xi32, #tpu.memory_space<vmem>>
    %swap3A_624 = arith.constant 32 : index
    %swap3A_625 = tpu.vector_load %swap3A_623[%swap3A_624] {strides = array<i32>} : memref<128xi32, #tpu.memory_space<vmem>>, vector<16xi32>,
    %swap3A_626 = vector.shape_cast %swap3A_625 : vector<16xi32> to vector<16xi32>
    %swap3A_627 = vector.shape_cast %or3A_619 : vector<16xi32> to vector<16xi32>
    tpu.vector_store %swap3A_623[%swap3A_624], %swap3A_627 {strides = array<i32>} : memref<128xi32, #tpu.memory_space<vmem>>, vector<16xi32>,
    %get3A_628 = arith.constant 2 : i32
    %get3A_629 = arith.constant 0 : i32
    %get3A_630 = tpu.memref_slice %arg10[%get3A_628, %get3A_629] : memref<4x128xi32, #tpu.memory_space<vmem>> -> memref<1x128xi32, #tpu.memory_space<vmem>>
    %get3A_631 = tpu.memref_squeeze %get3A_630 : memref<1x128xi32, #tpu.memory_space<vmem>> -> memref<128xi32, #tpu.memory_space<vmem>>
    %get3A_632 = arith.constant 48 : index
    %get3A_633 = tpu.vector_load %get3A_631[%get3A_632] {strides = array<i32>} : memref<128xi32, #tpu.memory_space<vmem>>, vector<16xi32>,
    %get3A_634 = vector.shape_cast %get3A_633 : vector<16xi32> to vector<16xi32>
    %and3A_635 = arith.constant -256 : i32
    %and3A_636 = vector.broadcast %and3A_635 : i32 to vector<16xi32>
    %and3A_637 = arith.andi %get3A_634, %and3A_636 : vector<16xi32>
    %and3A_638 = arith.constant 127 : i32
    %and3A_639 = vector.broadcast %and3A_638 : i32 to vector<16xi32>
    %and3A_640 = arith.andi %get3A_634, %and3A_639 : vector<16xi32>
    %shift_left3A_641 = arith.constant 1 : i32
    %shift_left3A_642 = vector.broadcast %shift_left3A_641 : i32 to vector<16xi32>
    %shift_left3A_643 = arith.shli %and3A_640, %shift_left3A_642 : vector<16xi32>
    %or3A_644 = arith.ori %and3A_637, %shift_left3A_643 : vector<16xi32>
    %shift_right_arithmetic3A_645 = arith.constant 7 : i32
    %shift_right_arithmetic3A_646 = vector.broadcast %shift_right_arithmetic3A_645 : i32 to vector<16xi32>
    %shift_right_arithmetic3A_647 = arith.shrsi %get3A_634, %shift_right_arithmetic3A_646 : vector<16xi32>
    %and3A_648 = arith.constant 1 : i32
    %and3A_649 = vector.broadcast %and3A_648 : i32 to vector<16xi32>
    %and3A_650 = arith.andi %shift_right_arithmetic3A_647, %and3A_649 : vector<16xi32>
    %or3A_651 = arith.ori %or3A_644, %and3A_650 : vector<16xi32>
    %swap3A_652 = arith.constant 2 : i32
    %swap3A_653 = arith.constant 0 : i32
    %swap3A_654 = tpu.memref_slice %arg10[%swap3A_652, %swap3A_653] : memref<4x128xi32, #tpu.memory_space<vmem>> -> memref<1x128xi32, #tpu.memory_space<vmem>>
    %swap3A_655 = tpu.memref_squeeze %swap3A_654 : memref<1x128xi32, #tpu.memory_space<vmem>> -> memref<128xi32, #tpu.memory_space<vmem>>
    %swap3A_656 = arith.constant 48 : index
    %swap3A_657 = tpu.vector_load %swap3A_655[%swap3A_656] {strides = array<i32>} : memref<128xi32, #tpu.memory_space<vmem>>, vector<16xi32>,
    %swap3A_658 = vector.shape_cast %swap3A_657 : vector<16xi32> to vector<16xi32>
    %swap3A_659 = vector.shape_cast %or3A_651 : vector<16xi32> to vector<16xi32>
    tpu.vector_store %swap3A_655[%swap3A_656], %swap3A_659 {strides = array<i32>} : memref<128xi32, #tpu.memory_space<vmem>>, vector<16xi32>,
    %get3A_660 = arith.constant 2 : i32
    %get3A_661 = arith.constant 0 : i32
    %get3A_662 = tpu.memref_slice %arg10[%get3A_660, %get3A_661] : memref<4x128xi32, #tpu.memory_space<vmem>> -> memref<1x128xi32, #tpu.memory_space<vmem>>
    %get3A_663 = tpu.memref_squeeze %get3A_662 : memref<1x128xi32, #tpu.memory_space<vmem>> -> memref<128xi32, #tpu.memory_space<vmem>>
    %get3A_664 = arith.constant 64 : index
    %get3A_665 = tpu.vector_load %get3A_663[%get3A_664] {strides = array<i32>} : memref<128xi32, #tpu.memory_space<vmem>>, vector<16xi32>,
    %get3A_666 = vector.shape_cast %get3A_665 : vector<16xi32> to vector<16xi32>
    %and3A_667 = arith.constant -256 : i32
    %and3A_668 = vector.broadcast %and3A_667 : i32 to vector<16xi32>
    %and3A_669 = arith.andi %get3A_666, %and3A_668 : vector<16xi32>
    %and3A_670 = arith.constant 127 : i32
    %and3A_671 = vector.broadcast %and3A_670 : i32 to vector<16xi32>
    %and3A_672 = arith.andi %get3A_666, %and3A_671 : vector<16xi32>
    %shift_left3A_673 = arith.constant 1 : i32
    %shift_left3A_674 = vector.broadcast %shift_left3A_673 : i32 to vector<16xi32>
    %shift_left3A_675 = arith.shli %and3A_672, %shift_left3A_674 : vector<16xi32>
    %or3A_676 = arith.ori %and3A_669, %shift_left3A_675 : vector<16xi32>
    %shift_right_arithmetic3A_677 = arith.constant 7 : i32
    %shift_right_arithmetic3A_678 = vector.broadcast %shift_right_arithmetic3A_677 : i32 to vector<16xi32>
    %shift_right_arithmetic3A_679 = arith.shrsi %get3A_666, %shift_right_arithmetic3A_678 : vector<16xi32>
    %and3A_680 = arith.constant 1 : i32
    %and3A_681 = vector.broadcast %and3A_680 : i32 to vector<16xi32>
    %and3A_682 = arith.andi %shift_right_arithmetic3A_679, %and3A_681 : vector<16xi32>
    %or3A_683 = arith.ori %or3A_676, %and3A_682 : vector<16xi32>
    %swap3A_684 = arith.constant 2 : i32
    %swap3A_685 = arith.constant 0 : i32
    %swap3A_686 = tpu.memref_slice %arg10[%swap3A_684, %swap3A_685] : memref<4x128xi32, #tpu.memory_space<vmem>> -> memref<1x128xi32, #tpu.memory_space<vmem>>
    %swap3A_687 = tpu.memref_squeeze %swap3A_686 : memref<1x128xi32, #tpu.memory_space<vmem>> -> memref<128xi32, #tpu.memory_space<vmem>>
    %swap3A_688 = arith.constant 64 : index
    %swap3A_689 = tpu.vector_load %swap3A_687[%swap3A_688] {strides = array<i32>} : memref<128xi32, #tpu.memory_space<vmem>>, vector<16xi32>,
    %swap3A_690 = vector.shape_cast %swap3A_689 : vector<16xi32> to vector<16xi32>
    %swap3A_691 = vector.shape_cast %or3A_683 : vector<16xi32> to vector<16xi32>
    tpu.vector_store %swap3A_687[%swap3A_688], %swap3A_691 {strides = array<i32>} : memref<128xi32, #tpu.memory_space<vmem>>, vector<16xi32>,
    %get3A_692 = arith.constant 2 : i32
    %get3A_693 = arith.constant 0 : i32
    %get3A_694 = tpu.memref_slice %arg10[%get3A_692, %get3A_693] : memref<4x128xi32, #tpu.memory_space<vmem>> -> memref<1x128xi32, #tpu.memory_space<vmem>>
    %get3A_695 = tpu.memref_squeeze %get3A_694 : memref<1x128xi32, #tpu.memory_space<vmem>> -> memref<128xi32, #tpu.memory_space<vmem>>
    %get3A_696 = arith.constant 80 : index
    %get3A_697 = tpu.vector_load %get3A_695[%get3A_696] {strides = array<i32>} : memref<128xi32, #tpu.memory_space<vmem>>, vector<16xi32>,
    %get3A_698 = vector.shape_cast %get3A_697 : vector<16xi32> to vector<16xi32>
    %and3A_699 = arith.constant -256 : i32
    %and3A_700 = vector.broadcast %and3A_699 : i32 to vector<16xi32>
    %and3A_701 = arith.andi %get3A_698, %and3A_700 : vector<16xi32>
    %and3A_702 = arith.constant 127 : i32
    %and3A_703 = vector.broadcast %and3A_702 : i32 to vector<16xi32>
    %and3A_704 = arith.andi %get3A_698, %and3A_703 : vector<16xi32>
    %shift_left3A_705 = arith.constant 1 : i32
    %shift_left3A_706 = vector.broadcast %shift_left3A_705 : i32 to vector<16xi32>
    %shift_left3A_707 = arith.shli %and3A_704, %shift_left3A_706 : vector<16xi32>
    %or3A_708 = arith.ori %and3A_701, %shift_left3A_707 : vector<16xi32>
    %shift_right_arithmetic3A_709 = arith.constant 7 : i32
    %shift_right_arithmetic3A_710 = vector.broadcast %shift_right_arithmetic3A_709 : i32 to vector<16xi32>
    %shift_right_arithmetic3A_711 = arith.shrsi %get3A_698, %shift_right_arithmetic3A_710 : vector<16xi32>
    %and3A_712 = arith.constant 1 : i32
    %and3A_713 = vector.broadcast %and3A_712 : i32 to vector<16xi32>
    %and3A_714 = arith.andi %shift_right_arithmetic3A_711, %and3A_713 : vector<16xi32>
    %or3A_715 = arith.ori %or3A_708, %and3A_714 : vector<16xi32>
    %swap3A_716 = arith.constant 2 : i32
    %swap3A_717 = arith.constant 0 : i32
    %swap3A_718 = tpu.memref_slice %arg10[%swap3A_716, %swap3A_717] : memref<4x128xi32, #tpu.memory_space<vmem>> -> memref<1x128xi32, #tpu.memory_space<vmem>>
    %swap3A_719 = tpu.memref_squeeze %swap3A_718 : memref<1x128xi32, #tpu.memory_space<vmem>> -> memref<128xi32, #tpu.memory_space<vmem>>
    %swap3A_720 = arith.constant 80 : index
    %swap3A_721 = tpu.vector_load %swap3A_719[%swap3A_720] {strides = array<i32>} : memref<128xi32, #tpu.memory_space<vmem>>, vector<16xi32>,
    %swap3A_722 = vector.shape_cast %swap3A_721 : vector<16xi32> to vector<16xi32>
    %swap3A_723 = vector.shape_cast %or3A_715 : vector<16xi32> to vector<16xi32>
    tpu.vector_store %swap3A_719[%swap3A_720], %swap3A_723 {strides = array<i32>} : memref<128xi32, #tpu.memory_space<vmem>>, vector<16xi32>,
    %get3A_724 = arith.constant 2 : i32
    %get3A_725 = arith.constant 0 : i32
    %get3A_726 = tpu.memref_slice %arg10[%get3A_724, %get3A_725] : memref<4x128xi32, #tpu.memory_space<vmem>> -> memref<1x128xi32, #tpu.memory_space<vmem>>
    %get3A_727 = tpu.memref_squeeze %get3A_726 : memref<1x128xi32, #tpu.memory_space<vmem>> -> memref<128xi32, #tpu.memory_space<vmem>>
    %get3A_728 = arith.constant 96 : index
    %get3A_729 = tpu.vector_load %get3A_727[%get3A_728] {strides = array<i32>} : memref<128xi32, #tpu.memory_space<vmem>>, vector<16xi32>,
    %get3A_730 = vector.shape_cast %get3A_729 : vector<16xi32> to vector<16xi32>
    %and3A_731 = arith.constant -256 : i32
    %and3A_732 = vector.broadcast %and3A_731 : i32 to vector<16xi32>
    %and3A_733 = arith.andi %get3A_730, %and3A_732 : vector<16xi32>
    %and3A_734 = arith.constant 127 : i32
    %and3A_735 = vector.broadcast %and3A_734 : i32 to vector<16xi32>
    %and3A_736 = arith.andi %get3A_730, %and3A_735 : vector<16xi32>
    %shift_left3A_737 = arith.constant 1 : i32
    %shift_left3A_738 = vector.broadcast %shift_left3A_737 : i32 to vector<16xi32>
    %shift_left3A_739 = arith.shli %and3A_736, %shift_left3A_738 : vector<16xi32>
    %or3A_740 = arith.ori %and3A_733, %shift_left3A_739 : vector<16xi32>
    %shift_right_arithmetic3A_741 = arith.constant 7 : i32
    %shift_right_arithmetic3A_742 = vector.broadcast %shift_right_arithmetic3A_741 : i32 to vector<16xi32>
    %shift_right_arithmetic3A_743 = arith.shrsi %get3A_730, %shift_right_arithmetic3A_742 : vector<16xi32>
    %and3A_744 = arith.constant 1 : i32
    %and3A_745 = vector.broadcast %and3A_744 : i32 to vector<16xi32>
    %and3A_746 = arith.andi %shift_right_arithmetic3A_743, %and3A_745 : vector<16xi32>
    %or3A_747 = arith.ori %or3A_740, %and3A_746 : vector<16xi32>
    %swap3A_748 = arith.constant 2 : i32
    %swap3A_749 = arith.constant 0 : i32
    %swap3A_750 = tpu.memref_slice %arg10[%swap3A_748, %swap3A_749] : memref<4x128xi32, #tpu.memory_space<vmem>> -> memref<1x128xi32, #tpu.memory_space<vmem>>
    %swap3A_751 = tpu.memref_squeeze %swap3A_750 : memref<1x128xi32, #tpu.memory_space<vmem>> -> memref<128xi32, #tpu.memory_space<vmem>>
    %swap3A_752 = arith.constant 96 : index
    %swap3A_753 = tpu.vector_load %swap3A_751[%swap3A_752] {strides = array<i32>} : memref<128xi32, #tpu.memory_space<vmem>>, vector<16xi32>,
    %swap3A_754 = vector.shape_cast %swap3A_753 : vector<16xi32> to vector<16xi32>
    %swap3A_755 = vector.shape_cast %or3A_747 : vector<16xi32> to vector<16xi32>
    tpu.vector_store %swap3A_751[%swap3A_752], %swap3A_755 {strides = array<i32>} : memref<128xi32, #tpu.memory_space<vmem>>, vector<16xi32>,
    %get3A_756 = arith.constant 2 : i32
    %get3A_757 = arith.constant 0 : i32
    %get3A_758 = tpu.memref_slice %arg10[%get3A_756, %get3A_757] : memref<4x128xi32, #tpu.memory_space<vmem>> -> memref<1x128xi32, #tpu.memory_space<vmem>>
    %get3A_759 = tpu.memref_squeeze %get3A_758 : memref<1x128xi32, #tpu.memory_space<vmem>> -> memref<128xi32, #tpu.memory_space<vmem>>
    %get3A_760 = arith.constant 112 : index
    %get3A_761 = tpu.vector_load %get3A_759[%get3A_760] {strides = array<i32>} : memref<128xi32, #tpu.memory_space<vmem>>, vector<16xi32>,
    %get3A_762 = vector.shape_cast %get3A_761 : vector<16xi32> to vector<16xi32>
    %and3A_763 = arith.constant -256 : i32
    %and3A_764 = vector.broadcast %and3A_763 : i32 to vector<16xi32>
    %and3A_765 = arith.andi %get3A_762, %and3A_764 : vector<16xi32>
    %and3A_766 = arith.constant 127 : i32
    %and3A_767 = vector.broadcast %and3A_766 : i32 to vector<16xi32>
    %and3A_768 = arith.andi %get3A_762, %and3A_767 : vector<16xi32>
    %shift_left3A_769 = arith.constant 1 : i32
    %shift_left3A_770 = vector.broadcast %shift_left3A_769 : i32 to vector<16xi32>
    %shift_left3A_771 = arith.shli %and3A_768, %shift_left3A_770 : vector<16xi32>
    %or3A_772 = arith.ori %and3A_765, %shift_left3A_771 : vector<16xi32>
    %shift_right_arithmetic3A_773 = arith.constant 7 : i32
    %shift_right_arithmetic3A_774 = vector.broadcast %shift_right_arithmetic3A_773 : i32 to vector<16xi32>
    %shift_right_arithmetic3A_775 = arith.shrsi %get3A_762, %shift_right_arithmetic3A_774 : vector<16xi32>
    %and3A_776 = arith.constant 1 : i32
    %and3A_777 = vector.broadcast %and3A_776 : i32 to vector<16xi32>
    %and3A_778 = arith.andi %shift_right_arithmetic3A_775, %and3A_777 : vector<16xi32>
    %or3A_779 = arith.ori %or3A_772, %and3A_778 : vector<16xi32>
    %swap3A_780 = arith.constant 2 : i32
    %swap3A_781 = arith.constant 0 : i32
    %swap3A_782 = tpu.memref_slice %arg10[%swap3A_780, %swap3A_781] : memref<4x128xi32, #tpu.memory_space<vmem>> -> memref<1x128xi32, #tpu.memory_space<vmem>>
    %swap3A_783 = tpu.memref_squeeze %swap3A_782 : memref<1x128xi32, #tpu.memory_space<vmem>> -> memref<128xi32, #tpu.memory_space<vmem>>
    %swap3A_784 = arith.constant 112 : index
    %swap3A_785 = tpu.vector_load %swap3A_783[%swap3A_784] {strides = array<i32>} : memref<128xi32, #tpu.memory_space<vmem>>, vector<16xi32>,
    %swap3A_786 = vector.shape_cast %swap3A_785 : vector<16xi32> to vector<16xi32>
    %swap3A_787 = vector.shape_cast %or3A_779 : vector<16xi32> to vector<16xi32>
    tpu.vector_store %swap3A_783[%swap3A_784], %swap3A_787 {strides = array<i32>} : memref<128xi32, #tpu.memory_space<vmem>>, vector<16xi32>,
    %get3A_788 = arith.constant 3 : i32
    %get3A_789 = arith.constant 0 : i32
    %get3A_790 = tpu.memref_slice %arg10[%get3A_788, %get3A_789] : memref<4x128xi32, #tpu.memory_space<vmem>> -> memref<1x128xi32, #tpu.memory_space<vmem>>
    %get3A_791 = tpu.memref_squeeze %get3A_790 : memref<1x128xi32, #tpu.memory_space<vmem>> -> memref<128xi32, #tpu.memory_space<vmem>>
    %get3A_792 = arith.constant 0 : index
    %get3A_793 = tpu.vector_load %get3A_791[%get3A_792] {strides = array<i32>} : memref<128xi32, #tpu.memory_space<vmem>>, vector<16xi32>,
    %get3A_794 = vector.shape_cast %get3A_793 : vector<16xi32> to vector<16xi32>
    %and3A_795 = arith.constant -256 : i32
    %and3A_796 = vector.broadcast %and3A_795 : i32 to vector<16xi32>
    %and3A_797 = arith.andi %get3A_794, %and3A_796 : vector<16xi32>
    %and3A_798 = arith.constant 127 : i32
    %and3A_799 = vector.broadcast %and3A_798 : i32 to vector<16xi32>
    %and3A_800 = arith.andi %get3A_794, %and3A_799 : vector<16xi32>
    %shift_left3A_801 = arith.constant 1 : i32
    %shift_left3A_802 = vector.broadcast %shift_left3A_801 : i32 to vector<16xi32>
    %shift_left3A_803 = arith.shli %and3A_800, %shift_left3A_802 : vector<16xi32>
    %or3A_804 = arith.ori %and3A_797, %shift_left3A_803 : vector<16xi32>
    %shift_right_arithmetic3A_805 = arith.constant 7 : i32
    %shift_right_arithmetic3A_806 = vector.broadcast %shift_right_arithmetic3A_805 : i32 to vector<16xi32>
    %shift_right_arithmetic3A_807 = arith.shrsi %get3A_794, %shift_right_arithmetic3A_806 : vector<16xi32>
    %and3A_808 = arith.constant 1 : i32
    %and3A_809 = vector.broadcast %and3A_808 : i32 to vector<16xi32>
    %and3A_810 = arith.andi %shift_right_arithmetic3A_807, %and3A_809 : vector<16xi32>
    %or3A_811 = arith.ori %or3A_804, %and3A_810 : vector<16xi32>
    %swap3A_812 = arith.constant 3 : i32
    %swap3A_813 = arith.constant 0 : i32
    %swap3A_814 = tpu.memref_slice %arg10[%swap3A_812, %swap3A_813] : memref<4x128xi32, #tpu.memory_space<vmem>> -> memref<1x128xi32, #tpu.memory_space<vmem>>
    %swap3A_815 = tpu.memref_squeeze %swap3A_814 : memref<1x128xi32, #tpu.memory_space<vmem>> -> memref<128xi32, #tpu.memory_space<vmem>>
    %swap3A_816 = arith.constant 0 : index
    %swap3A_817 = tpu.vector_load %swap3A_815[%swap3A_816] {strides = array<i32>} : memref<128xi32, #tpu.memory_space<vmem>>, vector<16xi32>,
    %swap3A_818 = vector.shape_cast %swap3A_817 : vector<16xi32> to vector<16xi32>
    %swap3A_819 = vector.shape_cast %or3A_811 : vector<16xi32> to vector<16xi32>
    tpu.vector_store %swap3A_815[%swap3A_816], %swap3A_819 {strides = array<i32>} : memref<128xi32, #tpu.memory_space<vmem>>, vector<16xi32>,
    %get3A_820 = arith.constant 3 : i32
    %get3A_821 = arith.constant 0 : i32
    %get3A_822 = tpu.memref_slice %arg10[%get3A_820, %get3A_821] : memref<4x128xi32, #tpu.memory_space<vmem>> -> memref<1x128xi32, #tpu.memory_space<vmem>>
    %get3A_823 = tpu.memref_squeeze %get3A_822 : memref<1x128xi32, #tpu.memory_space<vmem>> -> memref<128xi32, #tpu.memory_space<vmem>>
    %get3A_824 = arith.constant 16 : index
    %get3A_825 = tpu.vector_load %get3A_823[%get3A_824] {strides = array<i32>} : memref<128xi32, #tpu.memory_space<vmem>>, vector<16xi32>,
    %get3A_826 = vector.shape_cast %get3A_825 : vector<16xi32> to vector<16xi32>
    %and3A_827 = arith.constant -256 : i32
    %and3A_828 = vector.broadcast %and3A_827 : i32 to vector<16xi32>
    %and3A_829 = arith.andi %get3A_826, %and3A_828 : vector<16xi32>
    %and3A_830 = arith.constant 127 : i32
    %and3A_831 = vector.broadcast %and3A_830 : i32 to vector<16xi32>
    %and3A_832 = arith.andi %get3A_826, %and3A_831 : vector<16xi32>
    %shift_left3A_833 = arith.constant 1 : i32
    %shift_left3A_834 = vector.broadcast %shift_left3A_833 : i32 to vector<16xi32>
    %shift_left3A_835 = arith.shli %and3A_832, %shift_left3A_834 : vector<16xi32>
    %or3A_836 = arith.ori %and3A_829, %shift_left3A_835 : vector<16xi32>
    %shift_right_arithmetic3A_837 = arith.constant 7 : i32
    %shift_right_arithmetic3A_838 = vector.broadcast %shift_right_arithmetic3A_837 : i32 to vector<16xi32>
    %shift_right_arithmetic3A_839 = arith.shrsi %get3A_826, %shift_right_arithmetic3A_838 : vector<16xi32>
    %and3A_840 = arith.constant 1 : i32
    %and3A_841 = vector.broadcast %and3A_840 : i32 to vector<16xi32>
    %and3A_842 = arith.andi %shift_right_arithmetic3A_839, %and3A_841 : vector<16xi32>
    %or3A_843 = arith.ori %or3A_836, %and3A_842 : vector<16xi32>
    %swap3A_844 = arith.constant 3 : i32
    %swap3A_845 = arith.constant 0 : i32
    %swap3A_846 = tpu.memref_slice %arg10[%swap3A_844, %swap3A_845] : memref<4x128xi32, #tpu.memory_space<vmem>> -> memref<1x128xi32, #tpu.memory_space<vmem>>
    %swap3A_847 = tpu.memref_squeeze %swap3A_846 : memref<1x128xi32, #tpu.memory_space<vmem>> -> memref<128xi32, #tpu.memory_space<vmem>>
    %swap3A_848 = arith.constant 16 : index
    %swap3A_849 = tpu.vector_load %swap3A_847[%swap3A_848] {strides = array<i32>} : memref<128xi32, #tpu.memory_space<vmem>>, vector<16xi32>,
    %swap3A_850 = vector.shape_cast %swap3A_849 : vector<16xi32> to vector<16xi32>
    %swap3A_851 = vector.shape_cast %or3A_843 : vector<16xi32> to vector<16xi32>
    tpu.vector_store %swap3A_847[%swap3A_848], %swap3A_851 {strides = array<i32>} : memref<128xi32, #tpu.memory_space<vmem>>, vector<16xi32>,
    %get3A_852 = arith.constant 3 : i32
    %get3A_853 = arith.constant 0 : i32
    %get3A_854 = tpu.memref_slice %arg10[%get3A_852, %get3A_853] : memref<4x128xi32, #tpu.memory_space<vmem>> -> memref<1x128xi32, #tpu.memory_space<vmem>>
    %get3A_855 = tpu.memref_squeeze %get3A_854 : memref<1x128xi32, #tpu.memory_space<vmem>> -> memref<128xi32, #tpu.memory_space<vmem>>
    %get3A_856 = arith.constant 32 : index
    %get3A_857 = tpu.vector_load %get3A_855[%get3A_856] {strides = array<i32>} : memref<128xi32, #tpu.memory_space<vmem>>, vector<16xi32>,
    %get3A_858 = vector.shape_cast %get3A_857 : vector<16xi32> to vector<16xi32>
    %and3A_859 = arith.constant -256 : i32
    %and3A_860 = vector.broadcast %and3A_859 : i32 to vector<16xi32>
    %and3A_861 = arith.andi %get3A_858, %and3A_860 : vector<16xi32>
    %and3A_862 = arith.constant 127 : i32
    %and3A_863 = vector.broadcast %and3A_862 : i32 to vector<16xi32>
    %and3A_864 = arith.andi %get3A_858, %and3A_863 : vector<16xi32>
    %shift_left3A_865 = arith.constant 1 : i32
    %shift_left3A_866 = vector.broadcast %shift_left3A_865 : i32 to vector<16xi32>
    %shift_left3A_867 = arith.shli %and3A_864, %shift_left3A_866 : vector<16xi32>
    %or3A_868 = arith.ori %and3A_861, %shift_left3A_867 : vector<16xi32>
    %shift_right_arithmetic3A_869 = arith.constant 7 : i32
    %shift_right_arithmetic3A_870 = vector.broadcast %shift_right_arithmetic3A_869 : i32 to vector<16xi32>
    %shift_right_arithmetic3A_871 = arith.shrsi %get3A_858, %shift_right_arithmetic3A_870 : vector<16xi32>
    %and3A_872 = arith.constant 1 : i32
    %and3A_873 = vector.broadcast %and3A_872 : i32 to vector<16xi32>
    %and3A_874 = arith.andi %shift_right_arithmetic3A_871, %and3A_873 : vector<16xi32>
    %or3A_875 = arith.ori %or3A_868, %and3A_874 : vector<16xi32>
    %swap3A_876 = arith.constant 3 : i32
    %swap3A_877 = arith.constant 0 : i32
    %swap3A_878 = tpu.memref_slice %arg10[%swap3A_876, %swap3A_877] : memref<4x128xi32, #tpu.memory_space<vmem>> -> memref<1x128xi32, #tpu.memory_space<vmem>>
    %swap3A_879 = tpu.memref_squeeze %swap3A_878 : memref<1x128xi32, #tpu.memory_space<vmem>> -> memref<128xi32, #tpu.memory_space<vmem>>
    %swap3A_880 = arith.constant 32 : index
    %swap3A_881 = tpu.vector_load %swap3A_879[%swap3A_880] {strides = array<i32>} : memref<128xi32, #tpu.memory_space<vmem>>, vector<16xi32>,
    %swap3A_882 = vector.shape_cast %swap3A_881 : vector<16xi32> to vector<16xi32>
    %swap3A_883 = vector.shape_cast %or3A_875 : vector<16xi32> to vector<16xi32>
    tpu.vector_store %swap3A_879[%swap3A_880], %swap3A_883 {strides = array<i32>} : memref<128xi32, #tpu.memory_space<vmem>>, vector<16xi32>,
    %get3A_884 = arith.constant 3 : i32
    %get3A_885 = arith.constant 0 : i32
    %get3A_886 = tpu.memref_slice %arg10[%get3A_884, %get3A_885] : memref<4x128xi32, #tpu.memory_space<vmem>> -> memref<1x128xi32, #tpu.memory_space<vmem>>
    %get3A_887 = tpu.memref_squeeze %get3A_886 : memref<1x128xi32, #tpu.memory_space<vmem>> -> memref<128xi32, #tpu.memory_space<vmem>>
    %get3A_888 = arith.constant 48 : index
    %get3A_889 = tpu.vector_load %get3A_887[%get3A_888] {strides = array<i32>} : memref<128xi32, #tpu.memory_space<vmem>>, vector<16xi32>,
    %get3A_890 = vector.shape_cast %get3A_889 : vector<16xi32> to vector<16xi32>
    %and3A_891 = arith.constant -256 : i32
    %and3A_892 = vector.broadcast %and3A_891 : i32 to vector<16xi32>
    %and3A_893 = arith.andi %get3A_890, %and3A_892 : vector<16xi32>
    %and3A_894 = arith.constant 127 : i32
    %and3A_895 = vector.broadcast %and3A_894 : i32 to vector<16xi32>
    %and3A_896 = arith.andi %get3A_890, %and3A_895 : vector<16xi32>
    %shift_left3A_897 = arith.constant 1 : i32
    %shift_left3A_898 = vector.broadcast %shift_left3A_897 : i32 to vector<16xi32>
    %shift_left3A_899 = arith.shli %and3A_896, %shift_left3A_898 : vector<16xi32>
    %or3A_900 = arith.ori %and3A_893, %shift_left3A_899 : vector<16xi32>
    %shift_right_arithmetic3A_901 = arith.constant 7 : i32
    %shift_right_arithmetic3A_902 = vector.broadcast %shift_right_arithmetic3A_901 : i32 to vector<16xi32>
    %shift_right_arithmetic3A_903 = arith.shrsi %get3A_890, %shift_right_arithmetic3A_902 : vector<16xi32>
    %and3A_904 = arith.constant 1 : i32
    %and3A_905 = vector.broadcast %and3A_904 : i32 to vector<16xi32>
    %and3A_906 = arith.andi %shift_right_arithmetic3A_903, %and3A_905 : vector<16xi32>
    %or3A_907 = arith.ori %or3A_900, %and3A_906 : vector<16xi32>
    %swap3A_908 = arith.constant 3 : i32
    %swap3A_909 = arith.constant 0 : i32
    %swap3A_910 = tpu.memref_slice %arg10[%swap3A_908, %swap3A_909] : memref<4x128xi32, #tpu.memory_space<vmem>> -> memref<1x128xi32, #tpu.memory_space<vmem>>
    %swap3A_911 = tpu.memref_squeeze %swap3A_910 : memref<1x128xi32, #tpu.memory_space<vmem>> -> memref<128xi32, #tpu.memory_space<vmem>>
    %swap3A_912 = arith.constant 48 : index
    %swap3A_913 = tpu.vector_load %swap3A_911[%swap3A_912] {strides = array<i32>} : memref<128xi32, #tpu.memory_space<vmem>>, vector<16xi32>,
    %swap3A_914 = vector.shape_cast %swap3A_913 : vector<16xi32> to vector<16xi32>
    %swap3A_915 = vector.shape_cast %or3A_907 : vector<16xi32> to vector<16xi32>
    tpu.vector_store %swap3A_911[%swap3A_912], %swap3A_915 {strides = array<i32>} : memref<128xi32, #tpu.memory_space<vmem>>, vector<16xi32>,
    %get3A_916 = arith.constant 3 : i32
    %get3A_917 = arith.constant 0 : i32
    %get3A_918 = tpu.memref_slice %arg10[%get3A_916, %get3A_917] : memref<4x128xi32, #tpu.memory_space<vmem>> -> memref<1x128xi32, #tpu.memory_space<vmem>>
    %get3A_919 = tpu.memref_squeeze %get3A_918 : memref<1x128xi32, #tpu.memory_space<vmem>> -> memref<128xi32, #tpu.memory_space<vmem>>
    %get3A_920 = arith.constant 64 : index
    %get3A_921 = tpu.vector_load %get3A_919[%get3A_920] {strides = array<i32>} : memref<128xi32, #tpu.memory_space<vmem>>, vector<16xi32>,
    %get3A_922 = vector.shape_cast %get3A_921 : vector<16xi32> to vector<16xi32>
    %and3A_923 = arith.constant -256 : i32
    %and3A_924 = vector.broadcast %and3A_923 : i32 to vector<16xi32>
    %and3A_925 = arith.andi %get3A_922, %and3A_924 : vector<16xi32>
    %and3A_926 = arith.constant 127 : i32
    %and3A_927 = vector.broadcast %and3A_926 : i32 to vector<16xi32>
    %and3A_928 = arith.andi %get3A_922, %and3A_927 : vector<16xi32>
    %shift_left3A_929 = arith.constant 1 : i32
    %shift_left3A_930 = vector.broadcast %shift_left3A_929 : i32 to vector<16xi32>
    %shift_left3A_931 = arith.shli %and3A_928, %shift_left3A_930 : vector<16xi32>
    %or3A_932 = arith.ori %and3A_925, %shift_left3A_931 : vector<16xi32>
    %shift_right_arithmetic3A_933 = arith.constant 7 : i32
    %shift_right_arithmetic3A_934 = vector.broadcast %shift_right_arithmetic3A_933 : i32 to vector<16xi32>
    %shift_right_arithmetic3A_935 = arith.shrsi %get3A_922, %shift_right_arithmetic3A_934 : vector<16xi32>
    %and3A_936 = arith.constant 1 : i32
    %and3A_937 = vector.broadcast %and3A_936 : i32 to vector<16xi32>
    %and3A_938 = arith.andi %shift_right_arithmetic3A_935, %and3A_937 : vector<16xi32>
    %or3A_939 = arith.ori %or3A_932, %and3A_938 : vector<16xi32>
    %swap3A_940 = arith.constant 3 : i32
    %swap3A_941 = arith.constant 0 : i32
    %swap3A_942 = tpu.memref_slice %arg10[%swap3A_940, %swap3A_941] : memref<4x128xi32, #tpu.memory_space<vmem>> -> memref<1x128xi32, #tpu.memory_space<vmem>>
    %swap3A_943 = tpu.memref_squeeze %swap3A_942 : memref<1x128xi32, #tpu.memory_space<vmem>> -> memref<128xi32, #tpu.memory_space<vmem>>
    %swap3A_944 = arith.constant 64 : index
    %swap3A_945 = tpu.vector_load %swap3A_943[%swap3A_944] {strides = array<i32>} : memref<128xi32, #tpu.memory_space<vmem>>, vector<16xi32>,
    %swap3A_946 = vector.shape_cast %swap3A_945 : vector<16xi32> to vector<16xi32>
    %swap3A_947 = vector.shape_cast %or3A_939 : vector<16xi32> to vector<16xi32>
    tpu.vector_store %swap3A_943[%swap3A_944], %swap3A_947 {strides = array<i32>} : memref<128xi32, #tpu.memory_space<vmem>>, vector<16xi32>,
    %get3A_948 = arith.constant 3 : i32
    %get3A_949 = arith.constant 0 : i32
    %get3A_950 = tpu.memref_slice %arg10[%get3A_948, %get3A_949] : memref<4x128xi32, #tpu.memory_space<vmem>> -> memref<1x128xi32, #tpu.memory_space<vmem>>
    %get3A_951 = tpu.memref_squeeze %get3A_950 : memref<1x128xi32, #tpu.memory_space<vmem>> -> memref<128xi32, #tpu.memory_space<vmem>>
    %get3A_952 = arith.constant 80 : index
    %get3A_953 = tpu.vector_load %get3A_951[%get3A_952] {strides = array<i32>} : memref<128xi32, #tpu.memory_space<vmem>>, vector<16xi32>,
    %get3A_954 = vector.shape_cast %get3A_953 : vector<16xi32> to vector<16xi32>
    %and3A_955 = arith.constant -256 : i32
    %and3A_956 = vector.broadcast %and3A_955 : i32 to vector<16xi32>
    %and3A_957 = arith.andi %get3A_954, %and3A_956 : vector<16xi32>
    %and3A_958 = arith.constant 127 : i32
    %and3A_959 = vector.broadcast %and3A_958 : i32 to vector<16xi32>
    %and3A_960 = arith.andi %get3A_954, %and3A_959 : vector<16xi32>
    %shift_left3A_961 = arith.constant 1 : i32
    %shift_left3A_962 = vector.broadcast %shift_left3A_961 : i32 to vector<16xi32>
    %shift_left3A_963 = arith.shli %and3A_960, %shift_left3A_962 : vector<16xi32>
    %or3A_964 = arith.ori %and3A_957, %shift_left3A_963 : vector<16xi32>
    %shift_right_arithmetic3A_965 = arith.constant 7 : i32
    %shift_right_arithmetic3A_966 = vector.broadcast %shift_right_arithmetic3A_965 : i32 to vector<16xi32>
    %shift_right_arithmetic3A_967 = arith.shrsi %get3A_954, %shift_right_arithmetic3A_966 : vector<16xi32>
    %and3A_968 = arith.constant 1 : i32
    %and3A_969 = vector.broadcast %and3A_968 : i32 to vector<16xi32>
    %and3A_970 = arith.andi %shift_right_arithmetic3A_967, %and3A_969 : vector<16xi32>
    %or3A_971 = arith.ori %or3A_964, %and3A_970 : vector<16xi32>
    %swap3A_972 = arith.constant 3 : i32
    %swap3A_973 = arith.constant 0 : i32
    %swap3A_974 = tpu.memref_slice %arg10[%swap3A_972, %swap3A_973] : memref<4x128xi32, #tpu.memory_space<vmem>> -> memref<1x128xi32, #tpu.memory_space<vmem>>
    %swap3A_975 = tpu.memref_squeeze %swap3A_974 : memref<1x128xi32, #tpu.memory_space<vmem>> -> memref<128xi32, #tpu.memory_space<vmem>>
    %swap3A_976 = arith.constant 80 : index
    %swap3A_977 = tpu.vector_load %swap3A_975[%swap3A_976] {strides = array<i32>} : memref<128xi32, #tpu.memory_space<vmem>>, vector<16xi32>,
    %swap3A_978 = vector.shape_cast %swap3A_977 : vector<16xi32> to vector<16xi32>
    %swap3A_979 = vector.shape_cast %or3A_971 : vector<16xi32> to vector<16xi32>
    tpu.vector_store %swap3A_975[%swap3A_976], %swap3A_979 {strides = array<i32>} : memref<128xi32, #tpu.memory_space<vmem>>, vector<16xi32>,
    %get3A_980 = arith.constant 3 : i32
    %get3A_981 = arith.constant 0 : i32
    %get3A_982 = tpu.memref_slice %arg10[%get3A_980, %get3A_981] : memref<4x128xi32, #tpu.memory_space<vmem>> -> memref<1x128xi32, #tpu.memory_space<vmem>>
    %get3A_983 = tpu.memref_squeeze %get3A_982 : memref<1x128xi32, #tpu.memory_space<vmem>> -> memref<128xi32, #tpu.memory_space<vmem>>
    %get3A_984 = arith.constant 96 : index
    %get3A_985 = tpu.vector_load %get3A_983[%get3A_984] {strides = array<i32>} : memref<128xi32, #tpu.memory_space<vmem>>, vector<16xi32>,
    %get3A_986 = vector.shape_cast %get3A_985 : vector<16xi32> to vector<16xi32>
    %and3A_987 = arith.constant -256 : i32
    %and3A_988 = vector.broadcast %and3A_987 : i32 to vector<16xi32>
    %and3A_989 = arith.andi %get3A_986, %and3A_988 : vector<16xi32>
    %and3A_990 = arith.constant 127 : i32
    %and3A_991 = vector.broadcast %and3A_990 : i32 to vector<16xi32>
    %and3A_992 = arith.andi %get3A_986, %and3A_991 : vector<16xi32>
    %shift_left3A_993 = arith.constant 1 : i32
    %shift_left3A_994 = vector.broadcast %shift_left3A_993 : i32 to vector<16xi32>
    %shift_left3A_995 = arith.shli %and3A_992, %shift_left3A_994 : vector<16xi32>
    %or3A_996 = arith.ori %and3A_989, %shift_left3A_995 : vector<16xi32>
    %shift_right_arithmetic3A_997 = arith.constant 7 : i32
    %shift_right_arithmetic3A_998 = vector.broadcast %shift_right_arithmetic3A_997 : i32 to vector<16xi32>
    %shift_right_arithmetic3A_999 = arith.shrsi %get3A_986, %shift_right_arithmetic3A_998 : vector<16xi32>
    %and3A_1000 = arith.constant 1 : i32
    %and3A_1001 = vector.broadcast %and3A_1000 : i32 to vector<16xi32>
    %and3A_1002 = arith.andi %shift_right_arithmetic3A_999, %and3A_1001 : vector<16xi32>
    %or3A_1003 = arith.ori %or3A_996, %and3A_1002 : vector<16xi32>
    %swap3A_1004 = arith.constant 3 : i32
    %swap3A_1005 = arith.constant 0 : i32
    %swap3A_1006 = tpu.memref_slice %arg10[%swap3A_1004, %swap3A_1005] : memref<4x128xi32, #tpu.memory_space<vmem>> -> memref<1x128xi32, #tpu.memory_space<vmem>>
    %swap3A_1007 = tpu.memref_squeeze %swap3A_1006 : memref<1x128xi32, #tpu.memory_space<vmem>> -> memref<128xi32, #tpu.memory_space<vmem>>
    %swap3A_1008 = arith.constant 96 : index
    %swap3A_1009 = tpu.vector_load %swap3A_1007[%swap3A_1008] {strides = array<i32>} : memref<128xi32, #tpu.memory_space<vmem>>, vector<16xi32>,
    %swap3A_1010 = vector.shape_cast %swap3A_1009 : vector<16xi32> to vector<16xi32>
    %swap3A_1011 = vector.shape_cast %or3A_1003 : vector<16xi32> to vector<16xi32>
    tpu.vector_store %swap3A_1007[%swap3A_1008], %swap3A_1011 {strides = array<i32>} : memref<128xi32, #tpu.memory_space<vmem>>, vector<16xi32>,
    %get3A_1012 = arith.constant 3 : i32
    %get3A_1013 = arith.constant 0 : i32
    %get3A_1014 = tpu.memref_slice %arg10[%get3A_1012, %get3A_1013] : memref<4x128xi32, #tpu.memory_space<vmem>> -> memref<1x128xi32, #tpu.memory_space<vmem>>
    %get3A_1015 = tpu.memref_squeeze %get3A_1014 : memref<1x128xi32, #tpu.memory_space<vmem>> -> memref<128xi32, #tpu.memory_space<vmem>>
    %get3A_1016 = arith.constant 112 : index
    %get3A_1017 = tpu.vector_load %get3A_1015[%get3A_1016] {strides = array<i32>} : memref<128xi32, #tpu.memory_space<vmem>>, vector<16xi32>,
    %get3A_1018 = vector.shape_cast %get3A_1017 : vector<16xi32> to vector<16xi32>
    %and3A_1019 = arith.constant -256 : i32
    %and3A_1020 = vector.broadcast %and3A_1019 : i32 to vector<16xi32>
    %and3A_1021 = arith.andi %get3A_1018, %and3A_1020 : vector<16xi32>
    %and3A_1022 = arith.constant 127 : i32
    %and3A_1023 = vector.broadcast %and3A_1022 : i32 to vector<16xi32>
    %and3A_1024 = arith.andi %get3A_1018, %and3A_1023 : vector<16xi32>
    %shift_left3A_1025 = arith.constant 1 : i32
    %shift_left3A_1026 = vector.broadcast %shift_left3A_1025 : i32 to vector<16xi32>
    %shift_left3A_1027 = arith.shli %and3A_1024, %shift_left3A_1026 : vector<16xi32>
    %or3A_1028 = arith.ori %and3A_1021, %shift_left3A_1027 : vector<16xi32>
    %shift_right_arithmetic3A_1029 = arith.constant 7 : i32
    %shift_right_arithmetic3A_1030 = vector.broadcast %shift_right_arithmetic3A_1029 : i32 to vector<16xi32>
    %shift_right_arithmetic3A_1031 = arith.shrsi %get3A_1018, %shift_right_arithmetic3A_1030 : vector<16xi32>
    %and3A_1032 = arith.constant 1 : i32
    %and3A_1033 = vector.broadcast %and3A_1032 : i32 to vector<16xi32>
    %and3A_1034 = arith.andi %shift_right_arithmetic3A_1031, %and3A_1033 : vector<16xi32>
    %or3A_1035 = arith.ori %or3A_1028, %and3A_1034 : vector<16xi32>
    %swap3A_1036 = arith.constant 3 : i32
    %swap3A_1037 = arith.constant 0 : i32
    %swap3A_1038 = tpu.memref_slice %arg10[%swap3A_1036, %swap3A_1037] : memref<4x128xi32, #tpu.memory_space<vmem>> -> memref<1x128xi32, #tpu.memory_space<vmem>>
    %swap3A_1039 = tpu.memref_squeeze %swap3A_1038 : memref<1x128xi32, #tpu.memory_space<vmem>> -> memref<128xi32, #tpu.memory_space<vmem>>
    %swap3A_1040 = arith.constant 112 : index
    %swap3A_1041 = tpu.vector_load %swap3A_1039[%swap3A_1040] {strides = array<i32>} : memref<128xi32, #tpu.memory_space<vmem>>, vector<16xi32>,
    %swap3A_1042 = vector.shape_cast %swap3A_1041 : vector<16xi32> to vector<16xi32>
    %swap3A_1043 = vector.shape_cast %or3A_1035 : vector<16xi32> to vector<16xi32>
    tpu.vector_store %swap3A_1039[%swap3A_1040], %swap3A_1043 {strides = array<i32>} : memref<128xi32, #tpu.memory_space<vmem>>, vector<16xi32>,
    %get3A_1044 = arith.constant 0 : i32
    %get3A_1045 = arith.constant 0 : i32
    %get3A_1046 = tpu.memref_slice %arg11[%get3A_1044, %get3A_1045] : memref<4x128xi32, #tpu.memory_space<vmem>> -> memref<1x128xi32, #tpu.memory_space<vmem>>
    %get3A_1047 = tpu.memref_squeeze %get3A_1046 : memref<1x128xi32, #tpu.memory_space<vmem>> -> memref<128xi32, #tpu.memory_space<vmem>>
    %get3A_1048 = arith.constant 0 : index
    %get3A_1049 = tpu.vector_load %get3A_1047[%get3A_1048] {strides = array<i32>} : memref<128xi32, #tpu.memory_space<vmem>>, vector<16xi32>,
    %get3A_1050 = vector.shape_cast %get3A_1049 : vector<16xi32> to vector<16xi32>
    %and3A_1051 = arith.constant -256 : i32
    %and3A_1052 = vector.broadcast %and3A_1051 : i32 to vector<16xi32>
    %and3A_1053 = arith.andi %get3A_1050, %and3A_1052 : vector<16xi32>
    %and3A_1054 = arith.constant 127 : i32
    %and3A_1055 = vector.broadcast %and3A_1054 : i32 to vector<16xi32>
    %and3A_1056 = arith.andi %get3A_1050, %and3A_1055 : vector<16xi32>
    %shift_left3A_1057 = arith.constant 1 : i32
    %shift_left3A_1058 = vector.broadcast %shift_left3A_1057 : i32 to vector<16xi32>
    %shift_left3A_1059 = arith.shli %and3A_1056, %shift_left3A_1058 : vector<16xi32>
    %or3A_1060 = arith.ori %and3A_1053, %shift_left3A_1059 : vector<16xi32>
    %shift_right_arithmetic3A_1061 = arith.constant 7 : i32
    %shift_right_arithmetic3A_1062 = vector.broadcast %shift_right_arithmetic3A_1061 : i32 to vector<16xi32>
    %shift_right_arithmetic3A_1063 = arith.shrsi %get3A_1050, %shift_right_arithmetic3A_1062 : vector<16xi32>
    %and3A_1064 = arith.constant 1 : i32
    %and3A_1065 = vector.broadcast %and3A_1064 : i32 to vector<16xi32>
    %and3A_1066 = arith.andi %shift_right_arithmetic3A_1063, %and3A_1065 : vector<16xi32>
    %or3A_1067 = arith.ori %or3A_1060, %and3A_1066 : vector<16xi32>
    %swap3A_1068 = arith.constant 0 : i32
    %swap3A_1069 = arith.constant 0 : i32
    %swap3A_1070 = tpu.memref_slice %arg11[%swap3A_1068, %swap3A_1069] : memref<4x128xi32, #tpu.memory_space<vmem>> -> memref<1x128xi32, #tpu.memory_space<vmem>>
    %swap3A_1071 = tpu.memref_squeeze %swap3A_1070 : memref<1x128xi32, #tpu.memory_space<vmem>> -> memref<128xi32, #tpu.memory_space<vmem>>
    %swap3A_1072 = arith.constant 0 : index
    %swap3A_1073 = tpu.vector_load %swap3A_1071[%swap3A_1072] {strides = array<i32>} : memref<128xi32, #tpu.memory_space<vmem>>, vector<16xi32>,
    %swap3A_1074 = vector.shape_cast %swap3A_1073 : vector<16xi32> to vector<16xi32>
    %swap3A_1075 = vector.shape_cast %or3A_1067 : vector<16xi32> to vector<16xi32>
    tpu.vector_store %swap3A_1071[%swap3A_1072], %swap3A_1075 {strides = array<i32>} : memref<128xi32, #tpu.memory_space<vmem>>, vector<16xi32>,
    %get3A_1076 = arith.constant 0 : i32
    %get3A_1077 = arith.constant 0 : i32
    %get3A_1078 = tpu.memref_slice %arg11[%get3A_1076, %get3A_1077] : memref<4x128xi32, #tpu.memory_space<vmem>> -> memref<1x128xi32, #tpu.memory_space<vmem>>
    %get3A_1079 = tpu.memref_squeeze %get3A_1078 : memref<1x128xi32, #tpu.memory_space<vmem>> -> memref<128xi32, #tpu.memory_space<vmem>>
    %get3A_1080 = arith.constant 16 : index
    %get3A_1081 = tpu.vector_load %get3A_1079[%get3A_1080] {strides = array<i32>} : memref<128xi32, #tpu.memory_space<vmem>>, vector<16xi32>,
    %get3A_1082 = vector.shape_cast %get3A_1081 : vector<16xi32> to vector<16xi32>
    %and3A_1083 = arith.constant -256 : i32
    %and3A_1084 = vector.broadcast %and3A_1083 : i32 to vector<16xi32>
    %and3A_1085 = arith.andi %get3A_1082, %and3A_1084 : vector<16xi32>
    %and3A_1086 = arith.constant 127 : i32
    %and3A_1087 = vector.broadcast %and3A_1086 : i32 to vector<16xi32>
    %and3A_1088 = arith.andi %get3A_1082, %and3A_1087 : vector<16xi32>
    %shift_left3A_1089 = arith.constant 1 : i32
    %shift_left3A_1090 = vector.broadcast %shift_left3A_1089 : i32 to vector<16xi32>
    %shift_left3A_1091 = arith.shli %and3A_1088, %shift_left3A_1090 : vector<16xi32>
    %or3A_1092 = arith.ori %and3A_1085, %shift_left3A_1091 : vector<16xi32>
    %shift_right_arithmetic3A_1093 = arith.constant 7 : i32
    %shift_right_arithmetic3A_1094 = vector.broadcast %shift_right_arithmetic3A_1093 : i32 to vector<16xi32>
    %shift_right_arithmetic3A_1095 = arith.shrsi %get3A_1082, %shift_right_arithmetic3A_1094 : vector<16xi32>
    %and3A_1096 = arith.constant 1 : i32
    %and3A_1097 = vector.broadcast %and3A_1096 : i32 to vector<16xi32>
    %and3A_1098 = arith.andi %shift_right_arithmetic3A_1095, %and3A_1097 : vector<16xi32>
    %or3A_1099 = arith.ori %or3A_1092, %and3A_1098 : vector<16xi32>
    %swap3A_1100 = arith.constant 0 : i32
    %swap3A_1101 = arith.constant 0 : i32
    %swap3A_1102 = tpu.memref_slice %arg11[%swap3A_1100, %swap3A_1101] : memref<4x128xi32, #tpu.memory_space<vmem>> -> memref<1x128xi32, #tpu.memory_space<vmem>>
    %swap3A_1103 = tpu.memref_squeeze %swap3A_1102 : memref<1x128xi32, #tpu.memory_space<vmem>> -> memref<128xi32, #tpu.memory_space<vmem>>
    %swap3A_1104 = arith.constant 16 : index
    %swap3A_1105 = tpu.vector_load %swap3A_1103[%swap3A_1104] {strides = array<i32>} : memref<128xi32, #tpu.memory_space<vmem>>, vector<16xi32>,
    %swap3A_1106 = vector.shape_cast %swap3A_1105 : vector<16xi32> to vector<16xi32>
    %swap3A_1107 = vector.shape_cast %or3A_1099 : vector<16xi32> to vector<16xi32>
    tpu.vector_store %swap3A_1103[%swap3A_1104], %swap3A_1107 {strides = array<i32>} : memref<128xi32, #tpu.memory_space<vmem>>, vector<16xi32>,
    %get3A_1108 = arith.constant 0 : i32
    %get3A_1109 = arith.constant 0 : i32
    %get3A_1110 = tpu.memref_slice %arg11[%get3A_1108, %get3A_1109] : memref<4x128xi32, #tpu.memory_space<vmem>> -> memref<1x128xi32, #tpu.memory_space<vmem>>
    %get3A_1111 = tpu.memref_squeeze %get3A_1110 : memref<1x128xi32, #tpu.memory_space<vmem>> -> memref<128xi32, #tpu.memory_space<vmem>>
    %get3A_1112 = arith.constant 32 : index
    %get3A_1113 = tpu.vector_load %get3A_1111[%get3A_1112] {strides = array<i32>} : memref<128xi32, #tpu.memory_space<vmem>>, vector<16xi32>,
    %get3A_1114 = vector.shape_cast %get3A_1113 : vector<16xi32> to vector<16xi32>
    %and3A_1115 = arith.constant -256 : i32
    %and3A_1116 = vector.broadcast %and3A_1115 : i32 to vector<16xi32>
    %and3A_1117 = arith.andi %get3A_1114, %and3A_1116 : vector<16xi32>
    %and3A_1118 = arith.constant 127 : i32
    %and3A_1119 = vector.broadcast %and3A_1118 : i32 to vector<16xi32>
    %and3A_1120 = arith.andi %get3A_1114, %and3A_1119 : vector<16xi32>
    %shift_left3A_1121 = arith.constant 1 : i32
    %shift_left3A_1122 = vector.broadcast %shift_left3A_1121 : i32 to vector<16xi32>
    %shift_left3A_1123 = arith.shli %and3A_1120, %shift_left3A_1122 : vector<16xi32>
    %or3A_1124 = arith.ori %and3A_1117, %shift_left3A_1123 : vector<16xi32>
    %shift_right_arithmetic3A_1125 = arith.constant 7 : i32
    %shift_right_arithmetic3A_1126 = vector.broadcast %shift_right_arithmetic3A_1125 : i32 to vector<16xi32>
    %shift_right_arithmetic3A_1127 = arith.shrsi %get3A_1114, %shift_right_arithmetic3A_1126 : vector<16xi32>
    %and3A_1128 = arith.constant 1 : i32
    %and3A_1129 = vector.broadcast %and3A_1128 : i32 to vector<16xi32>
    %and3A_1130 = arith.andi %shift_right_arithmetic3A_1127, %and3A_1129 : vector<16xi32>
    %or3A_1131 = arith.ori %or3A_1124, %and3A_1130 : vector<16xi32>
    %swap3A_1132 = arith.constant 0 : i32
    %swap3A_1133 = arith.constant 0 : i32
    %swap3A_1134 = tpu.memref_slice %arg11[%swap3A_1132, %swap3A_1133] : memref<4x128xi32, #tpu.memory_space<vmem>> -> memref<1x128xi32, #tpu.memory_space<vmem>>
    %swap3A_1135 = tpu.memref_squeeze %swap3A_1134 : memref<1x128xi32, #tpu.memory_space<vmem>> -> memref<128xi32, #tpu.memory_space<vmem>>
    %swap3A_1136 = arith.constant 32 : index
    %swap3A_1137 = tpu.vector_load %swap3A_1135[%swap3A_1136] {strides = array<i32>} : memref<128xi32, #tpu.memory_space<vmem>>, vector<16xi32>,
    %swap3A_1138 = vector.shape_cast %swap3A_1137 : vector<16xi32> to vector<16xi32>
    %swap3A_1139 = vector.shape_cast %or3A_1131 : vector<16xi32> to vector<16xi32>
    tpu.vector_store %swap3A_1135[%swap3A_1136], %swap3A_1139 {strides = array<i32>} : memref<128xi32, #tpu.memory_space<vmem>>, vector<16xi32>,
    %get3A_1140 = arith.constant 0 : i32
    %get3A_1141 = arith.constant 0 : i32
    %get3A_1142 = tpu.memref_slice %arg11[%get3A_1140, %get3A_1141] : memref<4x128xi32, #tpu.memory_space<vmem>> -> memref<1x128xi32, #tpu.memory_space<vmem>>
    %get3A_1143 = tpu.memref_squeeze %get3A_1142 : memref<1x128xi32, #tpu.memory_space<vmem>> -> memref<128xi32, #tpu.memory_space<vmem>>
    %get3A_1144 = arith.constant 48 : index
    %get3A_1145 = tpu.vector_load %get3A_1143[%get3A_1144] {strides = array<i32>} : memref<128xi32, #tpu.memory_space<vmem>>, vector<16xi32>,
    %get3A_1146 = vector.shape_cast %get3A_1145 : vector<16xi32> to vector<16xi32>
    %and3A_1147 = arith.constant -256 : i32
    %and3A_1148 = vector.broadcast %and3A_1147 : i32 to vector<16xi32>
    %and3A_1149 = arith.andi %get3A_1146, %and3A_1148 : vector<16xi32>
    %and3A_1150 = arith.constant 127 : i32
    %and3A_1151 = vector.broadcast %and3A_1150 : i32 to vector<16xi32>
    %and3A_1152 = arith.andi %get3A_1146, %and3A_1151 : vector<16xi32>
    %shift_left3A_1153 = arith.constant 1 : i32
    %shift_left3A_1154 = vector.broadcast %shift_left3A_1153 : i32 to vector<16xi32>
    %shift_left3A_1155 = arith.shli %and3A_1152, %shift_left3A_1154 : vector<16xi32>
    %or3A_1156 = arith.ori %and3A_1149, %shift_left3A_1155 : vector<16xi32>
    %shift_right_arithmetic3A_1157 = arith.constant 7 : i32
    %shift_right_arithmetic3A_1158 = vector.broadcast %shift_right_arithmetic3A_1157 : i32 to vector<16xi32>
    %shift_right_arithmetic3A_1159 = arith.shrsi %get3A_1146, %shift_right_arithmetic3A_1158 : vector<16xi32>
    %and3A_1160 = arith.constant 1 : i32
    %and3A_1161 = vector.broadcast %and3A_1160 : i32 to vector<16xi32>
    %and3A_1162 = arith.andi %shift_right_arithmetic3A_1159, %and3A_1161 : vector<16xi32>
    %or3A_1163 = arith.ori %or3A_1156, %and3A_1162 : vector<16xi32>
    %swap3A_1164 = arith.constant 0 : i32
    %swap3A_1165 = arith.constant 0 : i32
    %swap3A_1166 = tpu.memref_slice %arg11[%swap3A_1164, %swap3A_1165] : memref<4x128xi32, #tpu.memory_space<vmem>> -> memref<1x128xi32, #tpu.memory_space<vmem>>
    %swap3A_1167 = tpu.memref_squeeze %swap3A_1166 : memref<1x128xi32, #tpu.memory_space<vmem>> -> memref<128xi32, #tpu.memory_space<vmem>>
    %swap3A_1168 = arith.constant 48 : index
    %swap3A_1169 = tpu.vector_load %swap3A_1167[%swap3A_1168] {strides = array<i32>} : memref<128xi32, #tpu.memory_space<vmem>>, vector<16xi32>,
    %swap3A_1170 = vector.shape_cast %swap3A_1169 : vector<16xi32> to vector<16xi32>
    %swap3A_1171 = vector.shape_cast %or3A_1163 : vector<16xi32> to vector<16xi32>
    tpu.vector_store %swap3A_1167[%swap3A_1168], %swap3A_1171 {strides = array<i32>} : memref<128xi32, #tpu.memory_space<vmem>>, vector<16xi32>,
    %get3A_1172 = arith.constant 0 : i32
    %get3A_1173 = arith.constant 0 : i32
    %get3A_1174 = tpu.memref_slice %arg11[%get3A_1172, %get3A_1173] : memref<4x128xi32, #tpu.memory_space<vmem>> -> memref<1x128xi32, #tpu.memory_space<vmem>>
    %get3A_1175 = tpu.memref_squeeze %get3A_1174 : memref<1x128xi32, #tpu.memory_space<vmem>> -> memref<128xi32, #tpu.memory_space<vmem>>
    %get3A_1176 = arith.constant 64 : index
    %get3A_1177 = tpu.vector_load %get3A_1175[%get3A_1176] {strides = array<i32>} : memref<128xi32, #tpu.memory_space<vmem>>, vector<16xi32>,
    %get3A_1178 = vector.shape_cast %get3A_1177 : vector<16xi32> to vector<16xi32>
    %and3A_1179 = arith.constant -256 : i32
    %and3A_1180 = vector.broadcast %and3A_1179 : i32 to vector<16xi32>
    %and3A_1181 = arith.andi %get3A_1178, %and3A_1180 : vector<16xi32>
    %and3A_1182 = arith.constant 127 : i32
    %and3A_1183 = vector.broadcast %and3A_1182 : i32 to vector<16xi32>
    %and3A_1184 = arith.andi %get3A_1178, %and3A_1183 : vector<16xi32>
    %shift_left3A_1185 = arith.constant 1 : i32
    %shift_left3A_1186 = vector.broadcast %shift_left3A_1185 : i32 to vector<16xi32>
    %shift_left3A_1187 = arith.shli %and3A_1184, %shift_left3A_1186 : vector<16xi32>
    %or3A_1188 = arith.ori %and3A_1181, %shift_left3A_1187 : vector<16xi32>
    %shift_right_arithmetic3A_1189 = arith.constant 7 : i32
    %shift_right_arithmetic3A_1190 = vector.broadcast %shift_right_arithmetic3A_1189 : i32 to vector<16xi32>
    %shift_right_arithmetic3A_1191 = arith.shrsi %get3A_1178, %shift_right_arithmetic3A_1190 : vector<16xi32>
    %and3A_1192 = arith.constant 1 : i32
    %and3A_1193 = vector.broadcast %and3A_1192 : i32 to vector<16xi32>
    %and3A_1194 = arith.andi %shift_right_arithmetic3A_1191, %and3A_1193 : vector<16xi32>
    %or3A_1195 = arith.ori %or3A_1188, %and3A_1194 : vector<16xi32>
    %swap3A_1196 = arith.constant 0 : i32
    %swap3A_1197 = arith.constant 0 : i32
    %swap3A_1198 = tpu.memref_slice %arg11[%swap3A_1196, %swap3A_1197] : memref<4x128xi32, #tpu.memory_space<vmem>> -> memref<1x128xi32, #tpu.memory_space<vmem>>
    %swap3A_1199 = tpu.memref_squeeze %swap3A_1198 : memref<1x128xi32, #tpu.memory_space<vmem>> -> memref<128xi32, #tpu.memory_space<vmem>>
    %swap3A_1200 = arith.constant 64 : index
    %swap3A_1201 = tpu.vector_load %swap3A_1199[%swap3A_1200] {strides = array<i32>} : memref<128xi32, #tpu.memory_space<vmem>>, vector<16xi32>,
    %swap3A_1202 = vector.shape_cast %swap3A_1201 : vector<16xi32> to vector<16xi32>
    %swap3A_1203 = vector.shape_cast %or3A_1195 : vector<16xi32> to vector<16xi32>
    tpu.vector_store %swap3A_1199[%swap3A_1200], %swap3A_1203 {strides = array<i32>} : memref<128xi32, #tpu.memory_space<vmem>>, vector<16xi32>,
    %get3A_1204 = arith.constant 0 : i32
    %get3A_1205 = arith.constant 0 : i32
    %get3A_1206 = tpu.memref_slice %arg11[%get3A_1204, %get3A_1205] : memref<4x128xi32, #tpu.memory_space<vmem>> -> memref<1x128xi32, #tpu.memory_space<vmem>>
    %get3A_1207 = tpu.memref_squeeze %get3A_1206 : memref<1x128xi32, #tpu.memory_space<vmem>> -> memref<128xi32, #tpu.memory_space<vmem>>
    %get3A_1208 = arith.constant 80 : index
    %get3A_1209 = tpu.vector_load %get3A_1207[%get3A_1208] {strides = array<i32>} : memref<128xi32, #tpu.memory_space<vmem>>, vector<16xi32>,
    %get3A_1210 = vector.shape_cast %get3A_1209 : vector<16xi32> to vector<16xi32>
    %and3A_1211 = arith.constant -256 : i32
    %and3A_1212 = vector.broadcast %and3A_1211 : i32 to vector<16xi32>
    %and3A_1213 = arith.andi %get3A_1210, %and3A_1212 : vector<16xi32>
    %and3A_1214 = arith.constant 127 : i32
    %and3A_1215 = vector.broadcast %and3A_1214 : i32 to vector<16xi32>
    %and3A_1216 = arith.andi %get3A_1210, %and3A_1215 : vector<16xi32>
    %shift_left3A_1217 = arith.constant 1 : i32
    %shift_left3A_1218 = vector.broadcast %shift_left3A_1217 : i32 to vector<16xi32>
    %shift_left3A_1219 = arith.shli %and3A_1216, %shift_left3A_1218 : vector<16xi32>
    %or3A_1220 = arith.ori %and3A_1213, %shift_left3A_1219 : vector<16xi32>
    %shift_right_arithmetic3A_1221 = arith.constant 7 : i32
    %shift_right_arithmetic3A_1222 = vector.broadcast %shift_right_arithmetic3A_1221 : i32 to vector<16xi32>
    %shift_right_arithmetic3A_1223 = arith.shrsi %get3A_1210, %shift_right_arithmetic3A_1222 : vector<16xi32>
    %and3A_1224 = arith.constant 1 : i32
    %and3A_1225 = vector.broadcast %and3A_1224 : i32 to vector<16xi32>
    %and3A_1226 = arith.andi %shift_right_arithmetic3A_1223, %and3A_1225 : vector<16xi32>
    %or3A_1227 = arith.ori %or3A_1220, %and3A_1226 : vector<16xi32>
    %swap3A_1228 = arith.constant 0 : i32
    %swap3A_1229 = arith.constant 0 : i32
    %swap3A_1230 = tpu.memref_slice %arg11[%swap3A_1228, %swap3A_1229] : memref<4x128xi32, #tpu.memory_space<vmem>> -> memref<1x128xi32, #tpu.memory_space<vmem>>
    %swap3A_1231 = tpu.memref_squeeze %swap3A_1230 : memref<1x128xi32, #tpu.memory_space<vmem>> -> memref<128xi32, #tpu.memory_space<vmem>>
    %swap3A_1232 = arith.constant 80 : index
    %swap3A_1233 = tpu.vector_load %swap3A_1231[%swap3A_1232] {strides = array<i32>} : memref<128xi32, #tpu.memory_space<vmem>>, vector<16xi32>,
    %swap3A_1234 = vector.shape_cast %swap3A_1233 : vector<16xi32> to vector<16xi32>
    %swap3A_1235 = vector.shape_cast %or3A_1227 : vector<16xi32> to vector<16xi32>
    tpu.vector_store %swap3A_1231[%swap3A_1232], %swap3A_1235 {strides = array<i32>} : memref<128xi32, #tpu.memory_space<vmem>>, vector<16xi32>,
    %get3A_1236 = arith.constant 0 : i32
    %get3A_1237 = arith.constant 0 : i32
    %get3A_1238 = tpu.memref_slice %arg11[%get3A_1236, %get3A_1237] : memref<4x128xi32, #tpu.memory_space<vmem>> -> memref<1x128xi32, #tpu.memory_space<vmem>>
    %get3A_1239 = tpu.memref_squeeze %get3A_1238 : memref<1x128xi32, #tpu.memory_space<vmem>> -> memref<128xi32, #tpu.memory_space<vmem>>
    %get3A_1240 = arith.constant 96 : index
    %get3A_1241 = tpu.vector_load %get3A_1239[%get3A_1240] {strides = array<i32>} : memref<128xi32, #tpu.memory_space<vmem>>, vector<16xi32>,
    %get3A_1242 = vector.shape_cast %get3A_1241 : vector<16xi32> to vector<16xi32>
    %and3A_1243 = arith.constant -256 : i32
    %and3A_1244 = vector.broadcast %and3A_1243 : i32 to vector<16xi32>
    %and3A_1245 = arith.andi %get3A_1242, %and3A_1244 : vector<16xi32>
    %and3A_1246 = arith.constant 127 : i32
    %and3A_1247 = vector.broadcast %and3A_1246 : i32 to vector<16xi32>
    %and3A_1248 = arith.andi %get3A_1242, %and3A_1247 : vector<16xi32>
    %shift_left3A_1249 = arith.constant 1 : i32
    %shift_left3A_1250 = vector.broadcast %shift_left3A_1249 : i32 to vector<16xi32>
    %shift_left3A_1251 = arith.shli %and3A_1248, %shift_left3A_1250 : vector<16xi32>
    %or3A_1252 = arith.ori %and3A_1245, %shift_left3A_1251 : vector<16xi32>
    %shift_right_arithmetic3A_1253 = arith.constant 7 : i32
    %shift_right_arithmetic3A_1254 = vector.broadcast %shift_right_arithmetic3A_1253 : i32 to vector<16xi32>
    %shift_right_arithmetic3A_1255 = arith.shrsi %get3A_1242, %shift_right_arithmetic3A_1254 : vector<16xi32>
    %and3A_1256 = arith.constant 1 : i32
    %and3A_1257 = vector.broadcast %and3A_1256 : i32 to vector<16xi32>
    %and3A_1258 = arith.andi %shift_right_arithmetic3A_1255, %and3A_1257 : vector<16xi32>
    %or3A_1259 = arith.ori %or3A_1252, %and3A_1258 : vector<16xi32>
    %swap3A_1260 = arith.constant 0 : i32
    %swap3A_1261 = arith.constant 0 : i32
    %swap3A_1262 = tpu.memref_slice %arg11[%swap3A_1260, %swap3A_1261] : memref<4x128xi32, #tpu.memory_space<vmem>> -> memref<1x128xi32, #tpu.memory_space<vmem>>
    %swap3A_1263 = tpu.memref_squeeze %swap3A_1262 : memref<1x128xi32, #tpu.memory_space<vmem>> -> memref<128xi32, #tpu.memory_space<vmem>>
    %swap3A_1264 = arith.constant 96 : index
    %swap3A_1265 = tpu.vector_load %swap3A_1263[%swap3A_1264] {strides = array<i32>} : memref<128xi32, #tpu.memory_space<vmem>>, vector<16xi32>,
    %swap3A_1266 = vector.shape_cast %swap3A_1265 : vector<16xi32> to vector<16xi32>
    %swap3A_1267 = vector.shape_cast %or3A_1259 : vector<16xi32> to vector<16xi32>
    tpu.vector_store %swap3A_1263[%swap3A_1264], %swap3A_1267 {strides = array<i32>} : memref<128xi32, #tpu.memory_space<vmem>>, vector<16xi32>,
    %get3A_1268 = arith.constant 0 : i32
    %get3A_1269 = arith.constant 0 : i32
    %get3A_1270 = tpu.memref_slice %arg11[%get3A_1268, %get3A_1269] : memref<4x128xi32, #tpu.memory_space<vmem>> -> memref<1x128xi32, #tpu.memory_space<vmem>>
    %get3A_1271 = tpu.memref_squeeze %get3A_1270 : memref<1x128xi32, #tpu.memory_space<vmem>> -> memref<128xi32, #tpu.memory_space<vmem>>
    %get3A_1272 = arith.constant 112 : index
    %get3A_1273 = tpu.vector_load %get3A_1271[%get3A_1272] {strides = array<i32>} : memref<128xi32, #tpu.memory_space<vmem>>, vector<16xi32>,
    %get3A_1274 = vector.shape_cast %get3A_1273 : vector<16xi32> to vector<16xi32>
    %and3A_1275 = arith.constant -256 : i32
    %and3A_1276 = vector.broadcast %and3A_1275 : i32 to vector<16xi32>
    %and3A_1277 = arith.andi %get3A_1274, %and3A_1276 : vector<16xi32>
    %and3A_1278 = arith.constant 127 : i32
    %and3A_1279 = vector.broadcast %and3A_1278 : i32 to vector<16xi32>
    %and3A_1280 = arith.andi %get3A_1274, %and3A_1279 : vector<16xi32>
    %shift_left3A_1281 = arith.constant 1 : i32
    %shift_left3A_1282 = vector.broadcast %shift_left3A_1281 : i32 to vector<16xi32>
    %shift_left3A_1283 = arith.shli %and3A_1280, %shift_left3A_1282 : vector<16xi32>
    %or3A_1284 = arith.ori %and3A_1277, %shift_left3A_1283 : vector<16xi32>
    %shift_right_arithmetic3A_1285 = arith.constant 7 : i32
    %shift_right_arithmetic3A_1286 = vector.broadcast %shift_right_arithmetic3A_1285 : i32 to vector<16xi32>
    %shift_right_arithmetic3A_1287 = arith.shrsi %get3A_1274, %shift_right_arithmetic3A_1286 : vector<16xi32>
    %and3A_1288 = arith.constant 1 : i32
    %and3A_1289 = vector.broadcast %and3A_1288 : i32 to vector<16xi32>
    %and3A_1290 = arith.andi %shift_right_arithmetic3A_1287, %and3A_1289 : vector<16xi32>
    %or3A_1291 = arith.ori %or3A_1284, %and3A_1290 : vector<16xi32>
    %swap3A_1292 = arith.constant 0 : i32
    %swap3A_1293 = arith.constant 0 : i32
    %swap3A_1294 = tpu.memref_slice %arg11[%swap3A_1292, %swap3A_1293] : memref<4x128xi32, #tpu.memory_space<vmem>> -> memref<1x128xi32, #tpu.memory_space<vmem>>
    %swap3A_1295 = tpu.memref_squeeze %swap3A_1294 : memref<1x128xi32, #tpu.memory_space<vmem>> -> memref<128xi32, #tpu.memory_space<vmem>>
    %swap3A_1296 = arith.constant 112 : index
    %swap3A_1297 = tpu.vector_load %swap3A_1295[%swap3A_1296] {strides = array<i32>} : memref<128xi32, #tpu.memory_space<vmem>>, vector<16xi32>,
    %swap3A_1298 = vector.shape_cast %swap3A_1297 : vector<16xi32> to vector<16xi32>
    %swap3A_1299 = vector.shape_cast %or3A_1291 : vector<16xi32> to vector<16xi32>
    tpu.vector_store %swap3A_1295[%swap3A_1296], %swap3A_1299 {strides = array<i32>} : memref<128xi32, #tpu.memory_space<vmem>>, vector<16xi32>,
    %get3A_1300 = arith.constant 1 : i32
    %get3A_1301 = arith.constant 0 : i32
    %get3A_1302 = tpu.memref_slice %arg11[%get3A_1300, %get3A_1301] : memref<4x128xi32, #tpu.memory_space<vmem>> -> memref<1x128xi32, #tpu.memory_space<vmem>>
    %get3A_1303 = tpu.memref_squeeze %get3A_1302 : memref<1x128xi32, #tpu.memory_space<vmem>> -> memref<128xi32, #tpu.memory_space<vmem>>
    %get3A_1304 = arith.constant 0 : index
    %get3A_1305 = tpu.vector_load %get3A_1303[%get3A_1304] {strides = array<i32>} : memref<128xi32, #tpu.memory_space<vmem>>, vector<16xi32>,
    %get3A_1306 = vector.shape_cast %get3A_1305 : vector<16xi32> to vector<16xi32>
    %and3A_1307 = arith.constant -256 : i32
    %and3A_1308 = vector.broadcast %and3A_1307 : i32 to vector<16xi32>
    %and3A_1309 = arith.andi %get3A_1306, %and3A_1308 : vector<16xi32>
    %and3A_1310 = arith.constant 127 : i32
    %and3A_1311 = vector.broadcast %and3A_1310 : i32 to vector<16xi32>
    %and3A_1312 = arith.andi %get3A_1306, %and3A_1311 : vector<16xi32>
    %shift_left3A_1313 = arith.constant 1 : i32
    %shift_left3A_1314 = vector.broadcast %shift_left3A_1313 : i32 to vector<16xi32>
    %shift_left3A_1315 = arith.shli %and3A_1312, %shift_left3A_1314 : vector<16xi32>
    %or3A_1316 = arith.ori %and3A_1309, %shift_left3A_1315 : vector<16xi32>
    %shift_right_arithmetic3A_1317 = arith.constant 7 : i32
    %shift_right_arithmetic3A_1318 = vector.broadcast %shift_right_arithmetic3A_1317 : i32 to vector<16xi32>
    %shift_right_arithmetic3A_1319 = arith.shrsi %get3A_1306, %shift_right_arithmetic3A_1318 : vector<16xi32>
    %and3A_1320 = arith.constant 1 : i32
    %and3A_1321 = vector.broadcast %and3A_1320 : i32 to vector<16xi32>
    %and3A_1322 = arith.andi %shift_right_arithmetic3A_1319, %and3A_1321 : vector<16xi32>
    %or3A_1323 = arith.ori %or3A_1316, %and3A_1322 : vector<16xi32>
    %swap3A_1324 = arith.constant 1 : i32
    %swap3A_1325 = arith.constant 0 : i32
    %swap3A_1326 = tpu.memref_slice %arg11[%swap3A_1324, %swap3A_1325] : memref<4x128xi32, #tpu.memory_space<vmem>> -> memref<1x128xi32, #tpu.memory_space<vmem>>
    %swap3A_1327 = tpu.memref_squeeze %swap3A_1326 : memref<1x128xi32, #tpu.memory_space<vmem>> -> memref<128xi32, #tpu.memory_space<vmem>>
    %swap3A_1328 = arith.constant 0 : index
    %swap3A_1329 = tpu.vector_load %swap3A_1327[%swap3A_1328] {strides = array<i32>} : memref<128xi32, #tpu.memory_space<vmem>>, vector<16xi32>,
    %swap3A_1330 = vector.shape_cast %swap3A_1329 : vector<16xi32> to vector<16xi32>
    %swap3A_1331 = vector.shape_cast %or3A_1323 : vector<16xi32> to vector<16xi32>
    tpu.vector_store %swap3A_1327[%swap3A_1328], %swap3A_1331 {strides = array<i32>} : memref<128xi32, #tpu.memory_space<vmem>>, vector<16xi32>,
    %get3A_1332 = arith.constant 1 : i32
    %get3A_1333 = arith.constant 0 : i32
    %get3A_1334 = tpu.memref_slice %arg11[%get3A_1332, %get3A_1333] : memref<4x128xi32, #tpu.memory_space<vmem>> -> memref<1x128xi32, #tpu.memory_space<vmem>>
    %get3A_1335 = tpu.memref_squeeze %get3A_1334 : memref<1x128xi32, #tpu.memory_space<vmem>> -> memref<128xi32, #tpu.memory_space<vmem>>
    %get3A_1336 = arith.constant 16 : index
    %get3A_1337 = tpu.vector_load %get3A_1335[%get3A_1336] {strides = array<i32>} : memref<128xi32, #tpu.memory_space<vmem>>, vector<16xi32>,
    %get3A_1338 = vector.shape_cast %get3A_1337 : vector<16xi32> to vector<16xi32>
    %and3A_1339 = arith.constant -256 : i32
    %and3A_1340 = vector.broadcast %and3A_1339 : i32 to vector<16xi32>
    %and3A_1341 = arith.andi %get3A_1338, %and3A_1340 : vector<16xi32>
    %and3A_1342 = arith.constant 127 : i32
    %and3A_1343 = vector.broadcast %and3A_1342 : i32 to vector<16xi32>
    %and3A_1344 = arith.andi %get3A_1338, %and3A_1343 : vector<16xi32>
    %shift_left3A_1345 = arith.constant 1 : i32
    %shift_left3A_1346 = vector.broadcast %shift_left3A_1345 : i32 to vector<16xi32>
    %shift_left3A_1347 = arith.shli %and3A_1344, %shift_left3A_1346 : vector<16xi32>
    %or3A_1348 = arith.ori %and3A_1341, %shift_left3A_1347 : vector<16xi32>
    %shift_right_arithmetic3A_1349 = arith.constant 7 : i32
    %shift_right_arithmetic3A_1350 = vector.broadcast %shift_right_arithmetic3A_1349 : i32 to vector<16xi32>
    %shift_right_arithmetic3A_1351 = arith.shrsi %get3A_1338, %shift_right_arithmetic3A_1350 : vector<16xi32>
    %and3A_1352 = arith.constant 1 : i32
    %and3A_1353 = vector.broadcast %and3A_1352 : i32 to vector<16xi32>
    %and3A_1354 = arith.andi %shift_right_arithmetic3A_1351, %and3A_1353 : vector<16xi32>
    %or3A_1355 = arith.ori %or3A_1348, %and3A_1354 : vector<16xi32>
    %swap3A_1356 = arith.constant 1 : i32
    %swap3A_1357 = arith.constant 0 : i32
    %swap3A_1358 = tpu.memref_slice %arg11[%swap3A_1356, %swap3A_1357] : memref<4x128xi32, #tpu.memory_space<vmem>> -> memref<1x128xi32, #tpu.memory_space<vmem>>
    %swap3A_1359 = tpu.memref_squeeze %swap3A_1358 : memref<1x128xi32, #tpu.memory_space<vmem>> -> memref<128xi32, #tpu.memory_space<vmem>>
    %swap3A_1360 = arith.constant 16 : index
    %swap3A_1361 = tpu.vector_load %swap3A_1359[%swap3A_1360] {strides = array<i32>} : memref<128xi32, #tpu.memory_space<vmem>>, vector<16xi32>,
    %swap3A_1362 = vector.shape_cast %swap3A_1361 : vector<16xi32> to vector<16xi32>
    %swap3A_1363 = vector.shape_cast %or3A_1355 : vector<16xi32> to vector<16xi32>
    tpu.vector_store %swap3A_1359[%swap3A_1360], %swap3A_1363 {strides = array<i32>} : memref<128xi32, #tpu.memory_space<vmem>>, vector<16xi32>,
    %get3A_1364 = arith.constant 1 : i32
    %get3A_1365 = arith.constant 0 : i32
    %get3A_1366 = tpu.memref_slice %arg11[%get3A_1364, %get3A_1365] : memref<4x128xi32, #tpu.memory_space<vmem>> -> memref<1x128xi32, #tpu.memory_space<vmem>>
    %get3A_1367 = tpu.memref_squeeze %get3A_1366 : memref<1x128xi32, #tpu.memory_space<vmem>> -> memref<128xi32, #tpu.memory_space<vmem>>
    %get3A_1368 = arith.constant 32 : index
    %get3A_1369 = tpu.vector_load %get3A_1367[%get3A_1368] {strides = array<i32>} : memref<128xi32, #tpu.memory_space<vmem>>, vector<16xi32>,
    %get3A_1370 = vector.shape_cast %get3A_1369 : vector<16xi32> to vector<16xi32>
    %and3A_1371 = arith.constant -256 : i32
    %and3A_1372 = vector.broadcast %and3A_1371 : i32 to vector<16xi32>
    %and3A_1373 = arith.andi %get3A_1370, %and3A_1372 : vector<16xi32>
    %and3A_1374 = arith.constant 127 : i32
    %and3A_1375 = vector.broadcast %and3A_1374 : i32 to vector<16xi32>
    %and3A_1376 = arith.andi %get3A_1370, %and3A_1375 : vector<16xi32>
    %shift_left3A_1377 = arith.constant 1 : i32
    %shift_left3A_1378 = vector.broadcast %shift_left3A_1377 : i32 to vector<16xi32>
    %shift_left3A_1379 = arith.shli %and3A_1376, %shift_left3A_1378 : vector<16xi32>
    %or3A_1380 = arith.ori %and3A_1373, %shift_left3A_1379 : vector<16xi32>
    %shift_right_arithmetic3A_1381 = arith.constant 7 : i32
    %shift_right_arithmetic3A_1382 = vector.broadcast %shift_right_arithmetic3A_1381 : i32 to vector<16xi32>
    %shift_right_arithmetic3A_1383 = arith.shrsi %get3A_1370, %shift_right_arithmetic3A_1382 : vector<16xi32>
    %and3A_1384 = arith.constant 1 : i32
    %and3A_1385 = vector.broadcast %and3A_1384 : i32 to vector<16xi32>
    %and3A_1386 = arith.andi %shift_right_arithmetic3A_1383, %and3A_1385 : vector<16xi32>
    %or3A_1387 = arith.ori %or3A_1380, %and3A_1386 : vector<16xi32>
    %swap3A_1388 = arith.constant 1 : i32
    %swap3A_1389 = arith.constant 0 : i32
    %swap3A_1390 = tpu.memref_slice %arg11[%swap3A_1388, %swap3A_1389] : memref<4x128xi32, #tpu.memory_space<vmem>> -> memref<1x128xi32, #tpu.memory_space<vmem>>
    %swap3A_1391 = tpu.memref_squeeze %swap3A_1390 : memref<1x128xi32, #tpu.memory_space<vmem>> -> memref<128xi32, #tpu.memory_space<vmem>>
    %swap3A_1392 = arith.constant 32 : index
    %swap3A_1393 = tpu.vector_load %swap3A_1391[%swap3A_1392] {strides = array<i32>} : memref<128xi32, #tpu.memory_space<vmem>>, vector<16xi32>,
    %swap3A_1394 = vector.shape_cast %swap3A_1393 : vector<16xi32> to vector<16xi32>
    %swap3A_1395 = vector.shape_cast %or3A_1387 : vector<16xi32> to vector<16xi32>
    tpu.vector_store %swap3A_1391[%swap3A_1392], %swap3A_1395 {strides = array<i32>} : memref<128xi32, #tpu.memory_space<vmem>>, vector<16xi32>,
    %get3A_1396 = arith.constant 1 : i32
    %get3A_1397 = arith.constant 0 : i32
    %get3A_1398 = tpu.memref_slice %arg11[%get3A_1396, %get3A_1397] : memref<4x128xi32, #tpu.memory_space<vmem>> -> memref<1x128xi32, #tpu.memory_space<vmem>>
    %get3A_1399 = tpu.memref_squeeze %get3A_1398 : memref<1x128xi32, #tpu.memory_space<vmem>> -> memref<128xi32, #tpu.memory_space<vmem>>
    %get3A_1400 = arith.constant 48 : index
    %get3A_1401 = tpu.vector_load %get3A_1399[%get3A_1400] {strides = array<i32>} : memref<128xi32, #tpu.memory_space<vmem>>, vector<16xi32>,
    %get3A_1402 = vector.shape_cast %get3A_1401 : vector<16xi32> to vector<16xi32>
    %and3A_1403 = arith.constant -256 : i32
    %and3A_1404 = vector.broadcast %and3A_1403 : i32 to vector<16xi32>
    %and3A_1405 = arith.andi %get3A_1402, %and3A_1404 : vector<16xi32>
    %and3A_1406 = arith.constant 127 : i32
    %and3A_1407 = vector.broadcast %and3A_1406 : i32 to vector<16xi32>
    %and3A_1408 = arith.andi %get3A_1402, %and3A_1407 : vector<16xi32>
    %shift_left3A_1409 = arith.constant 1 : i32
    %shift_left3A_1410 = vector.broadcast %shift_left3A_1409 : i32 to vector<16xi32>
    %shift_left3A_1411 = arith.shli %and3A_1408, %shift_left3A_1410 : vector<16xi32>
    %or3A_1412 = arith.ori %and3A_1405, %shift_left3A_1411 : vector<16xi32>
    %shift_right_arithmetic3A_1413 = arith.constant 7 : i32
    %shift_right_arithmetic3A_1414 = vector.broadcast %shift_right_arithmetic3A_1413 : i32 to vector<16xi32>
    %shift_right_arithmetic3A_1415 = arith.shrsi %get3A_1402, %shift_right_arithmetic3A_1414 : vector<16xi32>
    %and3A_1416 = arith.constant 1 : i32
    %and3A_1417 = vector.broadcast %and3A_1416 : i32 to vector<16xi32>
    %and3A_1418 = arith.andi %shift_right_arithmetic3A_1415, %and3A_1417 : vector<16xi32>
    %or3A_1419 = arith.ori %or3A_1412, %and3A_1418 : vector<16xi32>
    %swap3A_1420 = arith.constant 1 : i32
    %swap3A_1421 = arith.constant 0 : i32
    %swap3A_1422 = tpu.memref_slice %arg11[%swap3A_1420, %swap3A_1421] : memref<4x128xi32, #tpu.memory_space<vmem>> -> memref<1x128xi32, #tpu.memory_space<vmem>>
    %swap3A_1423 = tpu.memref_squeeze %swap3A_1422 : memref<1x128xi32, #tpu.memory_space<vmem>> -> memref<128xi32, #tpu.memory_space<vmem>>
    %swap3A_1424 = arith.constant 48 : index
    %swap3A_1425 = tpu.vector_load %swap3A_1423[%swap3A_1424] {strides = array<i32>} : memref<128xi32, #tpu.memory_space<vmem>>, vector<16xi32>,
    %swap3A_1426 = vector.shape_cast %swap3A_1425 : vector<16xi32> to vector<16xi32>
    %swap3A_1427 = vector.shape_cast %or3A_1419 : vector<16xi32> to vector<16xi32>
    tpu.vector_store %swap3A_1423[%swap3A_1424], %swap3A_1427 {strides = array<i32>} : memref<128xi32, #tpu.memory_space<vmem>>, vector<16xi32>,
    %get3A_1428 = arith.constant 1 : i32
    %get3A_1429 = arith.constant 0 : i32
    %get3A_1430 = tpu.memref_slice %arg11[%get3A_1428, %get3A_1429] : memref<4x128xi32, #tpu.memory_space<vmem>> -> memref<1x128xi32, #tpu.memory_space<vmem>>
    %get3A_1431 = tpu.memref_squeeze %get3A_1430 : memref<1x128xi32, #tpu.memory_space<vmem>> -> memref<128xi32, #tpu.memory_space<vmem>>
    %get3A_1432 = arith.constant 64 : index
    %get3A_1433 = tpu.vector_load %get3A_1431[%get3A_1432] {strides = array<i32>} : memref<128xi32, #tpu.memory_space<vmem>>, vector<16xi32>,
    %get3A_1434 = vector.shape_cast %get3A_1433 : vector<16xi32> to vector<16xi32>
    %and3A_1435 = arith.constant -256 : i32
    %and3A_1436 = vector.broadcast %and3A_1435 : i32 to vector<16xi32>
    %and3A_1437 = arith.andi %get3A_1434, %and3A_1436 : vector<16xi32>
    %and3A_1438 = arith.constant 127 : i32
    %and3A_1439 = vector.broadcast %and3A_1438 : i32 to vector<16xi32>
    %and3A_1440 = arith.andi %get3A_1434, %and3A_1439 : vector<16xi32>
    %shift_left3A_1441 = arith.constant 1 : i32
    %shift_left3A_1442 = vector.broadcast %shift_left3A_1441 : i32 to vector<16xi32>
    %shift_left3A_1443 = arith.shli %and3A_1440, %shift_left3A_1442 : vector<16xi32>
    %or3A_1444 = arith.ori %and3A_1437, %shift_left3A_1443 : vector<16xi32>
    %shift_right_arithmetic3A_1445 = arith.constant 7 : i32
    %shift_right_arithmetic3A_1446 = vector.broadcast %shift_right_arithmetic3A_1445 : i32 to vector<16xi32>
    %shift_right_arithmetic3A_1447 = arith.shrsi %get3A_1434, %shift_right_arithmetic3A_1446 : vector<16xi32>
    %and3A_1448 = arith.constant 1 : i32
    %and3A_1449 = vector.broadcast %and3A_1448 : i32 to vector<16xi32>
    %and3A_1450 = arith.andi %shift_right_arithmetic3A_1447, %and3A_1449 : vector<16xi32>
    %or3A_1451 = arith.ori %or3A_1444, %and3A_1450 : vector<16xi32>
    %swap3A_1452 = arith.constant 1 : i32
    %swap3A_1453 = arith.constant 0 : i32
    %swap3A_1454 = tpu.memref_slice %arg11[%swap3A_1452, %swap3A_1453] : memref<4x128xi32, #tpu.memory_space<vmem>> -> memref<1x128xi32, #tpu.memory_space<vmem>>
    %swap3A_1455 = tpu.memref_squeeze %swap3A_1454 : memref<1x128xi32, #tpu.memory_space<vmem>> -> memref<128xi32, #tpu.memory_space<vmem>>
    %swap3A_1456 = arith.constant 64 : index
    %swap3A_1457 = tpu.vector_load %swap3A_1455[%swap3A_1456] {strides = array<i32>} : memref<128xi32, #tpu.memory_space<vmem>>, vector<16xi32>,
    %swap3A_1458 = vector.shape_cast %swap3A_1457 : vector<16xi32> to vector<16xi32>
    %swap3A_1459 = vector.shape_cast %or3A_1451 : vector<16xi32> to vector<16xi32>
    tpu.vector_store %swap3A_1455[%swap3A_1456], %swap3A_1459 {strides = array<i32>} : memref<128xi32, #tpu.memory_space<vmem>>, vector<16xi32>,
    %get3A_1460 = arith.constant 1 : i32
    %get3A_1461 = arith.constant 0 : i32
    %get3A_1462 = tpu.memref_slice %arg11[%get3A_1460, %get3A_1461] : memref<4x128xi32, #tpu.memory_space<vmem>> -> memref<1x128xi32, #tpu.memory_space<vmem>>
    %get3A_1463 = tpu.memref_squeeze %get3A_1462 : memref<1x128xi32, #tpu.memory_space<vmem>> -> memref<128xi32, #tpu.memory_space<vmem>>
    %get3A_1464 = arith.constant 80 : index
    %get3A_1465 = tpu.vector_load %get3A_1463[%get3A_1464] {strides = array<i32>} : memref<128xi32, #tpu.memory_space<vmem>>, vector<16xi32>,
    %get3A_1466 = vector.shape_cast %get3A_1465 : vector<16xi32> to vector<16xi32>
    %and3A_1467 = arith.constant -256 : i32
    %and3A_1468 = vector.broadcast %and3A_1467 : i32 to vector<16xi32>
    %and3A_1469 = arith.andi %get3A_1466, %and3A_1468 : vector<16xi32>
    %and3A_1470 = arith.constant 127 : i32
    %and3A_1471 = vector.broadcast %and3A_1470 : i32 to vector<16xi32>
    %and3A_1472 = arith.andi %get3A_1466, %and3A_1471 : vector<16xi32>
    %shift_left3A_1473 = arith.constant 1 : i32
    %shift_left3A_1474 = vector.broadcast %shift_left3A_1473 : i32 to vector<16xi32>
    %shift_left3A_1475 = arith.shli %and3A_1472, %shift_left3A_1474 : vector<16xi32>
    %or3A_1476 = arith.ori %and3A_1469, %shift_left3A_1475 : vector<16xi32>
    %shift_right_arithmetic3A_1477 = arith.constant 7 : i32
    %shift_right_arithmetic3A_1478 = vector.broadcast %shift_right_arithmetic3A_1477 : i32 to vector<16xi32>
    %shift_right_arithmetic3A_1479 = arith.shrsi %get3A_1466, %shift_right_arithmetic3A_1478 : vector<16xi32>
    %and3A_1480 = arith.constant 1 : i32
    %and3A_1481 = vector.broadcast %and3A_1480 : i32 to vector<16xi32>
    %and3A_1482 = arith.andi %shift_right_arithmetic3A_1479, %and3A_1481 : vector<16xi32>
    %or3A_1483 = arith.ori %or3A_1476, %and3A_1482 : vector<16xi32>
    %swap3A_1484 = arith.constant 1 : i32
    %swap3A_1485 = arith.constant 0 : i32
    %swap3A_1486 = tpu.memref_slice %arg11[%swap3A_1484, %swap3A_1485] : memref<4x128xi32, #tpu.memory_space<vmem>> -> memref<1x128xi32, #tpu.memory_space<vmem>>
    %swap3A_1487 = tpu.memref_squeeze %swap3A_1486 : memref<1x128xi32, #tpu.memory_space<vmem>> -> memref<128xi32, #tpu.memory_space<vmem>>
    %swap3A_1488 = arith.constant 80 : index
    %swap3A_1489 = tpu.vector_load %swap3A_1487[%swap3A_1488] {strides = array<i32>} : memref<128xi32, #tpu.memory_space<vmem>>, vector<16xi32>,
    %swap3A_1490 = vector.shape_cast %swap3A_1489 : vector<16xi32> to vector<16xi32>
    %swap3A_1491 = vector.shape_cast %or3A_1483 : vector<16xi32> to vector<16xi32>
    tpu.vector_store %swap3A_1487[%swap3A_1488], %swap3A_1491 {strides = array<i32>} : memref<128xi32, #tpu.memory_space<vmem>>, vector<16xi32>,
    %get3A_1492 = arith.constant 1 : i32
    %get3A_1493 = arith.constant 0 : i32
    %get3A_1494 = tpu.memref_slice %arg11[%get3A_1492, %get3A_1493] : memref<4x128xi32, #tpu.memory_space<vmem>> -> memref<1x128xi32, #tpu.memory_space<vmem>>
    %get3A_1495 = tpu.memref_squeeze %get3A_1494 : memref<1x128xi32, #tpu.memory_space<vmem>> -> memref<128xi32, #tpu.memory_space<vmem>>
    %get3A_1496 = arith.constant 96 : index
    %get3A_1497 = tpu.vector_load %get3A_1495[%get3A_1496] {strides = array<i32>} : memref<128xi32, #tpu.memory_space<vmem>>, vector<16xi32>,
    %get3A_1498 = vector.shape_cast %get3A_1497 : vector<16xi32> to vector<16xi32>
    %and3A_1499 = arith.constant -256 : i32
    %and3A_1500 = vector.broadcast %and3A_1499 : i32 to vector<16xi32>
    %and3A_1501 = arith.andi %get3A_1498, %and3A_1500 : vector<16xi32>
    %and3A_1502 = arith.constant 127 : i32
    %and3A_1503 = vector.broadcast %and3A_1502 : i32 to vector<16xi32>
    %and3A_1504 = arith.andi %get3A_1498, %and3A_1503 : vector<16xi32>
    %shift_left3A_1505 = arith.constant 1 : i32
    %shift_left3A_1506 = vector.broadcast %shift_left3A_1505 : i32 to vector<16xi32>
    %shift_left3A_1507 = arith.shli %and3A_1504, %shift_left3A_1506 : vector<16xi32>
    %or3A_1508 = arith.ori %and3A_1501, %shift_left3A_1507 : vector<16xi32>
    %shift_right_arithmetic3A_1509 = arith.constant 7 : i32
    %shift_right_arithmetic3A_1510 = vector.broadcast %shift_right_arithmetic3A_1509 : i32 to vector<16xi32>
    %shift_right_arithmetic3A_1511 = arith.shrsi %get3A_1498, %shift_right_arithmetic3A_1510 : vector<16xi32>
    %and3A_1512 = arith.constant 1 : i32
    %and3A_1513 = vector.broadcast %and3A_1512 : i32 to vector<16xi32>
    %and3A_1514 = arith.andi %shift_right_arithmetic3A_1511, %and3A_1513 : vector<16xi32>
    %or3A_1515 = arith.ori %or3A_1508, %and3A_1514 : vector<16xi32>
    %swap3A_1516 = arith.constant 1 : i32
    %swap3A_1517 = arith.constant 0 : i32
    %swap3A_1518 = tpu.memref_slice %arg11[%swap3A_1516, %swap3A_1517] : memref<4x128xi32, #tpu.memory_space<vmem>> -> memref<1x128xi32, #tpu.memory_space<vmem>>
    %swap3A_1519 = tpu.memref_squeeze %swap3A_1518 : memref<1x128xi32, #tpu.memory_space<vmem>> -> memref<128xi32, #tpu.memory_space<vmem>>
    %swap3A_1520 = arith.constant 96 : index
    %swap3A_1521 = tpu.vector_load %swap3A_1519[%swap3A_1520] {strides = array<i32>} : memref<128xi32, #tpu.memory_space<vmem>>, vector<16xi32>,
    %swap3A_1522 = vector.shape_cast %swap3A_1521 : vector<16xi32> to vector<16xi32>
    %swap3A_1523 = vector.shape_cast %or3A_1515 : vector<16xi32> to vector<16xi32>
    tpu.vector_store %swap3A_1519[%swap3A_1520], %swap3A_1523 {strides = array<i32>} : memref<128xi32, #tpu.memory_space<vmem>>, vector<16xi32>,
    %get3A_1524 = arith.constant 1 : i32
    %get3A_1525 = arith.constant 0 : i32
    %get3A_1526 = tpu.memref_slice %arg11[%get3A_1524, %get3A_1525] : memref<4x128xi32, #tpu.memory_space<vmem>> -> memref<1x128xi32, #tpu.memory_space<vmem>>
    %get3A_1527 = tpu.memref_squeeze %get3A_1526 : memref<1x128xi32, #tpu.memory_space<vmem>> -> memref<128xi32, #tpu.memory_space<vmem>>
    %get3A_1528 = arith.constant 112 : index
    %get3A_1529 = tpu.vector_load %get3A_1527[%get3A_1528] {strides = array<i32>} : memref<128xi32, #tpu.memory_space<vmem>>, vector<16xi32>,
    %get3A_1530 = vector.shape_cast %get3A_1529 : vector<16xi32> to vector<16xi32>
    %and3A_1531 = arith.constant -256 : i32
    %and3A_1532 = vector.broadcast %and3A_1531 : i32 to vector<16xi32>
    %and3A_1533 = arith.andi %get3A_1530, %and3A_1532 : vector<16xi32>
    %and3A_1534 = arith.constant 127 : i32
    %and3A_1535 = vector.broadcast %and3A_1534 : i32 to vector<16xi32>
    %and3A_1536 = arith.andi %get3A_1530, %and3A_1535 : vector<16xi32>
    %shift_left3A_1537 = arith.constant 1 : i32
    %shift_left3A_1538 = vector.broadcast %shift_left3A_1537 : i32 to vector<16xi32>
    %shift_left3A_1539 = arith.shli %and3A_1536, %shift_left3A_1538 : vector<16xi32>
    %or3A_1540 = arith.ori %and3A_1533, %shift_left3A_1539 : vector<16xi32>
    %shift_right_arithmetic3A_1541 = arith.constant 7 : i32
    %shift_right_arithmetic3A_1542 = vector.broadcast %shift_right_arithmetic3A_1541 : i32 to vector<16xi32>
    %shift_right_arithmetic3A_1543 = arith.shrsi %get3A_1530, %shift_right_arithmetic3A_1542 : vector<16xi32>
    %and3A_1544 = arith.constant 1 : i32
    %and3A_1545 = vector.broadcast %and3A_1544 : i32 to vector<16xi32>
    %and3A_1546 = arith.andi %shift_right_arithmetic3A_1543, %and3A_1545 : vector<16xi32>
    %or3A_1547 = arith.ori %or3A_1540, %and3A_1546 : vector<16xi32>
    %swap3A_1548 = arith.constant 1 : i32
    %swap3A_1549 = arith.constant 0 : i32
    %swap3A_1550 = tpu.memref_slice %arg11[%swap3A_1548, %swap3A_1549] : memref<4x128xi32, #tpu.memory_space<vmem>> -> memref<1x128xi32, #tpu.memory_space<vmem>>
    %swap3A_1551 = tpu.memref_squeeze %swap3A_1550 : memref<1x128xi32, #tpu.memory_space<vmem>> -> memref<128xi32, #tpu.memory_space<vmem>>
    %swap3A_1552 = arith.constant 112 : index
    %swap3A_1553 = tpu.vector_load %swap3A_1551[%swap3A_1552] {strides = array<i32>} : memref<128xi32, #tpu.memory_space<vmem>>, vector<16xi32>,
    %swap3A_1554 = vector.shape_cast %swap3A_1553 : vector<16xi32> to vector<16xi32>
    %swap3A_1555 = vector.shape_cast %or3A_1547 : vector<16xi32> to vector<16xi32>
    tpu.vector_store %swap3A_1551[%swap3A_1552], %swap3A_1555 {strides = array<i32>} : memref<128xi32, #tpu.memory_space<vmem>>, vector<16xi32>,
    %get3A_1556 = arith.constant 2 : i32
    %get3A_1557 = arith.constant 0 : i32
    %get3A_1558 = tpu.memref_slice %arg11[%get3A_1556, %get3A_1557] : memref<4x128xi32, #tpu.memory_space<vmem>> -> memref<1x128xi32, #tpu.memory_space<vmem>>
    %get3A_1559 = tpu.memref_squeeze %get3A_1558 : memref<1x128xi32, #tpu.memory_space<vmem>> -> memref<128xi32, #tpu.memory_space<vmem>>
    %get3A_1560 = arith.constant 0 : index
    %get3A_1561 = tpu.vector_load %get3A_1559[%get3A_1560] {strides = array<i32>} : memref<128xi32, #tpu.memory_space<vmem>>, vector<16xi32>,
    %get3A_1562 = vector.shape_cast %get3A_1561 : vector<16xi32> to vector<16xi32>
    %and3A_1563 = arith.constant -256 : i32
    %and3A_1564 = vector.broadcast %and3A_1563 : i32 to vector<16xi32>
    %and3A_1565 = arith.andi %get3A_1562, %and3A_1564 : vector<16xi32>
    %and3A_1566 = arith.constant 127 : i32
    %and3A_1567 = vector.broadcast %and3A_1566 : i32 to vector<16xi32>
    %and3A_1568 = arith.andi %get3A_1562, %and3A_1567 : vector<16xi32>
    %shift_left3A_1569 = arith.constant 1 : i32
    %shift_left3A_1570 = vector.broadcast %shift_left3A_1569 : i32 to vector<16xi32>
    %shift_left3A_1571 = arith.shli %and3A_1568, %shift_left3A_1570 : vector<16xi32>
    %or3A_1572 = arith.ori %and3A_1565, %shift_left3A_1571 : vector<16xi32>
    %shift_right_arithmetic3A_1573 = arith.constant 7 : i32
    %shift_right_arithmetic3A_1574 = vector.broadcast %shift_right_arithmetic3A_1573 : i32 to vector<16xi32>
    %shift_right_arithmetic3A_1575 = arith.shrsi %get3A_1562, %shift_right_arithmetic3A_1574 : vector<16xi32>
    %and3A_1576 = arith.constant 1 : i32
    %and3A_1577 = vector.broadcast %and3A_1576 : i32 to vector<16xi32>
    %and3A_1578 = arith.andi %shift_right_arithmetic3A_1575, %and3A_1577 : vector<16xi32>
    %or3A_1579 = arith.ori %or3A_1572, %and3A_1578 : vector<16xi32>
    %swap3A_1580 = arith.constant 2 : i32
    %swap3A_1581 = arith.constant 0 : i32
    %swap3A_1582 = tpu.memref_slice %arg11[%swap3A_1580, %swap3A_1581] : memref<4x128xi32, #tpu.memory_space<vmem>> -> memref<1x128xi32, #tpu.memory_space<vmem>>
    %swap3A_1583 = tpu.memref_squeeze %swap3A_1582 : memref<1x128xi32, #tpu.memory_space<vmem>> -> memref<128xi32, #tpu.memory_space<vmem>>
    %swap3A_1584 = arith.constant 0 : index
    %swap3A_1585 = tpu.vector_load %swap3A_1583[%swap3A_1584] {strides = array<i32>} : memref<128xi32, #tpu.memory_space<vmem>>, vector<16xi32>,
    %swap3A_1586 = vector.shape_cast %swap3A_1585 : vector<16xi32> to vector<16xi32>
    %swap3A_1587 = vector.shape_cast %or3A_1579 : vector<16xi32> to vector<16xi32>
    tpu.vector_store %swap3A_1583[%swap3A_1584], %swap3A_1587 {strides = array<i32>} : memref<128xi32, #tpu.memory_space<vmem>>, vector<16xi32>,
    %get3A_1588 = arith.constant 2 : i32
    %get3A_1589 = arith.constant 0 : i32
    %get3A_1590 = tpu.memref_slice %arg11[%get3A_1588, %get3A_1589] : memref<4x128xi32, #tpu.memory_space<vmem>> -> memref<1x128xi32, #tpu.memory_space<vmem>>
    %get3A_1591 = tpu.memref_squeeze %get3A_1590 : memref<1x128xi32, #tpu.memory_space<vmem>> -> memref<128xi32, #tpu.memory_space<vmem>>
    %get3A_1592 = arith.constant 16 : index
    %get3A_1593 = tpu.vector_load %get3A_1591[%get3A_1592] {strides = array<i32>} : memref<128xi32, #tpu.memory_space<vmem>>, vector<16xi32>,
    %get3A_1594 = vector.shape_cast %get3A_1593 : vector<16xi32> to vector<16xi32>
    %and3A_1595 = arith.constant -256 : i32
    %and3A_1596 = vector.broadcast %and3A_1595 : i32 to vector<16xi32>
    %and3A_1597 = arith.andi %get3A_1594, %and3A_1596 : vector<16xi32>
    %and3A_1598 = arith.constant 127 : i32
    %and3A_1599 = vector.broadcast %and3A_1598 : i32 to vector<16xi32>
    %and3A_1600 = arith.andi %get3A_1594, %and3A_1599 : vector<16xi32>
    %shift_left3A_1601 = arith.constant 1 : i32
    %shift_left3A_1602 = vector.broadcast %shift_left3A_1601 : i32 to vector<16xi32>
    %shift_left3A_1603 = arith.shli %and3A_1600, %shift_left3A_1602 : vector<16xi32>
    %or3A_1604 = arith.ori %and3A_1597, %shift_left3A_1603 : vector<16xi32>
    %shift_right_arithmetic3A_1605 = arith.constant 7 : i32
    %shift_right_arithmetic3A_1606 = vector.broadcast %shift_right_arithmetic3A_1605 : i32 to vector<16xi32>
    %shift_right_arithmetic3A_1607 = arith.shrsi %get3A_1594, %shift_right_arithmetic3A_1606 : vector<16xi32>
    %and3A_1608 = arith.constant 1 : i32
    %and3A_1609 = vector.broadcast %and3A_1608 : i32 to vector<16xi32>
    %and3A_1610 = arith.andi %shift_right_arithmetic3A_1607, %and3A_1609 : vector<16xi32>
    %or3A_1611 = arith.ori %or3A_1604, %and3A_1610 : vector<16xi32>
    %swap3A_1612 = arith.constant 2 : i32
    %swap3A_1613 = arith.constant 0 : i32
    %swap3A_1614 = tpu.memref_slice %arg11[%swap3A_1612, %swap3A_1613] : memref<4x128xi32, #tpu.memory_space<vmem>> -> memref<1x128xi32, #tpu.memory_space<vmem>>
    %swap3A_1615 = tpu.memref_squeeze %swap3A_1614 : memref<1x128xi32, #tpu.memory_space<vmem>> -> memref<128xi32, #tpu.memory_space<vmem>>
    %swap3A_1616 = arith.constant 16 : index
    %swap3A_1617 = tpu.vector_load %swap3A_1615[%swap3A_1616] {strides = array<i32>} : memref<128xi32, #tpu.memory_space<vmem>>, vector<16xi32>,
    %swap3A_1618 = vector.shape_cast %swap3A_1617 : vector<16xi32> to vector<16xi32>
    %swap3A_1619 = vector.shape_cast %or3A_1611 : vector<16xi32> to vector<16xi32>
    tpu.vector_store %swap3A_1615[%swap3A_1616], %swap3A_1619 {strides = array<i32>} : memref<128xi32, #tpu.memory_space<vmem>>, vector<16xi32>,
    %get3A_1620 = arith.constant 2 : i32
    %get3A_1621 = arith.constant 0 : i32
    %get3A_1622 = tpu.memref_slice %arg11[%get3A_1620, %get3A_1621] : memref<4x128xi32, #tpu.memory_space<vmem>> -> memref<1x128xi32, #tpu.memory_space<vmem>>
    %get3A_1623 = tpu.memref_squeeze %get3A_1622 : memref<1x128xi32, #tpu.memory_space<vmem>> -> memref<128xi32, #tpu.memory_space<vmem>>
    %get3A_1624 = arith.constant 32 : index
    %get3A_1625 = tpu.vector_load %get3A_1623[%get3A_1624] {strides = array<i32>} : memref<128xi32, #tpu.memory_space<vmem>>, vector<16xi32>,
    %get3A_1626 = vector.shape_cast %get3A_1625 : vector<16xi32> to vector<16xi32>
    %and3A_1627 = arith.constant -256 : i32
    %and3A_1628 = vector.broadcast %and3A_1627 : i32 to vector<16xi32>
    %and3A_1629 = arith.andi %get3A_1626, %and3A_1628 : vector<16xi32>
    %and3A_1630 = arith.constant 127 : i32
    %and3A_1631 = vector.broadcast %and3A_1630 : i32 to vector<16xi32>
    %and3A_1632 = arith.andi %get3A_1626, %and3A_1631 : vector<16xi32>
    %shift_left3A_1633 = arith.constant 1 : i32
    %shift_left3A_1634 = vector.broadcast %shift_left3A_1633 : i32 to vector<16xi32>
    %shift_left3A_1635 = arith.shli %and3A_1632, %shift_left3A_1634 : vector<16xi32>
    %or3A_1636 = arith.ori %and3A_1629, %shift_left3A_1635 : vector<16xi32>
    %shift_right_arithmetic3A_1637 = arith.constant 7 : i32
    %shift_right_arithmetic3A_1638 = vector.broadcast %shift_right_arithmetic3A_1637 : i32 to vector<16xi32>
    %shift_right_arithmetic3A_1639 = arith.shrsi %get3A_1626, %shift_right_arithmetic3A_1638 : vector<16xi32>
    %and3A_1640 = arith.constant 1 : i32
    %and3A_1641 = vector.broadcast %and3A_1640 : i32 to vector<16xi32>
    %and3A_1642 = arith.andi %shift_right_arithmetic3A_1639, %and3A_1641 : vector<16xi32>
    %or3A_1643 = arith.ori %or3A_1636, %and3A_1642 : vector<16xi32>
    %swap3A_1644 = arith.constant 2 : i32
    %swap3A_1645 = arith.constant 0 : i32
    %swap3A_1646 = tpu.memref_slice %arg11[%swap3A_1644, %swap3A_1645] : memref<4x128xi32, #tpu.memory_space<vmem>> -> memref<1x128xi32, #tpu.memory_space<vmem>>
    %swap3A_1647 = tpu.memref_squeeze %swap3A_1646 : memref<1x128xi32, #tpu.memory_space<vmem>> -> memref<128xi32, #tpu.memory_space<vmem>>
    %swap3A_1648 = arith.constant 32 : index
    %swap3A_1649 = tpu.vector_load %swap3A_1647[%swap3A_1648] {strides = array<i32>} : memref<128xi32, #tpu.memory_space<vmem>>, vector<16xi32>,
    %swap3A_1650 = vector.shape_cast %swap3A_1649 : vector<16xi32> to vector<16xi32>
    %swap3A_1651 = vector.shape_cast %or3A_1643 : vector<16xi32> to vector<16xi32>
    tpu.vector_store %swap3A_1647[%swap3A_1648], %swap3A_1651 {strides = array<i32>} : memref<128xi32, #tpu.memory_space<vmem>>, vector<16xi32>,
    %get3A_1652 = arith.constant 2 : i32
    %get3A_1653 = arith.constant 0 : i32
    %get3A_1654 = tpu.memref_slice %arg11[%get3A_1652, %get3A_1653] : memref<4x128xi32, #tpu.memory_space<vmem>> -> memref<1x128xi32, #tpu.memory_space<vmem>>
    %get3A_1655 = tpu.memref_squeeze %get3A_1654 : memref<1x128xi32, #tpu.memory_space<vmem>> -> memref<128xi32, #tpu.memory_space<vmem>>
    %get3A_1656 = arith.constant 48 : index
    %get3A_1657 = tpu.vector_load %get3A_1655[%get3A_1656] {strides = array<i32>} : memref<128xi32, #tpu.memory_space<vmem>>, vector<16xi32>,
    %get3A_1658 = vector.shape_cast %get3A_1657 : vector<16xi32> to vector<16xi32>
    %and3A_1659 = arith.constant -256 : i32
    %and3A_1660 = vector.broadcast %and3A_1659 : i32 to vector<16xi32>
    %and3A_1661 = arith.andi %get3A_1658, %and3A_1660 : vector<16xi32>
    %and3A_1662 = arith.constant 127 : i32
    %and3A_1663 = vector.broadcast %and3A_1662 : i32 to vector<16xi32>
    %and3A_1664 = arith.andi %get3A_1658, %and3A_1663 : vector<16xi32>
    %shift_left3A_1665 = arith.constant 1 : i32
    %shift_left3A_1666 = vector.broadcast %shift_left3A_1665 : i32 to vector<16xi32>
    %shift_left3A_1667 = arith.shli %and3A_1664, %shift_left3A_1666 : vector<16xi32>
    %or3A_1668 = arith.ori %and3A_1661, %shift_left3A_1667 : vector<16xi32>
    %shift_right_arithmetic3A_1669 = arith.constant 7 : i32
    %shift_right_arithmetic3A_1670 = vector.broadcast %shift_right_arithmetic3A_1669 : i32 to vector<16xi32>
    %shift_right_arithmetic3A_1671 = arith.shrsi %get3A_1658, %shift_right_arithmetic3A_1670 : vector<16xi32>
    %and3A_1672 = arith.constant 1 : i32
    %and3A_1673 = vector.broadcast %and3A_1672 : i32 to vector<16xi32>
    %and3A_1674 = arith.andi %shift_right_arithmetic3A_1671, %and3A_1673 : vector<16xi32>
    %or3A_1675 = arith.ori %or3A_1668, %and3A_1674 : vector<16xi32>
    %swap3A_1676 = arith.constant 2 : i32
    %swap3A_1677 = arith.constant 0 : i32
    %swap3A_1678 = tpu.memref_slice %arg11[%swap3A_1676, %swap3A_1677] : memref<4x128xi32, #tpu.memory_space<vmem>> -> memref<1x128xi32, #tpu.memory_space<vmem>>
    %swap3A_1679 = tpu.memref_squeeze %swap3A_1678 : memref<1x128xi32, #tpu.memory_space<vmem>> -> memref<128xi32, #tpu.memory_space<vmem>>
    %swap3A_1680 = arith.constant 48 : index
    %swap3A_1681 = tpu.vector_load %swap3A_1679[%swap3A_1680] {strides = array<i32>} : memref<128xi32, #tpu.memory_space<vmem>>, vector<16xi32>,
    %swap3A_1682 = vector.shape_cast %swap3A_1681 : vector<16xi32> to vector<16xi32>
    %swap3A_1683 = vector.shape_cast %or3A_1675 : vector<16xi32> to vector<16xi32>
    tpu.vector_store %swap3A_1679[%swap3A_1680], %swap3A_1683 {strides = array<i32>} : memref<128xi32, #tpu.memory_space<vmem>>, vector<16xi32>,
    %get3A_1684 = arith.constant 2 : i32
    %get3A_1685 = arith.constant 0 : i32
    %get3A_1686 = tpu.memref_slice %arg11[%get3A_1684, %get3A_1685] : memref<4x128xi32, #tpu.memory_space<vmem>> -> memref<1x128xi32, #tpu.memory_space<vmem>>
    %get3A_1687 = tpu.memref_squeeze %get3A_1686 : memref<1x128xi32, #tpu.memory_space<vmem>> -> memref<128xi32, #tpu.memory_space<vmem>>
    %get3A_1688 = arith.constant 64 : index
    %get3A_1689 = tpu.vector_load %get3A_1687[%get3A_1688] {strides = array<i32>} : memref<128xi32, #tpu.memory_space<vmem>>, vector<16xi32>,
    %get3A_1690 = vector.shape_cast %get3A_1689 : vector<16xi32> to vector<16xi32>
    %and3A_1691 = arith.constant -256 : i32
    %and3A_1692 = vector.broadcast %and3A_1691 : i32 to vector<16xi32>
    %and3A_1693 = arith.andi %get3A_1690, %and3A_1692 : vector<16xi32>
    %and3A_1694 = arith.constant 127 : i32
    %and3A_1695 = vector.broadcast %and3A_1694 : i32 to vector<16xi32>
    %and3A_1696 = arith.andi %get3A_1690, %and3A_1695 : vector<16xi32>
    %shift_left3A_1697 = arith.constant 1 : i32
    %shift_left3A_1698 = vector.broadcast %shift_left3A_1697 : i32 to vector<16xi32>
    %shift_left3A_1699 = arith.shli %and3A_1696, %shift_left3A_1698 : vector<16xi32>
    %or3A_1700 = arith.ori %and3A_1693, %shift_left3A_1699 : vector<16xi32>
    %shift_right_arithmetic3A_1701 = arith.constant 7 : i32
    %shift_right_arithmetic3A_1702 = vector.broadcast %shift_right_arithmetic3A_1701 : i32 to vector<16xi32>
    %shift_right_arithmetic3A_1703 = arith.shrsi %get3A_1690, %shift_right_arithmetic3A_1702 : vector<16xi32>
    %and3A_1704 = arith.constant 1 : i32
    %and3A_1705 = vector.broadcast %and3A_1704 : i32 to vector<16xi32>
    %and3A_1706 = arith.andi %shift_right_arithmetic3A_1703, %and3A_1705 : vector<16xi32>
    %or3A_1707 = arith.ori %or3A_1700, %and3A_1706 : vector<16xi32>
    %swap3A_1708 = arith.constant 2 : i32
    %swap3A_1709 = arith.constant 0 : i32
    %swap3A_1710 = tpu.memref_slice %arg11[%swap3A_1708, %swap3A_1709] : memref<4x128xi32, #tpu.memory_space<vmem>> -> memref<1x128xi32, #tpu.memory_space<vmem>>
    %swap3A_1711 = tpu.memref_squeeze %swap3A_1710 : memref<1x128xi32, #tpu.memory_space<vmem>> -> memref<128xi32, #tpu.memory_space<vmem>>
    %swap3A_1712 = arith.constant 64 : index
    %swap3A_1713 = tpu.vector_load %swap3A_1711[%swap3A_1712] {strides = array<i32>} : memref<128xi32, #tpu.memory_space<vmem>>, vector<16xi32>,
    %swap3A_1714 = vector.shape_cast %swap3A_1713 : vector<16xi32> to vector<16xi32>
    %swap3A_1715 = vector.shape_cast %or3A_1707 : vector<16xi32> to vector<16xi32>
    tpu.vector_store %swap3A_1711[%swap3A_1712], %swap3A_1715 {strides = array<i32>} : memref<128xi32, #tpu.memory_space<vmem>>, vector<16xi32>,
    %get3A_1716 = arith.constant 2 : i32
    %get3A_1717 = arith.constant 0 : i32
    %get3A_1718 = tpu.memref_slice %arg11[%get3A_1716, %get3A_1717] : memref<4x128xi32, #tpu.memory_space<vmem>> -> memref<1x128xi32, #tpu.memory_space<vmem>>
    %get3A_1719 = tpu.memref_squeeze %get3A_1718 : memref<1x128xi32, #tpu.memory_space<vmem>> -> memref<128xi32, #tpu.memory_space<vmem>>
    %get3A_1720 = arith.constant 80 : index
    %get3A_1721 = tpu.vector_load %get3A_1719[%get3A_1720] {strides = array<i32>} : memref<128xi32, #tpu.memory_space<vmem>>, vector<16xi32>,
    %get3A_1722 = vector.shape_cast %get3A_1721 : vector<16xi32> to vector<16xi32>
    %and3A_1723 = arith.constant -256 : i32
    %and3A_1724 = vector.broadcast %and3A_1723 : i32 to vector<16xi32>
    %and3A_1725 = arith.andi %get3A_1722, %and3A_1724 : vector<16xi32>
    %and3A_1726 = arith.constant 127 : i32
    %and3A_1727 = vector.broadcast %and3A_1726 : i32 to vector<16xi32>
    %and3A_1728 = arith.andi %get3A_1722, %and3A_1727 : vector<16xi32>
    %shift_left3A_1729 = arith.constant 1 : i32
    %shift_left3A_1730 = vector.broadcast %shift_left3A_1729 : i32 to vector<16xi32>
    %shift_left3A_1731 = arith.shli %and3A_1728, %shift_left3A_1730 : vector<16xi32>
    %or3A_1732 = arith.ori %and3A_1725, %shift_left3A_1731 : vector<16xi32>
    %shift_right_arithmetic3A_1733 = arith.constant 7 : i32
    %shift_right_arithmetic3A_1734 = vector.broadcast %shift_right_arithmetic3A_1733 : i32 to vector<16xi32>
    %shift_right_arithmetic3A_1735 = arith.shrsi %get3A_1722, %shift_right_arithmetic3A_1734 : vector<16xi32>
    %and3A_1736 = arith.constant 1 : i32
    %and3A_1737 = vector.broadcast %and3A_1736 : i32 to vector<16xi32>
    %and3A_1738 = arith.andi %shift_right_arithmetic3A_1735, %and3A_1737 : vector<16xi32>
    %or3A_1739 = arith.ori %or3A_1732, %and3A_1738 : vector<16xi32>
    %swap3A_1740 = arith.constant 2 : i32
    %swap3A_1741 = arith.constant 0 : i32
    %swap3A_1742 = tpu.memref_slice %arg11[%swap3A_1740, %swap3A_1741] : memref<4x128xi32, #tpu.memory_space<vmem>> -> memref<1x128xi32, #tpu.memory_space<vmem>>
    %swap3A_1743 = tpu.memref_squeeze %swap3A_1742 : memref<1x128xi32, #tpu.memory_space<vmem>> -> memref<128xi32, #tpu.memory_space<vmem>>
    %swap3A_1744 = arith.constant 80 : index
    %swap3A_1745 = tpu.vector_load %swap3A_1743[%swap3A_1744] {strides = array<i32>} : memref<128xi32, #tpu.memory_space<vmem>>, vector<16xi32>,
    %swap3A_1746 = vector.shape_cast %swap3A_1745 : vector<16xi32> to vector<16xi32>
    %swap3A_1747 = vector.shape_cast %or3A_1739 : vector<16xi32> to vector<16xi32>
    tpu.vector_store %swap3A_1743[%swap3A_1744], %swap3A_1747 {strides = array<i32>} : memref<128xi32, #tpu.memory_space<vmem>>, vector<16xi32>,
    %get3A_1748 = arith.constant 2 : i32
    %get3A_1749 = arith.constant 0 : i32
    %get3A_1750 = tpu.memref_slice %arg11[%get3A_1748, %get3A_1749] : memref<4x128xi32, #tpu.memory_space<vmem>> -> memref<1x128xi32, #tpu.memory_space<vmem>>
    %get3A_1751 = tpu.memref_squeeze %get3A_1750 : memref<1x128xi32, #tpu.memory_space<vmem>> -> memref<128xi32, #tpu.memory_space<vmem>>
    %get3A_1752 = arith.constant 96 : index
    %get3A_1753 = tpu.vector_load %get3A_1751[%get3A_1752] {strides = array<i32>} : memref<128xi32, #tpu.memory_space<vmem>>, vector<16xi32>,
    %get3A_1754 = vector.shape_cast %get3A_1753 : vector<16xi32> to vector<16xi32>
    %and3A_1755 = arith.constant -256 : i32
    %and3A_1756 = vector.broadcast %and3A_1755 : i32 to vector<16xi32>
    %and3A_1757 = arith.andi %get3A_1754, %and3A_1756 : vector<16xi32>
    %and3A_1758 = arith.constant 127 : i32
    %and3A_1759 = vector.broadcast %and3A_1758 : i32 to vector<16xi32>
    %and3A_1760 = arith.andi %get3A_1754, %and3A_1759 : vector<16xi32>
    %shift_left3A_1761 = arith.constant 1 : i32
    %shift_left3A_1762 = vector.broadcast %shift_left3A_1761 : i32 to vector<16xi32>
    %shift_left3A_1763 = arith.shli %and3A_1760, %shift_left3A_1762 : vector<16xi32>
    %or3A_1764 = arith.ori %and3A_1757, %shift_left3A_1763 : vector<16xi32>
    %shift_right_arithmetic3A_1765 = arith.constant 7 : i32
    %shift_right_arithmetic3A_1766 = vector.broadcast %shift_right_arithmetic3A_1765 : i32 to vector<16xi32>
    %shift_right_arithmetic3A_1767 = arith.shrsi %get3A_1754, %shift_right_arithmetic3A_1766 : vector<16xi32>
    %and3A_1768 = arith.constant 1 : i32
    %and3A_1769 = vector.broadcast %and3A_1768 : i32 to vector<16xi32>
    %and3A_1770 = arith.andi %shift_right_arithmetic3A_1767, %and3A_1769 : vector<16xi32>
    %or3A_1771 = arith.ori %or3A_1764, %and3A_1770 : vector<16xi32>
    %swap3A_1772 = arith.constant 2 : i32
    %swap3A_1773 = arith.constant 0 : i32
    %swap3A_1774 = tpu.memref_slice %arg11[%swap3A_1772, %swap3A_1773] : memref<4x128xi32, #tpu.memory_space<vmem>> -> memref<1x128xi32, #tpu.memory_space<vmem>>
    %swap3A_1775 = tpu.memref_squeeze %swap3A_1774 : memref<1x128xi32, #tpu.memory_space<vmem>> -> memref<128xi32, #tpu.memory_space<vmem>>
    %swap3A_1776 = arith.constant 96 : index
    %swap3A_1777 = tpu.vector_load %swap3A_1775[%swap3A_1776] {strides = array<i32>} : memref<128xi32, #tpu.memory_space<vmem>>, vector<16xi32>,
    %swap3A_1778 = vector.shape_cast %swap3A_1777 : vector<16xi32> to vector<16xi32>
    %swap3A_1779 = vector.shape_cast %or3A_1771 : vector<16xi32> to vector<16xi32>
    tpu.vector_store %swap3A_1775[%swap3A_1776], %swap3A_1779 {strides = array<i32>} : memref<128xi32, #tpu.memory_space<vmem>>, vector<16xi32>,
    %get3A_1780 = arith.constant 2 : i32
    %get3A_1781 = arith.constant 0 : i32
    %get3A_1782 = tpu.memref_slice %arg11[%get3A_1780, %get3A_1781] : memref<4x128xi32, #tpu.memory_space<vmem>> -> memref<1x128xi32, #tpu.memory_space<vmem>>
    %get3A_1783 = tpu.memref_squeeze %get3A_1782 : memref<1x128xi32, #tpu.memory_space<vmem>> -> memref<128xi32, #tpu.memory_space<vmem>>
    %get3A_1784 = arith.constant 112 : index
    %get3A_1785 = tpu.vector_load %get3A_1783[%get3A_1784] {strides = array<i32>} : memref<128xi32, #tpu.memory_space<vmem>>, vector<16xi32>,
    %get3A_1786 = vector.shape_cast %get3A_1785 : vector<16xi32> to vector<16xi32>
    %and3A_1787 = arith.constant -256 : i32
    %and3A_1788 = vector.broadcast %and3A_1787 : i32 to vector<16xi32>
    %and3A_1789 = arith.andi %get3A_1786, %and3A_1788 : vector<16xi32>
    %and3A_1790 = arith.constant 127 : i32
    %and3A_1791 = vector.broadcast %and3A_1790 : i32 to vector<16xi32>
    %and3A_1792 = arith.andi %get3A_1786, %and3A_1791 : vector<16xi32>
    %shift_left3A_1793 = arith.constant 1 : i32
    %shift_left3A_1794 = vector.broadcast %shift_left3A_1793 : i32 to vector<16xi32>
    %shift_left3A_1795 = arith.shli %and3A_1792, %shift_left3A_1794 : vector<16xi32>
    %or3A_1796 = arith.ori %and3A_1789, %shift_left3A_1795 : vector<16xi32>
    %shift_right_arithmetic3A_1797 = arith.constant 7 : i32
    %shift_right_arithmetic3A_1798 = vector.broadcast %shift_right_arithmetic3A_1797 : i32 to vector<16xi32>
    %shift_right_arithmetic3A_1799 = arith.shrsi %get3A_1786, %shift_right_arithmetic3A_1798 : vector<16xi32>
    %and3A_1800 = arith.constant 1 : i32
    %and3A_1801 = vector.broadcast %and3A_1800 : i32 to vector<16xi32>
    %and3A_1802 = arith.andi %shift_right_arithmetic3A_1799, %and3A_1801 : vector<16xi32>
    %or3A_1803 = arith.ori %or3A_1796, %and3A_1802 : vector<16xi32>
    %swap3A_1804 = arith.constant 2 : i32
    %swap3A_1805 = arith.constant 0 : i32
    %swap3A_1806 = tpu.memref_slice %arg11[%swap3A_1804, %swap3A_1805] : memref<4x128xi32, #tpu.memory_space<vmem>> -> memref<1x128xi32, #tpu.memory_space<vmem>>
    %swap3A_1807 = tpu.memref_squeeze %swap3A_1806 : memref<1x128xi32, #tpu.memory_space<vmem>> -> memref<128xi32, #tpu.memory_space<vmem>>
    %swap3A_1808 = arith.constant 112 : index
    %swap3A_1809 = tpu.vector_load %swap3A_1807[%swap3A_1808] {strides = array<i32>} : memref<128xi32, #tpu.memory_space<vmem>>, vector<16xi32>,
    %swap3A_1810 = vector.shape_cast %swap3A_1809 : vector<16xi32> to vector<16xi32>
    %swap3A_1811 = vector.shape_cast %or3A_1803 : vector<16xi32> to vector<16xi32>
    tpu.vector_store %swap3A_1807[%swap3A_1808], %swap3A_1811 {strides = array<i32>} : memref<128xi32, #tpu.memory_space<vmem>>, vector<16xi32>,
    %get3A_1812 = arith.constant 3 : i32
    %get3A_1813 = arith.constant 0 : i32
    %get3A_1814 = tpu.memref_slice %arg11[%get3A_1812, %get3A_1813] : memref<4x128xi32, #tpu.memory_space<vmem>> -> memref<1x128xi32, #tpu.memory_space<vmem>>
    %get3A_1815 = tpu.memref_squeeze %get3A_1814 : memref<1x128xi32, #tpu.memory_space<vmem>> -> memref<128xi32, #tpu.memory_space<vmem>>
    %get3A_1816 = arith.constant 0 : index
    %get3A_1817 = tpu.vector_load %get3A_1815[%get3A_1816] {strides = array<i32>} : memref<128xi32, #tpu.memory_space<vmem>>, vector<16xi32>,
    %get3A_1818 = vector.shape_cast %get3A_1817 : vector<16xi32> to vector<16xi32>
    %and3A_1819 = arith.constant -256 : i32
    %and3A_1820 = vector.broadcast %and3A_1819 : i32 to vector<16xi32>
    %and3A_1821 = arith.andi %get3A_1818, %and3A_1820 : vector<16xi32>
    %and3A_1822 = arith.constant 127 : i32
    %and3A_1823 = vector.broadcast %and3A_1822 : i32 to vector<16xi32>
    %and3A_1824 = arith.andi %get3A_1818, %and3A_1823 : vector<16xi32>
    %shift_left3A_1825 = arith.constant 1 : i32
    %shift_left3A_1826 = vector.broadcast %shift_left3A_1825 : i32 to vector<16xi32>
    %shift_left3A_1827 = arith.shli %and3A_1824, %shift_left3A_1826 : vector<16xi32>
    %or3A_1828 = arith.ori %and3A_1821, %shift_left3A_1827 : vector<16xi32>
    %shift_right_arithmetic3A_1829 = arith.constant 7 : i32
    %shift_right_arithmetic3A_1830 = vector.broadcast %shift_right_arithmetic3A_1829 : i32 to vector<16xi32>
    %shift_right_arithmetic3A_1831 = arith.shrsi %get3A_1818, %shift_right_arithmetic3A_1830 : vector<16xi32>
    %and3A_1832 = arith.constant 1 : i32
    %and3A_1833 = vector.broadcast %and3A_1832 : i32 to vector<16xi32>
    %and3A_1834 = arith.andi %shift_right_arithmetic3A_1831, %and3A_1833 : vector<16xi32>
    %or3A_1835 = arith.ori %or3A_1828, %and3A_1834 : vector<16xi32>
    %swap3A_1836 = arith.constant 3 : i32
    %swap3A_1837 = arith.constant 0 : i32
    %swap3A_1838 = tpu.memref_slice %arg11[%swap3A_1836, %swap3A_1837] : memref<4x128xi32, #tpu.memory_space<vmem>> -> memref<1x128xi32, #tpu.memory_space<vmem>>
    %swap3A_1839 = tpu.memref_squeeze %swap3A_1838 : memref<1x128xi32, #tpu.memory_space<vmem>> -> memref<128xi32, #tpu.memory_space<vmem>>
    %swap3A_1840 = arith.constant 0 : index
    %swap3A_1841 = tpu.vector_load %swap3A_1839[%swap3A_1840] {strides = array<i32>} : memref<128xi32, #tpu.memory_space<vmem>>, vector<16xi32>,
    %swap3A_1842 = vector.shape_cast %swap3A_1841 : vector<16xi32> to vector<16xi32>
    %swap3A_1843 = vector.shape_cast %or3A_1835 : vector<16xi32> to vector<16xi32>
    tpu.vector_store %swap3A_1839[%swap3A_1840], %swap3A_1843 {strides = array<i32>} : memref<128xi32, #tpu.memory_space<vmem>>, vector<16xi32>,
    %get3A_1844 = arith.constant 3 : i32
    %get3A_1845 = arith.constant 0 : i32
    %get3A_1846 = tpu.memref_slice %arg11[%get3A_1844, %get3A_1845] : memref<4x128xi32, #tpu.memory_space<vmem>> -> memref<1x128xi32, #tpu.memory_space<vmem>>
    %get3A_1847 = tpu.memref_squeeze %get3A_1846 : memref<1x128xi32, #tpu.memory_space<vmem>> -> memref<128xi32, #tpu.memory_space<vmem>>
    %get3A_1848 = arith.constant 16 : index
    %get3A_1849 = tpu.vector_load %get3A_1847[%get3A_1848] {strides = array<i32>} : memref<128xi32, #tpu.memory_space<vmem>>, vector<16xi32>,
    %get3A_1850 = vector.shape_cast %get3A_1849 : vector<16xi32> to vector<16xi32>
    %and3A_1851 = arith.constant -256 : i32
    %and3A_1852 = vector.broadcast %and3A_1851 : i32 to vector<16xi32>
    %and3A_1853 = arith.andi %get3A_1850, %and3A_1852 : vector<16xi32>
    %and3A_1854 = arith.constant 127 : i32
    %and3A_1855 = vector.broadcast %and3A_1854 : i32 to vector<16xi32>
    %and3A_1856 = arith.andi %get3A_1850, %and3A_1855 : vector<16xi32>
    %shift_left3A_1857 = arith.constant 1 : i32
    %shift_left3A_1858 = vector.broadcast %shift_left3A_1857 : i32 to vector<16xi32>
    %shift_left3A_1859 = arith.shli %and3A_1856, %shift_left3A_1858 : vector<16xi32>
    %or3A_1860 = arith.ori %and3A_1853, %shift_left3A_1859 : vector<16xi32>
    %shift_right_arithmetic3A_1861 = arith.constant 7 : i32
    %shift_right_arithmetic3A_1862 = vector.broadcast %shift_right_arithmetic3A_1861 : i32 to vector<16xi32>
    %shift_right_arithmetic3A_1863 = arith.shrsi %get3A_1850, %shift_right_arithmetic3A_1862 : vector<16xi32>
    %and3A_1864 = arith.constant 1 : i32
    %and3A_1865 = vector.broadcast %and3A_1864 : i32 to vector<16xi32>
    %and3A_1866 = arith.andi %shift_right_arithmetic3A_1863, %and3A_1865 : vector<16xi32>
    %or3A_1867 = arith.ori %or3A_1860, %and3A_1866 : vector<16xi32>
    %swap3A_1868 = arith.constant 3 : i32
    %swap3A_1869 = arith.constant 0 : i32
    %swap3A_1870 = tpu.memref_slice %arg11[%swap3A_1868, %swap3A_1869] : memref<4x128xi32, #tpu.memory_space<vmem>> -> memref<1x128xi32, #tpu.memory_space<vmem>>
    %swap3A_1871 = tpu.memref_squeeze %swap3A_1870 : memref<1x128xi32, #tpu.memory_space<vmem>> -> memref<128xi32, #tpu.memory_space<vmem>>
    %swap3A_1872 = arith.constant 16 : index
    %swap3A_1873 = tpu.vector_load %swap3A_1871[%swap3A_1872] {strides = array<i32>} : memref<128xi32, #tpu.memory_space<vmem>>, vector<16xi32>,
    %swap3A_1874 = vector.shape_cast %swap3A_1873 : vector<16xi32> to vector<16xi32>
    %swap3A_1875 = vector.shape_cast %or3A_1867 : vector<16xi32> to vector<16xi32>
    tpu.vector_store %swap3A_1871[%swap3A_1872], %swap3A_1875 {strides = array<i32>} : memref<128xi32, #tpu.memory_space<vmem>>, vector<16xi32>,
    %get3A_1876 = arith.constant 3 : i32
    %get3A_1877 = arith.constant 0 : i32
    %get3A_1878 = tpu.memref_slice %arg11[%get3A_1876, %get3A_1877] : memref<4x128xi32, #tpu.memory_space<vmem>> -> memref<1x128xi32, #tpu.memory_space<vmem>>
    %get3A_1879 = tpu.memref_squeeze %get3A_1878 : memref<1x128xi32, #tpu.memory_space<vmem>> -> memref<128xi32, #tpu.memory_space<vmem>>
    %get3A_1880 = arith.constant 32 : index
    %get3A_1881 = tpu.vector_load %get3A_1879[%get3A_1880] {strides = array<i32>} : memref<128xi32, #tpu.memory_space<vmem>>, vector<16xi32>,
    %get3A_1882 = vector.shape_cast %get3A_1881 : vector<16xi32> to vector<16xi32>
    %and3A_1883 = arith.constant -256 : i32
    %and3A_1884 = vector.broadcast %and3A_1883 : i32 to vector<16xi32>
    %and3A_1885 = arith.andi %get3A_1882, %and3A_1884 : vector<16xi32>
    %and3A_1886 = arith.constant 127 : i32
    %and3A_1887 = vector.broadcast %and3A_1886 : i32 to vector<16xi32>
    %and3A_1888 = arith.andi %get3A_1882, %and3A_1887 : vector<16xi32>
    %shift_left3A_1889 = arith.constant 1 : i32
    %shift_left3A_1890 = vector.broadcast %shift_left3A_1889 : i32 to vector<16xi32>
    %shift_left3A_1891 = arith.shli %and3A_1888, %shift_left3A_1890 : vector<16xi32>
    %or3A_1892 = arith.ori %and3A_1885, %shift_left3A_1891 : vector<16xi32>
    %shift_right_arithmetic3A_1893 = arith.constant 7 : i32
    %shift_right_arithmetic3A_1894 = vector.broadcast %shift_right_arithmetic3A_1893 : i32 to vector<16xi32>
    %shift_right_arithmetic3A_1895 = arith.shrsi %get3A_1882, %shift_right_arithmetic3A_1894 : vector<16xi32>
    %and3A_1896 = arith.constant 1 : i32
    %and3A_1897 = vector.broadcast %and3A_1896 : i32 to vector<16xi32>
    %and3A_1898 = arith.andi %shift_right_arithmetic3A_1895, %and3A_1897 : vector<16xi32>
    %or3A_1899 = arith.ori %or3A_1892, %and3A_1898 : vector<16xi32>
    %swap3A_1900 = arith.constant 3 : i32
    %swap3A_1901 = arith.constant 0 : i32
    %swap3A_1902 = tpu.memref_slice %arg11[%swap3A_1900, %swap3A_1901] : memref<4x128xi32, #tpu.memory_space<vmem>> -> memref<1x128xi32, #tpu.memory_space<vmem>>
    %swap3A_1903 = tpu.memref_squeeze %swap3A_1902 : memref<1x128xi32, #tpu.memory_space<vmem>> -> memref<128xi32, #tpu.memory_space<vmem>>
    %swap3A_1904 = arith.constant 32 : index
    %swap3A_1905 = tpu.vector_load %swap3A_1903[%swap3A_1904] {strides = array<i32>} : memref<128xi32, #tpu.memory_space<vmem>>, vector<16xi32>,
    %swap3A_1906 = vector.shape_cast %swap3A_1905 : vector<16xi32> to vector<16xi32>
    %swap3A_1907 = vector.shape_cast %or3A_1899 : vector<16xi32> to vector<16xi32>
    tpu.vector_store %swap3A_1903[%swap3A_1904], %swap3A_1907 {strides = array<i32>} : memref<128xi32, #tpu.memory_space<vmem>>, vector<16xi32>,
    %get3A_1908 = arith.constant 3 : i32
    %get3A_1909 = arith.constant 0 : i32
    %get3A_1910 = tpu.memref_slice %arg11[%get3A_1908, %get3A_1909] : memref<4x128xi32, #tpu.memory_space<vmem>> -> memref<1x128xi32, #tpu.memory_space<vmem>>
    %get3A_1911 = tpu.memref_squeeze %get3A_1910 : memref<1x128xi32, #tpu.memory_space<vmem>> -> memref<128xi32, #tpu.memory_space<vmem>>
    %get3A_1912 = arith.constant 48 : index
    %get3A_1913 = tpu.vector_load %get3A_1911[%get3A_1912] {strides = array<i32>} : memref<128xi32, #tpu.memory_space<vmem>>, vector<16xi32>,
    %get3A_1914 = vector.shape_cast %get3A_1913 : vector<16xi32> to vector<16xi32>
    %and3A_1915 = arith.constant -256 : i32
    %and3A_1916 = vector.broadcast %and3A_1915 : i32 to vector<16xi32>
    %and3A_1917 = arith.andi %get3A_1914, %and3A_1916 : vector<16xi32>
    %and3A_1918 = arith.constant 127 : i32
    %and3A_1919 = vector.broadcast %and3A_1918 : i32 to vector<16xi32>
    %and3A_1920 = arith.andi %get3A_1914, %and3A_1919 : vector<16xi32>
    %shift_left3A_1921 = arith.constant 1 : i32
    %shift_left3A_1922 = vector.broadcast %shift_left3A_1921 : i32 to vector<16xi32>
    %shift_left3A_1923 = arith.shli %and3A_1920, %shift_left3A_1922 : vector<16xi32>
    %or3A_1924 = arith.ori %and3A_1917, %shift_left3A_1923 : vector<16xi32>
    %shift_right_arithmetic3A_1925 = arith.constant 7 : i32
    %shift_right_arithmetic3A_1926 = vector.broadcast %shift_right_arithmetic3A_1925 : i32 to vector<16xi32>
    %shift_right_arithmetic3A_1927 = arith.shrsi %get3A_1914, %shift_right_arithmetic3A_1926 : vector<16xi32>
    %and3A_1928 = arith.constant 1 : i32
    %and3A_1929 = vector.broadcast %and3A_1928 : i32 to vector<16xi32>
    %and3A_1930 = arith.andi %shift_right_arithmetic3A_1927, %and3A_1929 : vector<16xi32>
    %or3A_1931 = arith.ori %or3A_1924, %and3A_1930 : vector<16xi32>
    %swap3A_1932 = arith.constant 3 : i32
    %swap3A_1933 = arith.constant 0 : i32
    %swap3A_1934 = tpu.memref_slice %arg11[%swap3A_1932, %swap3A_1933] : memref<4x128xi32, #tpu.memory_space<vmem>> -> memref<1x128xi32, #tpu.memory_space<vmem>>
    %swap3A_1935 = tpu.memref_squeeze %swap3A_1934 : memref<1x128xi32, #tpu.memory_space<vmem>> -> memref<128xi32, #tpu.memory_space<vmem>>
    %swap3A_1936 = arith.constant 48 : index
    %swap3A_1937 = tpu.vector_load %swap3A_1935[%swap3A_1936] {strides = array<i32>} : memref<128xi32, #tpu.memory_space<vmem>>, vector<16xi32>,
    %swap3A_1938 = vector.shape_cast %swap3A_1937 : vector<16xi32> to vector<16xi32>
    %swap3A_1939 = vector.shape_cast %or3A_1931 : vector<16xi32> to vector<16xi32>
    tpu.vector_store %swap3A_1935[%swap3A_1936], %swap3A_1939 {strides = array<i32>} : memref<128xi32, #tpu.memory_space<vmem>>, vector<16xi32>,
    %get3A_1940 = arith.constant 3 : i32
    %get3A_1941 = arith.constant 0 : i32
    %get3A_1942 = tpu.memref_slice %arg11[%get3A_1940, %get3A_1941] : memref<4x128xi32, #tpu.memory_space<vmem>> -> memref<1x128xi32, #tpu.memory_space<vmem>>
    %get3A_1943 = tpu.memref_squeeze %get3A_1942 : memref<1x128xi32, #tpu.memory_space<vmem>> -> memref<128xi32, #tpu.memory_space<vmem>>
    %get3A_1944 = arith.constant 64 : index
    %get3A_1945 = tpu.vector_load %get3A_1943[%get3A_1944] {strides = array<i32>} : memref<128xi32, #tpu.memory_space<vmem>>, vector<16xi32>,
    %get3A_1946 = vector.shape_cast %get3A_1945 : vector<16xi32> to vector<16xi32>
    %and3A_1947 = arith.constant -256 : i32
    %and3A_1948 = vector.broadcast %and3A_1947 : i32 to vector<16xi32>
    %and3A_1949 = arith.andi %get3A_1946, %and3A_1948 : vector<16xi32>
    %and3A_1950 = arith.constant 127 : i32
    %and3A_1951 = vector.broadcast %and3A_1950 : i32 to vector<16xi32>
    %and3A_1952 = arith.andi %get3A_1946, %and3A_1951 : vector<16xi32>
    %shift_left3A_1953 = arith.constant 1 : i32
    %shift_left3A_1954 = vector.broadcast %shift_left3A_1953 : i32 to vector<16xi32>
    %shift_left3A_1955 = arith.shli %and3A_1952, %shift_left3A_1954 : vector<16xi32>
    %or3A_1956 = arith.ori %and3A_1949, %shift_left3A_1955 : vector<16xi32>
    %shift_right_arithmetic3A_1957 = arith.constant 7 : i32
    %shift_right_arithmetic3A_1958 = vector.broadcast %shift_right_arithmetic3A_1957 : i32 to vector<16xi32>
    %shift_right_arithmetic3A_1959 = arith.shrsi %get3A_1946, %shift_right_arithmetic3A_1958 : vector<16xi32>
    %and3A_1960 = arith.constant 1 : i32
    %and3A_1961 = vector.broadcast %and3A_1960 : i32 to vector<16xi32>
    %and3A_1962 = arith.andi %shift_right_arithmetic3A_1959, %and3A_1961 : vector<16xi32>
    %or3A_1963 = arith.ori %or3A_1956, %and3A_1962 : vector<16xi32>
    %swap3A_1964 = arith.constant 3 : i32
    %swap3A_1965 = arith.constant 0 : i32
    %swap3A_1966 = tpu.memref_slice %arg11[%swap3A_1964, %swap3A_1965] : memref<4x128xi32, #tpu.memory_space<vmem>> -> memref<1x128xi32, #tpu.memory_space<vmem>>
    %swap3A_1967 = tpu.memref_squeeze %swap3A_1966 : memref<1x128xi32, #tpu.memory_space<vmem>> -> memref<128xi32, #tpu.memory_space<vmem>>
    %swap3A_1968 = arith.constant 64 : index
    %swap3A_1969 = tpu.vector_load %swap3A_1967[%swap3A_1968] {strides = array<i32>} : memref<128xi32, #tpu.memory_space<vmem>>, vector<16xi32>,
    %swap3A_1970 = vector.shape_cast %swap3A_1969 : vector<16xi32> to vector<16xi32>
    %swap3A_1971 = vector.shape_cast %or3A_1963 : vector<16xi32> to vector<16xi32>
    tpu.vector_store %swap3A_1967[%swap3A_1968], %swap3A_1971 {strides = array<i32>} : memref<128xi32, #tpu.memory_space<vmem>>, vector<16xi32>,
    %get3A_1972 = arith.constant 3 : i32
    %get3A_1973 = arith.constant 0 : i32
    %get3A_1974 = tpu.memref_slice %arg11[%get3A_1972, %get3A_1973] : memref<4x128xi32, #tpu.memory_space<vmem>> -> memref<1x128xi32, #tpu.memory_space<vmem>>
    %get3A_1975 = tpu.memref_squeeze %get3A_1974 : memref<1x128xi32, #tpu.memory_space<vmem>> -> memref<128xi32, #tpu.memory_space<vmem>>
    %get3A_1976 = arith.constant 80 : index
    %get3A_1977 = tpu.vector_load %get3A_1975[%get3A_1976] {strides = array<i32>} : memref<128xi32, #tpu.memory_space<vmem>>, vector<16xi32>,
    %get3A_1978 = vector.shape_cast %get3A_1977 : vector<16xi32> to vector<16xi32>
    %and3A_1979 = arith.constant -256 : i32
    %and3A_1980 = vector.broadcast %and3A_1979 : i32 to vector<16xi32>
    %and3A_1981 = arith.andi %get3A_1978, %and3A_1980 : vector<16xi32>
    %and3A_1982 = arith.constant 127 : i32
    %and3A_1983 = vector.broadcast %and3A_1982 : i32 to vector<16xi32>
    %and3A_1984 = arith.andi %get3A_1978, %and3A_1983 : vector<16xi32>
    %shift_left3A_1985 = arith.constant 1 : i32
    %shift_left3A_1986 = vector.broadcast %shift_left3A_1985 : i32 to vector<16xi32>
    %shift_left3A_1987 = arith.shli %and3A_1984, %shift_left3A_1986 : vector<16xi32>
    %or3A_1988 = arith.ori %and3A_1981, %shift_left3A_1987 : vector<16xi32>
    %shift_right_arithmetic3A_1989 = arith.constant 7 : i32
    %shift_right_arithmetic3A_1990 = vector.broadcast %shift_right_arithmetic3A_1989 : i32 to vector<16xi32>
    %shift_right_arithmetic3A_1991 = arith.shrsi %get3A_1978, %shift_right_arithmetic3A_1990 : vector<16xi32>
    %and3A_1992 = arith.constant 1 : i32
    %and3A_1993 = vector.broadcast %and3A_1992 : i32 to vector<16xi32>
    %and3A_1994 = arith.andi %shift_right_arithmetic3A_1991, %and3A_1993 : vector<16xi32>
    %or3A_1995 = arith.ori %or3A_1988, %and3A_1994 : vector<16xi32>
    %swap3A_1996 = arith.constant 3 : i32
    %swap3A_1997 = arith.constant 0 : i32
    %swap3A_1998 = tpu.memref_slice %arg11[%swap3A_1996, %swap3A_1997] : memref<4x128xi32, #tpu.memory_space<vmem>> -> memref<1x128xi32, #tpu.memory_space<vmem>>
    %swap3A_1999 = tpu.memref_squeeze %swap3A_1998 : memref<1x128xi32, #tpu.memory_space<vmem>> -> memref<128xi32, #tpu.memory_space<vmem>>
    %swap3A_2000 = arith.constant 80 : index
    %swap3A_2001 = tpu.vector_load %swap3A_1999[%swap3A_2000] {strides = array<i32>} : memref<128xi32, #tpu.memory_space<vmem>>, vector<16xi32>,
    %swap3A_2002 = vector.shape_cast %swap3A_2001 : vector<16xi32> to vector<16xi32>
    %swap3A_2003 = vector.shape_cast %or3A_1995 : vector<16xi32> to vector<16xi32>
    tpu.vector_store %swap3A_1999[%swap3A_2000], %swap3A_2003 {strides = array<i32>} : memref<128xi32, #tpu.memory_space<vmem>>, vector<16xi32>,
    %get3A_2004 = arith.constant 3 : i32
    %get3A_2005 = arith.constant 0 : i32
    %get3A_2006 = tpu.memref_slice %arg11[%get3A_2004, %get3A_2005] : memref<4x128xi32, #tpu.memory_space<vmem>> -> memref<1x128xi32, #tpu.memory_space<vmem>>
    %get3A_2007 = tpu.memref_squeeze %get3A_2006 : memref<1x128xi32, #tpu.memory_space<vmem>> -> memref<128xi32, #tpu.memory_space<vmem>>
    %get3A_2008 = arith.constant 96 : index
    %get3A_2009 = tpu.vector_load %get3A_2007[%get3A_2008] {strides = array<i32>} : memref<128xi32, #tpu.memory_space<vmem>>, vector<16xi32>,
    %get3A_2010 = vector.shape_cast %get3A_2009 : vector<16xi32> to vector<16xi32>
    %and3A_2011 = arith.constant -256 : i32
    %and3A_2012 = vector.broadcast %and3A_2011 : i32 to vector<16xi32>
    %and3A_2013 = arith.andi %get3A_2010, %and3A_2012 : vector<16xi32>
    %and3A_2014 = arith.constant 127 : i32
    %and3A_2015 = vector.broadcast %and3A_2014 : i32 to vector<16xi32>
    %and3A_2016 = arith.andi %get3A_2010, %and3A_2015 : vector<16xi32>
    %shift_left3A_2017 = arith.constant 1 : i32
    %shift_left3A_2018 = vector.broadcast %shift_left3A_2017 : i32 to vector<16xi32>
    %shift_left3A_2019 = arith.shli %and3A_2016, %shift_left3A_2018 : vector<16xi32>
    %or3A_2020 = arith.ori %and3A_2013, %shift_left3A_2019 : vector<16xi32>
    %shift_right_arithmetic3A_2021 = arith.constant 7 : i32
    %shift_right_arithmetic3A_2022 = vector.broadcast %shift_right_arithmetic3A_2021 : i32 to vector<16xi32>
    %shift_right_arithmetic3A_2023 = arith.shrsi %get3A_2010, %shift_right_arithmetic3A_2022 : vector<16xi32>
    %and3A_2024 = arith.constant 1 : i32
    %and3A_2025 = vector.broadcast %and3A_2024 : i32 to vector<16xi32>
    %and3A_2026 = arith.andi %shift_right_arithmetic3A_2023, %and3A_2025 : vector<16xi32>
    %or3A_2027 = arith.ori %or3A_2020, %and3A_2026 : vector<16xi32>
    %swap3A_2028 = arith.constant 3 : i32
    %swap3A_2029 = arith.constant 0 : i32
    %swap3A_2030 = tpu.memref_slice %arg11[%swap3A_2028, %swap3A_2029] : memref<4x128xi32, #tpu.memory_space<vmem>> -> memref<1x128xi32, #tpu.memory_space<vmem>>
    %swap3A_2031 = tpu.memref_squeeze %swap3A_2030 : memref<1x128xi32, #tpu.memory_space<vmem>> -> memref<128xi32, #tpu.memory_space<vmem>>
    %swap3A_2032 = arith.constant 96 : index
    %swap3A_2033 = tpu.vector_load %swap3A_2031[%swap3A_2032] {strides = array<i32>} : memref<128xi32, #tpu.memory_space<vmem>>, vector<16xi32>,
    %swap3A_2034 = vector.shape_cast %swap3A_2033 : vector<16xi32> to vector<16xi32>
    %swap3A_2035 = vector.shape_cast %or3A_2027 : vector<16xi32> to vector<16xi32>
    tpu.vector_store %swap3A_2031[%swap3A_2032], %swap3A_2035 {strides = array<i32>} : memref<128xi32, #tpu.memory_space<vmem>>, vector<16xi32>,
    %get3A_2036 = arith.constant 3 : i32
    %get3A_2037 = arith.constant 0 : i32
    %get3A_2038 = tpu.memref_slice %arg11[%get3A_2036, %get3A_2037] : memref<4x128xi32, #tpu.memory_space<vmem>> -> memref<1x128xi32, #tpu.memory_space<vmem>>
    %get3A_2039 = tpu.memref_squeeze %get3A_2038 : memref<1x128xi32, #tpu.memory_space<vmem>> -> memref<128xi32, #tpu.memory_space<vmem>>
    %get3A_2040 = arith.constant 112 : index
    %get3A_2041 = tpu.vector_load %get3A_2039[%get3A_2040] {strides = array<i32>} : memref<128xi32, #tpu.memory_space<vmem>>, vector<16xi32>,
    %get3A_2042 = vector.shape_cast %get3A_2041 : vector<16xi32> to vector<16xi32>
    %and3A_2043 = arith.constant -256 : i32
    %and3A_2044 = vector.broadcast %and3A_2043 : i32 to vector<16xi32>
    %and3A_2045 = arith.andi %get3A_2042, %and3A_2044 : vector<16xi32>
    %and3A_2046 = arith.constant 127 : i32
    %and3A_2047 = vector.broadcast %and3A_2046 : i32 to vector<16xi32>
    %and3A_2048 = arith.andi %get3A_2042, %and3A_2047 : vector<16xi32>
    %shift_left3A_2049 = arith.constant 1 : i32
    %shift_left3A_2050 = vector.broadcast %shift_left3A_2049 : i32 to vector<16xi32>
    %shift_left3A_2051 = arith.shli %and3A_2048, %shift_left3A_2050 : vector<16xi32>
    %or3A_2052 = arith.ori %and3A_2045, %shift_left3A_2051 : vector<16xi32>
    %shift_right_arithmetic3A_2053 = arith.constant 7 : i32
    %shift_right_arithmetic3A_2054 = vector.broadcast %shift_right_arithmetic3A_2053 : i32 to vector<16xi32>
    %shift_right_arithmetic3A_2055 = arith.shrsi %get3A_2042, %shift_right_arithmetic3A_2054 : vector<16xi32>
    %and3A_2056 = arith.constant 1 : i32
    %and3A_2057 = vector.broadcast %and3A_2056 : i32 to vector<16xi32>
    %and3A_2058 = arith.andi %shift_right_arithmetic3A_2055, %and3A_2057 : vector<16xi32>
    %or3A_2059 = arith.ori %or3A_2052, %and3A_2058 : vector<16xi32>
    %swap3A_2060 = arith.constant 3 : i32
    %swap3A_2061 = arith.constant 0 : i32
    %swap3A_2062 = tpu.memref_slice %arg11[%swap3A_2060, %swap3A_2061] : memref<4x128xi32, #tpu.memory_space<vmem>> -> memref<1x128xi32, #tpu.memory_space<vmem>>
    %swap3A_2063 = tpu.memref_squeeze %swap3A_2062 : memref<1x128xi32, #tpu.memory_space<vmem>> -> memref<128xi32, #tpu.memory_space<vmem>>
    %swap3A_2064 = arith.constant 112 : index
    %swap3A_2065 = tpu.vector_load %swap3A_2063[%swap3A_2064] {strides = array<i32>} : memref<128xi32, #tpu.memory_space<vmem>>, vector<16xi32>,
    %swap3A_2066 = vector.shape_cast %swap3A_2065 : vector<16xi32> to vector<16xi32>
    %swap3A_2067 = vector.shape_cast %or3A_2059 : vector<16xi32> to vector<16xi32>
    tpu.vector_store %swap3A_2063[%swap3A_2064], %swap3A_2067 {strides = array<i32>} : memref<128xi32, #tpu.memory_space<vmem>>, vector<16xi32>,
    %add3A_2068 = arith.constant 0 : i32
    %add3A_2069 = arith.addi %mul3A_2, %add3A_2068 : i32
    %add3A_2070 = arith.constant 128 : i32
    %add3A_2071 = arith.addi %mul3A_2, %add3A_2070 : i32
    %add3A_2072 = arith.constant 256 : i32
    %add3A_2073 = arith.addi %mul3A_2, %add3A_2072 : i32
    %add3A_2074 = arith.constant 384 : i32
    %add3A_2075 = arith.addi %mul3A_2, %add3A_2074 : i32
    %add3A_2076 = arith.constant 0 : i32
    %add3A_2077 = arith.addi %mul3A_2, %add3A_2076 : i32
    %add3A_2078 = arith.constant 128 : i32
    %add3A_2079 = arith.addi %mul3A_2, %add3A_2078 : i32
    %add3A_2080 = arith.constant 256 : i32
    %add3A_2081 = arith.addi %mul3A_2, %add3A_2080 : i32
    %add3A_2082 = arith.constant 384 : i32
    %add3A_2083 = arith.addi %mul3A_2, %add3A_2082 : i32
    %add3A_2084 = arith.constant 0 : i32
    %add3A_2085 = arith.addi %mul3A_2, %add3A_2084 : i32
    %add3A_2086 = arith.constant 128 : i32
    %add3A_2087 = arith.addi %mul3A_2, %add3A_2086 : i32
    %add3A_2088 = arith.constant 256 : i32
    %add3A_2089 = arith.addi %mul3A_2, %add3A_2088 : i32
    %add3A_2090 = arith.constant 384 : i32
    %add3A_2091 = arith.addi %mul3A_2, %add3A_2090 : i32
    %add3A_2092 = arith.constant 0 : i32
    %add3A_2093 = arith.addi %mul3A_2, %add3A_2092 : i32
    %add3A_2094 = arith.constant 128 : i32
    %add3A_2095 = arith.addi %mul3A_2, %add3A_2094 : i32
    %add3A_2096 = arith.constant 256 : i32
    %add3A_2097 = arith.addi %mul3A_2, %add3A_2096 : i32
    %add3A_2098 = arith.constant 384 : i32
    %add3A_2099 = arith.addi %mul3A_2, %add3A_2098 : i32
    %dma_start3A = arith.constant 0 : i32
    %dma_start3A_2100 = arith.constant 0 : i32
    %dma_start3A_2101 = tpu.memref_slice %arg10[%dma_start3A, %dma_start3A_2100] : memref<4x128xi32, #tpu.memory_space<vmem>> -> memref<1x128xi32, #tpu.memory_space<vmem>>
    %dma_start3A_2102 = tpu.memref_squeeze %dma_start3A_2101 : memref<1x128xi32, #tpu.memory_space<vmem>> -> memref<128xi32, #tpu.memory_space<vmem>>
    %dma_start3A_2103 = arith.constant 0 : i32
    %dma_start3A_2104 = arith.constant 0 : i32
    %dma_start3A_2105 = tpu.memref_slice %arg4[%dma_start3A_2103, %dma_start3A_2104] : memref<102400x64xf32, #tpu.memory_space<hbm>> -> memref<102400x64xf32, #tpu.memory_space<hbm>>
    tpu.enqueue_indirect_dma source(%dma_start3A_2105 : memref<102400x64xf32, #tpu.memory_space<hbm>>) target(%arg12 : memref<128x64xf32, #tpu.memory_space<vmem>>) offsets(%dma_start3A_2102 : memref<128xi32, #tpu.memory_space<vmem>>) semaphore(%arg16 : memref<!tpu.dma_semaphore, #tpu.memory_space<semaphore_mem>>)
    %dma_start3A_2106 = arith.constant 1 : i32
    %dma_start3A_2107 = arith.constant 0 : i32
    %dma_start3A_2108 = tpu.memref_slice %arg10[%dma_start3A_2106, %dma_start3A_2107] : memref<4x128xi32, #tpu.memory_space<vmem>> -> memref<1x128xi32, #tpu.memory_space<vmem>>
    %dma_start3A_2109 = tpu.memref_squeeze %dma_start3A_2108 : memref<1x128xi32, #tpu.memory_space<vmem>> -> memref<128xi32, #tpu.memory_space<vmem>>
    %dma_start3A_2110 = arith.constant 0 : i32
    %dma_start3A_2111 = arith.constant 0 : i32
    %dma_start3A_2112 = tpu.memref_slice %arg4[%dma_start3A_2110, %dma_start3A_2111] : memref<102400x64xf32, #tpu.memory_space<hbm>> -> memref<102400x64xf32, #tpu.memory_space<hbm>>
    tpu.enqueue_indirect_dma source(%dma_start3A_2112 : memref<102400x64xf32, #tpu.memory_space<hbm>>) target(%arg13 : memref<128x64xf32, #tpu.memory_space<vmem>>) offsets(%dma_start3A_2109 : memref<128xi32, #tpu.memory_space<vmem>>) semaphore(%arg17 : memref<!tpu.dma_semaphore, #tpu.memory_space<semaphore_mem>>)
    %dma_wait3A = arith.constant 0 : i32
    %dma_wait3A_2113 = arith.constant 0 : i32
    %dma_wait3A_2114 = tpu.memref_slice %arg10[%dma_wait3A, %dma_wait3A_2113] : memref<4x128xi32, #tpu.memory_space<vmem>> -> memref<1x128xi32, #tpu.memory_space<vmem>>
    %dma_wait3A_2115 = tpu.memref_squeeze %dma_wait3A_2114 : memref<1x128xi32, #tpu.memory_space<vmem>> -> memref<128xi32, #tpu.memory_space<vmem>>
    %dma_wait3A_2116 = arith.constant 0 : i32
    %dma_wait3A_2117 = arith.constant 0 : i32
    %dma_wait3A_2118 = tpu.memref_slice %arg4[%dma_wait3A_2116, %dma_wait3A_2117] : memref<102400x64xf32, #tpu.memory_space<hbm>> -> memref<102400x64xf32, #tpu.memory_space<hbm>>
    tpu.wait_indirect_dma semaphore(%arg16 : memref<!tpu.dma_semaphore, #tpu.memory_space<semaphore_mem>>) src(%dma_wait3A_2118 : memref<102400x64xf32, #tpu.memory_space<hbm>>) dst(%arg12 : memref<128x64xf32, #tpu.memory_space<vmem>>)
    %dma_start3A_2119 = arith.constant 0 : i32
    %dma_start3A_2120 = tpu.memref_slice %arg8[%add3A_2069, %dma_start3A_2119] : memref<16384x128xf32, #tpu.memory_space<hbm>> -> memref<128x64xf32, #tpu.memory_space<hbm>>
    %dma_start3A_2121 = arith.constant 0 : i32
    %dma_start3A_2122 = tpu.memref_slice %arg8[%add3A_2069, %dma_start3A_2121] : memref<16384x128xf32, #tpu.memory_space<hbm>> -> memref<128x64xf32, #tpu.memory_space<hbm>>
    tpu.enqueue_dma source(%arg12 : memref<128x64xf32, #tpu.memory_space<vmem>>) target(%dma_start3A_2122 : memref<128x64xf32, #tpu.memory_space<hbm>>) target_semaphore(%arg20 : memref<!tpu.dma_semaphore, #tpu.memory_space<semaphore_mem>>)
    %dma_start3A_2123 = arith.constant 2 : i32
    %dma_start3A_2124 = arith.constant 0 : i32
    %dma_start3A_2125 = tpu.memref_slice %arg10[%dma_start3A_2123, %dma_start3A_2124] : memref<4x128xi32, #tpu.memory_space<vmem>> -> memref<1x128xi32, #tpu.memory_space<vmem>>
    %dma_start3A_2126 = tpu.memref_squeeze %dma_start3A_2125 : memref<1x128xi32, #tpu.memory_space<vmem>> -> memref<128xi32, #tpu.memory_space<vmem>>
    %dma_start3A_2127 = arith.constant 0 : i32
    %dma_start3A_2128 = arith.constant 0 : i32
    %dma_start3A_2129 = tpu.memref_slice %arg4[%dma_start3A_2127, %dma_start3A_2128] : memref<102400x64xf32, #tpu.memory_space<hbm>> -> memref<102400x64xf32, #tpu.memory_space<hbm>>
    tpu.enqueue_indirect_dma source(%dma_start3A_2129 : memref<102400x64xf32, #tpu.memory_space<hbm>>) target(%arg14 : memref<128x64xf32, #tpu.memory_space<vmem>>) offsets(%dma_start3A_2126 : memref<128xi32, #tpu.memory_space<vmem>>) semaphore(%arg18 : memref<!tpu.dma_semaphore, #tpu.memory_space<semaphore_mem>>)
    %dma_wait3A_2130 = arith.constant 1 : i32
    %dma_wait3A_2131 = arith.constant 0 : i32
    %dma_wait3A_2132 = tpu.memref_slice %arg10[%dma_wait3A_2130, %dma_wait3A_2131] : memref<4x128xi32, #tpu.memory_space<vmem>> -> memref<1x128xi32, #tpu.memory_space<vmem>>
    %dma_wait3A_2133 = tpu.memref_squeeze %dma_wait3A_2132 : memref<1x128xi32, #tpu.memory_space<vmem>> -> memref<128xi32, #tpu.memory_space<vmem>>
    %dma_wait3A_2134 = arith.constant 0 : i32
    %dma_wait3A_2135 = arith.constant 0 : i32
    %dma_wait3A_2136 = tpu.memref_slice %arg4[%dma_wait3A_2134, %dma_wait3A_2135] : memref<102400x64xf32, #tpu.memory_space<hbm>> -> memref<102400x64xf32, #tpu.memory_space<hbm>>
    tpu.wait_indirect_dma semaphore(%arg17 : memref<!tpu.dma_semaphore, #tpu.memory_space<semaphore_mem>>) src(%dma_wait3A_2136 : memref<102400x64xf32, #tpu.memory_space<hbm>>) dst(%arg13 : memref<128x64xf32, #tpu.memory_space<vmem>>)
    %dma_start3A_2137 = arith.constant 0 : i32
    %dma_start3A_2138 = tpu.memref_slice %arg8[%add3A_2071, %dma_start3A_2137] : memref<16384x128xf32, #tpu.memory_space<hbm>> -> memref<128x64xf32, #tpu.memory_space<hbm>>
    %dma_start3A_2139 = arith.constant 0 : i32
    %dma_start3A_2140 = tpu.memref_slice %arg8[%add3A_2071, %dma_start3A_2139] : memref<16384x128xf32, #tpu.memory_space<hbm>> -> memref<128x64xf32, #tpu.memory_space<hbm>>
    tpu.enqueue_dma source(%arg13 : memref<128x64xf32, #tpu.memory_space<vmem>>) target(%dma_start3A_2140 : memref<128x64xf32, #tpu.memory_space<hbm>>) target_semaphore(%arg21 : memref<!tpu.dma_semaphore, #tpu.memory_space<semaphore_mem>>)
    %dma_start3A_2141 = arith.constant 3 : i32
    %dma_start3A_2142 = arith.constant 0 : i32
    %dma_start3A_2143 = tpu.memref_slice %arg10[%dma_start3A_2141, %dma_start3A_2142] : memref<4x128xi32, #tpu.memory_space<vmem>> -> memref<1x128xi32, #tpu.memory_space<vmem>>
    %dma_start3A_2144 = tpu.memref_squeeze %dma_start3A_2143 : memref<1x128xi32, #tpu.memory_space<vmem>> -> memref<128xi32, #tpu.memory_space<vmem>>
    %dma_start3A_2145 = arith.constant 0 : i32
    %dma_start3A_2146 = arith.constant 0 : i32
    %dma_start3A_2147 = tpu.memref_slice %arg4[%dma_start3A_2145, %dma_start3A_2146] : memref<102400x64xf32, #tpu.memory_space<hbm>> -> memref<102400x64xf32, #tpu.memory_space<hbm>>
    tpu.enqueue_indirect_dma source(%dma_start3A_2147 : memref<102400x64xf32, #tpu.memory_space<hbm>>) target(%arg15 : memref<128x64xf32, #tpu.memory_space<vmem>>) offsets(%dma_start3A_2144 : memref<128xi32, #tpu.memory_space<vmem>>) semaphore(%arg19 : memref<!tpu.dma_semaphore, #tpu.memory_space<semaphore_mem>>)
    %dma_wait3A_2148 = arith.constant 2 : i32
    %dma_wait3A_2149 = arith.constant 0 : i32
    %dma_wait3A_2150 = tpu.memref_slice %arg10[%dma_wait3A_2148, %dma_wait3A_2149] : memref<4x128xi32, #tpu.memory_space<vmem>> -> memref<1x128xi32, #tpu.memory_space<vmem>>
    %dma_wait3A_2151 = tpu.memref_squeeze %dma_wait3A_2150 : memref<1x128xi32, #tpu.memory_space<vmem>> -> memref<128xi32, #tpu.memory_space<vmem>>
    %dma_wait3A_2152 = arith.constant 0 : i32
    %dma_wait3A_2153 = arith.constant 0 : i32
    %dma_wait3A_2154 = tpu.memref_slice %arg4[%dma_wait3A_2152, %dma_wait3A_2153] : memref<102400x64xf32, #tpu.memory_space<hbm>> -> memref<102400x64xf32, #tpu.memory_space<hbm>>
    tpu.wait_indirect_dma semaphore(%arg18 : memref<!tpu.dma_semaphore, #tpu.memory_space<semaphore_mem>>) src(%dma_wait3A_2154 : memref<102400x64xf32, #tpu.memory_space<hbm>>) dst(%arg14 : memref<128x64xf32, #tpu.memory_space<vmem>>)
    %dma_start3A_2155 = arith.constant 0 : i32
    %dma_start3A_2156 = tpu.memref_slice %arg8[%add3A_2073, %dma_start3A_2155] : memref<16384x128xf32, #tpu.memory_space<hbm>> -> memref<128x64xf32, #tpu.memory_space<hbm>>
    %dma_start3A_2157 = arith.constant 0 : i32
    %dma_start3A_2158 = tpu.memref_slice %arg8[%add3A_2073, %dma_start3A_2157] : memref<16384x128xf32, #tpu.memory_space<hbm>> -> memref<128x64xf32, #tpu.memory_space<hbm>>
    tpu.enqueue_dma source(%arg14 : memref<128x64xf32, #tpu.memory_space<vmem>>) target(%dma_start3A_2158 : memref<128x64xf32, #tpu.memory_space<hbm>>) target_semaphore(%arg22 : memref<!tpu.dma_semaphore, #tpu.memory_space<semaphore_mem>>)
    %dma_wait3A_2159 = arith.constant 0 : i32
    %dma_wait3A_2160 = tpu.memref_slice %arg8[%add3A_2069, %dma_wait3A_2159] : memref<16384x128xf32, #tpu.memory_space<hbm>> -> memref<128x64xf32, #tpu.memory_space<hbm>>
    %dma_wait3A_2161 = arith.constant 0 : i32
    %dma_wait3A_2162 = tpu.memref_slice %arg8[%add3A_2069, %dma_wait3A_2161] : memref<16384x128xf32, #tpu.memory_space<hbm>> -> memref<128x64xf32, #tpu.memory_space<hbm>>
    tpu.wait_dma2 semaphore(%arg20 : memref<!tpu.dma_semaphore, #tpu.memory_space<semaphore_mem>>) src(%arg12 : memref<128x64xf32, #tpu.memory_space<vmem>>) dst(%dma_wait3A_2162 : memref<128x64xf32, #tpu.memory_space<hbm>>)
    %dma_start3A_2163 = arith.constant 0 : i32
    %dma_start3A_2164 = arith.constant 0 : i32
    %dma_start3A_2165 = tpu.memref_slice %arg11[%dma_start3A_2163, %dma_start3A_2164] : memref<4x128xi32, #tpu.memory_space<vmem>> -> memref<1x128xi32, #tpu.memory_space<vmem>>
    %dma_start3A_2166 = tpu.memref_squeeze %dma_start3A_2165 : memref<1x128xi32, #tpu.memory_space<vmem>> -> memref<128xi32, #tpu.memory_space<vmem>>
    %dma_start3A_2167 = arith.constant 0 : i32
    %dma_start3A_2168 = arith.constant 0 : i32
    %dma_start3A_2169 = tpu.memref_slice %arg5[%dma_start3A_2167, %dma_start3A_2168] : memref<102400x64xf32, #tpu.memory_space<hbm>> -> memref<102400x64xf32, #tpu.memory_space<hbm>>
    tpu.enqueue_indirect_dma source(%dma_start3A_2169 : memref<102400x64xf32, #tpu.memory_space<hbm>>) target(%arg12 : memref<128x64xf32, #tpu.memory_space<vmem>>) offsets(%dma_start3A_2166 : memref<128xi32, #tpu.memory_space<vmem>>) semaphore(%arg16 : memref<!tpu.dma_semaphore, #tpu.memory_space<semaphore_mem>>)
    %dma_wait3A_2170 = arith.constant 3 : i32
    %dma_wait3A_2171 = arith.constant 0 : i32
    %dma_wait3A_2172 = tpu.memref_slice %arg10[%dma_wait3A_2170, %dma_wait3A_2171] : memref<4x128xi32, #tpu.memory_space<vmem>> -> memref<1x128xi32, #tpu.memory_space<vmem>>
    %dma_wait3A_2173 = tpu.memref_squeeze %dma_wait3A_2172 : memref<1x128xi32, #tpu.memory_space<vmem>> -> memref<128xi32, #tpu.memory_space<vmem>>
    %dma_wait3A_2174 = arith.constant 0 : i32
    %dma_wait3A_2175 = arith.constant 0 : i32
    %dma_wait3A_2176 = tpu.memref_slice %arg4[%dma_wait3A_2174, %dma_wait3A_2175] : memref<102400x64xf32, #tpu.memory_space<hbm>> -> memref<102400x64xf32, #tpu.memory_space<hbm>>
    tpu.wait_indirect_dma semaphore(%arg19 : memref<!tpu.dma_semaphore, #tpu.memory_space<semaphore_mem>>) src(%dma_wait3A_2176 : memref<102400x64xf32, #tpu.memory_space<hbm>>) dst(%arg15 : memref<128x64xf32, #tpu.memory_space<vmem>>)
    %dma_start3A_2177 = arith.constant 0 : i32
    %dma_start3A_2178 = tpu.memref_slice %arg8[%add3A_2075, %dma_start3A_2177] : memref<16384x128xf32, #tpu.memory_space<hbm>> -> memref<128x64xf32, #tpu.memory_space<hbm>>
    %dma_start3A_2179 = arith.constant 0 : i32
    %dma_start3A_2180 = tpu.memref_slice %arg8[%add3A_2075, %dma_start3A_2179] : memref<16384x128xf32, #tpu.memory_space<hbm>> -> memref<128x64xf32, #tpu.memory_space<hbm>>
    tpu.enqueue_dma source(%arg15 : memref<128x64xf32, #tpu.memory_space<vmem>>) target(%dma_start3A_2180 : memref<128x64xf32, #tpu.memory_space<hbm>>) target_semaphore(%arg23 : memref<!tpu.dma_semaphore, #tpu.memory_space<semaphore_mem>>)
    %dma_wait3A_2181 = arith.constant 0 : i32
    %dma_wait3A_2182 = tpu.memref_slice %arg8[%add3A_2071, %dma_wait3A_2181] : memref<16384x128xf32, #tpu.memory_space<hbm>> -> memref<128x64xf32, #tpu.memory_space<hbm>>
    %dma_wait3A_2183 = arith.constant 0 : i32
    %dma_wait3A_2184 = tpu.memref_slice %arg8[%add3A_2071, %dma_wait3A_2183] : memref<16384x128xf32, #tpu.memory_space<hbm>> -> memref<128x64xf32, #tpu.memory_space<hbm>>
    tpu.wait_dma2 semaphore(%arg21 : memref<!tpu.dma_semaphore, #tpu.memory_space<semaphore_mem>>) src(%arg13 : memref<128x64xf32, #tpu.memory_space<vmem>>) dst(%dma_wait3A_2184 : memref<128x64xf32, #tpu.memory_space<hbm>>)
    %dma_start3A_2185 = arith.constant 1 : i32
    %dma_start3A_2186 = arith.constant 0 : i32
    %dma_start3A_2187 = tpu.memref_slice %arg11[%dma_start3A_2185, %dma_start3A_2186] : memref<4x128xi32, #tpu.memory_space<vmem>> -> memref<1x128xi32, #tpu.memory_space<vmem>>
    %dma_start3A_2188 = tpu.memref_squeeze %dma_start3A_2187 : memref<1x128xi32, #tpu.memory_space<vmem>> -> memref<128xi32, #tpu.memory_space<vmem>>
    %dma_start3A_2189 = arith.constant 0 : i32
    %dma_start3A_2190 = arith.constant 0 : i32
    %dma_start3A_2191 = tpu.memref_slice %arg5[%dma_start3A_2189, %dma_start3A_2190] : memref<102400x64xf32, #tpu.memory_space<hbm>> -> memref<102400x64xf32, #tpu.memory_space<hbm>>
    tpu.enqueue_indirect_dma source(%dma_start3A_2191 : memref<102400x64xf32, #tpu.memory_space<hbm>>) target(%arg13 : memref<128x64xf32, #tpu.memory_space<vmem>>) offsets(%dma_start3A_2188 : memref<128xi32, #tpu.memory_space<vmem>>) semaphore(%arg17 : memref<!tpu.dma_semaphore, #tpu.memory_space<semaphore_mem>>)
    %dma_wait3A_2192 = arith.constant 0 : i32
    %dma_wait3A_2193 = arith.constant 0 : i32
    %dma_wait3A_2194 = tpu.memref_slice %arg11[%dma_wait3A_2192, %dma_wait3A_2193] : memref<4x128xi32, #tpu.memory_space<vmem>> -> memref<1x128xi32, #tpu.memory_space<vmem>>
    %dma_wait3A_2195 = tpu.memref_squeeze %dma_wait3A_2194 : memref<1x128xi32, #tpu.memory_space<vmem>> -> memref<128xi32, #tpu.memory_space<vmem>>
    %dma_wait3A_2196 = arith.constant 0 : i32
    %dma_wait3A_2197 = arith.constant 0 : i32
    %dma_wait3A_2198 = tpu.memref_slice %arg5[%dma_wait3A_2196, %dma_wait3A_2197] : memref<102400x64xf32, #tpu.memory_space<hbm>> -> memref<102400x64xf32, #tpu.memory_space<hbm>>
    tpu.wait_indirect_dma semaphore(%arg16 : memref<!tpu.dma_semaphore, #tpu.memory_space<semaphore_mem>>) src(%dma_wait3A_2198 : memref<102400x64xf32, #tpu.memory_space<hbm>>) dst(%arg12 : memref<128x64xf32, #tpu.memory_space<vmem>>)
    %dma_start3A_2199 = arith.constant 64 : i32
    %dma_start3A_2200 = tpu.memref_slice %arg8[%add3A_2077, %dma_start3A_2199] : memref<16384x128xf32, #tpu.memory_space<hbm>> -> memref<128x64xf32, #tpu.memory_space<hbm>>
    %dma_start3A_2201 = arith.constant 64 : i32
    %dma_start3A_2202 = tpu.memref_slice %arg8[%add3A_2077, %dma_start3A_2201] : memref<16384x128xf32, #tpu.memory_space<hbm>> -> memref<128x64xf32, #tpu.memory_space<hbm>>
    tpu.enqueue_dma source(%arg12 : memref<128x64xf32, #tpu.memory_space<vmem>>) target(%dma_start3A_2202 : memref<128x64xf32, #tpu.memory_space<hbm>>) target_semaphore(%arg20 : memref<!tpu.dma_semaphore, #tpu.memory_space<semaphore_mem>>)
    %dma_wait3A_2203 = arith.constant 0 : i32
    %dma_wait3A_2204 = tpu.memref_slice %arg8[%add3A_2073, %dma_wait3A_2203] : memref<16384x128xf32, #tpu.memory_space<hbm>> -> memref<128x64xf32, #tpu.memory_space<hbm>>
    %dma_wait3A_2205 = arith.constant 0 : i32
    %dma_wait3A_2206 = tpu.memref_slice %arg8[%add3A_2073, %dma_wait3A_2205] : memref<16384x128xf32, #tpu.memory_space<hbm>> -> memref<128x64xf32, #tpu.memory_space<hbm>>
    tpu.wait_dma2 semaphore(%arg22 : memref<!tpu.dma_semaphore, #tpu.memory_space<semaphore_mem>>) src(%arg14 : memref<128x64xf32, #tpu.memory_space<vmem>>) dst(%dma_wait3A_2206 : memref<128x64xf32, #tpu.memory_space<hbm>>)
    %dma_start3A_2207 = arith.constant 2 : i32
    %dma_start3A_2208 = arith.constant 0 : i32
    %dma_start3A_2209 = tpu.memref_slice %arg11[%dma_start3A_2207, %dma_start3A_2208] : memref<4x128xi32, #tpu.memory_space<vmem>> -> memref<1x128xi32, #tpu.memory_space<vmem>>
    %dma_start3A_2210 = tpu.memref_squeeze %dma_start3A_2209 : memref<1x128xi32, #tpu.memory_space<vmem>> -> memref<128xi32, #tpu.memory_space<vmem>>
    %dma_start3A_2211 = arith.constant 0 : i32
    %dma_start3A_2212 = arith.constant 0 : i32
    %dma_start3A_2213 = tpu.memref_slice %arg5[%dma_start3A_2211, %dma_start3A_2212] : memref<102400x64xf32, #tpu.memory_space<hbm>> -> memref<102400x64xf32, #tpu.memory_space<hbm>>
    tpu.enqueue_indirect_dma source(%dma_start3A_2213 : memref<102400x64xf32, #tpu.memory_space<hbm>>) target(%arg14 : memref<128x64xf32, #tpu.memory_space<vmem>>) offsets(%dma_start3A_2210 : memref<128xi32, #tpu.memory_space<vmem>>) semaphore(%arg18 : memref<!tpu.dma_semaphore, #tpu.memory_space<semaphore_mem>>)
    %dma_wait3A_2214 = arith.constant 1 : i32
    %dma_wait3A_2215 = arith.constant 0 : i32
    %dma_wait3A_2216 = tpu.memref_slice %arg11[%dma_wait3A_2214, %dma_wait3A_2215] : memref<4x128xi32, #tpu.memory_space<vmem>> -> memref<1x128xi32, #tpu.memory_space<vmem>>
    %dma_wait3A_2217 = tpu.memref_squeeze %dma_wait3A_2216 : memref<1x128xi32, #tpu.memory_space<vmem>> -> memref<128xi32, #tpu.memory_space<vmem>>
    %dma_wait3A_2218 = arith.constant 0 : i32
    %dma_wait3A_2219 = arith.constant 0 : i32
    %dma_wait3A_2220 = tpu.memref_slice %arg5[%dma_wait3A_2218, %dma_wait3A_2219] : memref<102400x64xf32, #tpu.memory_space<hbm>> -> memref<102400x64xf32, #tpu.memory_space<hbm>>
    tpu.wait_indirect_dma semaphore(%arg17 : memref<!tpu.dma_semaphore, #tpu.memory_space<semaphore_mem>>) src(%dma_wait3A_2220 : memref<102400x64xf32, #tpu.memory_space<hbm>>) dst(%arg13 : memref<128x64xf32, #tpu.memory_space<vmem>>)
    %dma_start3A_2221 = arith.constant 64 : i32
    %dma_start3A_2222 = tpu.memref_slice %arg8[%add3A_2079, %dma_start3A_2221] : memref<16384x128xf32, #tpu.memory_space<hbm>> -> memref<128x64xf32, #tpu.memory_space<hbm>>
    %dma_start3A_2223 = arith.constant 64 : i32
    %dma_start3A_2224 = tpu.memref_slice %arg8[%add3A_2079, %dma_start3A_2223] : memref<16384x128xf32, #tpu.memory_space<hbm>> -> memref<128x64xf32, #tpu.memory_space<hbm>>
    tpu.enqueue_dma source(%arg13 : memref<128x64xf32, #tpu.memory_space<vmem>>) target(%dma_start3A_2224 : memref<128x64xf32, #tpu.memory_space<hbm>>) target_semaphore(%arg21 : memref<!tpu.dma_semaphore, #tpu.memory_space<semaphore_mem>>)
    %dma_wait3A_2225 = arith.constant 0 : i32
    %dma_wait3A_2226 = tpu.memref_slice %arg8[%add3A_2075, %dma_wait3A_2225] : memref<16384x128xf32, #tpu.memory_space<hbm>> -> memref<128x64xf32, #tpu.memory_space<hbm>>
    %dma_wait3A_2227 = arith.constant 0 : i32
    %dma_wait3A_2228 = tpu.memref_slice %arg8[%add3A_2075, %dma_wait3A_2227] : memref<16384x128xf32, #tpu.memory_space<hbm>> -> memref<128x64xf32, #tpu.memory_space<hbm>>
    tpu.wait_dma2 semaphore(%arg23 : memref<!tpu.dma_semaphore, #tpu.memory_space<semaphore_mem>>) src(%arg15 : memref<128x64xf32, #tpu.memory_space<vmem>>) dst(%dma_wait3A_2228 : memref<128x64xf32, #tpu.memory_space<hbm>>)
    %dma_start3A_2229 = arith.constant 3 : i32
    %dma_start3A_2230 = arith.constant 0 : i32
    %dma_start3A_2231 = tpu.memref_slice %arg11[%dma_start3A_2229, %dma_start3A_2230] : memref<4x128xi32, #tpu.memory_space<vmem>> -> memref<1x128xi32, #tpu.memory_space<vmem>>
    %dma_start3A_2232 = tpu.memref_squeeze %dma_start3A_2231 : memref<1x128xi32, #tpu.memory_space<vmem>> -> memref<128xi32, #tpu.memory_space<vmem>>
    %dma_start3A_2233 = arith.constant 0 : i32
    %dma_start3A_2234 = arith.constant 0 : i32
    %dma_start3A_2235 = tpu.memref_slice %arg5[%dma_start3A_2233, %dma_start3A_2234] : memref<102400x64xf32, #tpu.memory_space<hbm>> -> memref<102400x64xf32, #tpu.memory_space<hbm>>
    tpu.enqueue_indirect_dma source(%dma_start3A_2235 : memref<102400x64xf32, #tpu.memory_space<hbm>>) target(%arg15 : memref<128x64xf32, #tpu.memory_space<vmem>>) offsets(%dma_start3A_2232 : memref<128xi32, #tpu.memory_space<vmem>>) semaphore(%arg19 : memref<!tpu.dma_semaphore, #tpu.memory_space<semaphore_mem>>)
    %dma_wait3A_2236 = arith.constant 2 : i32
    %dma_wait3A_2237 = arith.constant 0 : i32
    %dma_wait3A_2238 = tpu.memref_slice %arg11[%dma_wait3A_2236, %dma_wait3A_2237] : memref<4x128xi32, #tpu.memory_space<vmem>> -> memref<1x128xi32, #tpu.memory_space<vmem>>
    %dma_wait3A_2239 = tpu.memref_squeeze %dma_wait3A_2238 : memref<1x128xi32, #tpu.memory_space<vmem>> -> memref<128xi32, #tpu.memory_space<vmem>>
    %dma_wait3A_2240 = arith.constant 0 : i32
    %dma_wait3A_2241 = arith.constant 0 : i32
    %dma_wait3A_2242 = tpu.memref_slice %arg5[%dma_wait3A_2240, %dma_wait3A_2241] : memref<102400x64xf32, #tpu.memory_space<hbm>> -> memref<102400x64xf32, #tpu.memory_space<hbm>>
    tpu.wait_indirect_dma semaphore(%arg18 : memref<!tpu.dma_semaphore, #tpu.memory_space<semaphore_mem>>) src(%dma_wait3A_2242 : memref<102400x64xf32, #tpu.memory_space<hbm>>) dst(%arg14 : memref<128x64xf32, #tpu.memory_space<vmem>>)
    %dma_start3A_2243 = arith.constant 64 : i32
    %dma_start3A_2244 = tpu.memref_slice %arg8[%add3A_2081, %dma_start3A_2243] : memref<16384x128xf32, #tpu.memory_space<hbm>> -> memref<128x64xf32, #tpu.memory_space<hbm>>
    %dma_start3A_2245 = arith.constant 64 : i32
    %dma_start3A_2246 = tpu.memref_slice %arg8[%add3A_2081, %dma_start3A_2245] : memref<16384x128xf32, #tpu.memory_space<hbm>> -> memref<128x64xf32, #tpu.memory_space<hbm>>
    tpu.enqueue_dma source(%arg14 : memref<128x64xf32, #tpu.memory_space<vmem>>) target(%dma_start3A_2246 : memref<128x64xf32, #tpu.memory_space<hbm>>) target_semaphore(%arg22 : memref<!tpu.dma_semaphore, #tpu.memory_space<semaphore_mem>>)
    %dma_wait3A_2247 = arith.constant 64 : i32
    %dma_wait3A_2248 = tpu.memref_slice %arg8[%add3A_2077, %dma_wait3A_2247] : memref<16384x128xf32, #tpu.memory_space<hbm>> -> memref<128x64xf32, #tpu.memory_space<hbm>>
    %dma_wait3A_2249 = arith.constant 64 : i32
    %dma_wait3A_2250 = tpu.memref_slice %arg8[%add3A_2077, %dma_wait3A_2249] : memref<16384x128xf32, #tpu.memory_space<hbm>> -> memref<128x64xf32, #tpu.memory_space<hbm>>
    tpu.wait_dma2 semaphore(%arg20 : memref<!tpu.dma_semaphore, #tpu.memory_space<semaphore_mem>>) src(%arg12 : memref<128x64xf32, #tpu.memory_space<vmem>>) dst(%dma_wait3A_2250 : memref<128x64xf32, #tpu.memory_space<hbm>>)
    %dma_start3A_2251 = arith.constant 0 : i32
    %dma_start3A_2252 = arith.constant 0 : i32
    %dma_start3A_2253 = tpu.memref_slice %arg10[%dma_start3A_2251, %dma_start3A_2252] : memref<4x128xi32, #tpu.memory_space<vmem>> -> memref<1x128xi32, #tpu.memory_space<vmem>>
    %dma_start3A_2254 = tpu.memref_squeeze %dma_start3A_2253 : memref<1x128xi32, #tpu.memory_space<vmem>> -> memref<128xi32, #tpu.memory_space<vmem>>
    %dma_start3A_2255 = arith.constant 0 : i32
    %dma_start3A_2256 = arith.constant 0 : i32
    %dma_start3A_2257 = tpu.memref_slice %arg6[%dma_start3A_2255, %dma_start3A_2256] : memref<102400x64xf32, #tpu.memory_space<hbm>> -> memref<102400x64xf32, #tpu.memory_space<hbm>>
    tpu.enqueue_indirect_dma source(%dma_start3A_2257 : memref<102400x64xf32, #tpu.memory_space<hbm>>) target(%arg12 : memref<128x64xf32, #tpu.memory_space<vmem>>) offsets(%dma_start3A_2254 : memref<128xi32, #tpu.memory_space<vmem>>) semaphore(%arg16 : memref<!tpu.dma_semaphore, #tpu.memory_space<semaphore_mem>>)
    %dma_wait3A_2258 = arith.constant 3 : i32
    %dma_wait3A_2259 = arith.constant 0 : i32
    %dma_wait3A_2260 = tpu.memref_slice %arg11[%dma_wait3A_2258, %dma_wait3A_2259] : memref<4x128xi32, #tpu.memory_space<vmem>> -> memref<1x128xi32, #tpu.memory_space<vmem>>
    %dma_wait3A_2261 = tpu.memref_squeeze %dma_wait3A_2260 : memref<1x128xi32, #tpu.memory_space<vmem>> -> memref<128xi32, #tpu.memory_space<vmem>>
    %dma_wait3A_2262 = arith.constant 0 : i32
    %dma_wait3A_2263 = arith.constant 0 : i32
    %dma_wait3A_2264 = tpu.memref_slice %arg5[%dma_wait3A_2262, %dma_wait3A_2263] : memref<102400x64xf32, #tpu.memory_space<hbm>> -> memref<102400x64xf32, #tpu.memory_space<hbm>>
    tpu.wait_indirect_dma semaphore(%arg19 : memref<!tpu.dma_semaphore, #tpu.memory_space<semaphore_mem>>) src(%dma_wait3A_2264 : memref<102400x64xf32, #tpu.memory_space<hbm>>) dst(%arg15 : memref<128x64xf32, #tpu.memory_space<vmem>>)
    %dma_start3A_2265 = arith.constant 64 : i32
    %dma_start3A_2266 = tpu.memref_slice %arg8[%add3A_2083, %dma_start3A_2265] : memref<16384x128xf32, #tpu.memory_space<hbm>> -> memref<128x64xf32, #tpu.memory_space<hbm>>
    %dma_start3A_2267 = arith.constant 64 : i32
    %dma_start3A_2268 = tpu.memref_slice %arg8[%add3A_2083, %dma_start3A_2267] : memref<16384x128xf32, #tpu.memory_space<hbm>> -> memref<128x64xf32, #tpu.memory_space<hbm>>
    tpu.enqueue_dma source(%arg15 : memref<128x64xf32, #tpu.memory_space<vmem>>) target(%dma_start3A_2268 : memref<128x64xf32, #tpu.memory_space<hbm>>) target_semaphore(%arg23 : memref<!tpu.dma_semaphore, #tpu.memory_space<semaphore_mem>>)
    %dma_wait3A_2269 = arith.constant 64 : i32
    %dma_wait3A_2270 = tpu.memref_slice %arg8[%add3A_2079, %dma_wait3A_2269] : memref<16384x128xf32, #tpu.memory_space<hbm>> -> memref<128x64xf32, #tpu.memory_space<hbm>>
    %dma_wait3A_2271 = arith.constant 64 : i32
    %dma_wait3A_2272 = tpu.memref_slice %arg8[%add3A_2079, %dma_wait3A_2271] : memref<16384x128xf32, #tpu.memory_space<hbm>> -> memref<128x64xf32, #tpu.memory_space<hbm>>
    tpu.wait_dma2 semaphore(%arg21 : memref<!tpu.dma_semaphore, #tpu.memory_space<semaphore_mem>>) src(%arg13 : memref<128x64xf32, #tpu.memory_space<vmem>>) dst(%dma_wait3A_2272 : memref<128x64xf32, #tpu.memory_space<hbm>>)
    %dma_start3A_2273 = arith.constant 1 : i32
    %dma_start3A_2274 = arith.constant 0 : i32
    %dma_start3A_2275 = tpu.memref_slice %arg10[%dma_start3A_2273, %dma_start3A_2274] : memref<4x128xi32, #tpu.memory_space<vmem>> -> memref<1x128xi32, #tpu.memory_space<vmem>>
    %dma_start3A_2276 = tpu.memref_squeeze %dma_start3A_2275 : memref<1x128xi32, #tpu.memory_space<vmem>> -> memref<128xi32, #tpu.memory_space<vmem>>
    %dma_start3A_2277 = arith.constant 0 : i32
    %dma_start3A_2278 = arith.constant 0 : i32
    %dma_start3A_2279 = tpu.memref_slice %arg6[%dma_start3A_2277, %dma_start3A_2278] : memref<102400x64xf32, #tpu.memory_space<hbm>> -> memref<102400x64xf32, #tpu.memory_space<hbm>>
    tpu.enqueue_indirect_dma source(%dma_start3A_2279 : memref<102400x64xf32, #tpu.memory_space<hbm>>) target(%arg13 : memref<128x64xf32, #tpu.memory_space<vmem>>) offsets(%dma_start3A_2276 : memref<128xi32, #tpu.memory_space<vmem>>) semaphore(%arg17 : memref<!tpu.dma_semaphore, #tpu.memory_space<semaphore_mem>>)
    %dma_wait3A_2280 = arith.constant 0 : i32
    %dma_wait3A_2281 = arith.constant 0 : i32
    %dma_wait3A_2282 = tpu.memref_slice %arg10[%dma_wait3A_2280, %dma_wait3A_2281] : memref<4x128xi32, #tpu.memory_space<vmem>> -> memref<1x128xi32, #tpu.memory_space<vmem>>
    %dma_wait3A_2283 = tpu.memref_squeeze %dma_wait3A_2282 : memref<1x128xi32, #tpu.memory_space<vmem>> -> memref<128xi32, #tpu.memory_space<vmem>>
    %dma_wait3A_2284 = arith.constant 0 : i32
    %dma_wait3A_2285 = arith.constant 0 : i32
    %dma_wait3A_2286 = tpu.memref_slice %arg6[%dma_wait3A_2284, %dma_wait3A_2285] : memref<102400x64xf32, #tpu.memory_space<hbm>> -> memref<102400x64xf32, #tpu.memory_space<hbm>>
    tpu.wait_indirect_dma semaphore(%arg16 : memref<!tpu.dma_semaphore, #tpu.memory_space<semaphore_mem>>) src(%dma_wait3A_2286 : memref<102400x64xf32, #tpu.memory_space<hbm>>) dst(%arg12 : memref<128x64xf32, #tpu.memory_space<vmem>>)
    %dma_start3A_2287 = arith.constant 0 : i32
    %dma_start3A_2288 = tpu.memref_slice %arg9[%add3A_2085, %dma_start3A_2287] : memref<16384x128xf32, #tpu.memory_space<hbm>> -> memref<128x64xf32, #tpu.memory_space<hbm>>
    %dma_start3A_2289 = arith.constant 0 : i32
    %dma_start3A_2290 = tpu.memref_slice %arg9[%add3A_2085, %dma_start3A_2289] : memref<16384x128xf32, #tpu.memory_space<hbm>> -> memref<128x64xf32, #tpu.memory_space<hbm>>
    tpu.enqueue_dma source(%arg12 : memref<128x64xf32, #tpu.memory_space<vmem>>) target(%dma_start3A_2290 : memref<128x64xf32, #tpu.memory_space<hbm>>) target_semaphore(%arg20 : memref<!tpu.dma_semaphore, #tpu.memory_space<semaphore_mem>>)
    %dma_wait3A_2291 = arith.constant 64 : i32
    %dma_wait3A_2292 = tpu.memref_slice %arg8[%add3A_2081, %dma_wait3A_2291] : memref<16384x128xf32, #tpu.memory_space<hbm>> -> memref<128x64xf32, #tpu.memory_space<hbm>>
    %dma_wait3A_2293 = arith.constant 64 : i32
    %dma_wait3A_2294 = tpu.memref_slice %arg8[%add3A_2081, %dma_wait3A_2293] : memref<16384x128xf32, #tpu.memory_space<hbm>> -> memref<128x64xf32, #tpu.memory_space<hbm>>
    tpu.wait_dma2 semaphore(%arg22 : memref<!tpu.dma_semaphore, #tpu.memory_space<semaphore_mem>>) src(%arg14 : memref<128x64xf32, #tpu.memory_space<vmem>>) dst(%dma_wait3A_2294 : memref<128x64xf32, #tpu.memory_space<hbm>>)
    %dma_start3A_2295 = arith.constant 2 : i32
    %dma_start3A_2296 = arith.constant 0 : i32
    %dma_start3A_2297 = tpu.memref_slice %arg10[%dma_start3A_2295, %dma_start3A_2296] : memref<4x128xi32, #tpu.memory_space<vmem>> -> memref<1x128xi32, #tpu.memory_space<vmem>>
    %dma_start3A_2298 = tpu.memref_squeeze %dma_start3A_2297 : memref<1x128xi32, #tpu.memory_space<vmem>> -> memref<128xi32, #tpu.memory_space<vmem>>
    %dma_start3A_2299 = arith.constant 0 : i32
    %dma_start3A_2300 = arith.constant 0 : i32
    %dma_start3A_2301 = tpu.memref_slice %arg6[%dma_start3A_2299, %dma_start3A_2300] : memref<102400x64xf32, #tpu.memory_space<hbm>> -> memref<102400x64xf32, #tpu.memory_space<hbm>>
    tpu.enqueue_indirect_dma source(%dma_start3A_2301 : memref<102400x64xf32, #tpu.memory_space<hbm>>) target(%arg14 : memref<128x64xf32, #tpu.memory_space<vmem>>) offsets(%dma_start3A_2298 : memref<128xi32, #tpu.memory_space<vmem>>) semaphore(%arg18 : memref<!tpu.dma_semaphore, #tpu.memory_space<semaphore_mem>>)
    %dma_wait3A_2302 = arith.constant 1 : i32
    %dma_wait3A_2303 = arith.constant 0 : i32
    %dma_wait3A_2304 = tpu.memref_slice %arg10[%dma_wait3A_2302, %dma_wait3A_2303] : memref<4x128xi32, #tpu.memory_space<vmem>> -> memref<1x128xi32, #tpu.memory_space<vmem>>
    %dma_wait3A_2305 = tpu.memref_squeeze %dma_wait3A_2304 : memref<1x128xi32, #tpu.memory_space<vmem>> -> memref<128xi32, #tpu.memory_space<vmem>>
    %dma_wait3A_2306 = arith.constant 0 : i32
    %dma_wait3A_2307 = arith.constant 0 : i32
    %dma_wait3A_2308 = tpu.memref_slice %arg6[%dma_wait3A_2306, %dma_wait3A_2307] : memref<102400x64xf32, #tpu.memory_space<hbm>> -> memref<102400x64xf32, #tpu.memory_space<hbm>>
    tpu.wait_indirect_dma semaphore(%arg17 : memref<!tpu.dma_semaphore, #tpu.memory_space<semaphore_mem>>) src(%dma_wait3A_2308 : memref<102400x64xf32, #tpu.memory_space<hbm>>) dst(%arg13 : memref<128x64xf32, #tpu.memory_space<vmem>>)
    %dma_start3A_2309 = arith.constant 0 : i32
    %dma_start3A_2310 = tpu.memref_slice %arg9[%add3A_2087, %dma_start3A_2309] : memref<16384x128xf32, #tpu.memory_space<hbm>> -> memref<128x64xf32, #tpu.memory_space<hbm>>
    %dma_start3A_2311 = arith.constant 0 : i32
    %dma_start3A_2312 = tpu.memref_slice %arg9[%add3A_2087, %dma_start3A_2311] : memref<16384x128xf32, #tpu.memory_space<hbm>> -> memref<128x64xf32, #tpu.memory_space<hbm>>
    tpu.enqueue_dma source(%arg13 : memref<128x64xf32, #tpu.memory_space<vmem>>) target(%dma_start3A_2312 : memref<128x64xf32, #tpu.memory_space<hbm>>) target_semaphore(%arg21 : memref<!tpu.dma_semaphore, #tpu.memory_space<semaphore_mem>>)
    %dma_wait3A_2313 = arith.constant 64 : i32
    %dma_wait3A_2314 = tpu.memref_slice %arg8[%add3A_2083, %dma_wait3A_2313] : memref<16384x128xf32, #tpu.memory_space<hbm>> -> memref<128x64xf32, #tpu.memory_space<hbm>>
    %dma_wait3A_2315 = arith.constant 64 : i32
    %dma_wait3A_2316 = tpu.memref_slice %arg8[%add3A_2083, %dma_wait3A_2315] : memref<16384x128xf32, #tpu.memory_space<hbm>> -> memref<128x64xf32, #tpu.memory_space<hbm>>
    tpu.wait_dma2 semaphore(%arg23 : memref<!tpu.dma_semaphore, #tpu.memory_space<semaphore_mem>>) src(%arg15 : memref<128x64xf32, #tpu.memory_space<vmem>>) dst(%dma_wait3A_2316 : memref<128x64xf32, #tpu.memory_space<hbm>>)
    %dma_start3A_2317 = arith.constant 3 : i32
    %dma_start3A_2318 = arith.constant 0 : i32
    %dma_start3A_2319 = tpu.memref_slice %arg10[%dma_start3A_2317, %dma_start3A_2318] : memref<4x128xi32, #tpu.memory_space<vmem>> -> memref<1x128xi32, #tpu.memory_space<vmem>>
    %dma_start3A_2320 = tpu.memref_squeeze %dma_start3A_2319 : memref<1x128xi32, #tpu.memory_space<vmem>> -> memref<128xi32, #tpu.memory_space<vmem>>
    %dma_start3A_2321 = arith.constant 0 : i32
    %dma_start3A_2322 = arith.constant 0 : i32
    %dma_start3A_2323 = tpu.memref_slice %arg6[%dma_start3A_2321, %dma_start3A_2322] : memref<102400x64xf32, #tpu.memory_space<hbm>> -> memref<102400x64xf32, #tpu.memory_space<hbm>>
    tpu.enqueue_indirect_dma source(%dma_start3A_2323 : memref<102400x64xf32, #tpu.memory_space<hbm>>) target(%arg15 : memref<128x64xf32, #tpu.memory_space<vmem>>) offsets(%dma_start3A_2320 : memref<128xi32, #tpu.memory_space<vmem>>) semaphore(%arg19 : memref<!tpu.dma_semaphore, #tpu.memory_space<semaphore_mem>>)
    %dma_wait3A_2324 = arith.constant 2 : i32
    %dma_wait3A_2325 = arith.constant 0 : i32
    %dma_wait3A_2326 = tpu.memref_slice %arg10[%dma_wait3A_2324, %dma_wait3A_2325] : memref<4x128xi32, #tpu.memory_space<vmem>> -> memref<1x128xi32, #tpu.memory_space<vmem>>
    %dma_wait3A_2327 = tpu.memref_squeeze %dma_wait3A_2326 : memref<1x128xi32, #tpu.memory_space<vmem>> -> memref<128xi32, #tpu.memory_space<vmem>>
    %dma_wait3A_2328 = arith.constant 0 : i32
    %dma_wait3A_2329 = arith.constant 0 : i32
    %dma_wait3A_2330 = tpu.memref_slice %arg6[%dma_wait3A_2328, %dma_wait3A_2329] : memref<102400x64xf32, #tpu.memory_space<hbm>> -> memref<102400x64xf32, #tpu.memory_space<hbm>>
    tpu.wait_indirect_dma semaphore(%arg18 : memref<!tpu.dma_semaphore, #tpu.memory_space<semaphore_mem>>) src(%dma_wait3A_2330 : memref<102400x64xf32, #tpu.memory_space<hbm>>) dst(%arg14 : memref<128x64xf32, #tpu.memory_space<vmem>>)
    %dma_start3A_2331 = arith.constant 0 : i32
    %dma_start3A_2332 = tpu.memref_slice %arg9[%add3A_2089, %dma_start3A_2331] : memref<16384x128xf32, #tpu.memory_space<hbm>> -> memref<128x64xf32, #tpu.memory_space<hbm>>
    %dma_start3A_2333 = arith.constant 0 : i32
    %dma_start3A_2334 = tpu.memref_slice %arg9[%add3A_2089, %dma_start3A_2333] : memref<16384x128xf32, #tpu.memory_space<hbm>> -> memref<128x64xf32, #tpu.memory_space<hbm>>
    tpu.enqueue_dma source(%arg14 : memref<128x64xf32, #tpu.memory_space<vmem>>) target(%dma_start3A_2334 : memref<128x64xf32, #tpu.memory_space<hbm>>) target_semaphore(%arg22 : memref<!tpu.dma_semaphore, #tpu.memory_space<semaphore_mem>>)
    %dma_wait3A_2335 = arith.constant 0 : i32
    %dma_wait3A_2336 = tpu.memref_slice %arg9[%add3A_2085, %dma_wait3A_2335] : memref<16384x128xf32, #tpu.memory_space<hbm>> -> memref<128x64xf32, #tpu.memory_space<hbm>>
    %dma_wait3A_2337 = arith.constant 0 : i32
    %dma_wait3A_2338 = tpu.memref_slice %arg9[%add3A_2085, %dma_wait3A_2337] : memref<16384x128xf32, #tpu.memory_space<hbm>> -> memref<128x64xf32, #tpu.memory_space<hbm>>
    tpu.wait_dma2 semaphore(%arg20 : memref<!tpu.dma_semaphore, #tpu.memory_space<semaphore_mem>>) src(%arg12 : memref<128x64xf32, #tpu.memory_space<vmem>>) dst(%dma_wait3A_2338 : memref<128x64xf32, #tpu.memory_space<hbm>>)
    %dma_start3A_2339 = arith.constant 0 : i32
    %dma_start3A_2340 = arith.constant 0 : i32
    %dma_start3A_2341 = tpu.memref_slice %arg11[%dma_start3A_2339, %dma_start3A_2340] : memref<4x128xi32, #tpu.memory_space<vmem>> -> memref<1x128xi32, #tpu.memory_space<vmem>>
    %dma_start3A_2342 = tpu.memref_squeeze %dma_start3A_2341 : memref<1x128xi32, #tpu.memory_space<vmem>> -> memref<128xi32, #tpu.memory_space<vmem>>
    %dma_start3A_2343 = arith.constant 0 : i32
    %dma_start3A_2344 = arith.constant 0 : i32
    %dma_start3A_2345 = tpu.memref_slice %arg7[%dma_start3A_2343, %dma_start3A_2344] : memref<102400x64xf32, #tpu.memory_space<hbm>> -> memref<102400x64xf32, #tpu.memory_space<hbm>>
    tpu.enqueue_indirect_dma source(%dma_start3A_2345 : memref<102400x64xf32, #tpu.memory_space<hbm>>) target(%arg12 : memref<128x64xf32, #tpu.memory_space<vmem>>) offsets(%dma_start3A_2342 : memref<128xi32, #tpu.memory_space<vmem>>) semaphore(%arg16 : memref<!tpu.dma_semaphore, #tpu.memory_space<semaphore_mem>>)
    %dma_wait3A_2346 = arith.constant 3 : i32
    %dma_wait3A_2347 = arith.constant 0 : i32
    %dma_wait3A_2348 = tpu.memref_slice %arg10[%dma_wait3A_2346, %dma_wait3A_2347] : memref<4x128xi32, #tpu.memory_space<vmem>> -> memref<1x128xi32, #tpu.memory_space<vmem>>
    %dma_wait3A_2349 = tpu.memref_squeeze %dma_wait3A_2348 : memref<1x128xi32, #tpu.memory_space<vmem>> -> memref<128xi32, #tpu.memory_space<vmem>>
    %dma_wait3A_2350 = arith.constant 0 : i32
    %dma_wait3A_2351 = arith.constant 0 : i32
    %dma_wait3A_2352 = tpu.memref_slice %arg6[%dma_wait3A_2350, %dma_wait3A_2351] : memref<102400x64xf32, #tpu.memory_space<hbm>> -> memref<102400x64xf32, #tpu.memory_space<hbm>>
    tpu.wait_indirect_dma semaphore(%arg19 : memref<!tpu.dma_semaphore, #tpu.memory_space<semaphore_mem>>) src(%dma_wait3A_2352 : memref<102400x64xf32, #tpu.memory_space<hbm>>) dst(%arg15 : memref<128x64xf32, #tpu.memory_space<vmem>>)
    %dma_start3A_2353 = arith.constant 0 : i32
    %dma_start3A_2354 = tpu.memref_slice %arg9[%add3A_2091, %dma_start3A_2353] : memref<16384x128xf32, #tpu.memory_space<hbm>> -> memref<128x64xf32, #tpu.memory_space<hbm>>
    %dma_start3A_2355 = arith.constant 0 : i32
    %dma_start3A_2356 = tpu.memref_slice %arg9[%add3A_2091, %dma_start3A_2355] : memref<16384x128xf32, #tpu.memory_space<hbm>> -> memref<128x64xf32, #tpu.memory_space<hbm>>
    tpu.enqueue_dma source(%arg15 : memref<128x64xf32, #tpu.memory_space<vmem>>) target(%dma_start3A_2356 : memref<128x64xf32, #tpu.memory_space<hbm>>) target_semaphore(%arg23 : memref<!tpu.dma_semaphore, #tpu.memory_space<semaphore_mem>>)
    %dma_wait3A_2357 = arith.constant 0 : i32
    %dma_wait3A_2358 = tpu.memref_slice %arg9[%add3A_2087, %dma_wait3A_2357] : memref<16384x128xf32, #tpu.memory_space<hbm>> -> memref<128x64xf32, #tpu.memory_space<hbm>>
    %dma_wait3A_2359 = arith.constant 0 : i32
    %dma_wait3A_2360 = tpu.memref_slice %arg9[%add3A_2087, %dma_wait3A_2359] : memref<16384x128xf32, #tpu.memory_space<hbm>> -> memref<128x64xf32, #tpu.memory_space<hbm>>
    tpu.wait_dma2 semaphore(%arg21 : memref<!tpu.dma_semaphore, #tpu.memory_space<semaphore_mem>>) src(%arg13 : memref<128x64xf32, #tpu.memory_space<vmem>>) dst(%dma_wait3A_2360 : memref<128x64xf32, #tpu.memory_space<hbm>>)
    %dma_start3A_2361 = arith.constant 1 : i32
    %dma_start3A_2362 = arith.constant 0 : i32
    %dma_start3A_2363 = tpu.memref_slice %arg11[%dma_start3A_2361, %dma_start3A_2362] : memref<4x128xi32, #tpu.memory_space<vmem>> -> memref<1x128xi32, #tpu.memory_space<vmem>>
    %dma_start3A_2364 = tpu.memref_squeeze %dma_start3A_2363 : memref<1x128xi32, #tpu.memory_space<vmem>> -> memref<128xi32, #tpu.memory_space<vmem>>
    %dma_start3A_2365 = arith.constant 0 : i32
    %dma_start3A_2366 = arith.constant 0 : i32
    %dma_start3A_2367 = tpu.memref_slice %arg7[%dma_start3A_2365, %dma_start3A_2366] : memref<102400x64xf32, #tpu.memory_space<hbm>> -> memref<102400x64xf32, #tpu.memory_space<hbm>>
    tpu.enqueue_indirect_dma source(%dma_start3A_2367 : memref<102400x64xf32, #tpu.memory_space<hbm>>) target(%arg13 : memref<128x64xf32, #tpu.memory_space<vmem>>) offsets(%dma_start3A_2364 : memref<128xi32, #tpu.memory_space<vmem>>) semaphore(%arg17 : memref<!tpu.dma_semaphore, #tpu.memory_space<semaphore_mem>>)
    %dma_wait3A_2368 = arith.constant 0 : i32
    %dma_wait3A_2369 = arith.constant 0 : i32
    %dma_wait3A_2370 = tpu.memref_slice %arg11[%dma_wait3A_2368, %dma_wait3A_2369] : memref<4x128xi32, #tpu.memory_space<vmem>> -> memref<1x128xi32, #tpu.memory_space<vmem>>
    %dma_wait3A_2371 = tpu.memref_squeeze %dma_wait3A_2370 : memref<1x128xi32, #tpu.memory_space<vmem>> -> memref<128xi32, #tpu.memory_space<vmem>>
    %dma_wait3A_2372 = arith.constant 0 : i32
    %dma_wait3A_2373 = arith.constant 0 : i32
    %dma_wait3A_2374 = tpu.memref_slice %arg7[%dma_wait3A_2372, %dma_wait3A_2373] : memref<102400x64xf32, #tpu.memory_space<hbm>> -> memref<102400x64xf32, #tpu.memory_space<hbm>>
    tpu.wait_indirect_dma semaphore(%arg16 : memref<!tpu.dma_semaphore, #tpu.memory_space<semaphore_mem>>) src(%dma_wait3A_2374 : memref<102400x64xf32, #tpu.memory_space<hbm>>) dst(%arg12 : memref<128x64xf32, #tpu.memory_space<vmem>>)
    %dma_start3A_2375 = arith.constant 64 : i32
    %dma_start3A_2376 = tpu.memref_slice %arg9[%add3A_2093, %dma_start3A_2375] : memref<16384x128xf32, #tpu.memory_space<hbm>> -> memref<128x64xf32, #tpu.memory_space<hbm>>
    %dma_start3A_2377 = arith.constant 64 : i32
    %dma_start3A_2378 = tpu.memref_slice %arg9[%add3A_2093, %dma_start3A_2377] : memref<16384x128xf32, #tpu.memory_space<hbm>> -> memref<128x64xf32, #tpu.memory_space<hbm>>
    tpu.enqueue_dma source(%arg12 : memref<128x64xf32, #tpu.memory_space<vmem>>) target(%dma_start3A_2378 : memref<128x64xf32, #tpu.memory_space<hbm>>) target_semaphore(%arg20 : memref<!tpu.dma_semaphore, #tpu.memory_space<semaphore_mem>>)
    %dma_wait3A_2379 = arith.constant 0 : i32
    %dma_wait3A_2380 = tpu.memref_slice %arg9[%add3A_2089, %dma_wait3A_2379] : memref<16384x128xf32, #tpu.memory_space<hbm>> -> memref<128x64xf32, #tpu.memory_space<hbm>>
    %dma_wait3A_2381 = arith.constant 0 : i32
    %dma_wait3A_2382 = tpu.memref_slice %arg9[%add3A_2089, %dma_wait3A_2381] : memref<16384x128xf32, #tpu.memory_space<hbm>> -> memref<128x64xf32, #tpu.memory_space<hbm>>
    tpu.wait_dma2 semaphore(%arg22 : memref<!tpu.dma_semaphore, #tpu.memory_space<semaphore_mem>>) src(%arg14 : memref<128x64xf32, #tpu.memory_space<vmem>>) dst(%dma_wait3A_2382 : memref<128x64xf32, #tpu.memory_space<hbm>>)
    %dma_start3A_2383 = arith.constant 2 : i32
    %dma_start3A_2384 = arith.constant 0 : i32
    %dma_start3A_2385 = tpu.memref_slice %arg11[%dma_start3A_2383, %dma_start3A_2384] : memref<4x128xi32, #tpu.memory_space<vmem>> -> memref<1x128xi32, #tpu.memory_space<vmem>>
    %dma_start3A_2386 = tpu.memref_squeeze %dma_start3A_2385 : memref<1x128xi32, #tpu.memory_space<vmem>> -> memref<128xi32, #tpu.memory_space<vmem>>
    %dma_start3A_2387 = arith.constant 0 : i32
    %dma_start3A_2388 = arith.constant 0 : i32
    %dma_start3A_2389 = tpu.memref_slice %arg7[%dma_start3A_2387, %dma_start3A_2388] : memref<102400x64xf32, #tpu.memory_space<hbm>> -> memref<102400x64xf32, #tpu.memory_space<hbm>>
    tpu.enqueue_indirect_dma source(%dma_start3A_2389 : memref<102400x64xf32, #tpu.memory_space<hbm>>) target(%arg14 : memref<128x64xf32, #tpu.memory_space<vmem>>) offsets(%dma_start3A_2386 : memref<128xi32, #tpu.memory_space<vmem>>) semaphore(%arg18 : memref<!tpu.dma_semaphore, #tpu.memory_space<semaphore_mem>>)
    %dma_wait3A_2390 = arith.constant 1 : i32
    %dma_wait3A_2391 = arith.constant 0 : i32
    %dma_wait3A_2392 = tpu.memref_slice %arg11[%dma_wait3A_2390, %dma_wait3A_2391] : memref<4x128xi32, #tpu.memory_space<vmem>> -> memref<1x128xi32, #tpu.memory_space<vmem>>
    %dma_wait3A_2393 = tpu.memref_squeeze %dma_wait3A_2392 : memref<1x128xi32, #tpu.memory_space<vmem>> -> memref<128xi32, #tpu.memory_space<vmem>>
    %dma_wait3A_2394 = arith.constant 0 : i32
    %dma_wait3A_2395 = arith.constant 0 : i32
    %dma_wait3A_2396 = tpu.memref_slice %arg7[%dma_wait3A_2394, %dma_wait3A_2395] : memref<102400x64xf32, #tpu.memory_space<hbm>> -> memref<102400x64xf32, #tpu.memory_space<hbm>>
    tpu.wait_indirect_dma semaphore(%arg17 : memref<!tpu.dma_semaphore, #tpu.memory_space<semaphore_mem>>) src(%dma_wait3A_2396 : memref<102400x64xf32, #tpu.memory_space<hbm>>) dst(%arg13 : memref<128x64xf32, #tpu.memory_space<vmem>>)
    %dma_start3A_2397 = arith.constant 64 : i32
    %dma_start3A_2398 = tpu.memref_slice %arg9[%add3A_2095, %dma_start3A_2397] : memref<16384x128xf32, #tpu.memory_space<hbm>> -> memref<128x64xf32, #tpu.memory_space<hbm>>
    %dma_start3A_2399 = arith.constant 64 : i32
    %dma_start3A_2400 = tpu.memref_slice %arg9[%add3A_2095, %dma_start3A_2399] : memref<16384x128xf32, #tpu.memory_space<hbm>> -> memref<128x64xf32, #tpu.memory_space<hbm>>
    tpu.enqueue_dma source(%arg13 : memref<128x64xf32, #tpu.memory_space<vmem>>) target(%dma_start3A_2400 : memref<128x64xf32, #tpu.memory_space<hbm>>) target_semaphore(%arg21 : memref<!tpu.dma_semaphore, #tpu.memory_space<semaphore_mem>>)
    %dma_wait3A_2401 = arith.constant 0 : i32
    %dma_wait3A_2402 = tpu.memref_slice %arg9[%add3A_2091, %dma_wait3A_2401] : memref<16384x128xf32, #tpu.memory_space<hbm>> -> memref<128x64xf32, #tpu.memory_space<hbm>>
    %dma_wait3A_2403 = arith.constant 0 : i32
    %dma_wait3A_2404 = tpu.memref_slice %arg9[%add3A_2091, %dma_wait3A_2403] : memref<16384x128xf32, #tpu.memory_space<hbm>> -> memref<128x64xf32, #tpu.memory_space<hbm>>
    tpu.wait_dma2 semaphore(%arg23 : memref<!tpu.dma_semaphore, #tpu.memory_space<semaphore_mem>>) src(%arg15 : memref<128x64xf32, #tpu.memory_space<vmem>>) dst(%dma_wait3A_2404 : memref<128x64xf32, #tpu.memory_space<hbm>>)
    %dma_start3A_2405 = arith.constant 3 : i32
    %dma_start3A_2406 = arith.constant 0 : i32
    %dma_start3A_2407 = tpu.memref_slice %arg11[%dma_start3A_2405, %dma_start3A_2406] : memref<4x128xi32, #tpu.memory_space<vmem>> -> memref<1x128xi32, #tpu.memory_space<vmem>>
    %dma_start3A_2408 = tpu.memref_squeeze %dma_start3A_2407 : memref<1x128xi32, #tpu.memory_space<vmem>> -> memref<128xi32, #tpu.memory_space<vmem>>
    %dma_start3A_2409 = arith.constant 0 : i32
    %dma_start3A_2410 = arith.constant 0 : i32
    %dma_start3A_2411 = tpu.memref_slice %arg7[%dma_start3A_2409, %dma_start3A_2410] : memref<102400x64xf32, #tpu.memory_space<hbm>> -> memref<102400x64xf32, #tpu.memory_space<hbm>>
    tpu.enqueue_indirect_dma source(%dma_start3A_2411 : memref<102400x64xf32, #tpu.memory_space<hbm>>) target(%arg15 : memref<128x64xf32, #tpu.memory_space<vmem>>) offsets(%dma_start3A_2408 : memref<128xi32, #tpu.memory_space<vmem>>) semaphore(%arg19 : memref<!tpu.dma_semaphore, #tpu.memory_space<semaphore_mem>>)
    %dma_wait3A_2412 = arith.constant 2 : i32
    %dma_wait3A_2413 = arith.constant 0 : i32
    %dma_wait3A_2414 = tpu.memref_slice %arg11[%dma_wait3A_2412, %dma_wait3A_2413] : memref<4x128xi32, #tpu.memory_space<vmem>> -> memref<1x128xi32, #tpu.memory_space<vmem>>
    %dma_wait3A_2415 = tpu.memref_squeeze %dma_wait3A_2414 : memref<1x128xi32, #tpu.memory_space<vmem>> -> memref<128xi32, #tpu.memory_space<vmem>>
    %dma_wait3A_2416 = arith.constant 0 : i32
    %dma_wait3A_2417 = arith.constant 0 : i32
    %dma_wait3A_2418 = tpu.memref_slice %arg7[%dma_wait3A_2416, %dma_wait3A_2417] : memref<102400x64xf32, #tpu.memory_space<hbm>> -> memref<102400x64xf32, #tpu.memory_space<hbm>>
    tpu.wait_indirect_dma semaphore(%arg18 : memref<!tpu.dma_semaphore, #tpu.memory_space<semaphore_mem>>) src(%dma_wait3A_2418 : memref<102400x64xf32, #tpu.memory_space<hbm>>) dst(%arg14 : memref<128x64xf32, #tpu.memory_space<vmem>>)
    %dma_start3A_2419 = arith.constant 64 : i32
    %dma_start3A_2420 = tpu.memref_slice %arg9[%add3A_2097, %dma_start3A_2419] : memref<16384x128xf32, #tpu.memory_space<hbm>> -> memref<128x64xf32, #tpu.memory_space<hbm>>
    %dma_start3A_2421 = arith.constant 64 : i32
    %dma_start3A_2422 = tpu.memref_slice %arg9[%add3A_2097, %dma_start3A_2421] : memref<16384x128xf32, #tpu.memory_space<hbm>> -> memref<128x64xf32, #tpu.memory_space<hbm>>
    tpu.enqueue_dma source(%arg14 : memref<128x64xf32, #tpu.memory_space<vmem>>) target(%dma_start3A_2422 : memref<128x64xf32, #tpu.memory_space<hbm>>) target_semaphore(%arg22 : memref<!tpu.dma_semaphore, #tpu.memory_space<semaphore_mem>>)
    %dma_wait3A_2423 = arith.constant 3 : i32
    %dma_wait3A_2424 = arith.constant 0 : i32
    %dma_wait3A_2425 = tpu.memref_slice %arg11[%dma_wait3A_2423, %dma_wait3A_2424] : memref<4x128xi32, #tpu.memory_space<vmem>> -> memref<1x128xi32, #tpu.memory_space<vmem>>
    %dma_wait3A_2426 = tpu.memref_squeeze %dma_wait3A_2425 : memref<1x128xi32, #tpu.memory_space<vmem>> -> memref<128xi32, #tpu.memory_space<vmem>>
    %dma_wait3A_2427 = arith.constant 0 : i32
    %dma_wait3A_2428 = arith.constant 0 : i32
    %dma_wait3A_2429 = tpu.memref_slice %arg7[%dma_wait3A_2427, %dma_wait3A_2428] : memref<102400x64xf32, #tpu.memory_space<hbm>> -> memref<102400x64xf32, #tpu.memory_space<hbm>>
    tpu.wait_indirect_dma semaphore(%arg19 : memref<!tpu.dma_semaphore, #tpu.memory_space<semaphore_mem>>) src(%dma_wait3A_2429 : memref<102400x64xf32, #tpu.memory_space<hbm>>) dst(%arg15 : memref<128x64xf32, #tpu.memory_space<vmem>>)
    %dma_start3A_2430 = arith.constant 64 : i32
    %dma_start3A_2431 = tpu.memref_slice %arg9[%add3A_2099, %dma_start3A_2430] : memref<16384x128xf32, #tpu.memory_space<hbm>> -> memref<128x64xf32, #tpu.memory_space<hbm>>
    %dma_start3A_2432 = arith.constant 64 : i32
    %dma_start3A_2433 = tpu.memref_slice %arg9[%add3A_2099, %dma_start3A_2432] : memref<16384x128xf32, #tpu.memory_space<hbm>> -> memref<128x64xf32, #tpu.memory_space<hbm>>
    tpu.enqueue_dma source(%arg15 : memref<128x64xf32, #tpu.memory_space<vmem>>) target(%dma_start3A_2433 : memref<128x64xf32, #tpu.memory_space<hbm>>) target_semaphore(%arg23 : memref<!tpu.dma_semaphore, #tpu.memory_space<semaphore_mem>>)
    %dma_wait3A_2434 = arith.constant 64 : i32
    %dma_wait3A_2435 = tpu.memref_slice %arg9[%add3A_2093, %dma_wait3A_2434] : memref<16384x128xf32, #tpu.memory_space<hbm>> -> memref<128x64xf32, #tpu.memory_space<hbm>>
    %dma_wait3A_2436 = arith.constant 64 : i32
    %dma_wait3A_2437 = tpu.memref_slice %arg9[%add3A_2093, %dma_wait3A_2436] : memref<16384x128xf32, #tpu.memory_space<hbm>> -> memref<128x64xf32, #tpu.memory_space<hbm>>
    tpu.wait_dma2 semaphore(%arg20 : memref<!tpu.dma_semaphore, #tpu.memory_space<semaphore_mem>>) src(%arg12 : memref<128x64xf32, #tpu.memory_space<vmem>>) dst(%dma_wait3A_2437 : memref<128x64xf32, #tpu.memory_space<hbm>>)
    %dma_wait3A_2438 = arith.constant 64 : i32
    %dma_wait3A_2439 = tpu.memref_slice %arg9[%add3A_2095, %dma_wait3A_2438] : memref<16384x128xf32, #tpu.memory_space<hbm>> -> memref<128x64xf32, #tpu.memory_space<hbm>>
    %dma_wait3A_2440 = arith.constant 64 : i32
    %dma_wait3A_2441 = tpu.memref_slice %arg9[%add3A_2095, %dma_wait3A_2440] : memref<16384x128xf32, #tpu.memory_space<hbm>> -> memref<128x64xf32, #tpu.memory_space<hbm>>
    tpu.wait_dma2 semaphore(%arg21 : memref<!tpu.dma_semaphore, #tpu.memory_space<semaphore_mem>>) src(%arg13 : memref<128x64xf32, #tpu.memory_space<vmem>>) dst(%dma_wait3A_2441 : memref<128x64xf32, #tpu.memory_space<hbm>>)
    %dma_wait3A_2442 = arith.constant 64 : i32
    %dma_wait3A_2443 = tpu.memref_slice %arg9[%add3A_2097, %dma_wait3A_2442] : memref<16384x128xf32, #tpu.memory_space<hbm>> -> memref<128x64xf32, #tpu.memory_space<hbm>>
    %dma_wait3A_2444 = arith.constant 64 : i32
    %dma_wait3A_2445 = tpu.memref_slice %arg9[%add3A_2097, %dma_wait3A_2444] : memref<16384x128xf32, #tpu.memory_space<hbm>> -> memref<128x64xf32, #tpu.memory_space<hbm>>
    tpu.wait_dma2 semaphore(%arg22 : memref<!tpu.dma_semaphore, #tpu.memory_space<semaphore_mem>>) src(%arg14 : memref<128x64xf32, #tpu.memory_space<vmem>>) dst(%dma_wait3A_2445 : memref<128x64xf32, #tpu.memory_space<hbm>>)
    %dma_wait3A_2446 = arith.constant 64 : i32
    %dma_wait3A_2447 = tpu.memref_slice %arg9[%add3A_2099, %dma_wait3A_2446] : memref<16384x128xf32, #tpu.memory_space<hbm>> -> memref<128x64xf32, #tpu.memory_space<hbm>>
    %dma_wait3A_2448 = arith.constant 64 : i32
    %dma_wait3A_2449 = tpu.memref_slice %arg9[%add3A_2099, %dma_wait3A_2448] : memref<16384x128xf32, #tpu.memory_space<hbm>> -> memref<128x64xf32, #tpu.memory_space<hbm>>
    tpu.wait_dma2 semaphore(%arg23 : memref<!tpu.dma_semaphore, #tpu.memory_space<semaphore_mem>>) src(%arg15 : memref<128x64xf32, #tpu.memory_space<vmem>>) dst(%dma_wait3A_2449 : memref<128x64xf32, #tpu.memory_space<hbm>>)
    return
  }
}

module attributes {stable_mosaic.version = 14 : i64} {
  func.func @_mlp_body(%arg0: i32, %arg1: memref<4096x128xf32, #tpu.memory_space<vmem>>, %arg2: memref<4096x128xf32, #tpu.memory_space<vmem>>, %arg3: memref<128x128xf32, #tpu.memory_space<vmem>>, %arg4: memref<1x128xf32, #tpu.memory_space<vmem>>, %arg5: memref<128x64xf32, #tpu.memory_space<vmem>>, %arg6: memref<1x64xf32, #tpu.memory_space<vmem>>, %arg7: memref<64x32xf32, #tpu.memory_space<vmem>>, %arg8: memref<1x32xf32, #tpu.memory_space<vmem>>, %arg9: memref<1x64xf32, #tpu.memory_space<vmem>>, %arg10: memref<1x32xf32, #tpu.memory_space<vmem>>, %arg11: memref<1x1xf32, #tpu.memory_space<vmem>>, %arg12: memref<4096xf32, #tpu.memory_space<vmem>>) attributes {dimension_semantics = [#tpu.dimension_semantics<arbitrary>], iteration_bounds = array<i64: 4>, scalar_prefetch = 0 : i64, scratch_operands = 0 : i64, tpu.core_type = #tpu.core_type<tc>, window_params = [{transform_indices = @transform_0, window_bounds = array<i64: 4096, 128>}, {transform_indices = @transform_1, window_bounds = array<i64: 4096, 128>}, {pipeline_mode = #tpu.pipeline_mode<synchronous>, transform_indices = @transform_2, window_bounds = array<i64: 128, 128>}, {pipeline_mode = #tpu.pipeline_mode<synchronous>, transform_indices = @transform_3, window_bounds = array<i64: 1, 128>}, {pipeline_mode = #tpu.pipeline_mode<synchronous>, transform_indices = @transform_4, window_bounds = array<i64: 128, 64>}, {pipeline_mode = #tpu.pipeline_mode<synchronous>, transform_indices = @transform_5, window_bounds = array<i64: 1, 64>}, {pipeline_mode = #tpu.pipeline_mode<synchronous>, transform_indices = @transform_6, window_bounds = array<i64: 64, 32>}, {pipeline_mode = #tpu.pipeline_mode<synchronous>, transform_indices = @transform_7, window_bounds = array<i64: 1, 32>}, {pipeline_mode = #tpu.pipeline_mode<synchronous>, transform_indices = @transform_8, window_bounds = array<i64: 1, 64>}, {pipeline_mode = #tpu.pipeline_mode<synchronous>, transform_indices = @transform_9, window_bounds = array<i64: 1, 32>}, {pipeline_mode = #tpu.pipeline_mode<synchronous>, transform_indices = @transform_10, window_bounds = array<i64: 1, 1>}, {transform_indices = @transform_11, window_bounds = array<i64: 4096>}]} {
    %get3A = arith.constant 0 : index
    %get3A_0 = arith.constant 0 : index
    %get3A_1 = vector.load %arg2[%get3A, %get3A_0] : memref<4096x128xf32, #tpu.memory_space<vmem>>, vector<4096x128xf32>
    %get3A_2 = arith.constant 0 : index
    %get3A_3 = arith.constant 0 : index
    %get3A_4 = vector.load %arg3[%get3A_2, %get3A_3] : memref<128x128xf32, #tpu.memory_space<vmem>>, vector<128x128xf32>
    %dot_general3A = arith.constant dense<0.000000e+00> : vector<4096x128xf32>
    %dot_general3A_5 = tpu.matmul %get3A_1, %get3A_4, %dot_general3A {dimension_numbers = #tpu.dot_dimension_numbers<[1], [0], [0], [1], [0, 0, 1, 1], [], []>, transpose_lhs_hint = false} : vector<4096x128xf32>, vector<128x128xf32>, vector<4096x128xf32> -> vector<4096x128xf32>
    %get3A_6 = arith.constant 0 : index
    %get3A_7 = arith.constant 0 : index
    %get3A_8 = vector.load %arg4[%get3A_6, %get3A_7] : memref<1x128xf32, #tpu.memory_space<vmem>>, vector<1x128xf32>
    %add3A = vector.broadcast %get3A_8 : vector<1x128xf32> to vector<4096x128xf32>
    %add3A_9 = arith.addf %dot_general3A_5, %add3A : vector<4096x128xf32>
    %max3A = arith.constant 0.000000e+00 : f32
    %max3A_10 = vector.broadcast %max3A : f32 to vector<4096x128xf32>
    %max3A_11 = arith.maximumf %add3A_9, %max3A_10 : vector<4096x128xf32>
    %get3A_12 = arith.constant 0 : index
    %get3A_13 = arith.constant 0 : index
    %get3A_14 = vector.load %arg5[%get3A_12, %get3A_13] : memref<128x64xf32, #tpu.memory_space<vmem>>, vector<128x64xf32>
    %dot_general3A_15 = arith.constant dense<0.000000e+00> : vector<4096x64xf32>
    %dot_general3A_16 = tpu.matmul %max3A_11, %get3A_14, %dot_general3A_15 {dimension_numbers = #tpu.dot_dimension_numbers<[1], [0], [0], [1], [0, 0, 1, 1], [], []>, transpose_lhs_hint = false} : vector<4096x128xf32>, vector<128x64xf32>, vector<4096x64xf32> -> vector<4096x64xf32>
    %get3A_17 = arith.constant 0 : index
    %get3A_18 = arith.constant 0 : index
    %get3A_19 = vector.load %arg6[%get3A_17, %get3A_18] : memref<1x64xf32, #tpu.memory_space<vmem>>, vector<1x64xf32>
    %add3A_20 = vector.broadcast %get3A_19 : vector<1x64xf32> to vector<4096x64xf32>
    %add3A_21 = arith.addf %dot_general3A_16, %add3A_20 : vector<4096x64xf32>
    %max3A_22 = arith.constant 0.000000e+00 : f32
    %max3A_23 = vector.broadcast %max3A_22 : f32 to vector<4096x64xf32>
    %max3A_24 = arith.maximumf %add3A_21, %max3A_23 : vector<4096x64xf32>
    %get3A_25 = arith.constant 0 : index
    %get3A_26 = arith.constant 0 : index
    %get3A_27 = vector.load %arg7[%get3A_25, %get3A_26] : memref<64x32xf32, #tpu.memory_space<vmem>>, vector<64x32xf32>
    %dot_general3A_28 = arith.constant dense<0.000000e+00> : vector<4096x32xf32>
    %dot_general3A_29 = tpu.matmul %max3A_24, %get3A_27, %dot_general3A_28 {dimension_numbers = #tpu.dot_dimension_numbers<[1], [0], [0], [1], [0, 0, 1, 1], [], []>, transpose_lhs_hint = false} : vector<4096x64xf32>, vector<64x32xf32>, vector<4096x32xf32> -> vector<4096x32xf32>
    %get3A_30 = arith.constant 0 : index
    %get3A_31 = arith.constant 0 : index
    %get3A_32 = vector.load %arg8[%get3A_30, %get3A_31] : memref<1x32xf32, #tpu.memory_space<vmem>>, vector<1x32xf32>
    %add3A_33 = vector.broadcast %get3A_32 : vector<1x32xf32> to vector<4096x32xf32>
    %add3A_34 = arith.addf %dot_general3A_29, %add3A_33 : vector<4096x32xf32>
    %max3A_35 = arith.constant 0.000000e+00 : f32
    %max3A_36 = vector.broadcast %max3A_35 : f32 to vector<4096x32xf32>
    %max3A_37 = arith.maximumf %add3A_34, %max3A_36 : vector<4096x32xf32>
    %get3A_38 = arith.constant 0 : index
    %get3A_39 = arith.constant 0 : index
    %get3A_40 = vector.load %arg1[%get3A_38, %get3A_39] : memref<4096x128xf32, #tpu.memory_space<vmem>>, vector<4096x128xf32>
    %slice3A = vector.extract_strided_slice %get3A_40 {offsets = [0, 0], sizes = [4096, 64], strides = [1, 1]} : vector<4096x128xf32> to vector<4096x64xf32>
    %slice3A_41 = vector.extract_strided_slice %get3A_40 {offsets = [0, 64], sizes = [4096, 64], strides = [1, 1]} : vector<4096x128xf32> to vector<4096x64xf32>
    %mul3A = arith.mulf %slice3A, %slice3A_41 : vector<4096x64xf32>
    %get3A_42 = arith.constant 0 : index
    %get3A_43 = arith.constant 0 : index
    %get3A_44 = vector.load %arg9[%get3A_42, %get3A_43] : memref<1x64xf32, #tpu.memory_space<vmem>>, vector<1x64xf32>
    %mul3A_45 = vector.broadcast %get3A_44 : vector<1x64xf32> to vector<4096x64xf32>
    %mul3A_46 = arith.mulf %mul3A, %mul3A_45 : vector<4096x64xf32>
    %reduce_sum3A = arith.constant dense<0.000000e+00> : vector<4096xf32>
    %reduce_sum3A_47 = vector.multi_reduction <add>, %mul3A_46, %reduce_sum3A [1] : vector<4096x64xf32> to vector<4096xf32>
    %get3A_48 = arith.constant 0 : index
    %get3A_49 = arith.constant 0 : index
    %get3A_50 = vector.load %arg10[%get3A_48, %get3A_49] : memref<1x32xf32, #tpu.memory_space<vmem>>, vector<1x32xf32>
    %mul3A_51 = vector.broadcast %get3A_50 : vector<1x32xf32> to vector<4096x32xf32>
    %mul3A_52 = arith.mulf %max3A_37, %mul3A_51 : vector<4096x32xf32>
    %reduce_sum3A_53 = arith.constant dense<0.000000e+00> : vector<4096xf32>
    %reduce_sum3A_54 = vector.multi_reduction <add>, %mul3A_52, %reduce_sum3A_53 [1] : vector<4096x32xf32> to vector<4096xf32>
    %add3A_55 = arith.addf %reduce_sum3A_47, %reduce_sum3A_54 : vector<4096xf32>
    %get3A_56 = arith.constant 0 : index
    %get3A_57 = arith.constant 0 : index
    %get3A_58 = vector.load %arg11[%get3A_56, %get3A_57] : memref<1x1xf32, #tpu.memory_space<vmem>>, vector<1x1xf32>
    %get3A_59 = vector.extract %get3A_58[0, 0] : f32 from vector<1x1xf32>
    %add3A_60 = vector.broadcast %get3A_59 : f32 to vector<4096xf32>
    %add3A_61 = arith.addf %add3A_55, %add3A_60 : vector<4096xf32>
    %neg3A = arith.constant 0.000000e+00 : f32
    %neg3A_62 = vector.broadcast %neg3A : f32 to vector<4096xf32>
    %neg3A_63 = arith.subf %neg3A_62, %add3A_61 : vector<4096xf32>
    %exp3A = math.exp %neg3A_63 : vector<4096xf32>
    %add3A_64 = arith.constant 1.000000e+00 : f32
    %add3A_65 = vector.broadcast %add3A_64 : f32 to vector<4096xf32>
    %add3A_66 = arith.addf %add3A_65, %exp3A : vector<4096xf32>
    %div3A = arith.constant 1.000000e+00 : f32
    %div3A_67 = vector.broadcast %div3A : f32 to vector<4096xf32>
    %div3A_68 = arith.divf %div3A_67, %add3A_66 : vector<4096xf32>
    %swap3A = arith.constant 0 : index
    %swap3A_69 = vector.load %arg12[%swap3A] : memref<4096xf32, #tpu.memory_space<vmem>>, vector<4096xf32>
    tpu.vector_store %arg12[%swap3A], %div3A_68 {strides = array<i32>} : memref<4096xf32, #tpu.memory_space<vmem>>, vector<4096xf32>,
    return
  }
  func.func @transform_0(%arg0: i32) -> (i32, i32) {
    %c0_i32 = arith.constant 0 : i32
    %c0_i32_0 = arith.constant 0 : i32
    return %arg0, %c0_i32 : i32, i32
  }
  func.func @transform_1(%arg0: i32) -> (i32, i32) {
    %c0_i32 = arith.constant 0 : i32
    %c0_i32_0 = arith.constant 0 : i32
    return %arg0, %c0_i32 : i32, i32
  }
  func.func @transform_2(%arg0: i32) -> (i32, i32) {
    %c0_i32 = arith.constant 0 : i32
    %c0_i32_0 = arith.constant 0 : i32
    %c0_i32_1 = arith.constant 0 : i32
    return %c0_i32, %c0_i32_0 : i32, i32
  }
  func.func @transform_3(%arg0: i32) -> (i32, i32) {
    %c0_i32 = arith.constant 0 : i32
    %c0_i32_0 = arith.constant 0 : i32
    %c0_i32_1 = arith.constant 0 : i32
    return %c0_i32, %c0_i32_0 : i32, i32
  }
  func.func @transform_4(%arg0: i32) -> (i32, i32) {
    %c0_i32 = arith.constant 0 : i32
    %c0_i32_0 = arith.constant 0 : i32
    %c0_i32_1 = arith.constant 0 : i32
    return %c0_i32, %c0_i32_0 : i32, i32
  }
  func.func @transform_5(%arg0: i32) -> (i32, i32) {
    %c0_i32 = arith.constant 0 : i32
    %c0_i32_0 = arith.constant 0 : i32
    %c0_i32_1 = arith.constant 0 : i32
    return %c0_i32, %c0_i32_0 : i32, i32
  }
  func.func @transform_6(%arg0: i32) -> (i32, i32) {
    %c0_i32 = arith.constant 0 : i32
    %c0_i32_0 = arith.constant 0 : i32
    %c0_i32_1 = arith.constant 0 : i32
    return %c0_i32, %c0_i32_0 : i32, i32
  }
  func.func @transform_7(%arg0: i32) -> (i32, i32) {
    %c0_i32 = arith.constant 0 : i32
    %c0_i32_0 = arith.constant 0 : i32
    %c0_i32_1 = arith.constant 0 : i32
    return %c0_i32, %c0_i32_0 : i32, i32
  }
  func.func @transform_8(%arg0: i32) -> (i32, i32) {
    %c0_i32 = arith.constant 0 : i32
    %c0_i32_0 = arith.constant 0 : i32
    %c0_i32_1 = arith.constant 0 : i32
    return %c0_i32, %c0_i32_0 : i32, i32
  }
  func.func @transform_9(%arg0: i32) -> (i32, i32) {
    %c0_i32 = arith.constant 0 : i32
    %c0_i32_0 = arith.constant 0 : i32
    %c0_i32_1 = arith.constant 0 : i32
    return %c0_i32, %c0_i32_0 : i32, i32
  }
  func.func @transform_10(%arg0: i32) -> (i32, i32) {
    %c0_i32 = arith.constant 0 : i32
    %c0_i32_0 = arith.constant 0 : i32
    %c0_i32_1 = arith.constant 0 : i32
    return %c0_i32, %c0_i32_0 : i32, i32
  }
  func.func @transform_11(%arg0: i32) -> i32 {
    %c0_i32 = arith.constant 0 : i32
    return %arg0 : i32
  }
}

module attributes {stable_mosaic.version = 14 : i64} {
  func.func @_transpose_body(%arg0: i32, %arg1: memref<64x4096xf32, #tpu.memory_space<vmem>>, %arg2: memref<64x4096xf32, #tpu.memory_space<vmem>>, %arg3: memref<64x4096xf32, #tpu.memory_space<vmem>>, %arg4: memref<64x4096xf32, #tpu.memory_space<vmem>>, %arg5: memref<2048x128xf32, #tpu.memory_space<vmem>>, %arg6: memref<2048x128xf32, #tpu.memory_space<vmem>>, %arg7: memref<2048x128xf32, #tpu.memory_space<vmem>>, %arg8: memref<2048x128xf32, #tpu.memory_space<vmem>>) attributes {dimension_semantics = [#tpu.dimension_semantics<arbitrary>], iteration_bounds = array<i64: 25>, scalar_prefetch = 0 : i64, scratch_operands = 0 : i64, tpu.core_type = #tpu.core_type<tc>, window_params = [{transform_indices = @transform_0, window_bounds = array<i64: 64, 4096>}, {transform_indices = @transform_1, window_bounds = array<i64: 64, 4096>}, {transform_indices = @transform_2, window_bounds = array<i64: 64, 4096>}, {transform_indices = @transform_3, window_bounds = array<i64: 64, 4096>}, {transform_indices = @transform_4, window_bounds = array<i64: 2048, 128>}, {transform_indices = @transform_5, window_bounds = array<i64: 2048, 128>}, {transform_indices = @transform_6, window_bounds = array<i64: 2048, 128>}, {transform_indices = @transform_7, window_bounds = array<i64: 2048, 128>}]} {
    %get3A = arith.constant 0 : index
    %get3A_0 = arith.constant 0 : index
    %get3A_1 = vector.load %arg1[%get3A, %get3A_0] : memref<64x4096xf32, #tpu.memory_space<vmem>>, vector<64x4096xf32>
    %slice3A = vector.extract_strided_slice %get3A_1 {offsets = [0, 0], sizes = [64, 128], strides = [1, 1]} : vector<64x4096xf32> to vector<64x128xf32>
    %transpose3A = tpu.transpose %slice3A, [1, 0] : vector<64x128xf32> -> vector<128x64xf32>
    %swap3A = arith.constant 0 : index
    %swap3A_2 = arith.constant 0 : index
    %swap3A_3 = vector.load %arg5[%swap3A, %swap3A_2] : memref<2048x128xf32, #tpu.memory_space<vmem>>, vector<128x64xf32>
    tpu.vector_store %arg5[%swap3A, %swap3A_2], %transpose3A {strides = array<i32>} : memref<2048x128xf32, #tpu.memory_space<vmem>>, vector<128x64xf32>,
    %slice3A_4 = vector.extract_strided_slice %get3A_1 {offsets = [0, 128], sizes = [64, 128], strides = [1, 1]} : vector<64x4096xf32> to vector<64x128xf32>
    %transpose3A_5 = tpu.transpose %slice3A_4, [1, 0] : vector<64x128xf32> -> vector<128x64xf32>
    %swap3A_6 = arith.constant 0 : index
    %swap3A_7 = arith.constant 64 : index
    %swap3A_8 = vector.load %arg5[%swap3A_6, %swap3A_7] : memref<2048x128xf32, #tpu.memory_space<vmem>>, vector<128x64xf32>
    tpu.vector_store %arg5[%swap3A_6, %swap3A_7], %transpose3A_5 {strides = array<i32>} : memref<2048x128xf32, #tpu.memory_space<vmem>>, vector<128x64xf32>,
    %slice3A_9 = vector.extract_strided_slice %get3A_1 {offsets = [0, 256], sizes = [64, 128], strides = [1, 1]} : vector<64x4096xf32> to vector<64x128xf32>
    %transpose3A_10 = tpu.transpose %slice3A_9, [1, 0] : vector<64x128xf32> -> vector<128x64xf32>
    %swap3A_11 = arith.constant 128 : index
    %swap3A_12 = arith.constant 0 : index
    %swap3A_13 = vector.load %arg5[%swap3A_11, %swap3A_12] : memref<2048x128xf32, #tpu.memory_space<vmem>>, vector<128x64xf32>
    tpu.vector_store %arg5[%swap3A_11, %swap3A_12], %transpose3A_10 {strides = array<i32>} : memref<2048x128xf32, #tpu.memory_space<vmem>>, vector<128x64xf32>,
    %slice3A_14 = vector.extract_strided_slice %get3A_1 {offsets = [0, 384], sizes = [64, 128], strides = [1, 1]} : vector<64x4096xf32> to vector<64x128xf32>
    %transpose3A_15 = tpu.transpose %slice3A_14, [1, 0] : vector<64x128xf32> -> vector<128x64xf32>
    %swap3A_16 = arith.constant 128 : index
    %swap3A_17 = arith.constant 64 : index
    %swap3A_18 = vector.load %arg5[%swap3A_16, %swap3A_17] : memref<2048x128xf32, #tpu.memory_space<vmem>>, vector<128x64xf32>
    tpu.vector_store %arg5[%swap3A_16, %swap3A_17], %transpose3A_15 {strides = array<i32>} : memref<2048x128xf32, #tpu.memory_space<vmem>>, vector<128x64xf32>,
    %slice3A_19 = vector.extract_strided_slice %get3A_1 {offsets = [0, 512], sizes = [64, 128], strides = [1, 1]} : vector<64x4096xf32> to vector<64x128xf32>
    %transpose3A_20 = tpu.transpose %slice3A_19, [1, 0] : vector<64x128xf32> -> vector<128x64xf32>
    %swap3A_21 = arith.constant 256 : index
    %swap3A_22 = arith.constant 0 : index
    %swap3A_23 = vector.load %arg5[%swap3A_21, %swap3A_22] : memref<2048x128xf32, #tpu.memory_space<vmem>>, vector<128x64xf32>
    tpu.vector_store %arg5[%swap3A_21, %swap3A_22], %transpose3A_20 {strides = array<i32>} : memref<2048x128xf32, #tpu.memory_space<vmem>>, vector<128x64xf32>,
    %slice3A_24 = vector.extract_strided_slice %get3A_1 {offsets = [0, 640], sizes = [64, 128], strides = [1, 1]} : vector<64x4096xf32> to vector<64x128xf32>
    %transpose3A_25 = tpu.transpose %slice3A_24, [1, 0] : vector<64x128xf32> -> vector<128x64xf32>
    %swap3A_26 = arith.constant 256 : index
    %swap3A_27 = arith.constant 64 : index
    %swap3A_28 = vector.load %arg5[%swap3A_26, %swap3A_27] : memref<2048x128xf32, #tpu.memory_space<vmem>>, vector<128x64xf32>
    tpu.vector_store %arg5[%swap3A_26, %swap3A_27], %transpose3A_25 {strides = array<i32>} : memref<2048x128xf32, #tpu.memory_space<vmem>>, vector<128x64xf32>,
    %slice3A_29 = vector.extract_strided_slice %get3A_1 {offsets = [0, 768], sizes = [64, 128], strides = [1, 1]} : vector<64x4096xf32> to vector<64x128xf32>
    %transpose3A_30 = tpu.transpose %slice3A_29, [1, 0] : vector<64x128xf32> -> vector<128x64xf32>
    %swap3A_31 = arith.constant 384 : index
    %swap3A_32 = arith.constant 0 : index
    %swap3A_33 = vector.load %arg5[%swap3A_31, %swap3A_32] : memref<2048x128xf32, #tpu.memory_space<vmem>>, vector<128x64xf32>
    tpu.vector_store %arg5[%swap3A_31, %swap3A_32], %transpose3A_30 {strides = array<i32>} : memref<2048x128xf32, #tpu.memory_space<vmem>>, vector<128x64xf32>,
    %slice3A_34 = vector.extract_strided_slice %get3A_1 {offsets = [0, 896], sizes = [64, 128], strides = [1, 1]} : vector<64x4096xf32> to vector<64x128xf32>
    %transpose3A_35 = tpu.transpose %slice3A_34, [1, 0] : vector<64x128xf32> -> vector<128x64xf32>
    %swap3A_36 = arith.constant 384 : index
    %swap3A_37 = arith.constant 64 : index
    %swap3A_38 = vector.load %arg5[%swap3A_36, %swap3A_37] : memref<2048x128xf32, #tpu.memory_space<vmem>>, vector<128x64xf32>
    tpu.vector_store %arg5[%swap3A_36, %swap3A_37], %transpose3A_35 {strides = array<i32>} : memref<2048x128xf32, #tpu.memory_space<vmem>>, vector<128x64xf32>,
    %slice3A_39 = vector.extract_strided_slice %get3A_1 {offsets = [0, 1024], sizes = [64, 128], strides = [1, 1]} : vector<64x4096xf32> to vector<64x128xf32>
    %transpose3A_40 = tpu.transpose %slice3A_39, [1, 0] : vector<64x128xf32> -> vector<128x64xf32>
    %swap3A_41 = arith.constant 512 : index
    %swap3A_42 = arith.constant 0 : index
    %swap3A_43 = vector.load %arg5[%swap3A_41, %swap3A_42] : memref<2048x128xf32, #tpu.memory_space<vmem>>, vector<128x64xf32>
    tpu.vector_store %arg5[%swap3A_41, %swap3A_42], %transpose3A_40 {strides = array<i32>} : memref<2048x128xf32, #tpu.memory_space<vmem>>, vector<128x64xf32>,
    %slice3A_44 = vector.extract_strided_slice %get3A_1 {offsets = [0, 1152], sizes = [64, 128], strides = [1, 1]} : vector<64x4096xf32> to vector<64x128xf32>
    %transpose3A_45 = tpu.transpose %slice3A_44, [1, 0] : vector<64x128xf32> -> vector<128x64xf32>
    %swap3A_46 = arith.constant 512 : index
    %swap3A_47 = arith.constant 64 : index
    %swap3A_48 = vector.load %arg5[%swap3A_46, %swap3A_47] : memref<2048x128xf32, #tpu.memory_space<vmem>>, vector<128x64xf32>
    tpu.vector_store %arg5[%swap3A_46, %swap3A_47], %transpose3A_45 {strides = array<i32>} : memref<2048x128xf32, #tpu.memory_space<vmem>>, vector<128x64xf32>,
    %slice3A_49 = vector.extract_strided_slice %get3A_1 {offsets = [0, 1280], sizes = [64, 128], strides = [1, 1]} : vector<64x4096xf32> to vector<64x128xf32>
    %transpose3A_50 = tpu.transpose %slice3A_49, [1, 0] : vector<64x128xf32> -> vector<128x64xf32>
    %swap3A_51 = arith.constant 640 : index
    %swap3A_52 = arith.constant 0 : index
    %swap3A_53 = vector.load %arg5[%swap3A_51, %swap3A_52] : memref<2048x128xf32, #tpu.memory_space<vmem>>, vector<128x64xf32>
    tpu.vector_store %arg5[%swap3A_51, %swap3A_52], %transpose3A_50 {strides = array<i32>} : memref<2048x128xf32, #tpu.memory_space<vmem>>, vector<128x64xf32>,
    %slice3A_54 = vector.extract_strided_slice %get3A_1 {offsets = [0, 1408], sizes = [64, 128], strides = [1, 1]} : vector<64x4096xf32> to vector<64x128xf32>
    %transpose3A_55 = tpu.transpose %slice3A_54, [1, 0] : vector<64x128xf32> -> vector<128x64xf32>
    %swap3A_56 = arith.constant 640 : index
    %swap3A_57 = arith.constant 64 : index
    %swap3A_58 = vector.load %arg5[%swap3A_56, %swap3A_57] : memref<2048x128xf32, #tpu.memory_space<vmem>>, vector<128x64xf32>
    tpu.vector_store %arg5[%swap3A_56, %swap3A_57], %transpose3A_55 {strides = array<i32>} : memref<2048x128xf32, #tpu.memory_space<vmem>>, vector<128x64xf32>,
    %slice3A_59 = vector.extract_strided_slice %get3A_1 {offsets = [0, 1536], sizes = [64, 128], strides = [1, 1]} : vector<64x4096xf32> to vector<64x128xf32>
    %transpose3A_60 = tpu.transpose %slice3A_59, [1, 0] : vector<64x128xf32> -> vector<128x64xf32>
    %swap3A_61 = arith.constant 768 : index
    %swap3A_62 = arith.constant 0 : index
    %swap3A_63 = vector.load %arg5[%swap3A_61, %swap3A_62] : memref<2048x128xf32, #tpu.memory_space<vmem>>, vector<128x64xf32>
    tpu.vector_store %arg5[%swap3A_61, %swap3A_62], %transpose3A_60 {strides = array<i32>} : memref<2048x128xf32, #tpu.memory_space<vmem>>, vector<128x64xf32>,
    %slice3A_64 = vector.extract_strided_slice %get3A_1 {offsets = [0, 1664], sizes = [64, 128], strides = [1, 1]} : vector<64x4096xf32> to vector<64x128xf32>
    %transpose3A_65 = tpu.transpose %slice3A_64, [1, 0] : vector<64x128xf32> -> vector<128x64xf32>
    %swap3A_66 = arith.constant 768 : index
    %swap3A_67 = arith.constant 64 : index
    %swap3A_68 = vector.load %arg5[%swap3A_66, %swap3A_67] : memref<2048x128xf32, #tpu.memory_space<vmem>>, vector<128x64xf32>
    tpu.vector_store %arg5[%swap3A_66, %swap3A_67], %transpose3A_65 {strides = array<i32>} : memref<2048x128xf32, #tpu.memory_space<vmem>>, vector<128x64xf32>,
    %slice3A_69 = vector.extract_strided_slice %get3A_1 {offsets = [0, 1792], sizes = [64, 128], strides = [1, 1]} : vector<64x4096xf32> to vector<64x128xf32>
    %transpose3A_70 = tpu.transpose %slice3A_69, [1, 0] : vector<64x128xf32> -> vector<128x64xf32>
    %swap3A_71 = arith.constant 896 : index
    %swap3A_72 = arith.constant 0 : index
    %swap3A_73 = vector.load %arg5[%swap3A_71, %swap3A_72] : memref<2048x128xf32, #tpu.memory_space<vmem>>, vector<128x64xf32>
    tpu.vector_store %arg5[%swap3A_71, %swap3A_72], %transpose3A_70 {strides = array<i32>} : memref<2048x128xf32, #tpu.memory_space<vmem>>, vector<128x64xf32>,
    %slice3A_74 = vector.extract_strided_slice %get3A_1 {offsets = [0, 1920], sizes = [64, 128], strides = [1, 1]} : vector<64x4096xf32> to vector<64x128xf32>
    %transpose3A_75 = tpu.transpose %slice3A_74, [1, 0] : vector<64x128xf32> -> vector<128x64xf32>
    %swap3A_76 = arith.constant 896 : index
    %swap3A_77 = arith.constant 64 : index
    %swap3A_78 = vector.load %arg5[%swap3A_76, %swap3A_77] : memref<2048x128xf32, #tpu.memory_space<vmem>>, vector<128x64xf32>
    tpu.vector_store %arg5[%swap3A_76, %swap3A_77], %transpose3A_75 {strides = array<i32>} : memref<2048x128xf32, #tpu.memory_space<vmem>>, vector<128x64xf32>,
    %slice3A_79 = vector.extract_strided_slice %get3A_1 {offsets = [0, 2048], sizes = [64, 128], strides = [1, 1]} : vector<64x4096xf32> to vector<64x128xf32>
    %transpose3A_80 = tpu.transpose %slice3A_79, [1, 0] : vector<64x128xf32> -> vector<128x64xf32>
    %swap3A_81 = arith.constant 1024 : index
    %swap3A_82 = arith.constant 0 : index
    %swap3A_83 = vector.load %arg5[%swap3A_81, %swap3A_82] : memref<2048x128xf32, #tpu.memory_space<vmem>>, vector<128x64xf32>
    tpu.vector_store %arg5[%swap3A_81, %swap3A_82], %transpose3A_80 {strides = array<i32>} : memref<2048x128xf32, #tpu.memory_space<vmem>>, vector<128x64xf32>,
    %slice3A_84 = vector.extract_strided_slice %get3A_1 {offsets = [0, 2176], sizes = [64, 128], strides = [1, 1]} : vector<64x4096xf32> to vector<64x128xf32>
    %transpose3A_85 = tpu.transpose %slice3A_84, [1, 0] : vector<64x128xf32> -> vector<128x64xf32>
    %swap3A_86 = arith.constant 1024 : index
    %swap3A_87 = arith.constant 64 : index
    %swap3A_88 = vector.load %arg5[%swap3A_86, %swap3A_87] : memref<2048x128xf32, #tpu.memory_space<vmem>>, vector<128x64xf32>
    tpu.vector_store %arg5[%swap3A_86, %swap3A_87], %transpose3A_85 {strides = array<i32>} : memref<2048x128xf32, #tpu.memory_space<vmem>>, vector<128x64xf32>,
    %slice3A_89 = vector.extract_strided_slice %get3A_1 {offsets = [0, 2304], sizes = [64, 128], strides = [1, 1]} : vector<64x4096xf32> to vector<64x128xf32>
    %transpose3A_90 = tpu.transpose %slice3A_89, [1, 0] : vector<64x128xf32> -> vector<128x64xf32>
    %swap3A_91 = arith.constant 1152 : index
    %swap3A_92 = arith.constant 0 : index
    %swap3A_93 = vector.load %arg5[%swap3A_91, %swap3A_92] : memref<2048x128xf32, #tpu.memory_space<vmem>>, vector<128x64xf32>
    tpu.vector_store %arg5[%swap3A_91, %swap3A_92], %transpose3A_90 {strides = array<i32>} : memref<2048x128xf32, #tpu.memory_space<vmem>>, vector<128x64xf32>,
    %slice3A_94 = vector.extract_strided_slice %get3A_1 {offsets = [0, 2432], sizes = [64, 128], strides = [1, 1]} : vector<64x4096xf32> to vector<64x128xf32>
    %transpose3A_95 = tpu.transpose %slice3A_94, [1, 0] : vector<64x128xf32> -> vector<128x64xf32>
    %swap3A_96 = arith.constant 1152 : index
    %swap3A_97 = arith.constant 64 : index
    %swap3A_98 = vector.load %arg5[%swap3A_96, %swap3A_97] : memref<2048x128xf32, #tpu.memory_space<vmem>>, vector<128x64xf32>
    tpu.vector_store %arg5[%swap3A_96, %swap3A_97], %transpose3A_95 {strides = array<i32>} : memref<2048x128xf32, #tpu.memory_space<vmem>>, vector<128x64xf32>,
    %slice3A_99 = vector.extract_strided_slice %get3A_1 {offsets = [0, 2560], sizes = [64, 128], strides = [1, 1]} : vector<64x4096xf32> to vector<64x128xf32>
    %transpose3A_100 = tpu.transpose %slice3A_99, [1, 0] : vector<64x128xf32> -> vector<128x64xf32>
    %swap3A_101 = arith.constant 1280 : index
    %swap3A_102 = arith.constant 0 : index
    %swap3A_103 = vector.load %arg5[%swap3A_101, %swap3A_102] : memref<2048x128xf32, #tpu.memory_space<vmem>>, vector<128x64xf32>
    tpu.vector_store %arg5[%swap3A_101, %swap3A_102], %transpose3A_100 {strides = array<i32>} : memref<2048x128xf32, #tpu.memory_space<vmem>>, vector<128x64xf32>,
    %slice3A_104 = vector.extract_strided_slice %get3A_1 {offsets = [0, 2688], sizes = [64, 128], strides = [1, 1]} : vector<64x4096xf32> to vector<64x128xf32>
    %transpose3A_105 = tpu.transpose %slice3A_104, [1, 0] : vector<64x128xf32> -> vector<128x64xf32>
    %swap3A_106 = arith.constant 1280 : index
    %swap3A_107 = arith.constant 64 : index
    %swap3A_108 = vector.load %arg5[%swap3A_106, %swap3A_107] : memref<2048x128xf32, #tpu.memory_space<vmem>>, vector<128x64xf32>
    tpu.vector_store %arg5[%swap3A_106, %swap3A_107], %transpose3A_105 {strides = array<i32>} : memref<2048x128xf32, #tpu.memory_space<vmem>>, vector<128x64xf32>,
    %slice3A_109 = vector.extract_strided_slice %get3A_1 {offsets = [0, 2816], sizes = [64, 128], strides = [1, 1]} : vector<64x4096xf32> to vector<64x128xf32>
    %transpose3A_110 = tpu.transpose %slice3A_109, [1, 0] : vector<64x128xf32> -> vector<128x64xf32>
    %swap3A_111 = arith.constant 1408 : index
    %swap3A_112 = arith.constant 0 : index
    %swap3A_113 = vector.load %arg5[%swap3A_111, %swap3A_112] : memref<2048x128xf32, #tpu.memory_space<vmem>>, vector<128x64xf32>
    tpu.vector_store %arg5[%swap3A_111, %swap3A_112], %transpose3A_110 {strides = array<i32>} : memref<2048x128xf32, #tpu.memory_space<vmem>>, vector<128x64xf32>,
    %slice3A_114 = vector.extract_strided_slice %get3A_1 {offsets = [0, 2944], sizes = [64, 128], strides = [1, 1]} : vector<64x4096xf32> to vector<64x128xf32>
    %transpose3A_115 = tpu.transpose %slice3A_114, [1, 0] : vector<64x128xf32> -> vector<128x64xf32>
    %swap3A_116 = arith.constant 1408 : index
    %swap3A_117 = arith.constant 64 : index
    %swap3A_118 = vector.load %arg5[%swap3A_116, %swap3A_117] : memref<2048x128xf32, #tpu.memory_space<vmem>>, vector<128x64xf32>
    tpu.vector_store %arg5[%swap3A_116, %swap3A_117], %transpose3A_115 {strides = array<i32>} : memref<2048x128xf32, #tpu.memory_space<vmem>>, vector<128x64xf32>,
    %slice3A_119 = vector.extract_strided_slice %get3A_1 {offsets = [0, 3072], sizes = [64, 128], strides = [1, 1]} : vector<64x4096xf32> to vector<64x128xf32>
    %transpose3A_120 = tpu.transpose %slice3A_119, [1, 0] : vector<64x128xf32> -> vector<128x64xf32>
    %swap3A_121 = arith.constant 1536 : index
    %swap3A_122 = arith.constant 0 : index
    %swap3A_123 = vector.load %arg5[%swap3A_121, %swap3A_122] : memref<2048x128xf32, #tpu.memory_space<vmem>>, vector<128x64xf32>
    tpu.vector_store %arg5[%swap3A_121, %swap3A_122], %transpose3A_120 {strides = array<i32>} : memref<2048x128xf32, #tpu.memory_space<vmem>>, vector<128x64xf32>,
    %slice3A_124 = vector.extract_strided_slice %get3A_1 {offsets = [0, 3200], sizes = [64, 128], strides = [1, 1]} : vector<64x4096xf32> to vector<64x128xf32>
    %transpose3A_125 = tpu.transpose %slice3A_124, [1, 0] : vector<64x128xf32> -> vector<128x64xf32>
    %swap3A_126 = arith.constant 1536 : index
    %swap3A_127 = arith.constant 64 : index
    %swap3A_128 = vector.load %arg5[%swap3A_126, %swap3A_127] : memref<2048x128xf32, #tpu.memory_space<vmem>>, vector<128x64xf32>
    tpu.vector_store %arg5[%swap3A_126, %swap3A_127], %transpose3A_125 {strides = array<i32>} : memref<2048x128xf32, #tpu.memory_space<vmem>>, vector<128x64xf32>,
    %slice3A_129 = vector.extract_strided_slice %get3A_1 {offsets = [0, 3328], sizes = [64, 128], strides = [1, 1]} : vector<64x4096xf32> to vector<64x128xf32>
    %transpose3A_130 = tpu.transpose %slice3A_129, [1, 0] : vector<64x128xf32> -> vector<128x64xf32>
    %swap3A_131 = arith.constant 1664 : index
    %swap3A_132 = arith.constant 0 : index
    %swap3A_133 = vector.load %arg5[%swap3A_131, %swap3A_132] : memref<2048x128xf32, #tpu.memory_space<vmem>>, vector<128x64xf32>
    tpu.vector_store %arg5[%swap3A_131, %swap3A_132], %transpose3A_130 {strides = array<i32>} : memref<2048x128xf32, #tpu.memory_space<vmem>>, vector<128x64xf32>,
    %slice3A_134 = vector.extract_strided_slice %get3A_1 {offsets = [0, 3456], sizes = [64, 128], strides = [1, 1]} : vector<64x4096xf32> to vector<64x128xf32>
    %transpose3A_135 = tpu.transpose %slice3A_134, [1, 0] : vector<64x128xf32> -> vector<128x64xf32>
    %swap3A_136 = arith.constant 1664 : index
    %swap3A_137 = arith.constant 64 : index
    %swap3A_138 = vector.load %arg5[%swap3A_136, %swap3A_137] : memref<2048x128xf32, #tpu.memory_space<vmem>>, vector<128x64xf32>
    tpu.vector_store %arg5[%swap3A_136, %swap3A_137], %transpose3A_135 {strides = array<i32>} : memref<2048x128xf32, #tpu.memory_space<vmem>>, vector<128x64xf32>,
    %slice3A_139 = vector.extract_strided_slice %get3A_1 {offsets = [0, 3584], sizes = [64, 128], strides = [1, 1]} : vector<64x4096xf32> to vector<64x128xf32>
    %transpose3A_140 = tpu.transpose %slice3A_139, [1, 0] : vector<64x128xf32> -> vector<128x64xf32>
    %swap3A_141 = arith.constant 1792 : index
    %swap3A_142 = arith.constant 0 : index
    %swap3A_143 = vector.load %arg5[%swap3A_141, %swap3A_142] : memref<2048x128xf32, #tpu.memory_space<vmem>>, vector<128x64xf32>
    tpu.vector_store %arg5[%swap3A_141, %swap3A_142], %transpose3A_140 {strides = array<i32>} : memref<2048x128xf32, #tpu.memory_space<vmem>>, vector<128x64xf32>,
    %slice3A_144 = vector.extract_strided_slice %get3A_1 {offsets = [0, 3712], sizes = [64, 128], strides = [1, 1]} : vector<64x4096xf32> to vector<64x128xf32>
    %transpose3A_145 = tpu.transpose %slice3A_144, [1, 0] : vector<64x128xf32> -> vector<128x64xf32>
    %swap3A_146 = arith.constant 1792 : index
    %swap3A_147 = arith.constant 64 : index
    %swap3A_148 = vector.load %arg5[%swap3A_146, %swap3A_147] : memref<2048x128xf32, #tpu.memory_space<vmem>>, vector<128x64xf32>
    tpu.vector_store %arg5[%swap3A_146, %swap3A_147], %transpose3A_145 {strides = array<i32>} : memref<2048x128xf32, #tpu.memory_space<vmem>>, vector<128x64xf32>,
    %slice3A_149 = vector.extract_strided_slice %get3A_1 {offsets = [0, 3840], sizes = [64, 128], strides = [1, 1]} : vector<64x4096xf32> to vector<64x128xf32>
    %transpose3A_150 = tpu.transpose %slice3A_149, [1, 0] : vector<64x128xf32> -> vector<128x64xf32>
    %swap3A_151 = arith.constant 1920 : index
    %swap3A_152 = arith.constant 0 : index
    %swap3A_153 = vector.load %arg5[%swap3A_151, %swap3A_152] : memref<2048x128xf32, #tpu.memory_space<vmem>>, vector<128x64xf32>
    tpu.vector_store %arg5[%swap3A_151, %swap3A_152], %transpose3A_150 {strides = array<i32>} : memref<2048x128xf32, #tpu.memory_space<vmem>>, vector<128x64xf32>,
    %slice3A_154 = vector.extract_strided_slice %get3A_1 {offsets = [0, 3968], sizes = [64, 128], strides = [1, 1]} : vector<64x4096xf32> to vector<64x128xf32>
    %transpose3A_155 = tpu.transpose %slice3A_154, [1, 0] : vector<64x128xf32> -> vector<128x64xf32>
    %swap3A_156 = arith.constant 1920 : index
    %swap3A_157 = arith.constant 64 : index
    %swap3A_158 = vector.load %arg5[%swap3A_156, %swap3A_157] : memref<2048x128xf32, #tpu.memory_space<vmem>>, vector<128x64xf32>
    tpu.vector_store %arg5[%swap3A_156, %swap3A_157], %transpose3A_155 {strides = array<i32>} : memref<2048x128xf32, #tpu.memory_space<vmem>>, vector<128x64xf32>,
    %get3A_159 = arith.constant 0 : index
    %get3A_160 = arith.constant 0 : index
    %get3A_161 = vector.load %arg2[%get3A_159, %get3A_160] : memref<64x4096xf32, #tpu.memory_space<vmem>>, vector<64x4096xf32>
    %slice3A_162 = vector.extract_strided_slice %get3A_161 {offsets = [0, 0], sizes = [64, 128], strides = [1, 1]} : vector<64x4096xf32> to vector<64x128xf32>
    %transpose3A_163 = tpu.transpose %slice3A_162, [1, 0] : vector<64x128xf32> -> vector<128x64xf32>
    %swap3A_164 = arith.constant 0 : index
    %swap3A_165 = arith.constant 0 : index
    %swap3A_166 = vector.load %arg6[%swap3A_164, %swap3A_165] : memref<2048x128xf32, #tpu.memory_space<vmem>>, vector<128x64xf32>
    tpu.vector_store %arg6[%swap3A_164, %swap3A_165], %transpose3A_163 {strides = array<i32>} : memref<2048x128xf32, #tpu.memory_space<vmem>>, vector<128x64xf32>,
    %slice3A_167 = vector.extract_strided_slice %get3A_161 {offsets = [0, 128], sizes = [64, 128], strides = [1, 1]} : vector<64x4096xf32> to vector<64x128xf32>
    %transpose3A_168 = tpu.transpose %slice3A_167, [1, 0] : vector<64x128xf32> -> vector<128x64xf32>
    %swap3A_169 = arith.constant 0 : index
    %swap3A_170 = arith.constant 64 : index
    %swap3A_171 = vector.load %arg6[%swap3A_169, %swap3A_170] : memref<2048x128xf32, #tpu.memory_space<vmem>>, vector<128x64xf32>
    tpu.vector_store %arg6[%swap3A_169, %swap3A_170], %transpose3A_168 {strides = array<i32>} : memref<2048x128xf32, #tpu.memory_space<vmem>>, vector<128x64xf32>,
    %slice3A_172 = vector.extract_strided_slice %get3A_161 {offsets = [0, 256], sizes = [64, 128], strides = [1, 1]} : vector<64x4096xf32> to vector<64x128xf32>
    %transpose3A_173 = tpu.transpose %slice3A_172, [1, 0] : vector<64x128xf32> -> vector<128x64xf32>
    %swap3A_174 = arith.constant 128 : index
    %swap3A_175 = arith.constant 0 : index
    %swap3A_176 = vector.load %arg6[%swap3A_174, %swap3A_175] : memref<2048x128xf32, #tpu.memory_space<vmem>>, vector<128x64xf32>
    tpu.vector_store %arg6[%swap3A_174, %swap3A_175], %transpose3A_173 {strides = array<i32>} : memref<2048x128xf32, #tpu.memory_space<vmem>>, vector<128x64xf32>,
    %slice3A_177 = vector.extract_strided_slice %get3A_161 {offsets = [0, 384], sizes = [64, 128], strides = [1, 1]} : vector<64x4096xf32> to vector<64x128xf32>
    %transpose3A_178 = tpu.transpose %slice3A_177, [1, 0] : vector<64x128xf32> -> vector<128x64xf32>
    %swap3A_179 = arith.constant 128 : index
    %swap3A_180 = arith.constant 64 : index
    %swap3A_181 = vector.load %arg6[%swap3A_179, %swap3A_180] : memref<2048x128xf32, #tpu.memory_space<vmem>>, vector<128x64xf32>
    tpu.vector_store %arg6[%swap3A_179, %swap3A_180], %transpose3A_178 {strides = array<i32>} : memref<2048x128xf32, #tpu.memory_space<vmem>>, vector<128x64xf32>,
    %slice3A_182 = vector.extract_strided_slice %get3A_161 {offsets = [0, 512], sizes = [64, 128], strides = [1, 1]} : vector<64x4096xf32> to vector<64x128xf32>
    %transpose3A_183 = tpu.transpose %slice3A_182, [1, 0] : vector<64x128xf32> -> vector<128x64xf32>
    %swap3A_184 = arith.constant 256 : index
    %swap3A_185 = arith.constant 0 : index
    %swap3A_186 = vector.load %arg6[%swap3A_184, %swap3A_185] : memref<2048x128xf32, #tpu.memory_space<vmem>>, vector<128x64xf32>
    tpu.vector_store %arg6[%swap3A_184, %swap3A_185], %transpose3A_183 {strides = array<i32>} : memref<2048x128xf32, #tpu.memory_space<vmem>>, vector<128x64xf32>,
    %slice3A_187 = vector.extract_strided_slice %get3A_161 {offsets = [0, 640], sizes = [64, 128], strides = [1, 1]} : vector<64x4096xf32> to vector<64x128xf32>
    %transpose3A_188 = tpu.transpose %slice3A_187, [1, 0] : vector<64x128xf32> -> vector<128x64xf32>
    %swap3A_189 = arith.constant 256 : index
    %swap3A_190 = arith.constant 64 : index
    %swap3A_191 = vector.load %arg6[%swap3A_189, %swap3A_190] : memref<2048x128xf32, #tpu.memory_space<vmem>>, vector<128x64xf32>
    tpu.vector_store %arg6[%swap3A_189, %swap3A_190], %transpose3A_188 {strides = array<i32>} : memref<2048x128xf32, #tpu.memory_space<vmem>>, vector<128x64xf32>,
    %slice3A_192 = vector.extract_strided_slice %get3A_161 {offsets = [0, 768], sizes = [64, 128], strides = [1, 1]} : vector<64x4096xf32> to vector<64x128xf32>
    %transpose3A_193 = tpu.transpose %slice3A_192, [1, 0] : vector<64x128xf32> -> vector<128x64xf32>
    %swap3A_194 = arith.constant 384 : index
    %swap3A_195 = arith.constant 0 : index
    %swap3A_196 = vector.load %arg6[%swap3A_194, %swap3A_195] : memref<2048x128xf32, #tpu.memory_space<vmem>>, vector<128x64xf32>
    tpu.vector_store %arg6[%swap3A_194, %swap3A_195], %transpose3A_193 {strides = array<i32>} : memref<2048x128xf32, #tpu.memory_space<vmem>>, vector<128x64xf32>,
    %slice3A_197 = vector.extract_strided_slice %get3A_161 {offsets = [0, 896], sizes = [64, 128], strides = [1, 1]} : vector<64x4096xf32> to vector<64x128xf32>
    %transpose3A_198 = tpu.transpose %slice3A_197, [1, 0] : vector<64x128xf32> -> vector<128x64xf32>
    %swap3A_199 = arith.constant 384 : index
    %swap3A_200 = arith.constant 64 : index
    %swap3A_201 = vector.load %arg6[%swap3A_199, %swap3A_200] : memref<2048x128xf32, #tpu.memory_space<vmem>>, vector<128x64xf32>
    tpu.vector_store %arg6[%swap3A_199, %swap3A_200], %transpose3A_198 {strides = array<i32>} : memref<2048x128xf32, #tpu.memory_space<vmem>>, vector<128x64xf32>,
    %slice3A_202 = vector.extract_strided_slice %get3A_161 {offsets = [0, 1024], sizes = [64, 128], strides = [1, 1]} : vector<64x4096xf32> to vector<64x128xf32>
    %transpose3A_203 = tpu.transpose %slice3A_202, [1, 0] : vector<64x128xf32> -> vector<128x64xf32>
    %swap3A_204 = arith.constant 512 : index
    %swap3A_205 = arith.constant 0 : index
    %swap3A_206 = vector.load %arg6[%swap3A_204, %swap3A_205] : memref<2048x128xf32, #tpu.memory_space<vmem>>, vector<128x64xf32>
    tpu.vector_store %arg6[%swap3A_204, %swap3A_205], %transpose3A_203 {strides = array<i32>} : memref<2048x128xf32, #tpu.memory_space<vmem>>, vector<128x64xf32>,
    %slice3A_207 = vector.extract_strided_slice %get3A_161 {offsets = [0, 1152], sizes = [64, 128], strides = [1, 1]} : vector<64x4096xf32> to vector<64x128xf32>
    %transpose3A_208 = tpu.transpose %slice3A_207, [1, 0] : vector<64x128xf32> -> vector<128x64xf32>
    %swap3A_209 = arith.constant 512 : index
    %swap3A_210 = arith.constant 64 : index
    %swap3A_211 = vector.load %arg6[%swap3A_209, %swap3A_210] : memref<2048x128xf32, #tpu.memory_space<vmem>>, vector<128x64xf32>
    tpu.vector_store %arg6[%swap3A_209, %swap3A_210], %transpose3A_208 {strides = array<i32>} : memref<2048x128xf32, #tpu.memory_space<vmem>>, vector<128x64xf32>,
    %slice3A_212 = vector.extract_strided_slice %get3A_161 {offsets = [0, 1280], sizes = [64, 128], strides = [1, 1]} : vector<64x4096xf32> to vector<64x128xf32>
    %transpose3A_213 = tpu.transpose %slice3A_212, [1, 0] : vector<64x128xf32> -> vector<128x64xf32>
    %swap3A_214 = arith.constant 640 : index
    %swap3A_215 = arith.constant 0 : index
    %swap3A_216 = vector.load %arg6[%swap3A_214, %swap3A_215] : memref<2048x128xf32, #tpu.memory_space<vmem>>, vector<128x64xf32>
    tpu.vector_store %arg6[%swap3A_214, %swap3A_215], %transpose3A_213 {strides = array<i32>} : memref<2048x128xf32, #tpu.memory_space<vmem>>, vector<128x64xf32>,
    %slice3A_217 = vector.extract_strided_slice %get3A_161 {offsets = [0, 1408], sizes = [64, 128], strides = [1, 1]} : vector<64x4096xf32> to vector<64x128xf32>
    %transpose3A_218 = tpu.transpose %slice3A_217, [1, 0] : vector<64x128xf32> -> vector<128x64xf32>
    %swap3A_219 = arith.constant 640 : index
    %swap3A_220 = arith.constant 64 : index
    %swap3A_221 = vector.load %arg6[%swap3A_219, %swap3A_220] : memref<2048x128xf32, #tpu.memory_space<vmem>>, vector<128x64xf32>
    tpu.vector_store %arg6[%swap3A_219, %swap3A_220], %transpose3A_218 {strides = array<i32>} : memref<2048x128xf32, #tpu.memory_space<vmem>>, vector<128x64xf32>,
    %slice3A_222 = vector.extract_strided_slice %get3A_161 {offsets = [0, 1536], sizes = [64, 128], strides = [1, 1]} : vector<64x4096xf32> to vector<64x128xf32>
    %transpose3A_223 = tpu.transpose %slice3A_222, [1, 0] : vector<64x128xf32> -> vector<128x64xf32>
    %swap3A_224 = arith.constant 768 : index
    %swap3A_225 = arith.constant 0 : index
    %swap3A_226 = vector.load %arg6[%swap3A_224, %swap3A_225] : memref<2048x128xf32, #tpu.memory_space<vmem>>, vector<128x64xf32>
    tpu.vector_store %arg6[%swap3A_224, %swap3A_225], %transpose3A_223 {strides = array<i32>} : memref<2048x128xf32, #tpu.memory_space<vmem>>, vector<128x64xf32>,
    %slice3A_227 = vector.extract_strided_slice %get3A_161 {offsets = [0, 1664], sizes = [64, 128], strides = [1, 1]} : vector<64x4096xf32> to vector<64x128xf32>
    %transpose3A_228 = tpu.transpose %slice3A_227, [1, 0] : vector<64x128xf32> -> vector<128x64xf32>
    %swap3A_229 = arith.constant 768 : index
    %swap3A_230 = arith.constant 64 : index
    %swap3A_231 = vector.load %arg6[%swap3A_229, %swap3A_230] : memref<2048x128xf32, #tpu.memory_space<vmem>>, vector<128x64xf32>
    tpu.vector_store %arg6[%swap3A_229, %swap3A_230], %transpose3A_228 {strides = array<i32>} : memref<2048x128xf32, #tpu.memory_space<vmem>>, vector<128x64xf32>,
    %slice3A_232 = vector.extract_strided_slice %get3A_161 {offsets = [0, 1792], sizes = [64, 128], strides = [1, 1]} : vector<64x4096xf32> to vector<64x128xf32>
    %transpose3A_233 = tpu.transpose %slice3A_232, [1, 0] : vector<64x128xf32> -> vector<128x64xf32>
    %swap3A_234 = arith.constant 896 : index
    %swap3A_235 = arith.constant 0 : index
    %swap3A_236 = vector.load %arg6[%swap3A_234, %swap3A_235] : memref<2048x128xf32, #tpu.memory_space<vmem>>, vector<128x64xf32>
    tpu.vector_store %arg6[%swap3A_234, %swap3A_235], %transpose3A_233 {strides = array<i32>} : memref<2048x128xf32, #tpu.memory_space<vmem>>, vector<128x64xf32>,
    %slice3A_237 = vector.extract_strided_slice %get3A_161 {offsets = [0, 1920], sizes = [64, 128], strides = [1, 1]} : vector<64x4096xf32> to vector<64x128xf32>
    %transpose3A_238 = tpu.transpose %slice3A_237, [1, 0] : vector<64x128xf32> -> vector<128x64xf32>
    %swap3A_239 = arith.constant 896 : index
    %swap3A_240 = arith.constant 64 : index
    %swap3A_241 = vector.load %arg6[%swap3A_239, %swap3A_240] : memref<2048x128xf32, #tpu.memory_space<vmem>>, vector<128x64xf32>
    tpu.vector_store %arg6[%swap3A_239, %swap3A_240], %transpose3A_238 {strides = array<i32>} : memref<2048x128xf32, #tpu.memory_space<vmem>>, vector<128x64xf32>,
    %slice3A_242 = vector.extract_strided_slice %get3A_161 {offsets = [0, 2048], sizes = [64, 128], strides = [1, 1]} : vector<64x4096xf32> to vector<64x128xf32>
    %transpose3A_243 = tpu.transpose %slice3A_242, [1, 0] : vector<64x128xf32> -> vector<128x64xf32>
    %swap3A_244 = arith.constant 1024 : index
    %swap3A_245 = arith.constant 0 : index
    %swap3A_246 = vector.load %arg6[%swap3A_244, %swap3A_245] : memref<2048x128xf32, #tpu.memory_space<vmem>>, vector<128x64xf32>
    tpu.vector_store %arg6[%swap3A_244, %swap3A_245], %transpose3A_243 {strides = array<i32>} : memref<2048x128xf32, #tpu.memory_space<vmem>>, vector<128x64xf32>,
    %slice3A_247 = vector.extract_strided_slice %get3A_161 {offsets = [0, 2176], sizes = [64, 128], strides = [1, 1]} : vector<64x4096xf32> to vector<64x128xf32>
    %transpose3A_248 = tpu.transpose %slice3A_247, [1, 0] : vector<64x128xf32> -> vector<128x64xf32>
    %swap3A_249 = arith.constant 1024 : index
    %swap3A_250 = arith.constant 64 : index
    %swap3A_251 = vector.load %arg6[%swap3A_249, %swap3A_250] : memref<2048x128xf32, #tpu.memory_space<vmem>>, vector<128x64xf32>
    tpu.vector_store %arg6[%swap3A_249, %swap3A_250], %transpose3A_248 {strides = array<i32>} : memref<2048x128xf32, #tpu.memory_space<vmem>>, vector<128x64xf32>,
    %slice3A_252 = vector.extract_strided_slice %get3A_161 {offsets = [0, 2304], sizes = [64, 128], strides = [1, 1]} : vector<64x4096xf32> to vector<64x128xf32>
    %transpose3A_253 = tpu.transpose %slice3A_252, [1, 0] : vector<64x128xf32> -> vector<128x64xf32>
    %swap3A_254 = arith.constant 1152 : index
    %swap3A_255 = arith.constant 0 : index
    %swap3A_256 = vector.load %arg6[%swap3A_254, %swap3A_255] : memref<2048x128xf32, #tpu.memory_space<vmem>>, vector<128x64xf32>
    tpu.vector_store %arg6[%swap3A_254, %swap3A_255], %transpose3A_253 {strides = array<i32>} : memref<2048x128xf32, #tpu.memory_space<vmem>>, vector<128x64xf32>,
    %slice3A_257 = vector.extract_strided_slice %get3A_161 {offsets = [0, 2432], sizes = [64, 128], strides = [1, 1]} : vector<64x4096xf32> to vector<64x128xf32>
    %transpose3A_258 = tpu.transpose %slice3A_257, [1, 0] : vector<64x128xf32> -> vector<128x64xf32>
    %swap3A_259 = arith.constant 1152 : index
    %swap3A_260 = arith.constant 64 : index
    %swap3A_261 = vector.load %arg6[%swap3A_259, %swap3A_260] : memref<2048x128xf32, #tpu.memory_space<vmem>>, vector<128x64xf32>
    tpu.vector_store %arg6[%swap3A_259, %swap3A_260], %transpose3A_258 {strides = array<i32>} : memref<2048x128xf32, #tpu.memory_space<vmem>>, vector<128x64xf32>,
    %slice3A_262 = vector.extract_strided_slice %get3A_161 {offsets = [0, 2560], sizes = [64, 128], strides = [1, 1]} : vector<64x4096xf32> to vector<64x128xf32>
    %transpose3A_263 = tpu.transpose %slice3A_262, [1, 0] : vector<64x128xf32> -> vector<128x64xf32>
    %swap3A_264 = arith.constant 1280 : index
    %swap3A_265 = arith.constant 0 : index
    %swap3A_266 = vector.load %arg6[%swap3A_264, %swap3A_265] : memref<2048x128xf32, #tpu.memory_space<vmem>>, vector<128x64xf32>
    tpu.vector_store %arg6[%swap3A_264, %swap3A_265], %transpose3A_263 {strides = array<i32>} : memref<2048x128xf32, #tpu.memory_space<vmem>>, vector<128x64xf32>,
    %slice3A_267 = vector.extract_strided_slice %get3A_161 {offsets = [0, 2688], sizes = [64, 128], strides = [1, 1]} : vector<64x4096xf32> to vector<64x128xf32>
    %transpose3A_268 = tpu.transpose %slice3A_267, [1, 0] : vector<64x128xf32> -> vector<128x64xf32>
    %swap3A_269 = arith.constant 1280 : index
    %swap3A_270 = arith.constant 64 : index
    %swap3A_271 = vector.load %arg6[%swap3A_269, %swap3A_270] : memref<2048x128xf32, #tpu.memory_space<vmem>>, vector<128x64xf32>
    tpu.vector_store %arg6[%swap3A_269, %swap3A_270], %transpose3A_268 {strides = array<i32>} : memref<2048x128xf32, #tpu.memory_space<vmem>>, vector<128x64xf32>,
    %slice3A_272 = vector.extract_strided_slice %get3A_161 {offsets = [0, 2816], sizes = [64, 128], strides = [1, 1]} : vector<64x4096xf32> to vector<64x128xf32>
    %transpose3A_273 = tpu.transpose %slice3A_272, [1, 0] : vector<64x128xf32> -> vector<128x64xf32>
    %swap3A_274 = arith.constant 1408 : index
    %swap3A_275 = arith.constant 0 : index
    %swap3A_276 = vector.load %arg6[%swap3A_274, %swap3A_275] : memref<2048x128xf32, #tpu.memory_space<vmem>>, vector<128x64xf32>
    tpu.vector_store %arg6[%swap3A_274, %swap3A_275], %transpose3A_273 {strides = array<i32>} : memref<2048x128xf32, #tpu.memory_space<vmem>>, vector<128x64xf32>,
    %slice3A_277 = vector.extract_strided_slice %get3A_161 {offsets = [0, 2944], sizes = [64, 128], strides = [1, 1]} : vector<64x4096xf32> to vector<64x128xf32>
    %transpose3A_278 = tpu.transpose %slice3A_277, [1, 0] : vector<64x128xf32> -> vector<128x64xf32>
    %swap3A_279 = arith.constant 1408 : index
    %swap3A_280 = arith.constant 64 : index
    %swap3A_281 = vector.load %arg6[%swap3A_279, %swap3A_280] : memref<2048x128xf32, #tpu.memory_space<vmem>>, vector<128x64xf32>
    tpu.vector_store %arg6[%swap3A_279, %swap3A_280], %transpose3A_278 {strides = array<i32>} : memref<2048x128xf32, #tpu.memory_space<vmem>>, vector<128x64xf32>,
    %slice3A_282 = vector.extract_strided_slice %get3A_161 {offsets = [0, 3072], sizes = [64, 128], strides = [1, 1]} : vector<64x4096xf32> to vector<64x128xf32>
    %transpose3A_283 = tpu.transpose %slice3A_282, [1, 0] : vector<64x128xf32> -> vector<128x64xf32>
    %swap3A_284 = arith.constant 1536 : index
    %swap3A_285 = arith.constant 0 : index
    %swap3A_286 = vector.load %arg6[%swap3A_284, %swap3A_285] : memref<2048x128xf32, #tpu.memory_space<vmem>>, vector<128x64xf32>
    tpu.vector_store %arg6[%swap3A_284, %swap3A_285], %transpose3A_283 {strides = array<i32>} : memref<2048x128xf32, #tpu.memory_space<vmem>>, vector<128x64xf32>,
    %slice3A_287 = vector.extract_strided_slice %get3A_161 {offsets = [0, 3200], sizes = [64, 128], strides = [1, 1]} : vector<64x4096xf32> to vector<64x128xf32>
    %transpose3A_288 = tpu.transpose %slice3A_287, [1, 0] : vector<64x128xf32> -> vector<128x64xf32>
    %swap3A_289 = arith.constant 1536 : index
    %swap3A_290 = arith.constant 64 : index
    %swap3A_291 = vector.load %arg6[%swap3A_289, %swap3A_290] : memref<2048x128xf32, #tpu.memory_space<vmem>>, vector<128x64xf32>
    tpu.vector_store %arg6[%swap3A_289, %swap3A_290], %transpose3A_288 {strides = array<i32>} : memref<2048x128xf32, #tpu.memory_space<vmem>>, vector<128x64xf32>,
    %slice3A_292 = vector.extract_strided_slice %get3A_161 {offsets = [0, 3328], sizes = [64, 128], strides = [1, 1]} : vector<64x4096xf32> to vector<64x128xf32>
    %transpose3A_293 = tpu.transpose %slice3A_292, [1, 0] : vector<64x128xf32> -> vector<128x64xf32>
    %swap3A_294 = arith.constant 1664 : index
    %swap3A_295 = arith.constant 0 : index
    %swap3A_296 = vector.load %arg6[%swap3A_294, %swap3A_295] : memref<2048x128xf32, #tpu.memory_space<vmem>>, vector<128x64xf32>
    tpu.vector_store %arg6[%swap3A_294, %swap3A_295], %transpose3A_293 {strides = array<i32>} : memref<2048x128xf32, #tpu.memory_space<vmem>>, vector<128x64xf32>,
    %slice3A_297 = vector.extract_strided_slice %get3A_161 {offsets = [0, 3456], sizes = [64, 128], strides = [1, 1]} : vector<64x4096xf32> to vector<64x128xf32>
    %transpose3A_298 = tpu.transpose %slice3A_297, [1, 0] : vector<64x128xf32> -> vector<128x64xf32>
    %swap3A_299 = arith.constant 1664 : index
    %swap3A_300 = arith.constant 64 : index
    %swap3A_301 = vector.load %arg6[%swap3A_299, %swap3A_300] : memref<2048x128xf32, #tpu.memory_space<vmem>>, vector<128x64xf32>
    tpu.vector_store %arg6[%swap3A_299, %swap3A_300], %transpose3A_298 {strides = array<i32>} : memref<2048x128xf32, #tpu.memory_space<vmem>>, vector<128x64xf32>,
    %slice3A_302 = vector.extract_strided_slice %get3A_161 {offsets = [0, 3584], sizes = [64, 128], strides = [1, 1]} : vector<64x4096xf32> to vector<64x128xf32>
    %transpose3A_303 = tpu.transpose %slice3A_302, [1, 0] : vector<64x128xf32> -> vector<128x64xf32>
    %swap3A_304 = arith.constant 1792 : index
    %swap3A_305 = arith.constant 0 : index
    %swap3A_306 = vector.load %arg6[%swap3A_304, %swap3A_305] : memref<2048x128xf32, #tpu.memory_space<vmem>>, vector<128x64xf32>
    tpu.vector_store %arg6[%swap3A_304, %swap3A_305], %transpose3A_303 {strides = array<i32>} : memref<2048x128xf32, #tpu.memory_space<vmem>>, vector<128x64xf32>,
    %slice3A_307 = vector.extract_strided_slice %get3A_161 {offsets = [0, 3712], sizes = [64, 128], strides = [1, 1]} : vector<64x4096xf32> to vector<64x128xf32>
    %transpose3A_308 = tpu.transpose %slice3A_307, [1, 0] : vector<64x128xf32> -> vector<128x64xf32>
    %swap3A_309 = arith.constant 1792 : index
    %swap3A_310 = arith.constant 64 : index
    %swap3A_311 = vector.load %arg6[%swap3A_309, %swap3A_310] : memref<2048x128xf32, #tpu.memory_space<vmem>>, vector<128x64xf32>
    tpu.vector_store %arg6[%swap3A_309, %swap3A_310], %transpose3A_308 {strides = array<i32>} : memref<2048x128xf32, #tpu.memory_space<vmem>>, vector<128x64xf32>,
    %slice3A_312 = vector.extract_strided_slice %get3A_161 {offsets = [0, 3840], sizes = [64, 128], strides = [1, 1]} : vector<64x4096xf32> to vector<64x128xf32>
    %transpose3A_313 = tpu.transpose %slice3A_312, [1, 0] : vector<64x128xf32> -> vector<128x64xf32>
    %swap3A_314 = arith.constant 1920 : index
    %swap3A_315 = arith.constant 0 : index
    %swap3A_316 = vector.load %arg6[%swap3A_314, %swap3A_315] : memref<2048x128xf32, #tpu.memory_space<vmem>>, vector<128x64xf32>
    tpu.vector_store %arg6[%swap3A_314, %swap3A_315], %transpose3A_313 {strides = array<i32>} : memref<2048x128xf32, #tpu.memory_space<vmem>>, vector<128x64xf32>,
    %slice3A_317 = vector.extract_strided_slice %get3A_161 {offsets = [0, 3968], sizes = [64, 128], strides = [1, 1]} : vector<64x4096xf32> to vector<64x128xf32>
    %transpose3A_318 = tpu.transpose %slice3A_317, [1, 0] : vector<64x128xf32> -> vector<128x64xf32>
    %swap3A_319 = arith.constant 1920 : index
    %swap3A_320 = arith.constant 64 : index
    %swap3A_321 = vector.load %arg6[%swap3A_319, %swap3A_320] : memref<2048x128xf32, #tpu.memory_space<vmem>>, vector<128x64xf32>
    tpu.vector_store %arg6[%swap3A_319, %swap3A_320], %transpose3A_318 {strides = array<i32>} : memref<2048x128xf32, #tpu.memory_space<vmem>>, vector<128x64xf32>,
    %get3A_322 = arith.constant 0 : index
    %get3A_323 = arith.constant 0 : index
    %get3A_324 = vector.load %arg3[%get3A_322, %get3A_323] : memref<64x4096xf32, #tpu.memory_space<vmem>>, vector<64x4096xf32>
    %slice3A_325 = vector.extract_strided_slice %get3A_324 {offsets = [0, 0], sizes = [64, 128], strides = [1, 1]} : vector<64x4096xf32> to vector<64x128xf32>
    %transpose3A_326 = tpu.transpose %slice3A_325, [1, 0] : vector<64x128xf32> -> vector<128x64xf32>
    %swap3A_327 = arith.constant 0 : index
    %swap3A_328 = arith.constant 0 : index
    %swap3A_329 = vector.load %arg7[%swap3A_327, %swap3A_328] : memref<2048x128xf32, #tpu.memory_space<vmem>>, vector<128x64xf32>
    tpu.vector_store %arg7[%swap3A_327, %swap3A_328], %transpose3A_326 {strides = array<i32>} : memref<2048x128xf32, #tpu.memory_space<vmem>>, vector<128x64xf32>,
    %slice3A_330 = vector.extract_strided_slice %get3A_324 {offsets = [0, 128], sizes = [64, 128], strides = [1, 1]} : vector<64x4096xf32> to vector<64x128xf32>
    %transpose3A_331 = tpu.transpose %slice3A_330, [1, 0] : vector<64x128xf32> -> vector<128x64xf32>
    %swap3A_332 = arith.constant 0 : index
    %swap3A_333 = arith.constant 64 : index
    %swap3A_334 = vector.load %arg7[%swap3A_332, %swap3A_333] : memref<2048x128xf32, #tpu.memory_space<vmem>>, vector<128x64xf32>
    tpu.vector_store %arg7[%swap3A_332, %swap3A_333], %transpose3A_331 {strides = array<i32>} : memref<2048x128xf32, #tpu.memory_space<vmem>>, vector<128x64xf32>,
    %slice3A_335 = vector.extract_strided_slice %get3A_324 {offsets = [0, 256], sizes = [64, 128], strides = [1, 1]} : vector<64x4096xf32> to vector<64x128xf32>
    %transpose3A_336 = tpu.transpose %slice3A_335, [1, 0] : vector<64x128xf32> -> vector<128x64xf32>
    %swap3A_337 = arith.constant 128 : index
    %swap3A_338 = arith.constant 0 : index
    %swap3A_339 = vector.load %arg7[%swap3A_337, %swap3A_338] : memref<2048x128xf32, #tpu.memory_space<vmem>>, vector<128x64xf32>
    tpu.vector_store %arg7[%swap3A_337, %swap3A_338], %transpose3A_336 {strides = array<i32>} : memref<2048x128xf32, #tpu.memory_space<vmem>>, vector<128x64xf32>,
    %slice3A_340 = vector.extract_strided_slice %get3A_324 {offsets = [0, 384], sizes = [64, 128], strides = [1, 1]} : vector<64x4096xf32> to vector<64x128xf32>
    %transpose3A_341 = tpu.transpose %slice3A_340, [1, 0] : vector<64x128xf32> -> vector<128x64xf32>
    %swap3A_342 = arith.constant 128 : index
    %swap3A_343 = arith.constant 64 : index
    %swap3A_344 = vector.load %arg7[%swap3A_342, %swap3A_343] : memref<2048x128xf32, #tpu.memory_space<vmem>>, vector<128x64xf32>
    tpu.vector_store %arg7[%swap3A_342, %swap3A_343], %transpose3A_341 {strides = array<i32>} : memref<2048x128xf32, #tpu.memory_space<vmem>>, vector<128x64xf32>,
    %slice3A_345 = vector.extract_strided_slice %get3A_324 {offsets = [0, 512], sizes = [64, 128], strides = [1, 1]} : vector<64x4096xf32> to vector<64x128xf32>
    %transpose3A_346 = tpu.transpose %slice3A_345, [1, 0] : vector<64x128xf32> -> vector<128x64xf32>
    %swap3A_347 = arith.constant 256 : index
    %swap3A_348 = arith.constant 0 : index
    %swap3A_349 = vector.load %arg7[%swap3A_347, %swap3A_348] : memref<2048x128xf32, #tpu.memory_space<vmem>>, vector<128x64xf32>
    tpu.vector_store %arg7[%swap3A_347, %swap3A_348], %transpose3A_346 {strides = array<i32>} : memref<2048x128xf32, #tpu.memory_space<vmem>>, vector<128x64xf32>,
    %slice3A_350 = vector.extract_strided_slice %get3A_324 {offsets = [0, 640], sizes = [64, 128], strides = [1, 1]} : vector<64x4096xf32> to vector<64x128xf32>
    %transpose3A_351 = tpu.transpose %slice3A_350, [1, 0] : vector<64x128xf32> -> vector<128x64xf32>
    %swap3A_352 = arith.constant 256 : index
    %swap3A_353 = arith.constant 64 : index
    %swap3A_354 = vector.load %arg7[%swap3A_352, %swap3A_353] : memref<2048x128xf32, #tpu.memory_space<vmem>>, vector<128x64xf32>
    tpu.vector_store %arg7[%swap3A_352, %swap3A_353], %transpose3A_351 {strides = array<i32>} : memref<2048x128xf32, #tpu.memory_space<vmem>>, vector<128x64xf32>,
    %slice3A_355 = vector.extract_strided_slice %get3A_324 {offsets = [0, 768], sizes = [64, 128], strides = [1, 1]} : vector<64x4096xf32> to vector<64x128xf32>
    %transpose3A_356 = tpu.transpose %slice3A_355, [1, 0] : vector<64x128xf32> -> vector<128x64xf32>
    %swap3A_357 = arith.constant 384 : index
    %swap3A_358 = arith.constant 0 : index
    %swap3A_359 = vector.load %arg7[%swap3A_357, %swap3A_358] : memref<2048x128xf32, #tpu.memory_space<vmem>>, vector<128x64xf32>
    tpu.vector_store %arg7[%swap3A_357, %swap3A_358], %transpose3A_356 {strides = array<i32>} : memref<2048x128xf32, #tpu.memory_space<vmem>>, vector<128x64xf32>,
    %slice3A_360 = vector.extract_strided_slice %get3A_324 {offsets = [0, 896], sizes = [64, 128], strides = [1, 1]} : vector<64x4096xf32> to vector<64x128xf32>
    %transpose3A_361 = tpu.transpose %slice3A_360, [1, 0] : vector<64x128xf32> -> vector<128x64xf32>
    %swap3A_362 = arith.constant 384 : index
    %swap3A_363 = arith.constant 64 : index
    %swap3A_364 = vector.load %arg7[%swap3A_362, %swap3A_363] : memref<2048x128xf32, #tpu.memory_space<vmem>>, vector<128x64xf32>
    tpu.vector_store %arg7[%swap3A_362, %swap3A_363], %transpose3A_361 {strides = array<i32>} : memref<2048x128xf32, #tpu.memory_space<vmem>>, vector<128x64xf32>,
    %slice3A_365 = vector.extract_strided_slice %get3A_324 {offsets = [0, 1024], sizes = [64, 128], strides = [1, 1]} : vector<64x4096xf32> to vector<64x128xf32>
    %transpose3A_366 = tpu.transpose %slice3A_365, [1, 0] : vector<64x128xf32> -> vector<128x64xf32>
    %swap3A_367 = arith.constant 512 : index
    %swap3A_368 = arith.constant 0 : index
    %swap3A_369 = vector.load %arg7[%swap3A_367, %swap3A_368] : memref<2048x128xf32, #tpu.memory_space<vmem>>, vector<128x64xf32>
    tpu.vector_store %arg7[%swap3A_367, %swap3A_368], %transpose3A_366 {strides = array<i32>} : memref<2048x128xf32, #tpu.memory_space<vmem>>, vector<128x64xf32>,
    %slice3A_370 = vector.extract_strided_slice %get3A_324 {offsets = [0, 1152], sizes = [64, 128], strides = [1, 1]} : vector<64x4096xf32> to vector<64x128xf32>
    %transpose3A_371 = tpu.transpose %slice3A_370, [1, 0] : vector<64x128xf32> -> vector<128x64xf32>
    %swap3A_372 = arith.constant 512 : index
    %swap3A_373 = arith.constant 64 : index
    %swap3A_374 = vector.load %arg7[%swap3A_372, %swap3A_373] : memref<2048x128xf32, #tpu.memory_space<vmem>>, vector<128x64xf32>
    tpu.vector_store %arg7[%swap3A_372, %swap3A_373], %transpose3A_371 {strides = array<i32>} : memref<2048x128xf32, #tpu.memory_space<vmem>>, vector<128x64xf32>,
    %slice3A_375 = vector.extract_strided_slice %get3A_324 {offsets = [0, 1280], sizes = [64, 128], strides = [1, 1]} : vector<64x4096xf32> to vector<64x128xf32>
    %transpose3A_376 = tpu.transpose %slice3A_375, [1, 0] : vector<64x128xf32> -> vector<128x64xf32>
    %swap3A_377 = arith.constant 640 : index
    %swap3A_378 = arith.constant 0 : index
    %swap3A_379 = vector.load %arg7[%swap3A_377, %swap3A_378] : memref<2048x128xf32, #tpu.memory_space<vmem>>, vector<128x64xf32>
    tpu.vector_store %arg7[%swap3A_377, %swap3A_378], %transpose3A_376 {strides = array<i32>} : memref<2048x128xf32, #tpu.memory_space<vmem>>, vector<128x64xf32>,
    %slice3A_380 = vector.extract_strided_slice %get3A_324 {offsets = [0, 1408], sizes = [64, 128], strides = [1, 1]} : vector<64x4096xf32> to vector<64x128xf32>
    %transpose3A_381 = tpu.transpose %slice3A_380, [1, 0] : vector<64x128xf32> -> vector<128x64xf32>
    %swap3A_382 = arith.constant 640 : index
    %swap3A_383 = arith.constant 64 : index
    %swap3A_384 = vector.load %arg7[%swap3A_382, %swap3A_383] : memref<2048x128xf32, #tpu.memory_space<vmem>>, vector<128x64xf32>
    tpu.vector_store %arg7[%swap3A_382, %swap3A_383], %transpose3A_381 {strides = array<i32>} : memref<2048x128xf32, #tpu.memory_space<vmem>>, vector<128x64xf32>,
    %slice3A_385 = vector.extract_strided_slice %get3A_324 {offsets = [0, 1536], sizes = [64, 128], strides = [1, 1]} : vector<64x4096xf32> to vector<64x128xf32>
    %transpose3A_386 = tpu.transpose %slice3A_385, [1, 0] : vector<64x128xf32> -> vector<128x64xf32>
    %swap3A_387 = arith.constant 768 : index
    %swap3A_388 = arith.constant 0 : index
    %swap3A_389 = vector.load %arg7[%swap3A_387, %swap3A_388] : memref<2048x128xf32, #tpu.memory_space<vmem>>, vector<128x64xf32>
    tpu.vector_store %arg7[%swap3A_387, %swap3A_388], %transpose3A_386 {strides = array<i32>} : memref<2048x128xf32, #tpu.memory_space<vmem>>, vector<128x64xf32>,
    %slice3A_390 = vector.extract_strided_slice %get3A_324 {offsets = [0, 1664], sizes = [64, 128], strides = [1, 1]} : vector<64x4096xf32> to vector<64x128xf32>
    %transpose3A_391 = tpu.transpose %slice3A_390, [1, 0] : vector<64x128xf32> -> vector<128x64xf32>
    %swap3A_392 = arith.constant 768 : index
    %swap3A_393 = arith.constant 64 : index
    %swap3A_394 = vector.load %arg7[%swap3A_392, %swap3A_393] : memref<2048x128xf32, #tpu.memory_space<vmem>>, vector<128x64xf32>
    tpu.vector_store %arg7[%swap3A_392, %swap3A_393], %transpose3A_391 {strides = array<i32>} : memref<2048x128xf32, #tpu.memory_space<vmem>>, vector<128x64xf32>,
    %slice3A_395 = vector.extract_strided_slice %get3A_324 {offsets = [0, 1792], sizes = [64, 128], strides = [1, 1]} : vector<64x4096xf32> to vector<64x128xf32>
    %transpose3A_396 = tpu.transpose %slice3A_395, [1, 0] : vector<64x128xf32> -> vector<128x64xf32>
    %swap3A_397 = arith.constant 896 : index
    %swap3A_398 = arith.constant 0 : index
    %swap3A_399 = vector.load %arg7[%swap3A_397, %swap3A_398] : memref<2048x128xf32, #tpu.memory_space<vmem>>, vector<128x64xf32>
    tpu.vector_store %arg7[%swap3A_397, %swap3A_398], %transpose3A_396 {strides = array<i32>} : memref<2048x128xf32, #tpu.memory_space<vmem>>, vector<128x64xf32>,
    %slice3A_400 = vector.extract_strided_slice %get3A_324 {offsets = [0, 1920], sizes = [64, 128], strides = [1, 1]} : vector<64x4096xf32> to vector<64x128xf32>
    %transpose3A_401 = tpu.transpose %slice3A_400, [1, 0] : vector<64x128xf32> -> vector<128x64xf32>
    %swap3A_402 = arith.constant 896 : index
    %swap3A_403 = arith.constant 64 : index
    %swap3A_404 = vector.load %arg7[%swap3A_402, %swap3A_403] : memref<2048x128xf32, #tpu.memory_space<vmem>>, vector<128x64xf32>
    tpu.vector_store %arg7[%swap3A_402, %swap3A_403], %transpose3A_401 {strides = array<i32>} : memref<2048x128xf32, #tpu.memory_space<vmem>>, vector<128x64xf32>,
    %slice3A_405 = vector.extract_strided_slice %get3A_324 {offsets = [0, 2048], sizes = [64, 128], strides = [1, 1]} : vector<64x4096xf32> to vector<64x128xf32>
    %transpose3A_406 = tpu.transpose %slice3A_405, [1, 0] : vector<64x128xf32> -> vector<128x64xf32>
    %swap3A_407 = arith.constant 1024 : index
    %swap3A_408 = arith.constant 0 : index
    %swap3A_409 = vector.load %arg7[%swap3A_407, %swap3A_408] : memref<2048x128xf32, #tpu.memory_space<vmem>>, vector<128x64xf32>
    tpu.vector_store %arg7[%swap3A_407, %swap3A_408], %transpose3A_406 {strides = array<i32>} : memref<2048x128xf32, #tpu.memory_space<vmem>>, vector<128x64xf32>,
    %slice3A_410 = vector.extract_strided_slice %get3A_324 {offsets = [0, 2176], sizes = [64, 128], strides = [1, 1]} : vector<64x4096xf32> to vector<64x128xf32>
    %transpose3A_411 = tpu.transpose %slice3A_410, [1, 0] : vector<64x128xf32> -> vector<128x64xf32>
    %swap3A_412 = arith.constant 1024 : index
    %swap3A_413 = arith.constant 64 : index
    %swap3A_414 = vector.load %arg7[%swap3A_412, %swap3A_413] : memref<2048x128xf32, #tpu.memory_space<vmem>>, vector<128x64xf32>
    tpu.vector_store %arg7[%swap3A_412, %swap3A_413], %transpose3A_411 {strides = array<i32>} : memref<2048x128xf32, #tpu.memory_space<vmem>>, vector<128x64xf32>,
    %slice3A_415 = vector.extract_strided_slice %get3A_324 {offsets = [0, 2304], sizes = [64, 128], strides = [1, 1]} : vector<64x4096xf32> to vector<64x128xf32>
    %transpose3A_416 = tpu.transpose %slice3A_415, [1, 0] : vector<64x128xf32> -> vector<128x64xf32>
    %swap3A_417 = arith.constant 1152 : index
    %swap3A_418 = arith.constant 0 : index
    %swap3A_419 = vector.load %arg7[%swap3A_417, %swap3A_418] : memref<2048x128xf32, #tpu.memory_space<vmem>>, vector<128x64xf32>
    tpu.vector_store %arg7[%swap3A_417, %swap3A_418], %transpose3A_416 {strides = array<i32>} : memref<2048x128xf32, #tpu.memory_space<vmem>>, vector<128x64xf32>,
    %slice3A_420 = vector.extract_strided_slice %get3A_324 {offsets = [0, 2432], sizes = [64, 128], strides = [1, 1]} : vector<64x4096xf32> to vector<64x128xf32>
    %transpose3A_421 = tpu.transpose %slice3A_420, [1, 0] : vector<64x128xf32> -> vector<128x64xf32>
    %swap3A_422 = arith.constant 1152 : index
    %swap3A_423 = arith.constant 64 : index
    %swap3A_424 = vector.load %arg7[%swap3A_422, %swap3A_423] : memref<2048x128xf32, #tpu.memory_space<vmem>>, vector<128x64xf32>
    tpu.vector_store %arg7[%swap3A_422, %swap3A_423], %transpose3A_421 {strides = array<i32>} : memref<2048x128xf32, #tpu.memory_space<vmem>>, vector<128x64xf32>,
    %slice3A_425 = vector.extract_strided_slice %get3A_324 {offsets = [0, 2560], sizes = [64, 128], strides = [1, 1]} : vector<64x4096xf32> to vector<64x128xf32>
    %transpose3A_426 = tpu.transpose %slice3A_425, [1, 0] : vector<64x128xf32> -> vector<128x64xf32>
    %swap3A_427 = arith.constant 1280 : index
    %swap3A_428 = arith.constant 0 : index
    %swap3A_429 = vector.load %arg7[%swap3A_427, %swap3A_428] : memref<2048x128xf32, #tpu.memory_space<vmem>>, vector<128x64xf32>
    tpu.vector_store %arg7[%swap3A_427, %swap3A_428], %transpose3A_426 {strides = array<i32>} : memref<2048x128xf32, #tpu.memory_space<vmem>>, vector<128x64xf32>,
    %slice3A_430 = vector.extract_strided_slice %get3A_324 {offsets = [0, 2688], sizes = [64, 128], strides = [1, 1]} : vector<64x4096xf32> to vector<64x128xf32>
    %transpose3A_431 = tpu.transpose %slice3A_430, [1, 0] : vector<64x128xf32> -> vector<128x64xf32>
    %swap3A_432 = arith.constant 1280 : index
    %swap3A_433 = arith.constant 64 : index
    %swap3A_434 = vector.load %arg7[%swap3A_432, %swap3A_433] : memref<2048x128xf32, #tpu.memory_space<vmem>>, vector<128x64xf32>
    tpu.vector_store %arg7[%swap3A_432, %swap3A_433], %transpose3A_431 {strides = array<i32>} : memref<2048x128xf32, #tpu.memory_space<vmem>>, vector<128x64xf32>,
    %slice3A_435 = vector.extract_strided_slice %get3A_324 {offsets = [0, 2816], sizes = [64, 128], strides = [1, 1]} : vector<64x4096xf32> to vector<64x128xf32>
    %transpose3A_436 = tpu.transpose %slice3A_435, [1, 0] : vector<64x128xf32> -> vector<128x64xf32>
    %swap3A_437 = arith.constant 1408 : index
    %swap3A_438 = arith.constant 0 : index
    %swap3A_439 = vector.load %arg7[%swap3A_437, %swap3A_438] : memref<2048x128xf32, #tpu.memory_space<vmem>>, vector<128x64xf32>
    tpu.vector_store %arg7[%swap3A_437, %swap3A_438], %transpose3A_436 {strides = array<i32>} : memref<2048x128xf32, #tpu.memory_space<vmem>>, vector<128x64xf32>,
    %slice3A_440 = vector.extract_strided_slice %get3A_324 {offsets = [0, 2944], sizes = [64, 128], strides = [1, 1]} : vector<64x4096xf32> to vector<64x128xf32>
    %transpose3A_441 = tpu.transpose %slice3A_440, [1, 0] : vector<64x128xf32> -> vector<128x64xf32>
    %swap3A_442 = arith.constant 1408 : index
    %swap3A_443 = arith.constant 64 : index
    %swap3A_444 = vector.load %arg7[%swap3A_442, %swap3A_443] : memref<2048x128xf32, #tpu.memory_space<vmem>>, vector<128x64xf32>
    tpu.vector_store %arg7[%swap3A_442, %swap3A_443], %transpose3A_441 {strides = array<i32>} : memref<2048x128xf32, #tpu.memory_space<vmem>>, vector<128x64xf32>,
    %slice3A_445 = vector.extract_strided_slice %get3A_324 {offsets = [0, 3072], sizes = [64, 128], strides = [1, 1]} : vector<64x4096xf32> to vector<64x128xf32>
    %transpose3A_446 = tpu.transpose %slice3A_445, [1, 0] : vector<64x128xf32> -> vector<128x64xf32>
    %swap3A_447 = arith.constant 1536 : index
    %swap3A_448 = arith.constant 0 : index
    %swap3A_449 = vector.load %arg7[%swap3A_447, %swap3A_448] : memref<2048x128xf32, #tpu.memory_space<vmem>>, vector<128x64xf32>
    tpu.vector_store %arg7[%swap3A_447, %swap3A_448], %transpose3A_446 {strides = array<i32>} : memref<2048x128xf32, #tpu.memory_space<vmem>>, vector<128x64xf32>,
    %slice3A_450 = vector.extract_strided_slice %get3A_324 {offsets = [0, 3200], sizes = [64, 128], strides = [1, 1]} : vector<64x4096xf32> to vector<64x128xf32>
    %transpose3A_451 = tpu.transpose %slice3A_450, [1, 0] : vector<64x128xf32> -> vector<128x64xf32>
    %swap3A_452 = arith.constant 1536 : index
    %swap3A_453 = arith.constant 64 : index
    %swap3A_454 = vector.load %arg7[%swap3A_452, %swap3A_453] : memref<2048x128xf32, #tpu.memory_space<vmem>>, vector<128x64xf32>
    tpu.vector_store %arg7[%swap3A_452, %swap3A_453], %transpose3A_451 {strides = array<i32>} : memref<2048x128xf32, #tpu.memory_space<vmem>>, vector<128x64xf32>,
    %slice3A_455 = vector.extract_strided_slice %get3A_324 {offsets = [0, 3328], sizes = [64, 128], strides = [1, 1]} : vector<64x4096xf32> to vector<64x128xf32>
    %transpose3A_456 = tpu.transpose %slice3A_455, [1, 0] : vector<64x128xf32> -> vector<128x64xf32>
    %swap3A_457 = arith.constant 1664 : index
    %swap3A_458 = arith.constant 0 : index
    %swap3A_459 = vector.load %arg7[%swap3A_457, %swap3A_458] : memref<2048x128xf32, #tpu.memory_space<vmem>>, vector<128x64xf32>
    tpu.vector_store %arg7[%swap3A_457, %swap3A_458], %transpose3A_456 {strides = array<i32>} : memref<2048x128xf32, #tpu.memory_space<vmem>>, vector<128x64xf32>,
    %slice3A_460 = vector.extract_strided_slice %get3A_324 {offsets = [0, 3456], sizes = [64, 128], strides = [1, 1]} : vector<64x4096xf32> to vector<64x128xf32>
    %transpose3A_461 = tpu.transpose %slice3A_460, [1, 0] : vector<64x128xf32> -> vector<128x64xf32>
    %swap3A_462 = arith.constant 1664 : index
    %swap3A_463 = arith.constant 64 : index
    %swap3A_464 = vector.load %arg7[%swap3A_462, %swap3A_463] : memref<2048x128xf32, #tpu.memory_space<vmem>>, vector<128x64xf32>
    tpu.vector_store %arg7[%swap3A_462, %swap3A_463], %transpose3A_461 {strides = array<i32>} : memref<2048x128xf32, #tpu.memory_space<vmem>>, vector<128x64xf32>,
    %slice3A_465 = vector.extract_strided_slice %get3A_324 {offsets = [0, 3584], sizes = [64, 128], strides = [1, 1]} : vector<64x4096xf32> to vector<64x128xf32>
    %transpose3A_466 = tpu.transpose %slice3A_465, [1, 0] : vector<64x128xf32> -> vector<128x64xf32>
    %swap3A_467 = arith.constant 1792 : index
    %swap3A_468 = arith.constant 0 : index
    %swap3A_469 = vector.load %arg7[%swap3A_467, %swap3A_468] : memref<2048x128xf32, #tpu.memory_space<vmem>>, vector<128x64xf32>
    tpu.vector_store %arg7[%swap3A_467, %swap3A_468], %transpose3A_466 {strides = array<i32>} : memref<2048x128xf32, #tpu.memory_space<vmem>>, vector<128x64xf32>,
    %slice3A_470 = vector.extract_strided_slice %get3A_324 {offsets = [0, 3712], sizes = [64, 128], strides = [1, 1]} : vector<64x4096xf32> to vector<64x128xf32>
    %transpose3A_471 = tpu.transpose %slice3A_470, [1, 0] : vector<64x128xf32> -> vector<128x64xf32>
    %swap3A_472 = arith.constant 1792 : index
    %swap3A_473 = arith.constant 64 : index
    %swap3A_474 = vector.load %arg7[%swap3A_472, %swap3A_473] : memref<2048x128xf32, #tpu.memory_space<vmem>>, vector<128x64xf32>
    tpu.vector_store %arg7[%swap3A_472, %swap3A_473], %transpose3A_471 {strides = array<i32>} : memref<2048x128xf32, #tpu.memory_space<vmem>>, vector<128x64xf32>,
    %slice3A_475 = vector.extract_strided_slice %get3A_324 {offsets = [0, 3840], sizes = [64, 128], strides = [1, 1]} : vector<64x4096xf32> to vector<64x128xf32>
    %transpose3A_476 = tpu.transpose %slice3A_475, [1, 0] : vector<64x128xf32> -> vector<128x64xf32>
    %swap3A_477 = arith.constant 1920 : index
    %swap3A_478 = arith.constant 0 : index
    %swap3A_479 = vector.load %arg7[%swap3A_477, %swap3A_478] : memref<2048x128xf32, #tpu.memory_space<vmem>>, vector<128x64xf32>
    tpu.vector_store %arg7[%swap3A_477, %swap3A_478], %transpose3A_476 {strides = array<i32>} : memref<2048x128xf32, #tpu.memory_space<vmem>>, vector<128x64xf32>,
    %slice3A_480 = vector.extract_strided_slice %get3A_324 {offsets = [0, 3968], sizes = [64, 128], strides = [1, 1]} : vector<64x4096xf32> to vector<64x128xf32>
    %transpose3A_481 = tpu.transpose %slice3A_480, [1, 0] : vector<64x128xf32> -> vector<128x64xf32>
    %swap3A_482 = arith.constant 1920 : index
    %swap3A_483 = arith.constant 64 : index
    %swap3A_484 = vector.load %arg7[%swap3A_482, %swap3A_483] : memref<2048x128xf32, #tpu.memory_space<vmem>>, vector<128x64xf32>
    tpu.vector_store %arg7[%swap3A_482, %swap3A_483], %transpose3A_481 {strides = array<i32>} : memref<2048x128xf32, #tpu.memory_space<vmem>>, vector<128x64xf32>,
    %get3A_485 = arith.constant 0 : index
    %get3A_486 = arith.constant 0 : index
    %get3A_487 = vector.load %arg4[%get3A_485, %get3A_486] : memref<64x4096xf32, #tpu.memory_space<vmem>>, vector<64x4096xf32>
    %slice3A_488 = vector.extract_strided_slice %get3A_487 {offsets = [0, 0], sizes = [64, 128], strides = [1, 1]} : vector<64x4096xf32> to vector<64x128xf32>
    %transpose3A_489 = tpu.transpose %slice3A_488, [1, 0] : vector<64x128xf32> -> vector<128x64xf32>
    %swap3A_490 = arith.constant 0 : index
    %swap3A_491 = arith.constant 0 : index
    %swap3A_492 = vector.load %arg8[%swap3A_490, %swap3A_491] : memref<2048x128xf32, #tpu.memory_space<vmem>>, vector<128x64xf32>
    tpu.vector_store %arg8[%swap3A_490, %swap3A_491], %transpose3A_489 {strides = array<i32>} : memref<2048x128xf32, #tpu.memory_space<vmem>>, vector<128x64xf32>,
    %slice3A_493 = vector.extract_strided_slice %get3A_487 {offsets = [0, 128], sizes = [64, 128], strides = [1, 1]} : vector<64x4096xf32> to vector<64x128xf32>
    %transpose3A_494 = tpu.transpose %slice3A_493, [1, 0] : vector<64x128xf32> -> vector<128x64xf32>
    %swap3A_495 = arith.constant 0 : index
    %swap3A_496 = arith.constant 64 : index
    %swap3A_497 = vector.load %arg8[%swap3A_495, %swap3A_496] : memref<2048x128xf32, #tpu.memory_space<vmem>>, vector<128x64xf32>
    tpu.vector_store %arg8[%swap3A_495, %swap3A_496], %transpose3A_494 {strides = array<i32>} : memref<2048x128xf32, #tpu.memory_space<vmem>>, vector<128x64xf32>,
    %slice3A_498 = vector.extract_strided_slice %get3A_487 {offsets = [0, 256], sizes = [64, 128], strides = [1, 1]} : vector<64x4096xf32> to vector<64x128xf32>
    %transpose3A_499 = tpu.transpose %slice3A_498, [1, 0] : vector<64x128xf32> -> vector<128x64xf32>
    %swap3A_500 = arith.constant 128 : index
    %swap3A_501 = arith.constant 0 : index
    %swap3A_502 = vector.load %arg8[%swap3A_500, %swap3A_501] : memref<2048x128xf32, #tpu.memory_space<vmem>>, vector<128x64xf32>
    tpu.vector_store %arg8[%swap3A_500, %swap3A_501], %transpose3A_499 {strides = array<i32>} : memref<2048x128xf32, #tpu.memory_space<vmem>>, vector<128x64xf32>,
    %slice3A_503 = vector.extract_strided_slice %get3A_487 {offsets = [0, 384], sizes = [64, 128], strides = [1, 1]} : vector<64x4096xf32> to vector<64x128xf32>
    %transpose3A_504 = tpu.transpose %slice3A_503, [1, 0] : vector<64x128xf32> -> vector<128x64xf32>
    %swap3A_505 = arith.constant 128 : index
    %swap3A_506 = arith.constant 64 : index
    %swap3A_507 = vector.load %arg8[%swap3A_505, %swap3A_506] : memref<2048x128xf32, #tpu.memory_space<vmem>>, vector<128x64xf32>
    tpu.vector_store %arg8[%swap3A_505, %swap3A_506], %transpose3A_504 {strides = array<i32>} : memref<2048x128xf32, #tpu.memory_space<vmem>>, vector<128x64xf32>,
    %slice3A_508 = vector.extract_strided_slice %get3A_487 {offsets = [0, 512], sizes = [64, 128], strides = [1, 1]} : vector<64x4096xf32> to vector<64x128xf32>
    %transpose3A_509 = tpu.transpose %slice3A_508, [1, 0] : vector<64x128xf32> -> vector<128x64xf32>
    %swap3A_510 = arith.constant 256 : index
    %swap3A_511 = arith.constant 0 : index
    %swap3A_512 = vector.load %arg8[%swap3A_510, %swap3A_511] : memref<2048x128xf32, #tpu.memory_space<vmem>>, vector<128x64xf32>
    tpu.vector_store %arg8[%swap3A_510, %swap3A_511], %transpose3A_509 {strides = array<i32>} : memref<2048x128xf32, #tpu.memory_space<vmem>>, vector<128x64xf32>,
    %slice3A_513 = vector.extract_strided_slice %get3A_487 {offsets = [0, 640], sizes = [64, 128], strides = [1, 1]} : vector<64x4096xf32> to vector<64x128xf32>
    %transpose3A_514 = tpu.transpose %slice3A_513, [1, 0] : vector<64x128xf32> -> vector<128x64xf32>
    %swap3A_515 = arith.constant 256 : index
    %swap3A_516 = arith.constant 64 : index
    %swap3A_517 = vector.load %arg8[%swap3A_515, %swap3A_516] : memref<2048x128xf32, #tpu.memory_space<vmem>>, vector<128x64xf32>
    tpu.vector_store %arg8[%swap3A_515, %swap3A_516], %transpose3A_514 {strides = array<i32>} : memref<2048x128xf32, #tpu.memory_space<vmem>>, vector<128x64xf32>,
    %slice3A_518 = vector.extract_strided_slice %get3A_487 {offsets = [0, 768], sizes = [64, 128], strides = [1, 1]} : vector<64x4096xf32> to vector<64x128xf32>
    %transpose3A_519 = tpu.transpose %slice3A_518, [1, 0] : vector<64x128xf32> -> vector<128x64xf32>
    %swap3A_520 = arith.constant 384 : index
    %swap3A_521 = arith.constant 0 : index
    %swap3A_522 = vector.load %arg8[%swap3A_520, %swap3A_521] : memref<2048x128xf32, #tpu.memory_space<vmem>>, vector<128x64xf32>
    tpu.vector_store %arg8[%swap3A_520, %swap3A_521], %transpose3A_519 {strides = array<i32>} : memref<2048x128xf32, #tpu.memory_space<vmem>>, vector<128x64xf32>,
    %slice3A_523 = vector.extract_strided_slice %get3A_487 {offsets = [0, 896], sizes = [64, 128], strides = [1, 1]} : vector<64x4096xf32> to vector<64x128xf32>
    %transpose3A_524 = tpu.transpose %slice3A_523, [1, 0] : vector<64x128xf32> -> vector<128x64xf32>
    %swap3A_525 = arith.constant 384 : index
    %swap3A_526 = arith.constant 64 : index
    %swap3A_527 = vector.load %arg8[%swap3A_525, %swap3A_526] : memref<2048x128xf32, #tpu.memory_space<vmem>>, vector<128x64xf32>
    tpu.vector_store %arg8[%swap3A_525, %swap3A_526], %transpose3A_524 {strides = array<i32>} : memref<2048x128xf32, #tpu.memory_space<vmem>>, vector<128x64xf32>,
    %slice3A_528 = vector.extract_strided_slice %get3A_487 {offsets = [0, 1024], sizes = [64, 128], strides = [1, 1]} : vector<64x4096xf32> to vector<64x128xf32>
    %transpose3A_529 = tpu.transpose %slice3A_528, [1, 0] : vector<64x128xf32> -> vector<128x64xf32>
    %swap3A_530 = arith.constant 512 : index
    %swap3A_531 = arith.constant 0 : index
    %swap3A_532 = vector.load %arg8[%swap3A_530, %swap3A_531] : memref<2048x128xf32, #tpu.memory_space<vmem>>, vector<128x64xf32>
    tpu.vector_store %arg8[%swap3A_530, %swap3A_531], %transpose3A_529 {strides = array<i32>} : memref<2048x128xf32, #tpu.memory_space<vmem>>, vector<128x64xf32>,
    %slice3A_533 = vector.extract_strided_slice %get3A_487 {offsets = [0, 1152], sizes = [64, 128], strides = [1, 1]} : vector<64x4096xf32> to vector<64x128xf32>
    %transpose3A_534 = tpu.transpose %slice3A_533, [1, 0] : vector<64x128xf32> -> vector<128x64xf32>
    %swap3A_535 = arith.constant 512 : index
    %swap3A_536 = arith.constant 64 : index
    %swap3A_537 = vector.load %arg8[%swap3A_535, %swap3A_536] : memref<2048x128xf32, #tpu.memory_space<vmem>>, vector<128x64xf32>
    tpu.vector_store %arg8[%swap3A_535, %swap3A_536], %transpose3A_534 {strides = array<i32>} : memref<2048x128xf32, #tpu.memory_space<vmem>>, vector<128x64xf32>,
    %slice3A_538 = vector.extract_strided_slice %get3A_487 {offsets = [0, 1280], sizes = [64, 128], strides = [1, 1]} : vector<64x4096xf32> to vector<64x128xf32>
    %transpose3A_539 = tpu.transpose %slice3A_538, [1, 0] : vector<64x128xf32> -> vector<128x64xf32>
    %swap3A_540 = arith.constant 640 : index
    %swap3A_541 = arith.constant 0 : index
    %swap3A_542 = vector.load %arg8[%swap3A_540, %swap3A_541] : memref<2048x128xf32, #tpu.memory_space<vmem>>, vector<128x64xf32>
    tpu.vector_store %arg8[%swap3A_540, %swap3A_541], %transpose3A_539 {strides = array<i32>} : memref<2048x128xf32, #tpu.memory_space<vmem>>, vector<128x64xf32>,
    %slice3A_543 = vector.extract_strided_slice %get3A_487 {offsets = [0, 1408], sizes = [64, 128], strides = [1, 1]} : vector<64x4096xf32> to vector<64x128xf32>
    %transpose3A_544 = tpu.transpose %slice3A_543, [1, 0] : vector<64x128xf32> -> vector<128x64xf32>
    %swap3A_545 = arith.constant 640 : index
    %swap3A_546 = arith.constant 64 : index
    %swap3A_547 = vector.load %arg8[%swap3A_545, %swap3A_546] : memref<2048x128xf32, #tpu.memory_space<vmem>>, vector<128x64xf32>
    tpu.vector_store %arg8[%swap3A_545, %swap3A_546], %transpose3A_544 {strides = array<i32>} : memref<2048x128xf32, #tpu.memory_space<vmem>>, vector<128x64xf32>,
    %slice3A_548 = vector.extract_strided_slice %get3A_487 {offsets = [0, 1536], sizes = [64, 128], strides = [1, 1]} : vector<64x4096xf32> to vector<64x128xf32>
    %transpose3A_549 = tpu.transpose %slice3A_548, [1, 0] : vector<64x128xf32> -> vector<128x64xf32>
    %swap3A_550 = arith.constant 768 : index
    %swap3A_551 = arith.constant 0 : index
    %swap3A_552 = vector.load %arg8[%swap3A_550, %swap3A_551] : memref<2048x128xf32, #tpu.memory_space<vmem>>, vector<128x64xf32>
    tpu.vector_store %arg8[%swap3A_550, %swap3A_551], %transpose3A_549 {strides = array<i32>} : memref<2048x128xf32, #tpu.memory_space<vmem>>, vector<128x64xf32>,
    %slice3A_553 = vector.extract_strided_slice %get3A_487 {offsets = [0, 1664], sizes = [64, 128], strides = [1, 1]} : vector<64x4096xf32> to vector<64x128xf32>
    %transpose3A_554 = tpu.transpose %slice3A_553, [1, 0] : vector<64x128xf32> -> vector<128x64xf32>
    %swap3A_555 = arith.constant 768 : index
    %swap3A_556 = arith.constant 64 : index
    %swap3A_557 = vector.load %arg8[%swap3A_555, %swap3A_556] : memref<2048x128xf32, #tpu.memory_space<vmem>>, vector<128x64xf32>
    tpu.vector_store %arg8[%swap3A_555, %swap3A_556], %transpose3A_554 {strides = array<i32>} : memref<2048x128xf32, #tpu.memory_space<vmem>>, vector<128x64xf32>,
    %slice3A_558 = vector.extract_strided_slice %get3A_487 {offsets = [0, 1792], sizes = [64, 128], strides = [1, 1]} : vector<64x4096xf32> to vector<64x128xf32>
    %transpose3A_559 = tpu.transpose %slice3A_558, [1, 0] : vector<64x128xf32> -> vector<128x64xf32>
    %swap3A_560 = arith.constant 896 : index
    %swap3A_561 = arith.constant 0 : index
    %swap3A_562 = vector.load %arg8[%swap3A_560, %swap3A_561] : memref<2048x128xf32, #tpu.memory_space<vmem>>, vector<128x64xf32>
    tpu.vector_store %arg8[%swap3A_560, %swap3A_561], %transpose3A_559 {strides = array<i32>} : memref<2048x128xf32, #tpu.memory_space<vmem>>, vector<128x64xf32>,
    %slice3A_563 = vector.extract_strided_slice %get3A_487 {offsets = [0, 1920], sizes = [64, 128], strides = [1, 1]} : vector<64x4096xf32> to vector<64x128xf32>
    %transpose3A_564 = tpu.transpose %slice3A_563, [1, 0] : vector<64x128xf32> -> vector<128x64xf32>
    %swap3A_565 = arith.constant 896 : index
    %swap3A_566 = arith.constant 64 : index
    %swap3A_567 = vector.load %arg8[%swap3A_565, %swap3A_566] : memref<2048x128xf32, #tpu.memory_space<vmem>>, vector<128x64xf32>
    tpu.vector_store %arg8[%swap3A_565, %swap3A_566], %transpose3A_564 {strides = array<i32>} : memref<2048x128xf32, #tpu.memory_space<vmem>>, vector<128x64xf32>,
    %slice3A_568 = vector.extract_strided_slice %get3A_487 {offsets = [0, 2048], sizes = [64, 128], strides = [1, 1]} : vector<64x4096xf32> to vector<64x128xf32>
    %transpose3A_569 = tpu.transpose %slice3A_568, [1, 0] : vector<64x128xf32> -> vector<128x64xf32>
    %swap3A_570 = arith.constant 1024 : index
    %swap3A_571 = arith.constant 0 : index
    %swap3A_572 = vector.load %arg8[%swap3A_570, %swap3A_571] : memref<2048x128xf32, #tpu.memory_space<vmem>>, vector<128x64xf32>
    tpu.vector_store %arg8[%swap3A_570, %swap3A_571], %transpose3A_569 {strides = array<i32>} : memref<2048x128xf32, #tpu.memory_space<vmem>>, vector<128x64xf32>,
    %slice3A_573 = vector.extract_strided_slice %get3A_487 {offsets = [0, 2176], sizes = [64, 128], strides = [1, 1]} : vector<64x4096xf32> to vector<64x128xf32>
    %transpose3A_574 = tpu.transpose %slice3A_573, [1, 0] : vector<64x128xf32> -> vector<128x64xf32>
    %swap3A_575 = arith.constant 1024 : index
    %swap3A_576 = arith.constant 64 : index
    %swap3A_577 = vector.load %arg8[%swap3A_575, %swap3A_576] : memref<2048x128xf32, #tpu.memory_space<vmem>>, vector<128x64xf32>
    tpu.vector_store %arg8[%swap3A_575, %swap3A_576], %transpose3A_574 {strides = array<i32>} : memref<2048x128xf32, #tpu.memory_space<vmem>>, vector<128x64xf32>,
    %slice3A_578 = vector.extract_strided_slice %get3A_487 {offsets = [0, 2304], sizes = [64, 128], strides = [1, 1]} : vector<64x4096xf32> to vector<64x128xf32>
    %transpose3A_579 = tpu.transpose %slice3A_578, [1, 0] : vector<64x128xf32> -> vector<128x64xf32>
    %swap3A_580 = arith.constant 1152 : index
    %swap3A_581 = arith.constant 0 : index
    %swap3A_582 = vector.load %arg8[%swap3A_580, %swap3A_581] : memref<2048x128xf32, #tpu.memory_space<vmem>>, vector<128x64xf32>
    tpu.vector_store %arg8[%swap3A_580, %swap3A_581], %transpose3A_579 {strides = array<i32>} : memref<2048x128xf32, #tpu.memory_space<vmem>>, vector<128x64xf32>,
    %slice3A_583 = vector.extract_strided_slice %get3A_487 {offsets = [0, 2432], sizes = [64, 128], strides = [1, 1]} : vector<64x4096xf32> to vector<64x128xf32>
    %transpose3A_584 = tpu.transpose %slice3A_583, [1, 0] : vector<64x128xf32> -> vector<128x64xf32>
    %swap3A_585 = arith.constant 1152 : index
    %swap3A_586 = arith.constant 64 : index
    %swap3A_587 = vector.load %arg8[%swap3A_585, %swap3A_586] : memref<2048x128xf32, #tpu.memory_space<vmem>>, vector<128x64xf32>
    tpu.vector_store %arg8[%swap3A_585, %swap3A_586], %transpose3A_584 {strides = array<i32>} : memref<2048x128xf32, #tpu.memory_space<vmem>>, vector<128x64xf32>,
    %slice3A_588 = vector.extract_strided_slice %get3A_487 {offsets = [0, 2560], sizes = [64, 128], strides = [1, 1]} : vector<64x4096xf32> to vector<64x128xf32>
    %transpose3A_589 = tpu.transpose %slice3A_588, [1, 0] : vector<64x128xf32> -> vector<128x64xf32>
    %swap3A_590 = arith.constant 1280 : index
    %swap3A_591 = arith.constant 0 : index
    %swap3A_592 = vector.load %arg8[%swap3A_590, %swap3A_591] : memref<2048x128xf32, #tpu.memory_space<vmem>>, vector<128x64xf32>
    tpu.vector_store %arg8[%swap3A_590, %swap3A_591], %transpose3A_589 {strides = array<i32>} : memref<2048x128xf32, #tpu.memory_space<vmem>>, vector<128x64xf32>,
    %slice3A_593 = vector.extract_strided_slice %get3A_487 {offsets = [0, 2688], sizes = [64, 128], strides = [1, 1]} : vector<64x4096xf32> to vector<64x128xf32>
    %transpose3A_594 = tpu.transpose %slice3A_593, [1, 0] : vector<64x128xf32> -> vector<128x64xf32>
    %swap3A_595 = arith.constant 1280 : index
    %swap3A_596 = arith.constant 64 : index
    %swap3A_597 = vector.load %arg8[%swap3A_595, %swap3A_596] : memref<2048x128xf32, #tpu.memory_space<vmem>>, vector<128x64xf32>
    tpu.vector_store %arg8[%swap3A_595, %swap3A_596], %transpose3A_594 {strides = array<i32>} : memref<2048x128xf32, #tpu.memory_space<vmem>>, vector<128x64xf32>,
    %slice3A_598 = vector.extract_strided_slice %get3A_487 {offsets = [0, 2816], sizes = [64, 128], strides = [1, 1]} : vector<64x4096xf32> to vector<64x128xf32>
    %transpose3A_599 = tpu.transpose %slice3A_598, [1, 0] : vector<64x128xf32> -> vector<128x64xf32>
    %swap3A_600 = arith.constant 1408 : index
    %swap3A_601 = arith.constant 0 : index
    %swap3A_602 = vector.load %arg8[%swap3A_600, %swap3A_601] : memref<2048x128xf32, #tpu.memory_space<vmem>>, vector<128x64xf32>
    tpu.vector_store %arg8[%swap3A_600, %swap3A_601], %transpose3A_599 {strides = array<i32>} : memref<2048x128xf32, #tpu.memory_space<vmem>>, vector<128x64xf32>,
    %slice3A_603 = vector.extract_strided_slice %get3A_487 {offsets = [0, 2944], sizes = [64, 128], strides = [1, 1]} : vector<64x4096xf32> to vector<64x128xf32>
    %transpose3A_604 = tpu.transpose %slice3A_603, [1, 0] : vector<64x128xf32> -> vector<128x64xf32>
    %swap3A_605 = arith.constant 1408 : index
    %swap3A_606 = arith.constant 64 : index
    %swap3A_607 = vector.load %arg8[%swap3A_605, %swap3A_606] : memref<2048x128xf32, #tpu.memory_space<vmem>>, vector<128x64xf32>
    tpu.vector_store %arg8[%swap3A_605, %swap3A_606], %transpose3A_604 {strides = array<i32>} : memref<2048x128xf32, #tpu.memory_space<vmem>>, vector<128x64xf32>,
    %slice3A_608 = vector.extract_strided_slice %get3A_487 {offsets = [0, 3072], sizes = [64, 128], strides = [1, 1]} : vector<64x4096xf32> to vector<64x128xf32>
    %transpose3A_609 = tpu.transpose %slice3A_608, [1, 0] : vector<64x128xf32> -> vector<128x64xf32>
    %swap3A_610 = arith.constant 1536 : index
    %swap3A_611 = arith.constant 0 : index
    %swap3A_612 = vector.load %arg8[%swap3A_610, %swap3A_611] : memref<2048x128xf32, #tpu.memory_space<vmem>>, vector<128x64xf32>
    tpu.vector_store %arg8[%swap3A_610, %swap3A_611], %transpose3A_609 {strides = array<i32>} : memref<2048x128xf32, #tpu.memory_space<vmem>>, vector<128x64xf32>,
    %slice3A_613 = vector.extract_strided_slice %get3A_487 {offsets = [0, 3200], sizes = [64, 128], strides = [1, 1]} : vector<64x4096xf32> to vector<64x128xf32>
    %transpose3A_614 = tpu.transpose %slice3A_613, [1, 0] : vector<64x128xf32> -> vector<128x64xf32>
    %swap3A_615 = arith.constant 1536 : index
    %swap3A_616 = arith.constant 64 : index
    %swap3A_617 = vector.load %arg8[%swap3A_615, %swap3A_616] : memref<2048x128xf32, #tpu.memory_space<vmem>>, vector<128x64xf32>
    tpu.vector_store %arg8[%swap3A_615, %swap3A_616], %transpose3A_614 {strides = array<i32>} : memref<2048x128xf32, #tpu.memory_space<vmem>>, vector<128x64xf32>,
    %slice3A_618 = vector.extract_strided_slice %get3A_487 {offsets = [0, 3328], sizes = [64, 128], strides = [1, 1]} : vector<64x4096xf32> to vector<64x128xf32>
    %transpose3A_619 = tpu.transpose %slice3A_618, [1, 0] : vector<64x128xf32> -> vector<128x64xf32>
    %swap3A_620 = arith.constant 1664 : index
    %swap3A_621 = arith.constant 0 : index
    %swap3A_622 = vector.load %arg8[%swap3A_620, %swap3A_621] : memref<2048x128xf32, #tpu.memory_space<vmem>>, vector<128x64xf32>
    tpu.vector_store %arg8[%swap3A_620, %swap3A_621], %transpose3A_619 {strides = array<i32>} : memref<2048x128xf32, #tpu.memory_space<vmem>>, vector<128x64xf32>,
    %slice3A_623 = vector.extract_strided_slice %get3A_487 {offsets = [0, 3456], sizes = [64, 128], strides = [1, 1]} : vector<64x4096xf32> to vector<64x128xf32>
    %transpose3A_624 = tpu.transpose %slice3A_623, [1, 0] : vector<64x128xf32> -> vector<128x64xf32>
    %swap3A_625 = arith.constant 1664 : index
    %swap3A_626 = arith.constant 64 : index
    %swap3A_627 = vector.load %arg8[%swap3A_625, %swap3A_626] : memref<2048x128xf32, #tpu.memory_space<vmem>>, vector<128x64xf32>
    tpu.vector_store %arg8[%swap3A_625, %swap3A_626], %transpose3A_624 {strides = array<i32>} : memref<2048x128xf32, #tpu.memory_space<vmem>>, vector<128x64xf32>,
    %slice3A_628 = vector.extract_strided_slice %get3A_487 {offsets = [0, 3584], sizes = [64, 128], strides = [1, 1]} : vector<64x4096xf32> to vector<64x128xf32>
    %transpose3A_629 = tpu.transpose %slice3A_628, [1, 0] : vector<64x128xf32> -> vector<128x64xf32>
    %swap3A_630 = arith.constant 1792 : index
    %swap3A_631 = arith.constant 0 : index
    %swap3A_632 = vector.load %arg8[%swap3A_630, %swap3A_631] : memref<2048x128xf32, #tpu.memory_space<vmem>>, vector<128x64xf32>
    tpu.vector_store %arg8[%swap3A_630, %swap3A_631], %transpose3A_629 {strides = array<i32>} : memref<2048x128xf32, #tpu.memory_space<vmem>>, vector<128x64xf32>,
    %slice3A_633 = vector.extract_strided_slice %get3A_487 {offsets = [0, 3712], sizes = [64, 128], strides = [1, 1]} : vector<64x4096xf32> to vector<64x128xf32>
    %transpose3A_634 = tpu.transpose %slice3A_633, [1, 0] : vector<64x128xf32> -> vector<128x64xf32>
    %swap3A_635 = arith.constant 1792 : index
    %swap3A_636 = arith.constant 64 : index
    %swap3A_637 = vector.load %arg8[%swap3A_635, %swap3A_636] : memref<2048x128xf32, #tpu.memory_space<vmem>>, vector<128x64xf32>
    tpu.vector_store %arg8[%swap3A_635, %swap3A_636], %transpose3A_634 {strides = array<i32>} : memref<2048x128xf32, #tpu.memory_space<vmem>>, vector<128x64xf32>,
    %slice3A_638 = vector.extract_strided_slice %get3A_487 {offsets = [0, 3840], sizes = [64, 128], strides = [1, 1]} : vector<64x4096xf32> to vector<64x128xf32>
    %transpose3A_639 = tpu.transpose %slice3A_638, [1, 0] : vector<64x128xf32> -> vector<128x64xf32>
    %swap3A_640 = arith.constant 1920 : index
    %swap3A_641 = arith.constant 0 : index
    %swap3A_642 = vector.load %arg8[%swap3A_640, %swap3A_641] : memref<2048x128xf32, #tpu.memory_space<vmem>>, vector<128x64xf32>
    tpu.vector_store %arg8[%swap3A_640, %swap3A_641], %transpose3A_639 {strides = array<i32>} : memref<2048x128xf32, #tpu.memory_space<vmem>>, vector<128x64xf32>,
    %slice3A_643 = vector.extract_strided_slice %get3A_487 {offsets = [0, 3968], sizes = [64, 128], strides = [1, 1]} : vector<64x4096xf32> to vector<64x128xf32>
    %transpose3A_644 = tpu.transpose %slice3A_643, [1, 0] : vector<64x128xf32> -> vector<128x64xf32>
    %swap3A_645 = arith.constant 1920 : index
    %swap3A_646 = arith.constant 64 : index
    %swap3A_647 = vector.load %arg8[%swap3A_645, %swap3A_646] : memref<2048x128xf32, #tpu.memory_space<vmem>>, vector<128x64xf32>
    tpu.vector_store %arg8[%swap3A_645, %swap3A_646], %transpose3A_644 {strides = array<i32>} : memref<2048x128xf32, #tpu.memory_space<vmem>>, vector<128x64xf32>,
    return
  }
  func.func @transform_0(%arg0: i32) -> (i32, i32) {
    %c0_i32 = arith.constant 0 : i32
    %c0_i32_0 = arith.constant 0 : i32
    return %c0_i32, %arg0 : i32, i32
  }
  func.func @transform_1(%arg0: i32) -> (i32, i32) {
    %c0_i32 = arith.constant 0 : i32
    %c0_i32_0 = arith.constant 0 : i32
    return %c0_i32, %arg0 : i32, i32
  }
  func.func @transform_2(%arg0: i32) -> (i32, i32) {
    %c0_i32 = arith.constant 0 : i32
    %c0_i32_0 = arith.constant 0 : i32
    return %c0_i32, %arg0 : i32, i32
  }
  func.func @transform_3(%arg0: i32) -> (i32, i32) {
    %c0_i32 = arith.constant 0 : i32
    %c0_i32_0 = arith.constant 0 : i32
    return %c0_i32, %arg0 : i32, i32
  }
  func.func @transform_4(%arg0: i32) -> (i32, i32) {
    %c0_i32 = arith.constant 0 : i32
    %c0_i32_0 = arith.constant 0 : i32
    return %arg0, %c0_i32 : i32, i32
  }
  func.func @transform_5(%arg0: i32) -> (i32, i32) {
    %c0_i32 = arith.constant 0 : i32
    %c0_i32_0 = arith.constant 0 : i32
    return %arg0, %c0_i32 : i32, i32
  }
  func.func @transform_6(%arg0: i32) -> (i32, i32) {
    %c0_i32 = arith.constant 0 : i32
    %c0_i32_0 = arith.constant 0 : i32
    return %arg0, %c0_i32 : i32, i32
  }
  func.func @transform_7(%arg0: i32) -> (i32, i32) {
    %c0_i32 = arith.constant 0 : i32
    %c0_i32_0 = arith.constant 0 : i32
    return %arg0, %c0_i32 : i32, i32
  }
}

</mosaic_0001>

<sc_bundles>
// kernel: kernel.5.cloned.1.call-start
scs
__scs_entry_jumppad:
0x0: {  	(pc) =	sbr.rel $0x88, $3  }
0x1: {  	(tag) =	ssettag $0x0;
	lr =	simm.s32 $0x1  }
0x2: {  	[smem:$0x3F93] =	sst lr;
	_ =	strace $0xD0000000  }
0x3: {  	_ = 	snop  }
0x4: {  	_ = 	snop  }
0x5: {  	_ = 	snop  }
0x6: {  	_ = 	snop  }
0x7: {  	_ = 	snop  }
__scs_overlays_trampoline_lowered:
0x8: {  	[smem:$0x3FA2] =	sst s0  }
0x9: {  	[smem:$0x3FA3] =	sst s1  }
0xa: {  	[smem:$0x3FA4] =	sst s2  }
0xb: {  	[smem:$0x3FA5] =	sst s3  }
0xc: {  	[smem:$0x3FA6] =	sst s4  }
0xd: {  	[smem:$0x3FA7] =	sst s5  }
0xe: {  	[smem:$0x3FA8] =	sst s6  }
0xf: {  	[smem:$0x3FA9] =	sst s7  }
0x10: {  	[smem:$0x3FAA] =	sst s8  }
0x11: {  	[smem:$0x3FAB] =	sst s9;
	s0 =	simm.s32 @!p0 $0x0  }
0x12: {  	s1 =	sld [smem:$0x3F91];
	s0 =	simm.s32 @p0 $0x1  }
0x13: {  	[smem:$0x3FAC] =	sst s0;
	s0 =	simm.s32 @!p1 $0x0  }
0x14: {  	s2 =	sld [smem:$0x3F90];
	s0 =	simm.s32 @p1 $0x1  }
0x15: {  	[smem:$0x3FAD] =	sst s0;
	s0 =	simm.s32 @!p2 $0x0  }
0x16: {  	s3 =	sld [smem:$0x3FDB];
	s0 =	simm.s32 @p2 $0x1  }
0x17: {  	s4 =	simm.s32 $0x1BF5;
	[smem:$0x3FAF] =	sst s0  }
0x18: {  	s0 =	sld [smem:$0x3F92];
	_ =	swait.ge [sflag:s4], $0x0  }
0x19: {  	s7 =	sld [smem:$0x3F93]  }
0x1a: {  	s8 =	sadd.s32 $0xFFFFE003, lr  }
0x1b: {  	s9 =	sadd.s32 $0xFFFFFEF7, lr;
	s5 =	simm.s32 $0xFFFFFFFF;
	p2 =	slt.u32 s8, $0xFFFFF086  }
0x1c: {  	p1 =	slt.u32 s9, $0xF7A;
	s5 =	simm.s32 @!p2 $0x0  }
0x1d: {  	s5 =	simm.s32 @p1 $0x1;
	p0 =	seq.s32 s7, s2  }
0x1e: {  	s7 =	smul.u32 @!p0 $0xF7A, s2;
	p2 =	seq.s32 @!p0 s5, $0x0  }
0x1f: {  	s9 =	smul.u32 $0xF7A, s1;
	s8 =	simm.s32 @!p0 $0x1BF5;
	p2 =	por !p2, p0  }
0x20: {  	[sflag:s8] =	ssyncset.s32 @!p0 $0xFFFFF086;
	s6 =	sadd.s32 @!p0 s3, s7;
	s7 =	simm.s32 @!p0 $0x108  }
0x21: {  	s3 =	sadd.s32 s3, s9;
	s6 =	sadd.s32 @!p0 $0x88, s6;
	s7 =	simm.s32 @p2 $0x1082  }
0x22: {  	[simem:s7], [sflag:s8] =	dma.local @!p0 [hbm:s6], $0xF7A  }
0x23: {  	s9 =	sor.u32 $0xD0000000, s2;
	s6 =	simm.s32 $0x108;
	_ =	swait.ge @!p0 [sflag:s8], $0x0  }
0x24: {  	s3 =	sadd.s32 $0x88, s3;
	s6 =	simm.s32 @!p1 $0x1082;
	[sflag:s4] =	ssyncset.s32 $0xFFFFF086  }
0x25: {  	[simem:s6], [sflag:s4] =	dma.local [hbm:s3], $0xF7A  }
0x26: {  	[smem:$0x3F93] =	sst s1;
	(tag) =	ssettag s2;
	_ =	strace s9  }
0x27: {  	s1 =	sld [smem:$0x3FA3]  }
0x28: {  	s2 =	sld [smem:$0x3FA4]  }
0x29: {  	s4 =	sld [smem:$0x3FA6]  }
0x2a: {  	p0 =	seq.s32 s5, $0x0;
	s5 =	sld [smem:$0x3FA7]  }
0x2b: {  	s6 =	sld [smem:$0x3FA8]  }
0x2c: {  	s7 =	sld [smem:$0x3FA9]  }
0x2d: {  	s3 =	simm.s32 $0x108;
	s8 =	sld [smem:$0x3FAA]  }
0x2e: {  	s3 =	simm.s32 @!p0 $0x1082;
	s9 =	sld [smem:$0x3FAB]  }
0x2f: {  	lr =	sadd.s32 s0, s3;
	s0 =	sld [smem:$0x3FA2]  }
0x30: {  	s3 =	sld [smem:$0x3FA5]  }
0x31: {  	[smem:$0x3FAE] =	sst s10  }
0x32: {  	s10 =	sld [smem:$0x3FAC];
	_ =	sdelay $0x3  }
0x33: {  	p0 =	seq.s32 s10, $0x1;
	s10 =	sld [smem:$0x3FAE];
	_ =	sdelay $0x3  }
0x34: {  	[smem:$0x3FAE] =	sst s10  }
0x35: {  	s10 =	sld [smem:$0x3FAD];
	_ =	sdelay $0x3  }
0x36: {  	p1 =	seq.s32 s10, $0x1;
	s10 =	sld [smem:$0x3FAE];
	_ =	sdelay $0x3  }
0x37: {  	[smem:$0x3FAE] =	sst s10  }
0x38: {  	s10 =	sld [smem:$0x3FAF]  }
0x39: {  	_ = 	snop;
	(pc) =	sbr.ind lr, $3  }
0x3a: {  	_ = 	snop  }
0x3b: {  	_ = 	snop  }
0x3c: {  	p2 =	seq.s32 s10, $0x1;
	s10 =	sld [smem:$0x3FAE]  }
0x3d: {  	_ =	shalt  }
0x3e: {  	_ =	shalt  }
0x3f: {  	_ =	shalt  }
0x40: {  	_ =	shalt  }
0x41: {  	_ =	shalt  }
0x42: {  	_ =	shalt  }
0x43: {  	_ =	shalt  }
0x44: {  	_ =	shalt  }
0x45: {  	_ =	shalt  }
0x46: {  	_ =	shalt  }
0x47: {  	_ =	shalt  }
0x48: {  	_ =	shalt  }
0x49: {  	_ =	shalt  }
0x4a: {  	_ =	shalt  }
0x4b: {  	_ =	shalt  }
0x4c: {  	_ =	shalt  }
0x4d: {  	_ =	shalt  }
0x4e: {  	_ =	shalt  }
0x4f: {  	_ =	shalt  }
0x50: {  	_ =	shalt  }
0x51: {  	_ =	shalt  }
0x52: {  	_ =	shalt  }
0x53: {  	_ =	shalt  }
0x54: {  	_ =	shalt  }
0x55: {  	_ =	shalt  }
0x56: {  	_ =	shalt  }
0x57: {  	_ =	shalt  }
0x58: {  	_ =	shalt  }
0x59: {  	_ =	shalt  }
0x5a: {  	_ =	shalt  }
0x5b: {  	_ =	shalt  }
0x5c: {  	_ =	shalt  }
0x5d: {  	_ =	shalt  }
0x5e: {  	_ =	shalt  }
0x5f: {  	_ =	shalt  }
0x60: {  	_ =	shalt  }
0x61: {  	_ =	shalt  }
0x62: {  	_ =	shalt  }
0x63: {  	_ =	shalt  }
0x64: {  	_ =	shalt  }
0x65: {  	_ =	shalt  }
0x66: {  	_ =	shalt  }
0x67: {  	_ =	shalt  }
0x68: {  	_ =	shalt  }
0x69: {  	_ =	shalt  }
0x6a: {  	_ =	shalt  }
0x6b: {  	_ =	shalt  }
0x6c: {  	_ =	shalt  }
0x6d: {  	_ =	shalt  }
0x6e: {  	_ =	shalt  }
0x6f: {  	_ =	shalt  }
0x70: {  	_ =	shalt  }
0x71: {  	_ =	shalt  }
0x72: {  	_ =	shalt  }
0x73: {  	_ =	shalt  }
0x74: {  	_ =	shalt  }
0x75: {  	_ =	shalt  }
0x76: {  	_ =	shalt  }
0x77: {  	_ =	shalt  }
0x78: {  	_ =	shalt  }
0x79: {  	_ =	shalt  }
0x7a: {  	_ =	shalt  }
0x7b: {  	_ =	shalt  }
0x7c: {  	_ =	shalt  }
0x7d: {  	_ =	shalt  }
0x7e: {  	_ =	shalt  }
0x7f: {  	_ =	shalt  }
0x80: {  	_ =	shalt  }
0x81: {  	_ =	shalt  }
0x82: {  	_ =	shalt  }
0x83: {  	_ =	shalt  }
0x84: {  	_ =	shalt  }
0x85: {  	_ =	shalt  }
0x86: {  	_ =	shalt  }
0x87: {  	_ =	shalt  }
.Lfunc_end0:
.L_simem_size_0:
called_computation_lowered:
.L_overlay_start_0:
0x88: {  	s2 =	sld [smem:$0x3FD9]  }
0x89: {  	s3 =	sld [smem:$0x3FFE];
	_ =	sdelay $0x1  }
0x8a: {  	s1 =	srdreg.scid  }
0x8b: {  	s0 =	sand.u32 $0x1, s1  }
0x8c: {  	s17 =	sshll.u32 s0, $0xA;
	s2 =	sadd.s32 s3, s2  }
0x8d: {  	s2 =	sadd.s32 s2, s17  }
0x8e: {  	[smem:$0x3FBA] =	sst s2  }
0x8f: {  	_ = 	snop  }
0x90: {  	s2 =	sld [smem:$0x3FC9]  }
0x91: {  	s18 =	sld [smem:$0x3FC8];
	(tm) =	ssettm $0x1  }
0x92: {  	s4 =	sld [smem:$0x3FFB];
	_ =	sdelay $0x3  }
0x93: {  	_ =	strace s4  }
0x94: {  	s4 =	sld [smem:$0x3FFC];
	_ =	sdelay $0x3  }
0x95: {  	_ =	strace s4  }
0x96: {  	s4 =	sld [smem:$0x3FFD];
	_ =	sdelay $0x3  }
0x97: {  	_ =	strace s4  }
0x98: {  	_ =	strace $0x8FFFFFFF  }
0x99: {  	s19 =	sld [smem:$0x3FDB];
	_ =	sdelay $0x1  }
0x9a: {  	s5 =	simm.s32 $_scs_section_size  }
0x9b: {  	s6 =	simm.s32 $_size__tile_overlayer_lowered;
	s7 =	simm.s32 $_tile_overlayer_lowered  }
0x9c: {  	s22 =	simm.s32 $0x1BFF;
	s21 =	sshll.u32 s7, $0x1;
	s4 =	sadd.s32 s5, s19  }
0x9d: {  	s8 =	simm.s32 $0x0;
	s20 =	sshll.u32 s6, $0x1;
	s6 =	sadd.s32 s21, s4  }
0x9e: {  	[timem:s8], [sflag:s22] =	dma.local [hbm:s6], s20  }
0x9f: {  	_ =	swait.ge [sflag:s22], s20  }
0xa0: {  	s5 =	ssub.s32 $0x0, s20;
	[sflag:s22] =	ssyncset.done $0x0  }
0xa1: {  	[sflag:s22] =	ssyncadd.s32 s5;
	_ =	sdelay $0x1  }
0xa2: {  	s23 =	simm.s32 $0x1B8B  }
0xa3: {  	_ =	swait.ge [sflag:s23], $0x1  }
0xa4: {  	[sflag:s23] =	ssyncset.done $0x0  }
0xa5: {  	s25 =	simm.s32 $0x1B8E;
	s24 =	sld [smem:$0x3FFE];
	[sflag:s23] =	ssyncadd.s32 $0xFFFFFFFF  }
0xa6: {  	s26 =	simm.s32 $execute0_lowered;
	[smem:$0x3FD2] =	sst s25  }
0xa7: {  	s6 =	sshll.u32 s26, $0x1;
	_ =	strace $0x80000046;
	[dreg:$0x1] =	wrdreg $0xFFFFFFFF  }
0xa8: {  	s28 =	simm.s32 $_size_execute0_lowered;
	s4 =	sadd.s32 s4, s6;
	[dreg:$0x0] =	wrdreg $0x0  }
0xa9: {  	s6 =	sshll.u32 s28, $0x1;
	[dreg:$0x2] =	wrdreg s4  }
0xaa: {  	[dreg:$0x3] =	wrdreg s6  }
0xab: {  	[dreg:$0x4] =	wrdreg $0xC0  }
0xac: {  	_ =	task [dreg:s8], $0x5FFFF  }
0xad: {  	[dreg:$0x1] =	wrdreg $0xFFFFFFFF  }
0xae: {  	[dreg:$0x0] =	wrdreg $0x60  }
0xaf: {  	[dreg:$0x2] =	wrdreg s2  }
0xb0: {  	[dreg:$0x3] =	wrdreg s18  }
0xb1: {  	[dreg:$0x4] =	wrdreg s24  }
0xb2: {  	[dreg:$0x5] =	wrdreg $0x9  }
0xb3: {  	_ =	task.clear_ibuf [dreg:s8], $0x6FFFF;
	_ =	strace $0x90000046  }
0xb4: {  	s29 =	simm.s32 $0x9;
	_ =	strace $0x80000048  }
0xb5: {  	_ =	swait.ge [sflag:s29], $0x1  }
0xb6: {  	[sflag:s29] =	ssyncadd.s32 $0xFFFFFFFF  }
0xb7: {  	_ =	strace $0x90000048  }
0xb8: {  	_ =	sfence  }
0xb9: {  	s30 =	sld [smem:$0x0];
	_ =	sdelay $0x2  }
0xba: {  	s31 =	sshll.u32 s1, $0xD;
	s1 =	sshrl.u32 s1, $0x2  }
0xbb: {  	s3 =	sand.u32 $0x4000, s31;
	s1 =	sadd.s32 s1, s30  }
0xbc: {  	s0 =	sor.u32 s3, s0;
	s1 =	sshll.u32 s1, $0x11  }
0xbd: {  	s0 =	sor.u32 s1, s0  }
0xbe: {  	s0 =	sadd.s32 $0x8F2B, s0  }
0xbf: {  	[sflag:s0] =	ssyncadd.remote.s32 $0x1  }
0xc0: {  	_ =	sfence.sel $0xFFFF  }
0xc1: {  	[dreg:$0x0] =	wrdreg $0xFFFFFFFF;
	(pc) =	sbr.abs _section_cstart, $3  }
0xc2: {  	[dreg:$0x1] =	wrdreg $0xFFFFFFFF  }
0xc3: {  	_ =	task.clear_ibuf [dreg:s8], $0x2FFFF;
	_ =	strace $0x9FFFFFFF  }
0xc4: {  	(tm) =	ssettm $0x7FFFFFFF  }
0xc5: {  	_ =	shalt  }
tec
execute0_lowered:
.L_overlay_start_1:
0x0: {  	(tag) =	ssettag $0x1  }
0x1: {  	s4 =	rddreg [dreg:$0x0]  }
0x2: {  	s5 =	rddreg [dreg:$0x1]  }
0x3: {  	s0 =	rddreg [dreg:$0x2];
	s2 =	srdreg.scid  }
0x4: {  	s1 =	stileid.u32;
	s28 =	simm.s32 $0x5;
	s29 =	simm.s32 $0x4  }
0x5: {  	s30 =	simm.s32 $0x6;
	s31 =	simm.s32 $0x7;
	s7 =	sand.u32 $0x1, s2  }
0x6: {  	s2 =	simm.s32 $0x0;
	s3 =	sshll.u32 s1, $0xA;
	s13 =	sadd.s32 $0x321C00, s0  }
0x7: {  	s6 =	sshll.u32 s7, $0x9;
	[smem:$0x7FF] =	sst s2;
	s7 =	ssub.s32 $0x2, s7  }
0x8: {  	s6 =	sor.u32 s6, s3;
	_ =	strace $0x80000047;
	s3 =	sadd.s32 $0x1C00, s0  }
0x9: {  	s8 =	sshrl.u32 s6, $0x3;
	s10 =	sor.u32 $0x80, s6;
	s11 =	sor.u32 $0x100, s6  }
0xa: {  	s12 =	sor.u32 $0x180, s6;
	s23 =	sshll.u32 s6, $0x4;
	s9 =	sadd.s32 s4, s8  }
0xb: {  	s6 =	sadd.s32 $0x259C00, s0;
	s8 =	sadd.s32 s5, s8;
	[dreg:$0x4] =	wrdreg s9  }
0xc: {  	s15 =	sshrl.u32 s10, $0x3;
	s24 =	sadd.s32 s13, s23;
	[dreg:$0x5] =	wrdreg s8  }
0xd: {  	s18 =	sshrl.u32 s11, $0x3;
	s16 =	sadd.s32 s4, s15;
	[dreg:$0xc] =	wrdreg s24  }
0xe: {  	s21 =	sshrl.u32 s12, $0x3;
	s17 =	sadd.s32 s5, s15;
	[dreg:$0x6] =	wrdreg s16  }
0xf: {  	s25 =	sshll.u32 s10, $0x4;
	s19 =	sadd.s32 s4, s18;
	[dreg:$0x7] =	wrdreg s17  }
0x10: {  	s1 =	sshll.u32 s11, $0x4;
	s20 =	sadd.s32 s5, s18;
	[dreg:$0x8] =	wrdreg s19  }
0x11: {  	s10 =	sshll.u32 s12, $0x4;
	s4 =	sadd.s32 s4, s21;
	[dreg:$0x9] =	wrdreg s20  }
0x12: {  	s12 =	sor.u32 $0x8, s23;
	s22 =	sadd.s32 s5, s21;
	[dreg:$0xa] =	wrdreg s4  }
0x13: {  	s26 =	sadd.s32 s13, s25;
	s9 =	sadd.s32 s13, s1;
	[dreg:$0xb] =	wrdreg s22  }
0x14: {  	s11 =	sadd.s32 s13, s10;
	s15 =	sadd.s32 s13, s12;
	[dreg:$0xd] =	wrdreg s26  }
0x15: {  	s18 =	sor.u32 $0x8, s1;
	s14 =	sor.u32 $0x8, s10;
	[dreg:$0xe] =	wrdreg s9  }
0x16: {  	s5 =	sadd.s32 $0x191C00, s0;
	s24 =	sshrl.u32 s7, $0x1;
	[dreg:$0xf] =	wrdreg s11  }
0x17: {  	s16 =	sor.u32 $0x8, s25;
	[dreg:$0x10] =	wrdreg s15;
	s19 =	sadd.s32 s13, s18  }
0x18: {  	s15 =	sadd.s32 $0x361C00, s0;
	s4 =	sadd.s32 $0xC9C00, s0;
	s26 =	ssub.s32 s7, s24  }
0x19: {  	s11 =	simm.s32 $0x9;
	s24 =	simm.s32 $0x2;
	s0 =	simm.s32 $0x8  }
0x1a: {  	s17 =	sadd.s32 s13, s16;
	[dreg:$0x12] =	wrdreg s19;
	s13 =	sadd.s32 s13, s14  }
0x1b: {  	s20 =	sadd.s32 s15, s23;
	s21 =	sadd.s32 s15, s25;
	s22 =	sadd.s32 s15, s1  }
0x1c: {  	s23 =	sadd.s32 s15, s10;
	s25 =	sadd.s32 s15, s12;
	[dreg:$0x11] =	wrdreg s17  }
0x1d: {  	s7 =	sadd.s32 s15, s16;
	s8 =	sadd.s32 s15, s18;
	[dreg:$0x13] =	wrdreg s13  }
0x1e: {  	s9 =	sadd.s32 s15, s14;
	s10 =	smax.u32 s26, $0x1;
	[dreg:$0x14] =	wrdreg s20  }
0x1f: {  	s12 =	simm.s32 $0x200;
	s14 =	simm.s32 $0x280;
	[dreg:$0x15] =	wrdreg s21  }
0x20: {  	s15 =	simm.s32 $0x100;
	s16 =	simm.s32 $0x300;
	[dreg:$0x16] =	wrdreg s22  }
0x21: {  	s18 =	simm.s32 $0x380;
	s19 =	simm.s32 $0x400;
	[dreg:$0x17] =	wrdreg s23  }
0x22: {  	s26 =	simm.s32 $0x3;
	[dreg:$0x18] =	wrdreg s25;
	s13 =	simm.s32 $0x80  }
0x23: {  	s17 =	simm.s32 $0x180;
	s20 =	simm.s32 $0x2400;
	s21 =	simm.s32 $0x1  }
0x24: {  	s22 =	simm.s32 $0x40;
	s23 =	simm.s32 $0x4400;
	s25 =	simm.s32 $0x6400  }
.LBB2_1:
0x25: {  	s1 =	rddreg [dreg:$0x4]  }
0x26: {  	[tilespmem:s2], [sflag:$0x9] =	stream.linear.gather [hbm4b:s1+s2], $0x80, $0x38;
	[tilespmem:$0x8400] =	vst v63  }
0x27: {  	_ =	swait.ge [sflag:s11], $0x80  }
0x28: {  	[sflag:s11] =	ssyncset.done $0x0  }
0x29: {  	s1 =	rddreg [dreg:$0x5];
	[sflag:s11] =	ssyncadd.s32 $0xFFFFFF80  }
0x2a: {  	[tilespmem:s12], [sflag:$0x9] =	stream.linear.gather [hbm4b:s1+s2], $0x80, $0x38;
	[tilespmem:$0x8400] =	vst v63  }
0x2b: {  	_ =	swait.ge [sflag:s11], $0x80  }
0x2c: {  	[sflag:s11] =	ssyncset.done $0x0  }
0x2d: {  	s1 =	rddreg [dreg:$0x6];
	[sflag:s11] =	ssyncadd.s32 $0xFFFFFF80  }
0x2e: {  	[tilespmem:s13], [sflag:$0x9] =	stream.linear.gather [hbm4b:s1+s2], $0x80, $0x38;
	[tilespmem:$0x8400] =	vst v63  }
0x2f: {  	_ =	swait.ge [sflag:s11], $0x80  }
0x30: {  	[sflag:s11] =	ssyncset.done $0x0  }
0x31: {  	s1 =	rddreg [dreg:$0x7];
	[sflag:s11] =	ssyncadd.s32 $0xFFFFFF80  }
0x32: {  	[tilespmem:s14], [sflag:$0x9] =	stream.linear.gather [hbm4b:s1+s2], $0x80, $0x38;
	[tilespmem:$0x8400] =	vst v63  }
0x33: {  	_ =	swait.ge [sflag:s11], $0x80  }
0x34: {  	[sflag:s11] =	ssyncset.done $0x0  }
0x35: {  	s1 =	rddreg [dreg:$0x8];
	[sflag:s11] =	ssyncadd.s32 $0xFFFFFF80  }
0x36: {  	[tilespmem:s15], [sflag:$0x9] =	stream.linear.gather [hbm4b:s1+s2], $0x80, $0x38;
	[tilespmem:$0x8400] =	vst v63  }
0x37: {  	_ =	swait.ge [sflag:s11], $0x80  }
0x38: {  	[sflag:s11] =	ssyncset.done $0x0  }
0x39: {  	s1 =	rddreg [dreg:$0x9];
	[sflag:s11] =	ssyncadd.s32 $0xFFFFFF80  }
0x3a: {  	[tilespmem:s16], [sflag:$0x9] =	stream.linear.gather [hbm4b:s1+s2], $0x80, $0x38;
	[tilespmem:$0x8400] =	vst v63  }
0x3b: {  	_ =	swait.ge [sflag:s11], $0x80  }
0x3c: {  	[sflag:s11] =	ssyncset.done $0x0  }
0x3d: {  	s1 =	rddreg [dreg:$0xa];
	[sflag:s11] =	ssyncadd.s32 $0xFFFFFF80  }
0x3e: {  	[tilespmem:s17], [sflag:$0x9] =	stream.linear.gather [hbm4b:s1+s2], $0x80, $0x38;
	[tilespmem:$0x8400] =	vst v63  }
0x3f: {  	_ =	swait.ge [sflag:s11], $0x80  }
0x40: {  	[sflag:s11] =	ssyncset.done $0x0  }
0x41: {  	s1 =	rddreg [dreg:$0xb];
	[sflag:s11] =	ssyncadd.s32 $0xFFFFFF80  }
0x42: {  	[tilespmem:s18], [sflag:$0x9] =	stream.linear.gather [hbm4b:s1+s2], $0x80, $0x38;
	[tilespmem:$0x8400] =	vst v63  }
0x43: {  	_ =	swait.ge [sflag:s11], $0x80  }
0x44: {  	[sflag:s11] =	ssyncset.done $0x0  }
0x45: {  	[sflag:s11] =	ssyncadd.s32 $0xFFFFFF80  }
0x46: {  	v0 =	vld [tilespmem:$0x0]  }
0x47: {  	v1 =	vld [tilespmem:$0x10]  }
0x48: {  	v3 =	vld [tilespmem:$0x20]  }
0x49: {  	v5 =	vld [tilespmem:$0x30]  }
0x4a: {  	v7 =	vld [tilespmem:$0x40]  }
0x4b: {  	v52 =	vld [tilespmem:$0x50]  }
0x4c: {  	v8 =	vld [tilespmem:$0x60]  }
0x4d: {  	v56 =	vld [tilespmem:$0x70]  }
0x4e: {  	v10 =	vld [tilespmem:$0x80];
	v2 =	vshll.u32 v0, $0x1;
	v4 =	vand.u32 $0xFFFFFF00, v0;
	v0 =	vshrl.u32 v0, $0x7  }
0x4f: {  	v11 =	vld [tilespmem:$0x90];
	v47 =	vshll.u32 v1, $0x1;
	v6 =	vand.u32 $0xFFFFFF00, v1;
	v1 =	vshrl.u32 v1, $0x7  }
0x50: {  	v63 =	vld [tilespmem:$0xA0];
	v49 =	vshll.u32 v3, $0x1;
	v50 =	vand.u32 $0xFFFFFF00, v3;
	v3 =	vshrl.u32 v3, $0x7  }
0x51: {  	v13 =	vld [tilespmem:$0xB0];
	v51 =	vshll.u32 v5, $0x1;
	v53 =	vand.u32 $0xFFFFFF00, v5;
	v54 =	vshrl.u32 v5, $0x7  }
0x52: {  	v14 =	vld [tilespmem:$0xC0];
	v55 =	vshll.u32 v7, $0x1;
	v9 =	vand.u32 $0xFFFFFF00, v7;
	v7 =	vshrl.u32 v7, $0x7  }
0x53: {  	v23 =	vld [tilespmem:$0xD0];
	v57 =	vshll.u32 v52, $0x1;
	v58 =	vand.u32 $0xFFFFFF00, v52;
	v59 =	vshll.u32 v8, $0x1  }
0x54: {  	v31 =	vld [tilespmem:$0x100];
	v60 =	vand.u32 $0xFFFFFF00, v8;
	v61 =	vshrl.u32 v8, $0x7;
	v62 =	vshll.u32 v56, $0x1  }
0x55: {  	v39 =	vld [tilespmem:$0x130];
	v12 =	vand.u32 $0xFFFFFF00, v56;
	v16 =	vshll.u32 v10, $0x1;
	v17 =	vand.u32 $0xFFFFFF00, v10  }
0x56: {  	v10 =	vshrl.u32 v10, $0x7;
	v19 =	vshll.u32 v11, $0x1;
	v20 =	vand.u32 $0xFFFFFF00, v11  }
0x57: {  	v21 =	vshrl.u32 v11, $0x7;
	v22 =	vshll.u32 v63, $0x1;
	v15 =	vand.u32 $0xFFFFFF00, v63  }
0x58: {  	v24 =	vshll.u32 v13, $0x1;
	v25 =	vand.u32 $0xFFFFFF00, v13;
	v13 =	vshrl.u32 v13, $0x7  }
0x59: {  	v27 =	vshll.u32 v14, $0x1;
	v28 =	vand.u32 $0xFFFFFF00, v14;
	v29 =	vshrl.u32 v14, $0x7  }
0x5a: {  	v30 =	vshll.u32 v23, $0x1;
	v38 =	vshll.u32 v31, $0x1;
	v46 =	vshll.u32 v39, $0x1  }
0x5b: {  	v2 =	vand.u32 $0xFE, v2;
	v0 =	vand.u32 $0x1, v0;
	v48 =	vand.u32 $0x1, v1  }
0x5c: {  	v3 =	vand.u32 $0x1, v3;
	v5 =	vand.u32 $0xFE, v55;
	v7 =	vand.u32 $0x1, v7  }
0x5d: {  	v8 =	vand.u32 $0xFE, v62;
	v18 =	vand.u32 $0x1, v10;
	v10 =	vand.u32 $0xFE, v19  }
0x5e: {  	v11 =	vand.u32 $0xFE, v22;
	v26 =	vand.u32 $0x1, v13;
	v13 =	vand.u32 $0xFE, v27  }
0x5f: {  	v14 =	vand.u32 $0xFE, v30;
	v2 =	vor.u32 v4, v2;
	v4 =	vand.u32 $0xFE, v47  }
0x60: {  	v5 =	vor.u32 v9, v5;
	v9 =	vshrl.u32 v56, $0x7;
	v8 =	vor.u32 v12, v8  }
0x61: {  	v12 =	vshrl.u32 v63, $0x7;
	v11 =	vor.u32 v15, v11;
	v15 =	vshrl.u32 v23, $0x7  }
0x62: {  	v4 =	vor.u32 v6, v4;
	v1 =	vor.u32 v0, v2;
	v2 =	vand.u32 $0xFE, v49  }
0x63: {  	v19 =	vld [tilespmem:$0x110];
	v6 =	vshrl.u32 v52, $0x7;
	v9 =	vand.u32 $0x1, v9;
	v12 =	vand.u32 $0x1, v12  }
0x64: {  	v22 =	vld [tilespmem:$0x140];
	v0 =	vor.u32 v48, v4;
	v2 =	vor.u32 v50, v2;
	v4 =	vand.u32 $0xFE, v51  }
0x65: {  	v55 =	vld [tilespmem:$0x190];
	v2 =	vor.u32 v3, v2;
	v3 =	vor.u32 v53, v4;
	v4 =	vand.u32 $0x1, v54  }
0x66: {  	v47 =	vld [tilespmem:$0x160];
	v15 =	vand.u32 $0x1, v15;
	v6 =	vand.u32 $0x1, v6;
	v4 =	vor.u32 v4, v3  }
0x67: {  	v3 =	vor.u32 v7, v5;
	v5 =	vand.u32 $0xFE, v57;
	v7 =	vand.u32 $0xFE, v59  }
0x68: {  	v40 =	vshll.u32 v19, $0x1;
	v41 =	vand.u32 $0xFFFFFF00, v19;
	v19 =	vshrl.u32 v19, $0x7  }
0x69: {  	v48 =	vshll.u32 v22, $0x1;
	v49 =	vand.u32 $0xFFFFFF00, v22;
	v22 =	vshrl.u32 v22, $0x7  }
0x6a: {  	v62 =	vshll.u32 v55, $0x1;
	v30 =	vand.u32 $0xFFFFFF00, v55;
	v5 =	vor.u32 v58, v5  }
0x6b: {  	v42 =	vand.u32 $0x1, v19;
	v50 =	vand.u32 $0x1, v22;
	v54 =	vshll.u32 v47, $0x1  }
0x6c: {  	v5 =	vor.u32 v6, v5;
	v6 =	vor.u32 v60, v7;
	v7 =	vand.u32 $0x1, v61  }
0x6d: {  	v27 =	vand.u32 $0xFFFFFF00, v47;
	v7 =	vor.u32 v7, v6;
	v6 =	vor.u32 v9, v8  }
0x6e: {  	v8 =	vand.u32 $0xFE, v16;
	v9 =	vor.u32 v20, v10;
	v10 =	vand.u32 $0x1, v21  }
0x6f: {  	v16 =	vld [tilespmem:$0xE0];
	v21 =	vand.u32 $0xFFFFFF00, v31;
	v8 =	vor.u32 v17, v8;
	v10 =	vor.u32 v10, v9  }
0x70: {  	v20 =	vld [tilespmem:$0x120];
	v9 =	vor.u32 v12, v11;
	v11 =	vand.u32 $0xFE, v24;
	v12 =	vor.u32 v28, v13  }
0x71: {  	v13 =	vand.u32 $0x1, v29;
	v24 =	vand.u32 $0xFFFFFF00, v39;
	v8 =	vor.u32 v18, v8  }
0x72: {  	v17 =	vld [tilespmem:$0xF0];
	v11 =	vor.u32 v25, v11;
	v18 =	vand.u32 $0xFFFFFF00, v23;
	v13 =	vor.u32 v13, v12  }
0x73: {  	v11 =	vor.u32 v26, v11;
	v14 =	vor.u32 v18, v14;
	v18 =	vshrl.u32 v31, $0x7  }
0x74: {  	v12 =	vor.u32 v15, v14;
	v18 =	vand.u32 $0x1, v18;
	v32 =	vshll.u32 v16, $0x1  }
0x75: {  	v33 =	vand.u32 $0xFFFFFF00, v16;
	v16 =	vshrl.u32 v16, $0x7;
	v43 =	vshll.u32 v20, $0x1  }
0x76: {  	v23 =	vld [tilespmem:$0x150];
	v44 =	vand.u32 $0xFFFFFF00, v20;
	v45 =	vshrl.u32 v20, $0x7;
	v20 =	vand.u32 $0xFE, v46  }
0x77: {  	v63 =	vld [tilespmem:$0x1C0];
	v14 =	vand.u32 $0xFE, v32;
	v34 =	vand.u32 $0x1, v16;
	v35 =	vshll.u32 v17, $0x1  }
0x78: {  	v25 =	vld [tilespmem:$0x170];
	v36 =	vand.u32 $0xFFFFFF00, v17;
	v37 =	vshrl.u32 v17, $0x7;
	v17 =	vand.u32 $0xFE, v38  }
0x79: {  	v29 =	vld [tilespmem:$0x1B0];
	v19 =	vand.u32 $0xFE, v43;
	v20 =	vor.u32 v24, v20;
	v24 =	vshrl.u32 v47, $0x7  }
0x7a: {  	v14 =	vor.u32 v33, v14;
	v16 =	vand.u32 $0xFE, v35;
	v17 =	vor.u32 v21, v17  }
0x7b: {  	v21 =	vshrl.u32 v39, $0x7;
	v51 =	vshll.u32 v23, $0x1;
	v52 =	vand.u32 $0xFFFFFF00, v23  }
0x7c: {  	v26 =	vld [tilespmem:$0x180];
	v53 =	vshrl.u32 v23, $0x7;
	v23 =	vand.u32 $0xFE, v54;
	v24 =	vand.u32 $0x1, v24  }
0x7d: {  	v28 =	vld [tilespmem:$0x1A0];
	v56 =	vshll.u32 v25, $0x1;
	v57 =	vand.u32 $0xFFFFFF00, v25;
	v25 =	vshrl.u32 v25, $0x7  }
0x7e: {  	v39 =	vshll.u32 v29, $0x1;
	v33 =	vand.u32 $0xFFFFFF00, v63;
	v14 =	vor.u32 v34, v14  }
0x7f: {  	v15 =	vor.u32 v36, v16;
	v16 =	vand.u32 $0x1, v37;
	v21 =	vand.u32 $0x1, v21  }
0x80: {  	v22 =	vand.u32 $0xFE, v51;
	v23 =	vor.u32 v27, v23;
	v58 =	vand.u32 $0x1, v25  }
0x81: {  	v59 =	vshll.u32 v26, $0x1;
	v60 =	vand.u32 $0xFFFFFF00, v26;
	v61 =	vshrl.u32 v26, $0x7  }
0x82: {  	v31 =	vld [tilespmem:$0x1D0];
	v26 =	vand.u32 $0xFE, v62;
	v27 =	vshrl.u32 v55, $0x7;
	v36 =	vshll.u32 v28, $0x1  }
0x83: {  	v37 =	vand.u32 $0xFFFFFF00, v28;
	v28 =	vshrl.u32 v28, $0x7;
	v16 =	vor.u32 v16, v15  }
0x84: {  	v15 =	vor.u32 v18, v17;
	v17 =	vand.u32 $0xFE, v40;
	v18 =	vor.u32 v44, v19  }
0x85: {  	v19 =	vand.u32 $0x1, v45;
	v25 =	vand.u32 $0xFE, v59;
	v26 =	vor.u32 v30, v26  }
0x86: {  	v27 =	vand.u32 $0x1, v27;
	v38 =	vand.u32 $0x1, v28;
	v40 =	vand.u32 $0xFFFFFF00, v29  }
0x87: {  	v28 =	vand.u32 $0xFE, v39;
	v30 =	vshrl.u32 v63, $0x7;
	v44 =	vshll.u32 v31, $0x1  }
0x88: {  	v45 =	vand.u32 $0xFFFFFF00, v31;
	v31 =	vshrl.u32 v31, $0x7;
	v17 =	vor.u32 v41, v17  }
0x89: {  	v32 =	vld [tilespmem:$0x1E0];
	v19 =	vor.u32 v19, v18;
	v18 =	vor.u32 v21, v20;
	v20 =	vand.u32 $0xFE, v48  }
0x8a: {  	v21 =	vor.u32 v52, v22;
	v22 =	vand.u32 $0x1, v53;
	v41 =	vshrl.u32 v29, $0x7  }
0x8b: {  	v30 =	vand.u32 $0x1, v30;
	v46 =	vand.u32 $0x1, v31;
	v17 =	vor.u32 v42, v17  }
0x8c: {  	v20 =	vor.u32 v49, v20;
	v22 =	vor.u32 v22, v21;
	v21 =	vor.u32 v24, v23  }
0x8d: {  	v43 =	vld [tilespmem:$0x1F0];
	v23 =	vand.u32 $0xFE, v56;
	v24 =	vor.u32 v60, v25;
	v25 =	vand.u32 $0x1, v61  }
0x8e: {  	v35 =	vld [tilespmem:$0x210];
	v42 =	vshll.u32 v63, $0x1;
	v47 =	vshll.u32 v32, $0x1;
	v48 =	vand.u32 $0xFFFFFF00, v32  }
0x8f: {  	v49 =	vshrl.u32 v32, $0x7;
	v20 =	vor.u32 v50, v20;
	v23 =	vor.u32 v57, v23  }
0x90: {  	v25 =	vor.u32 v25, v24;
	v24 =	vor.u32 v27, v26;
	v26 =	vand.u32 $0xFE, v36  }
0x91: {  	v34 =	vld [tilespmem:$0x200];
	v27 =	vor.u32 v40, v28;
	v29 =	vand.u32 $0xFE, v42;
	v28 =	vand.u32 $0x1, v41  }
0x92: {  	v51 =	vld [tilespmem:$0x220];
	v31 =	vand.u32 $0xFE, v47;
	v50 =	vshll.u32 v43, $0x1;
	v36 =	vand.u32 $0xFFFFFF00, v43  }
0x93: {  	v55 =	vshll.u32 v35, $0x1;
	v56 =	vand.u32 $0xFFFFFF00, v35;
	v57 =	vshrl.u32 v35, $0x7  }
0x94: {  	v23 =	vor.u32 v58, v23;
	v26 =	vor.u32 v37, v26;
	v29 =	vor.u32 v33, v29  }
0x95: {  	v28 =	vor.u32 v28, v27;
	v32 =	vand.u32 $0xFE, v50;
	v33 =	vshrl.u32 v43, $0x7  }
0x96: {  	v59 =	vld [tilespmem:$0x250];
	v52 =	vshll.u32 v34, $0x1;
	v53 =	vand.u32 $0xFFFFFF00, v34;
	v34 =	vshrl.u32 v34, $0x7  }
0x97: {  	v58 =	vshll.u32 v51, $0x1;
	v39 =	vand.u32 $0xFFFFFF00, v51;
	v26 =	vor.u32 v38, v26  }
0x98: {  	v27 =	vor.u32 v30, v29;
	v29 =	vand.u32 $0xFE, v44;
	v30 =	vor.u32 v48, v31  }
0x99: {  	v31 =	vand.u32 $0x1, v49;
	v32 =	vor.u32 v36, v32;
	v33 =	vand.u32 $0x1, v33  }
0x9a: {  	v54 =	vand.u32 $0x1, v34;
	v34 =	vand.u32 $0xFE, v55;
	v35 =	vand.u32 $0xFE, v58  }
0x9b: {  	v36 =	vshrl.u32 v51, $0x7;
	v42 =	vand.u32 $0xFFFFFF00, v59;
	v29 =	vor.u32 v45, v29  }
0x9c: {  	v40 =	vld [tilespmem:$0x260];
	v31 =	vor.u32 v31, v30;
	v30 =	vor.u32 v33, v32;
	v32 =	vand.u32 $0xFE, v52  }
0x9d: {  	v41 =	vld [tilespmem:$0x270];
	v33 =	vor.u32 v56, v34;
	v34 =	vand.u32 $0x1, v57;
	v35 =	vor.u32 v39, v35  }
0x9e: {  	v37 =	vld [tilespmem:$0x230];
	v36 =	vand.u32 $0x1, v36;
	v39 =	vshrl.u32 v59, $0x7;
	v29 =	vor.u32 v46, v29  }
0x9f: {  	v32 =	vor.u32 v53, v32;
	v34 =	vor.u32 v34, v33;
	v33 =	vor.u32 v36, v35  }
0xa0: {  	v38 =	vld [tilespmem:$0x240];
	v46 =	vshll.u32 v59, $0x1;
	v49 =	vand.u32 $0x1, v39;
	v32 =	vor.u32 v54, v32  }
0xa1: {  	v50 =	vld [tilespmem:$0x280];
	v51 =	vshll.u32 v40, $0x1;
	v52 =	vand.u32 $0xFFFFFF00, v40;
	v53 =	vshrl.u32 v40, $0x7  }
0xa2: {  	[tilespmem:$0x170] =	vst v23;
	v23 =	vld [tilespmem:$0x320];
	v55 =	vshll.u32 v41, $0x1;
	v57 =	vand.u32 $0xFFFFFF00, v41;
	v59 =	vshrl.u32 v41, $0x7  }
0xa3: {  	v60 =	vshll.u32 v37, $0x1;
	v61 =	vand.u32 $0xFFFFFF00, v37;
	v37 =	vshrl.u32 v37, $0x7  }
0xa4: {  	[tilespmem:$0x30] =	vst v4;
	v54 =	vand.u32 $0x1, v53;
	v58 =	vand.u32 $0xFE, v55;
	v4 =	vand.u32 $0x1, v59  }
0xa5: {  	v56 =	vld [tilespmem:$0x290];
	v35 =	vand.u32 $0xFE, v60;
	v62 =	vand.u32 $0x1, v37;
	v63 =	vshll.u32 v38, $0x1  }
0xa6: {  	[tilespmem:$0x40] =	vst v3;
	v44 =	vand.u32 $0xFFFFFF00, v38;
	v45 =	vshrl.u32 v38, $0x7;
	v38 =	vand.u32 $0xFE, v46  }
0xa7: {  	[tilespmem:$0xF0] =	vst v16;
	v3 =	vor.u32 v57, v58;
	v60 =	vshll.u32 v50, $0x1;
	v16 =	vshrl.u32 v23, $0x7  }
0xa8: {  	v35 =	vor.u32 v61, v35;
	v37 =	vand.u32 $0xFE, v63;
	v47 =	vand.u32 $0x1, v45  }
0xa9: {  	[tilespmem:$0x50] =	vst v5;
	v41 =	vld [tilespmem:$0x2B0];
	v48 =	vor.u32 v42, v38;
	v5 =	vand.u32 $0xFE, v60;
	v63 =	vshrl.u32 v50, $0x7  }
0xaa: {  	[tilespmem:$0x0] =	vst v1;
	v4 =	vor.u32 v4, v3;
	v42 =	vshll.u32 v56, $0x1;
	v43 =	vand.u32 $0xFFFFFF00, v56  }
0xab: {  	[tilespmem:$0x10] =	vst v0;
	v35 =	vor.u32 v62, v35;
	v36 =	vor.u32 v44, v37;
	v0 =	vor.u32 v49, v48  }
0xac: {  	[tilespmem:$0x20] =	vst v2;
	v53 =	vld [tilespmem:$0x2E0];
	v62 =	vand.u32 $0xFFFFFF00, v50;
	v40 =	vand.u32 $0x1, v63;
	v44 =	vshrl.u32 v56, $0x7  }
0xad: {  	[tilespmem:$0x60] =	vst v7;
	v1 =	vor.u32 v47, v36;
	v36 =	vand.u32 $0xFE, v51;
	v5 =	vor.u32 v62, v5  }
0xae: {  	[tilespmem:$0x70] =	vst v6;
	v45 =	vand.u32 $0x1, v44;
	v50 =	vshll.u32 v41, $0x1;
	v7 =	vshrl.u32 v41, $0x7  }
0xaf: {  	[tilespmem:$0x90] =	vst v10;
	v57 =	vld [tilespmem:$0x2F0];
	v2 =	vor.u32 v52, v36;
	v3 =	vor.u32 v40, v5;
	v5 =	vand.u32 $0xFE, v42  }
0xb0: {  	[tilespmem:$0x80] =	vst v8;
	v61 =	vld [tilespmem:$0x2A0];
	v52 =	vand.u32 $0xFFFFFF00, v41;
	v10 =	vand.u32 $0xFE, v50;
	v7 =	vand.u32 $0x1, v7  }
0xb1: {  	[tilespmem:$0xD0] =	vst v12;
	v60 =	vshll.u32 v53, $0x1;
	v62 =	vand.u32 $0xFFFFFF00, v53;
	v12 =	vshrl.u32 v53, $0x7  }
0xb2: {  	[tilespmem:$0xC0] =	vst v13;
	v38 =	vld [tilespmem:$0x340];
	v40 =	vshll.u32 v23, $0x1;
	v41 =	vand.u32 $0xFFFFFF00, v23;
	v42 =	vand.u32 $0x1, v16  }
0xb3: {  	[tilespmem:$0xB0] =	vst v11;
	v63 =	vld [tilespmem:$0x310];
	v2 =	vor.u32 v54, v2;
	v5 =	vor.u32 v43, v5;
	v10 =	vor.u32 v52, v10  }
0xb4: {  	[tilespmem:$0x120] =	vst v19;
	v11 =	vand.u32 $0xFE, v60;
	v12 =	vand.u32 $0x1, v12;
	v19 =	vshll.u32 v57, $0x1  }
0xb5: {  	[tilespmem:$0x140] =	vst v20;
	v47 =	vld [tilespmem:$0x2C0];
	v20 =	vand.u32 $0xFFFFFF00, v57;
	v13 =	vshrl.u32 v57, $0x7;
	v46 =	vshll.u32 v61, $0x1  }
0xb6: {  	[tilespmem:$0x130] =	vst v18;
	v51 =	vld [tilespmem:$0x2D0];
	v5 =	vor.u32 v45, v5;
	v48 =	vand.u32 $0xFFFFFF00, v61;
	v49 =	vshrl.u32 v61, $0x7  }
0xb7: {  	[tilespmem:$0x160] =	vst v21;
	v7 =	vor.u32 v7, v10;
	v11 =	vor.u32 v62, v11;
	v21 =	vand.u32 $0x1, v13  }
0xb8: {  	[tilespmem:$0x1A0] =	vst v26;
	v18 =	vshrl.u32 v38, $0x7;
	v8 =	vand.u32 $0xFE, v46;
	v26 =	vshll.u32 v63, $0x1  }
0xb9: {  	[tilespmem:$0x100] =	vst v15;
	v44 =	vld [tilespmem:$0x350];
	v37 =	vand.u32 $0xFFFFFF00, v63;
	v15 =	vshrl.u32 v63, $0x7;
	v18 =	vand.u32 $0x1, v18  }
0xba: {  	[tilespmem:$0xA0] =	vst v9;
	v6 =	vor.u32 v48, v8;
	v8 =	vand.u32 $0x1, v49;
	v54 =	vshll.u32 v47, $0x1  }
0xbb: {  	[tilespmem:$0xE0] =	vst v14;
	v36 =	vld [tilespmem:$0x330];
	v55 =	vand.u32 $0xFFFFFF00, v47;
	v9 =	vshrl.u32 v47, $0x7;
	v56 =	vshll.u32 v51, $0x1  }
0xbc: {  	[tilespmem:$0x110] =	vst v17;
	v50 =	vld [tilespmem:$0x370];
	v58 =	vand.u32 $0xFFFFFF00, v51;
	v59 =	vshrl.u32 v51, $0x7;
	v14 =	vand.u32 $0xFE, v26  }
0xbd: {  	[tilespmem:$0x150] =	vst v22;
	v15 =	vand.u32 $0x1, v15;
	v47 =	vshll.u32 v38, $0x1;
	v49 =	vand.u32 $0xFFFFFF00, v38  }
0xbe: {  	[tilespmem:$0x180] =	vst v25;
	v53 =	vshll.u32 v44, $0x1;
	v6 =	vor.u32 v8, v6;
	v8 =	vand.u32 $0xFE, v54  }
0xbf: {  	[tilespmem:$0x200] =	vst v32;
	v32 =	vld [tilespmem:$0x3B0];
	v9 =	vand.u32 $0x1, v9;
	v10 =	vand.u32 $0xFE, v56;
	v14 =	vor.u32 v37, v14  }
0xc0: {  	[tilespmem:$0x190] =	vst v24;
	v43 =	vshll.u32 v36, $0x1;
	v45 =	vand.u32 $0xFFFFFF00, v36;
	v46 =	vshrl.u32 v36, $0x7  }
0xc1: {  	[tilespmem:$0x1B0] =	vst v28;
	v61 =	vld [tilespmem:$0x300];
	v17 =	vand.u32 $0xFE, v47;
	v54 =	vand.u32 $0xFFFFFF00, v44;
	v62 =	vshll.u32 v50, $0x1  }
0xc2: {  	[tilespmem:$0x1C0] =	vst v27;
	v23 =	vshrl.u32 v50, $0x7;
	v8 =	vor.u32 v55, v8;
	v39 =	vor.u32 v15, v14  }
0xc3: {  	[tilespmem:$0x1E0] =	vst v31;
	v14 =	vand.u32 $0xFE, v40;
	v16 =	vand.u32 $0xFE, v43;
	v17 =	vor.u32 v49, v17  }
0xc4: {  	[tilespmem:$0x270] =	vst v4;
	v55 =	vshrl.u32 v44, $0x7;
	v4 =	vand.u32 $0xFE, v62;
	v40 =	vand.u32 $0xFFFFFF00, v32  }
0xc5: {  	[tilespmem:$0x1F0] =	vst v30;
	v8 =	vor.u32 v9, v8;
	v9 =	vor.u32 v58, v10;
	v10 =	vand.u32 $0x1, v59  }
0xc6: {  	[tilespmem:$0x1D0] =	vst v29;
	v63 =	vld [tilespmem:$0x390];
	v22 =	vshll.u32 v61, $0x1;
	v24 =	vand.u32 $0xFFFFFF00, v61;
	v25 =	vshrl.u32 v61, $0x7  }
0xc7: {  	[tilespmem:$0x210] =	vst v34;
	v14 =	vor.u32 v41, v14;
	v15 =	vor.u32 v45, v16;
	v16 =	vand.u32 $0x1, v46  }
0xc8: {  	v52 =	vor.u32 v18, v17;
	v56 =	vand.u32 $0x1, v55;
	[tilespmem:$0x310] =	vst v39;
	v39 =	vshll.u32 v32, $0x1  }
0xc9: {  	[tilespmem:$0x220] =	vst v33;
	v48 =	vld [tilespmem:$0x360];
	v9 =	vor.u32 v10, v9;
	v10 =	vor.u32 v12, v11;
	v11 =	vand.u32 $0xFE, v19  }
0xca: {  	[tilespmem:$0x230] =	vst v35;
	v13 =	vand.u32 $0xFE, v22;
	v14 =	vor.u32 v42, v14;
	v51 =	vor.u32 v16, v15  }
0xcb: {  	[tilespmem:$0x250] =	vst v0;
	v38 =	vld [tilespmem:$0x3D0];
	v16 =	vand.u32 $0xFE, v53;
	v22 =	vand.u32 $0xFFFFFF00, v50;
	v31 =	vshll.u32 v63, $0x1  }
0xcc: {  	[tilespmem:$0x2C0] =	vst v8;
	v33 =	vand.u32 $0xFFFFFF00, v63;
	v34 =	vshrl.u32 v63, $0x7;
	v8 =	vshrl.u32 v32, $0x7  }
0xcd: {  	[tilespmem:$0x240] =	vst v1;
	v11 =	vor.u32 v20, v11;
	v12 =	vor.u32 v24, v13;
	v13 =	vand.u32 $0x1, v25  }
0xce: {  	[tilespmem:$0x280] =	vst v3;
	v0 =	vor.u32 v54, v16;
	v57 =	vshll.u32 v48, $0x1;
	v59 =	vand.u32 $0xFFFFFF00, v48  }
0xcf: {  	[tilespmem:$0x260] =	vst v2;
	v36 =	vld [tilespmem:$0x3C0];
	v61 =	vshrl.u32 v48, $0x7;
	v4 =	vor.u32 v22, v4;
	v24 =	vand.u32 $0x1, v23  }
0xd0: {  	[tilespmem:$0x2B0] =	vst v7;
	v7 =	vand.u32 $0xFE, v31;
	v41 =	vand.u32 $0x1, v8;
	v48 =	vshll.u32 v38, $0x1  }
0xd1: {  	[tilespmem:$0x330] =	vst v51;
	v50 =	vand.u32 $0xFFFFFF00, v38;
	v51 =	vshrl.u32 v38, $0x7;
	v11 =	vor.u32 v21, v11  }
0xd2: {  	[tilespmem:$0x290] =	vst v5;
	v43 =	vld [tilespmem:$0x3E0];
	v12 =	vor.u32 v13, v12;
	v0 =	vor.u32 v56, v0;
	v60 =	vand.u32 $0xFE, v57  }
0xd3: {  	[tilespmem:$0x2A0] =	vst v6;
	v49 =	vld [tilespmem:$0x3F0];
	v3 =	vand.u32 $0x1, v61;
	v26 =	vor.u32 v24, v4;
	v5 =	vor.u32 v33, v7  }
0xd4: {  	v58 =	vld [tilespmem:$0x380];
	[tilespmem:$0x340] =	vst v52;
	v7 =	vand.u32 $0x1, v34;
	v42 =	vshll.u32 v36, $0x1;
	v45 =	vand.u32 $0xFFFFFF00, v36  }
0xd5: {  	[tilespmem:$0x2D0] =	vst v9;
	v47 =	vshrl.u32 v36, $0x7;
	v52 =	vand.u32 $0x1, v51;
	v2 =	vor.u32 v59, v60  }
0xd6: {  	[tilespmem:$0x2E0] =	vst v10;
	v5 =	vor.u32 v7, v5;
	v7 =	vand.u32 $0xFE, v39;
	v46 =	vand.u32 $0xFE, v42  }
0xd7: {  	[tilespmem:$0x320] =	vst v14;
	v54 =	vshll.u32 v43, $0x1;
	v55 =	vand.u32 $0xFFFFFF00, v43;
	v56 =	vshrl.u32 v43, $0x7  }
0xd8: {  	v25 =	vld [tilespmem:$0x3A0];
	[tilespmem:$0x2F0] =	vst v11;
	v59 =	vshll.u32 v49, $0x1;
	v60 =	vand.u32 $0xFFFFFF00, v49;
	v61 =	vshrl.u32 v49, $0x7  }
0xd9: {  	[tilespmem:$0x300] =	vst v12;
	v2 =	vor.u32 v3, v2;
	v27 =	vshll.u32 v58, $0x1;
	v28 =	vand.u32 $0xFFFFFF00, v58  }
0xda: {  	[tilespmem:$0x350] =	vst v0;
	v29 =	vshrl.u32 v58, $0x7;
	v1 =	vor.u32 v40, v7;
	v7 =	vand.u32 $0xFE, v48  }
0xdb: {  	[tilespmem:$0x370] =	vst v26;
	v58 =	vand.u32 $0x1, v56;
	v4 =	vand.u32 $0xFE, v27;
	v30 =	vand.u32 $0x1, v29  }
0xdc: {  	[tilespmem:$0x390] =	vst v5;
	v44 =	vor.u32 v41, v1;
	v1 =	vor.u32 v45, v46;
	v3 =	vor.u32 v50, v7  }
0xdd: {  	[tilespmem:$0x360] =	vst v2;
	v2 =	vand.u32 $0x1, v47;
	v4 =	vor.u32 v28, v4;
	v35 =	vshll.u32 v25, $0x1  }
0xde: {  	v37 =	vand.u32 $0xFFFFFF00, v25;
	v6 =	vshrl.u32 v25, $0x7;
	v1 =	vor.u32 v2, v1;
	[tilespmem:$0x3B0] =	vst v44  }
0xdf: {  	v53 =	vor.u32 v52, v3;
	v3 =	vand.u32 $0xFE, v54;
	v4 =	vor.u32 v30, v4;
	[tilespmem:$0x3C0] =	vst v1  }
0xe0: {  	v9 =	vand.u32 $0xFE, v35;
	v6 =	vand.u32 $0x1, v6;
	v57 =	vor.u32 v55, v3;
	[tilespmem:$0x3D0] =	vst v53  }
0xe1: {  	v9 =	vor.u32 v37, v9;
	[tilespmem:$0x380] =	vst v4;
	v4 =	vand.u32 $0xFE, v59;
	v0 =	vor.u32 v58, v57  }
0xe2: {  	v62 =	vand.u32 $0x1, v61;
	v6 =	vor.u32 v6, v9;
	v1 =	vor.u32 v60, v4;
	[tilespmem:$0x3E0] =	vst v0  }
0xe3: {  	[tilespmem:$0x3A0] =	vst v6;
	v63 =	vor.u32 v62, v1  }
0xe4: {  	[tilespmem:$0x3F0] =	vst v63  }
0xe5: {  	[tilespmem:s19], [sflag:$0x1] =	stream.indirect.gather [hbm4b:s3+s13], $0x40, s2, s13, $0xb8;
	[tilespmem:$0x8400] =	vst v63  }
0xe6: {  	_ = 	snop  }
0xe7: {  	[tilespmem:s20], [sflag:$0x2] =	stream.indirect.gather [hbm4b:s3+s13], $0x40, s13, s13, $0xb8;
	[tilespmem:$0x8400] =	vst v63  }
0xe8: {  	_ =	swait.ge [sflag:s21], $0x2000  }
0xe9: {  	[sflag:s21] =	ssyncset.done $0x0  }
0xea: {  	s1 =	rddreg [dreg:$0xc];
	[sflag:s21] =	ssyncadd.s32 $0xFFFFE000  }
0xeb: {  	[hbm4b:s1+s22] =	stream.strided.scatter [tilespmem:s19], [sflag:$0x5], $0x2000, s13, s22, $0x38;
	[tilespmem:$0x8400] =	vst v63  }
0xec: {  	_ = 	snop  }
0xed: {  	[tilespmem:s23], [sflag:$0x3] =	stream.indirect.gather [hbm4b:s3+s13], $0x40, s15, s13, $0xb8;
	[tilespmem:$0x8400] =	vst v63  }
0xee: {  	_ =	swait.ge [sflag:s24], $0x2000  }
0xef: {  	[sflag:s24] =	ssyncset.done $0x0  }
0xf0: {  	s1 =	rddreg [dreg:$0xd];
	[sflag:s24] =	ssyncadd.s32 $0xFFFFE000  }
0xf1: {  	[hbm4b:s1+s22] =	stream.strided.scatter [tilespmem:s20], [sflag:$0x6], $0x2000, s13, s22, $0x38;
	[tilespmem:$0x8400] =	vst v63  }
0xf2: {  	_ = 	snop  }
0xf3: {  	[tilespmem:s25], [sflag:$0x4] =	stream.indirect.gather [hbm4b:s3+s13], $0x40, s17, s13, $0xb8;
	[tilespmem:$0x8400] =	vst v63  }
0xf4: {  	_ =	swait.ge [sflag:s26], $0x2000  }
0xf5: {  	[sflag:s26] =	ssyncset.done $0x0  }
0xf6: {  	s1 =	rddreg [dreg:$0xe];
	[sflag:s26] =	ssyncadd.s32 $0xFFFFE000  }
0xf7: {  	[hbm4b:s1+s22] =	stream.strided.scatter [tilespmem:s23], [sflag:$0x7], $0x2000, s13, s22, $0x38;
	[tilespmem:$0x8400] =	vst v63  }
0xf8: {  	_ =	swait.ge [sflag:s28], $0x2000  }
0xf9: {  	[sflag:s28] =	ssyncset.done $0x0  }
0xfa: {  	[sflag:s28] =	ssyncadd.s32 $0xFFFFE000  }
0xfb: {  	[tilespmem:s19], [sflag:$0x1] =	stream.indirect.gather [hbm4b:s4+s13], $0x40, s12, s13, $0xb8;
	[tilespmem:$0x8400] =	vst v63  }
0xfc: {  	_ =	swait.ge [sflag:s29], $0x2000  }
0xfd: {  	[sflag:s29] =	ssyncset.done $0x0  }
0xfe: {  	s1 =	rddreg [dreg:$0xf];
	[sflag:s29] =	ssyncadd.s32 $0xFFFFE000  }
0xff: {  	[hbm4b:s1+s22] =	stream.strided.scatter [tilespmem:s25], [sflag:$0x8], $0x2000, s13, s22, $0x38;
	[tilespmem:$0x8400] =	vst v63  }
0x100: {  	_ =	swait.ge [sflag:s30], $0x2000  }
0x101: {  	[sflag:s30] =	ssyncset.done $0x0  }
0x102: {  	[sflag:s30] =	ssyncadd.s32 $0xFFFFE000  }
0x103: {  	[tilespmem:s20], [sflag:$0x2] =	stream.indirect.gather [hbm4b:s4+s13], $0x40, s14, s13, $0xb8;
	[tilespmem:$0x8400] =	vst v63  }
0x104: {  	_ =	swait.ge [sflag:s21], $0x2000  }
0x105: {  	[sflag:s21] =	ssyncset.done $0x0  }
0x106: {  	s1 =	rddreg [dreg:$0x10];
	[sflag:s21] =	ssyncadd.s32 $0xFFFFE000  }
0x107: {  	[hbm4b:s1+s22] =	stream.strided.scatter [tilespmem:s19], [sflag:$0x5], $0x2000, s13, s22, $0x38;
	[tilespmem:$0x8400] =	vst v63  }
0x108: {  	_ =	swait.ge [sflag:s31], $0x2000  }
0x109: {  	[sflag:s31] =	ssyncset.done $0x0  }
0x10a: {  	[sflag:s31] =	ssyncadd.s32 $0xFFFFE000  }
0x10b: {  	[tilespmem:s23], [sflag:$0x3] =	stream.indirect.gather [hbm4b:s4+s13], $0x40, s16, s13, $0xb8;
	[tilespmem:$0x8400] =	vst v63  }
0x10c: {  	_ =	swait.ge [sflag:s24], $0x2000  }
0x10d: {  	[sflag:s24] =	ssyncset.done $0x0  }
0x10e: {  	s1 =	rddreg [dreg:$0x11];
	[sflag:s24] =	ssyncadd.s32 $0xFFFFE000  }
0x10f: {  	[hbm4b:s1+s22] =	stream.strided.scatter [tilespmem:s20], [sflag:$0x6], $0x2000, s13, s22, $0x38;
	[tilespmem:$0x8400] =	vst v63  }
0x110: {  	_ =	swait.ge [sflag:s0], $0x2000  }
0x111: {  	[sflag:s0] =	ssyncset.done $0x0  }
0x112: {  	[sflag:s0] =	ssyncadd.s32 $0xFFFFE000  }
0x113: {  	[tilespmem:s25], [sflag:$0x4] =	stream.indirect.gather [hbm4b:s4+s13], $0x40, s18, s13, $0xb8;
	[tilespmem:$0x8400] =	vst v63  }
0x114: {  	_ =	swait.ge [sflag:s26], $0x2000  }
0x115: {  	[sflag:s26] =	ssyncset.done $0x0  }
0x116: {  	s1 =	rddreg [dreg:$0x12];
	[sflag:s26] =	ssyncadd.s32 $0xFFFFE000  }
0x117: {  	[hbm4b:s1+s22] =	stream.strided.scatter [tilespmem:s23], [sflag:$0x7], $0x2000, s13, s22, $0x38;
	[tilespmem:$0x8400] =	vst v63  }
0x118: {  	_ =	swait.ge [sflag:s28], $0x2000  }
0x119: {  	[sflag:s28] =	ssyncset.done $0x0  }
0x11a: {  	[sflag:s28] =	ssyncadd.s32 $0xFFFFE000  }
0x11b: {  	[tilespmem:s19], [sflag:$0x1] =	stream.indirect.gather [hbm4b:s5+s13], $0x40, s2, s13, $0xb8;
	[tilespmem:$0x8400] =	vst v63  }
0x11c: {  	_ =	swait.ge [sflag:s29], $0x2000  }
0x11d: {  	[sflag:s29] =	ssyncset.done $0x0  }
0x11e: {  	s1 =	rddreg [dreg:$0x13];
	[sflag:s29] =	ssyncadd.s32 $0xFFFFE000  }
0x11f: {  	[hbm4b:s1+s22] =	stream.strided.scatter [tilespmem:s25], [sflag:$0x8], $0x2000, s13, s22, $0x38;
	[tilespmem:$0x8400] =	vst v63  }
0x120: {  	_ =	swait.ge [sflag:s30], $0x2000  }
0x121: {  	[sflag:s30] =	ssyncset.done $0x0  }
0x122: {  	[sflag:s30] =	ssyncadd.s32 $0xFFFFE000  }
0x123: {  	[tilespmem:s20], [sflag:$0x2] =	stream.indirect.gather [hbm4b:s5+s13], $0x40, s13, s13, $0xb8;
	[tilespmem:$0x8400] =	vst v63  }
0x124: {  	_ =	swait.ge [sflag:s21], $0x2000  }
0x125: {  	[sflag:s21] =	ssyncset.done $0x0  }
0x126: {  	s1 =	rddreg [dreg:$0x14];
	[sflag:s21] =	ssyncadd.s32 $0xFFFFE000  }
0x127: {  	[hbm4b:s1+s22] =	stream.strided.scatter [tilespmem:s19], [sflag:$0x5], $0x2000, s13, s22, $0x38;
	[tilespmem:$0x8400] =	vst v63  }
0x128: {  	_ =	swait.ge [sflag:s31], $0x2000  }
0x129: {  	[sflag:s31] =	ssyncset.done $0x0  }
0x12a: {  	[sflag:s31] =	ssyncadd.s32 $0xFFFFE000  }
0x12b: {  	[tilespmem:s23], [sflag:$0x3] =	stream.indirect.gather [hbm4b:s5+s13], $0x40, s15, s13, $0xb8;
	[tilespmem:$0x8400] =	vst v63  }
0x12c: {  	_ =	swait.ge [sflag:s24], $0x2000  }
0x12d: {  	[sflag:s24] =	ssyncset.done $0x0  }
0x12e: {  	s1 =	rddreg [dreg:$0x15];
	[sflag:s24] =	ssyncadd.s32 $0xFFFFE000  }
0x12f: {  	[hbm4b:s1+s22] =	stream.strided.scatter [tilespmem:s20], [sflag:$0x6], $0x2000, s13, s22, $0x38;
	[tilespmem:$0x8400] =	vst v63  }
0x130: {  	_ =	swait.ge [sflag:s0], $0x2000  }
0x131: {  	[sflag:s0] =	ssyncset.done $0x0  }
0x132: {  	[sflag:s0] =	ssyncadd.s32 $0xFFFFE000  }
0x133: {  	[tilespmem:s25], [sflag:$0x4] =	stream.indirect.gather [hbm4b:s5+s13], $0x40, s17, s13, $0xb8;
	[tilespmem:$0x8400] =	vst v63  }
0x134: {  	_ =	swait.ge [sflag:s26], $0x2000  }
0x135: {  	[sflag:s26] =	ssyncset.done $0x0  }
0x136: {  	s1 =	rddreg [dreg:$0x16];
	[sflag:s26] =	ssyncadd.s32 $0xFFFFE000  }
0x137: {  	[hbm4b:s1+s22] =	stream.strided.scatter [tilespmem:s23], [sflag:$0x7], $0x2000, s13, s22, $0x38;
	[tilespmem:$0x8400] =	vst v63  }
0x138: {  	_ =	swait.ge [sflag:s28], $0x2000  }
0x139: {  	[sflag:s28] =	ssyncset.done $0x0  }
0x13a: {  	[sflag:s28] =	ssyncadd.s32 $0xFFFFE000  }
0x13b: {  	[tilespmem:s19], [sflag:$0x1] =	stream.indirect.gather [hbm4b:s6+s13], $0x40, s12, s13, $0xb8;
	[tilespmem:$0x8400] =	vst v63  }
0x13c: {  	_ =	swait.ge [sflag:s29], $0x2000  }
0x13d: {  	[sflag:s29] =	ssyncset.done $0x0  }
0x13e: {  	s1 =	rddreg [dreg:$0x17];
	[sflag:s29] =	ssyncadd.s32 $0xFFFFE000  }
0x13f: {  	[hbm4b:s1+s22] =	stream.strided.scatter [tilespmem:s25], [sflag:$0x8], $0x2000, s13, s22, $0x38;
	[tilespmem:$0x8400] =	vst v63  }
0x140: {  	_ =	swait.ge [sflag:s30], $0x2000  }
0x141: {  	[sflag:s30] =	ssyncset.done $0x0  }
0x142: {  	[sflag:s30] =	ssyncadd.s32 $0xFFFFE000  }
0x143: {  	[tilespmem:s20], [sflag:$0x2] =	stream.indirect.gather [hbm4b:s6+s13], $0x40, s14, s13, $0xb8;
	[tilespmem:$0x8400] =	vst v63  }
0x144: {  	_ =	swait.ge [sflag:s21], $0x2000  }
0x145: {  	[sflag:s21] =	ssyncset.done $0x0  }
0x146: {  	s1 =	rddreg [dreg:$0x18];
	[sflag:s21] =	ssyncadd.s32 $0xFFFFE000  }
0x147: {  	[hbm4b:s1+s22] =	stream.strided.scatter [tilespmem:s19], [sflag:$0x5], $0x2000, s13, s22, $0x38;
	[tilespmem:$0x8400] =	vst v63  }
0x148: {  	_ =	swait.ge [sflag:s31], $0x2000  }
0x149: {  	[sflag:s31] =	ssyncset.done $0x0  }
0x14a: {  	[sflag:s31] =	ssyncadd.s32 $0xFFFFE000  }
0x14b: {  	[tilespmem:s23], [sflag:$0x3] =	stream.indirect.gather [hbm4b:s6+s13], $0x40, s16, s13, $0xb8;
	[tilespmem:$0x8400] =	vst v63  }
0x14c: {  	_ =	swait.ge [sflag:s24], $0x2000  }
0x14d: {  	[sflag:s24] =	ssyncset.done $0x0  }
0x14e: {  	[sflag:s24] =	ssyncadd.s32 $0xFFFFE000  }
0x14f: {  	[hbm4b:s7+s22] =	stream.strided.scatter [tilespmem:s20], [sflag:$0x6], $0x2000, s13, s22, $0x38;
	[tilespmem:$0x8400] =	vst v63  }
0x150: {  	_ =	swait.ge [sflag:s0], $0x2000  }
0x151: {  	[sflag:s0] =	ssyncset.done $0x0  }
0x152: {  	[sflag:s0] =	ssyncadd.s32 $0xFFFFE000  }
0x153: {  	[tilespmem:s25], [sflag:$0x4] =	stream.indirect.gather [hbm4b:s6+s13], $0x40, s18, s13, $0xb8;
	[tilespmem:$0x8400] =	vst v63  }
0x154: {  	_ =	swait.ge [sflag:s26], $0x2000  }
0x155: {  	[sflag:s26] =	ssyncset.done $0x0  }
0x156: {  	[sflag:s26] =	ssyncadd.s32 $0xFFFFE000  }
0x157: {  	[hbm4b:s8+s22] =	stream.strided.scatter [tilespmem:s23], [sflag:$0x7], $0x2000, s13, s22, $0x38;
	[tilespmem:$0x8400] =	vst v63  }
0x158: {  	_ =	swait.ge [sflag:s29], $0x2000  }
0x159: {  	[sflag:s29] =	ssyncset.done $0x0  }
0x15a: {  	[sflag:s29] =	ssyncadd.s32 $0xFFFFE000  }
0x15b: {  	[hbm4b:s9+s22] =	stream.strided.scatter [tilespmem:s25], [sflag:$0x8], $0x2000, s13, s22, $0x38;
	[tilespmem:$0x8400] =	vst v63  }
0x15c: {  	_ =	swait.ge [sflag:s28], $0x2000  }
0x15d: {  	[sflag:s28] =	ssyncset.done $0x0  }
0x15e: {  	[sflag:s28] =	ssyncadd.s32 $0xFFFFE000  }
0x15f: {  	_ =	swait.ge [sflag:s30], $0x2000  }
0x160: {  	[sflag:s30] =	ssyncset.done $0x0  }
0x161: {  	[sflag:s30] =	ssyncadd.s32 $0xFFFFE000  }
0x162: {  	p0 =	sne.s32 s10, $0x1;
	_ =	swait.ge [sflag:s31], $0x2000  }
.Ltmp0:
0x163: {  	[sflag:s31] =	ssyncset.done $0x0;
	(pc) =	sbr.rel @p0 .LBB2_1-.Ltmp0, $4  }
0x164: {  	[sflag:s31] =	ssyncadd.s32 $0xFFFFE000  }
0x165: {  	_ =	swait.ge [sflag:s0], $0x2000  }
0x166: {  	[sflag:s0] =	ssyncset.done $0x0  }
0x167: {  	s10 =	sadd.s32 $0xFFFFFFFF, s10;
	[sflag:s0] =	ssyncadd.s32 $0xFFFFE000  }
0x168: {  	_ =	sfence.sel $0x180000  }
0x169: {  	[bflag:$0x0] =	sbarrier.arrive $0xFFFF  }
0x16a: {  	_ =	strace $0x90000047  }
0x16b: {  	s0 =	stileid.u32;
	[bflag:$0x2] =	sbarrier.arrive $0xFFFF  }
0x16c: {  	p0 =	sne.s32 s0, $0x0;
	s0 =	rddreg [dreg:$0x3]  }
0x16d: {  	s0 =	sadd.s32 @!p0 $0x100000, s0  }
0x16e: {  	[sflag:s0] =	ssyncadd.tile.s32 @!p0 $0x1;
	_ =	shalt  }
.Lfunc_end2:
_tile_overlayer_lowered:
.L_overlay_start_2:
0x16f: {  	(tag) =	ssettag $0x2  }
0x170: {  	s0 =	rddreg [dreg:$0x0];
	s2 =	stileid.u32  }
0x171: {  	s1 =	rddreg [dreg:$0x1];
	p0 =	sne.s32 s2, $0x0  }
0x172: {  	s3 =	rddreg [dreg:$0x2];
	[bflag:$0x3] =	sbarrier.arrive $0xFFFF;
	s2 =	simm.s32 @!p0 $0x1C09  }
0x173: {  	[timem:s3], [sflag:s2] =	dma.local @!p0 [hbm:s0], s1  }
0x174: {  	s0 =	simm.s32 @!p0 $0x9  }
0x175: {  	_ =	swait.ge @!p0 [sflag:s0], s1  }
0x176: {  	s1 =	ssub.s32 @!p0 $0x0, s1;
	[sflag:s0] =	ssyncset.done @!p0 $0x0  }
0x177: {  	[sflag:s0] =	ssyncadd.s32 @!p0 s1  }
0x178: {  	[bflag:$0x3] =	sbarrier.arrive $0xFFFF  }
0x179: {  	_ =	shalt  }

</sc_bundles>
